<compile_context>
chip_gen: v7x
topology: tpu7x:2x2x1
jax: 0.10.2.dev20260603
libtpu: 0.0.44.dev20260713+nightly
codegen_flags: <defaults>
</compile_context>

<pallas_src>
import functools

import jax
import jax.numpy as jnp
from jax import lax
from jax.experimental import pallas as pl
from jax.experimental.pallas import tpu as pltpu
from jax.experimental.pallas import tpu_sc as plsc

BATCH = 32
N_TS = 2048
N_EL = 256
N_OUT = 2048
NCOMB = 3

LANES = 16
K = 32
CHUNKS = N_OUT // K
ROWS = K * NCOMB
VPR = N_EL // LANES


def _sc_combine(x2d, wexp, idx2d):
  mesh = plsc.VectorSubcoreMesh(core_axis_name="c", subcore_axis_name="s")

  @functools.partial(
      pl.kernel,
      mesh=mesh,
      out_type=jax.ShapeDtypeStruct((BATCH, N_OUT, N_EL), jnp.float32),
      scratch_types=[
          pltpu.VMEM((CHUNKS, ROWS), jnp.int32),
          pltpu.VMEM((2, ROWS, LANES), jnp.float32),
          pltpu.VMEM((2, ROWS, N_EL), jnp.float32),
          pltpu.VMEM((2, K, N_EL), jnp.float32),
          pltpu.SemaphoreType.DMA,
          pltpu.SemaphoreType.DMA,
          pltpu.SemaphoreType.DMA,
          pltpu.SemaphoreType.DMA,
          pltpu.SemaphoreType.DMA,
          pltpu.SemaphoreType.DMA,
      ],
  )
  def k(x_hbm, w_hbm, idx_hbm, out_hbm, idx_v, w_v, rows_v, out_v,
        semg0, semg1, semw0, semw1, semo0, semo1):
    semg = (semg0, semg1)
    semw = (semw0, semw1)
    semo = (semo0, semo1)
    cid = lax.axis_index("c")
    sid = lax.axis_index("s")
    b = sid * 2 + cid

    pltpu.sync_copy(idx_hbm, idx_v)

    off = jnp.full((LANES,), b * N_TS, jnp.int32)

    def add_off(t, carry):
      for j in range(ROWS // LANES):
        sl = pl.ds(j * LANES, LANES)
        idx_v[t, sl] = idx_v[t, sl] + off
      return carry

    lax.fori_loop(0, CHUNKS, add_off, 0)

    def issue(t, p):
      pltpu.async_copy(w_hbm.at[pl.ds(t * ROWS, ROWS)], w_v.at[p], semw[p])
      pltpu.async_copy(x_hbm.at[idx_v.at[t]], rows_v.at[p], semg[p])

    def out_slice(t):
      return out_hbm.at[b].at[pl.ds(t * K, K)]

    def combine(t, p):
      @plsc.parallel_loop(0, K, unroll=2)
      def one_out(o):
        w0 = w_v[p, NCOMB * o, :]
        w1 = w_v[p, NCOMB * o + 1, :]
        w2 = w_v[p, NCOMB * o + 2, :]
        for v in range(VPR):
          sl = pl.ds(v * LANES, LANES)
          out_v[p, o, sl] = (rows_v[p, NCOMB * o, sl] * w0
                             + rows_v[p, NCOMB * o + 1, sl] * w1
                             + rows_v[p, NCOMB * o + 2, sl] * w2)

    issue(0, 0)

    def gbody(g, carry):
      for p in range(2):
        t = 2 * g + p

        @pl.when(t + 1 < CHUNKS)
        def _():
          issue(t + 1, 1 - p)

        pltpu.make_async_copy(
            w_hbm.at[pl.ds(t * ROWS, ROWS)], w_v.at[p], semw[p]).wait()
        pltpu.make_async_copy(
            x_hbm.at[idx_v.at[t]], rows_v.at[p], semg[p]).wait()

        @pl.when(t >= 2)
        def _():
          pltpu.make_async_copy(out_v.at[p], out_slice(t - 2), semo[p]).wait()

        combine(t, p)
        pltpu.async_copy(out_v.at[p], out_slice(t), semo[p])
      return carry

    lax.fori_loop(0, CHUNKS // 2, gbody, 0)
    pltpu.make_async_copy(out_v.at[0], out_slice(CHUNKS - 2), semo[0]).wait()
    pltpu.make_async_copy(out_v.at[1], out_slice(CHUNKS - 1), semo[1]).wait()

  return k(x2d, wexp, idx2d)


def kernel(x, weights, selected_idx):
  x2d = x.reshape(BATCH * N_TS, N_EL)
  wexp = jnp.broadcast_to(
      weights.astype(jnp.float32).reshape(N_OUT * NCOMB, 1), (N_OUT * NCOMB, LANES))
  idx2d = selected_idx.astype(jnp.int32).reshape(CHUNKS, ROWS)
  return _sc_combine(x2d, wexp, idx2d)

# --- scband reference (transcript-rebuilt; emitter-appended) ---
"""Pipeline reference for scband-linear-combination-83236466196935 (READ-ONLY COPY).

The authoritative reference and input builder live on the scoring server;
editing this copy changes nothing except your own understanding.
"""

import jax, jax.numpy as jnp
import numpy as np

BATCH, N_TS, N_EL = 32, 2048, 256
N_COMBINE, ALPHA, N_OUTPUT = 3, 1.0, 2048


def setup_inputs(seed: int = 0) -> dict:
    key = jax.random.key(seed)
    kx, kw, kp = jax.random.split(key, 3)
    x = jax.random.normal(kx, (BATCH, N_TS, N_EL), dtype=jnp.float32)
    # Dirichlet(alpha) mixing weights, one row per output sample (torch: Dirichlet(...).sample())
    weights = jax.random.dirichlet(kw, jnp.full((N_COMBINE,), ALPHA, dtype=jnp.float32), shape=(N_OUTPUT,))
    # per-output random selection of n_combine distinct series (torch: randperm(n_timeseries)[:n_combine])
    perm_keys = jax.random.split(kp, N_OUTPUT)
    selected_idx = jax.vmap(lambda k: jax.random.permutation(k, N_TS)[:N_COMBINE])(perm_keys)
    return {"x": x, "weights": weights, "selected_idx": selected_idx}


def reference(x, weights, selected_idx):
    batch, n_ts, n_el = x.shape
    n_output, n_combine = weights.shape
    # gather: x[:, selected_idx.flatten(), :]
    selected_series = jnp.take(x, selected_idx.reshape(-1), axis=1)
    selected_series = selected_series.reshape(batch, n_output, n_combine, n_el)
    # weighted sum over the n_combine axis
    mixed_series = jnp.sum(weights[None, :, :, None] * selected_series, axis=2)
    return mixed_series

if __name__ == "__main__":
    import jax
    _d = setup_inputs()
    print(jax.jit(kernel)(*tuple(_d.values())))

</pallas_src>

<mosaic_0001>
#map = affine_map<(d0, d1) -> (0, 0)>
#map1 = affine_map<(d0, d1) -> (0, 0, 0)>
module attributes {stable_mosaic.version = 14 : i64} {
  func.func @k(%arg0: i32, %arg1: i32, %arg2: memref<65536x256xf32, #tpu.memory_space<hbm>>, %arg3: memref<6144x16xf32, #tpu.memory_space<hbm>>, %arg4: memref<64x96xi32, #tpu.memory_space<hbm>>, %arg5: memref<32x2048x256xf32, #tpu.memory_space<hbm>>, %arg6: memref<64x96xi32, #tpu.memory_space<vmem>>, %arg7: memref<2x96x16xf32, #tpu.memory_space<vmem>>, %arg8: memref<2x96x256xf32, #tpu.memory_space<vmem>>, %arg9: memref<2x32x256xf32, #tpu.memory_space<vmem>>, %arg10: memref<!tpu.dma_semaphore, #tpu.memory_space<semaphore_mem>>, %arg11: memref<!tpu.dma_semaphore, #tpu.memory_space<semaphore_mem>>, %arg12: memref<!tpu.dma_semaphore, #tpu.memory_space<semaphore_mem>>, %arg13: memref<!tpu.dma_semaphore, #tpu.memory_space<semaphore_mem>>, %arg14: memref<!tpu.dma_semaphore, #tpu.memory_space<semaphore_mem>>, %arg15: memref<!tpu.dma_semaphore, #tpu.memory_space<semaphore_mem>>) attributes {dimension_semantics = [#tpu.dimension_semantics<core_parallel>, #tpu.dimension_semantics<subcore_parallel>], iteration_bounds = array<i64: 2, 16>, scalar_prefetch = 0 : i64, scratch_operands = 10 : i64, tpu.core_type = #tpu.core_type<sc_vector_subcore>, window_params = [{transform_indices = #map}, {transform_indices = #map}, {transform_indices = #map}, {transform_indices = #map1}]} {
    %mul3A = arith.constant 2 : i32
    %mul3A_0 = arith.muli %arg1, %mul3A : i32
    %add3A = arith.addi %mul3A_0, %arg0 : i32
    "tpu.region"() ({
      %run_scoped3A = tpu.sem_alloc : memref<!tpu.dma_semaphore, #tpu.memory_space<semaphore_mem>>
      tpu.enqueue_dma source(%arg4 : memref<64x96xi32, #tpu.memory_space<hbm>>) target(%arg6 : memref<64x96xi32, #tpu.memory_space<vmem>>) target_semaphore(%run_scoped3A : memref<!tpu.dma_semaphore, #tpu.memory_space<semaphore_mem>>)
      tpu.wait_dma2 semaphore(%run_scoped3A : memref<!tpu.dma_semaphore, #tpu.memory_space<semaphore_mem>>) src(%arg4 : memref<64x96xi32, #tpu.memory_space<hbm>>) dst(%arg6 : memref<64x96xi32, #tpu.memory_space<vmem>>)
      tpu.yield
    }) : () -> ()
    %mul3A_1 = arith.constant 2048 : i32
    %mul3A_2 = arith.muli %add3A, %mul3A_1 : i32
    %broadcast_in_dim3A = vector.broadcast %mul3A_2 : i32 to vector<16xi32>
    %scan3A = arith.constant 0 : i32
    %scan3A_3 = arith.constant 0 : i32
    %scan3A_4 = arith.constant 64 : i32
    %scan3A_5 = arith.addi %scan3A_3, %scan3A_4 : i32
    %scan3A_6 = arith.constant 1 : i32
    scf.for %scan3A_85 = %scan3A_3 to %scan3A_5 step %scan3A_6  : i32 {
      %get3A = arith.index_cast %scan3A_85 : i32 to index
      %get3A_86 = arith.constant 0 : index
      %get3A_87 = tpu.vector_load %arg6[%get3A, %get3A_86] {strides = array<i32>} : memref<64x96xi32, #tpu.memory_space<vmem>>, vector<1x16xi32>,
      %get3A_88 = vector.shape_cast %get3A_87 : vector<1x16xi32> to vector<16xi32>
      %add3A_89 = arith.addi %get3A_88, %broadcast_in_dim3A : vector<16xi32>
      %swap3A = arith.index_cast %scan3A_85 : i32 to index
      %swap3A_90 = arith.constant 0 : index
      %swap3A_91 = tpu.vector_load %arg6[%swap3A, %swap3A_90] {strides = array<i32>} : memref<64x96xi32, #tpu.memory_space<vmem>>, vector<1x16xi32>,
      %swap3A_92 = vector.shape_cast %swap3A_91 : vector<1x16xi32> to vector<16xi32>
      %swap3A_93 = vector.shape_cast %add3A_89 : vector<16xi32> to vector<1x16xi32>
      tpu.vector_store %arg6[%swap3A, %swap3A_90], %swap3A_93 {strides = array<i32>} : memref<64x96xi32, #tpu.memory_space<vmem>>, vector<1x16xi32>,
      %get3A_94 = arith.index_cast %scan3A_85 : i32 to index
      %get3A_95 = arith.constant 16 : index
      %get3A_96 = tpu.vector_load %arg6[%get3A_94, %get3A_95] {strides = array<i32>} : memref<64x96xi32, #tpu.memory_space<vmem>>, vector<1x16xi32>,
      %get3A_97 = vector.shape_cast %get3A_96 : vector<1x16xi32> to vector<16xi32>
      %add3A_98 = arith.addi %get3A_97, %broadcast_in_dim3A : vector<16xi32>
      %swap3A_99 = arith.index_cast %scan3A_85 : i32 to index
      %swap3A_100 = arith.constant 16 : index
      %swap3A_101 = tpu.vector_load %arg6[%swap3A_99, %swap3A_100] {strides = array<i32>} : memref<64x96xi32, #tpu.memory_space<vmem>>, vector<1x16xi32>,
      %swap3A_102 = vector.shape_cast %swap3A_101 : vector<1x16xi32> to vector<16xi32>
      %swap3A_103 = vector.shape_cast %add3A_98 : vector<16xi32> to vector<1x16xi32>
      tpu.vector_store %arg6[%swap3A_99, %swap3A_100], %swap3A_103 {strides = array<i32>} : memref<64x96xi32, #tpu.memory_space<vmem>>, vector<1x16xi32>,
      %get3A_104 = arith.index_cast %scan3A_85 : i32 to index
      %get3A_105 = arith.constant 32 : index
      %get3A_106 = tpu.vector_load %arg6[%get3A_104, %get3A_105] {strides = array<i32>} : memref<64x96xi32, #tpu.memory_space<vmem>>, vector<1x16xi32>,
      %get3A_107 = vector.shape_cast %get3A_106 : vector<1x16xi32> to vector<16xi32>
      %add3A_108 = arith.addi %get3A_107, %broadcast_in_dim3A : vector<16xi32>
      %swap3A_109 = arith.index_cast %scan3A_85 : i32 to index
      %swap3A_110 = arith.constant 32 : index
      %swap3A_111 = tpu.vector_load %arg6[%swap3A_109, %swap3A_110] {strides = array<i32>} : memref<64x96xi32, #tpu.memory_space<vmem>>, vector<1x16xi32>,
      %swap3A_112 = vector.shape_cast %swap3A_111 : vector<1x16xi32> to vector<16xi32>
      %swap3A_113 = vector.shape_cast %add3A_108 : vector<16xi32> to vector<1x16xi32>
      tpu.vector_store %arg6[%swap3A_109, %swap3A_110], %swap3A_113 {strides = array<i32>} : memref<64x96xi32, #tpu.memory_space<vmem>>, vector<1x16xi32>,
      %get3A_114 = arith.index_cast %scan3A_85 : i32 to index
      %get3A_115 = arith.constant 48 : index
      %get3A_116 = tpu.vector_load %arg6[%get3A_114, %get3A_115] {strides = array<i32>} : memref<64x96xi32, #tpu.memory_space<vmem>>, vector<1x16xi32>,
      %get3A_117 = vector.shape_cast %get3A_116 : vector<1x16xi32> to vector<16xi32>
      %add3A_118 = arith.addi %get3A_117, %broadcast_in_dim3A : vector<16xi32>
      %swap3A_119 = arith.index_cast %scan3A_85 : i32 to index
      %swap3A_120 = arith.constant 48 : index
      %swap3A_121 = tpu.vector_load %arg6[%swap3A_119, %swap3A_120] {strides = array<i32>} : memref<64x96xi32, #tpu.memory_space<vmem>>, vector<1x16xi32>,
      %swap3A_122 = vector.shape_cast %swap3A_121 : vector<1x16xi32> to vector<16xi32>
      %swap3A_123 = vector.shape_cast %add3A_118 : vector<16xi32> to vector<1x16xi32>
      tpu.vector_store %arg6[%swap3A_119, %swap3A_120], %swap3A_123 {strides = array<i32>} : memref<64x96xi32, #tpu.memory_space<vmem>>, vector<1x16xi32>,
      %get3A_124 = arith.index_cast %scan3A_85 : i32 to index
      %get3A_125 = arith.constant 64 : index
      %get3A_126 = tpu.vector_load %arg6[%get3A_124, %get3A_125] {strides = array<i32>} : memref<64x96xi32, #tpu.memory_space<vmem>>, vector<1x16xi32>,
      %get3A_127 = vector.shape_cast %get3A_126 : vector<1x16xi32> to vector<16xi32>
      %add3A_128 = arith.addi %get3A_127, %broadcast_in_dim3A : vector<16xi32>
      %swap3A_129 = arith.index_cast %scan3A_85 : i32 to index
      %swap3A_130 = arith.constant 64 : index
      %swap3A_131 = tpu.vector_load %arg6[%swap3A_129, %swap3A_130] {strides = array<i32>} : memref<64x96xi32, #tpu.memory_space<vmem>>, vector<1x16xi32>,
      %swap3A_132 = vector.shape_cast %swap3A_131 : vector<1x16xi32> to vector<16xi32>
      %swap3A_133 = vector.shape_cast %add3A_128 : vector<16xi32> to vector<1x16xi32>
      tpu.vector_store %arg6[%swap3A_129, %swap3A_130], %swap3A_133 {strides = array<i32>} : memref<64x96xi32, #tpu.memory_space<vmem>>, vector<1x16xi32>,
      %get3A_134 = arith.index_cast %scan3A_85 : i32 to index
      %get3A_135 = arith.constant 80 : index
      %get3A_136 = tpu.vector_load %arg6[%get3A_134, %get3A_135] {strides = array<i32>} : memref<64x96xi32, #tpu.memory_space<vmem>>, vector<1x16xi32>,
      %get3A_137 = vector.shape_cast %get3A_136 : vector<1x16xi32> to vector<16xi32>
      %add3A_138 = arith.addi %get3A_137, %broadcast_in_dim3A : vector<16xi32>
      %swap3A_139 = arith.index_cast %scan3A_85 : i32 to index
      %swap3A_140 = arith.constant 80 : index
      %swap3A_141 = tpu.vector_load %arg6[%swap3A_139, %swap3A_140] {strides = array<i32>} : memref<64x96xi32, #tpu.memory_space<vmem>>, vector<1x16xi32>,
      %swap3A_142 = vector.shape_cast %swap3A_141 : vector<1x16xi32> to vector<16xi32>
      %swap3A_143 = vector.shape_cast %add3A_138 : vector<16xi32> to vector<1x16xi32>
      tpu.vector_store %arg6[%swap3A_139, %swap3A_140], %swap3A_143 {strides = array<i32>} : memref<64x96xi32, #tpu.memory_space<vmem>>, vector<1x16xi32>,
    }
    %scan3A_7 = arith.constant 64 : i32
    %dma_start3A = arith.constant 0 : i32
    %dma_start3A_8 = arith.constant 0 : i32
    %dma_start3A_9 = arith.constant 0 : i32
    %dma_start3A_10 = tpu.memref_slice %arg7[%dma_start3A, %dma_start3A_8, %dma_start3A_9] : memref<2x96x16xf32, #tpu.memory_space<vmem>> -> memref<1x96x16xf32, #tpu.memory_space<vmem>>
    %dma_start3A_11 = tpu.memref_squeeze %dma_start3A_10 : memref<1x96x16xf32, #tpu.memory_space<vmem>> -> memref<96x16xf32, #tpu.memory_space<vmem>>
    %dma_start3A_12 = arith.constant 0 : i32
    %dma_start3A_13 = arith.constant 0 : i32
    %dma_start3A_14 = tpu.memref_slice %arg3[%dma_start3A_12, %dma_start3A_13] : memref<6144x16xf32, #tpu.memory_space<hbm>> -> memref<96x16xf32, #tpu.memory_space<hbm>>
    %dma_start3A_15 = arith.constant 0 : i32
    %dma_start3A_16 = arith.constant 0 : i32
    %dma_start3A_17 = tpu.memref_slice %arg7[%dma_start3A, %dma_start3A_15, %dma_start3A_16] : memref<2x96x16xf32, #tpu.memory_space<vmem>> -> memref<1x96x16xf32, #tpu.memory_space<vmem>>
    %dma_start3A_18 = tpu.memref_squeeze %dma_start3A_17 : memref<1x96x16xf32, #tpu.memory_space<vmem>> -> memref<96x16xf32, #tpu.memory_space<vmem>>
    %dma_start3A_19 = arith.constant 0 : i32
    %dma_start3A_20 = arith.constant 0 : i32
    %dma_start3A_21 = tpu.memref_slice %arg3[%dma_start3A_19, %dma_start3A_20] : memref<6144x16xf32, #tpu.memory_space<hbm>> -> memref<96x16xf32, #tpu.memory_space<hbm>>
    tpu.enqueue_dma source(%dma_start3A_21 : memref<96x16xf32, #tpu.memory_space<hbm>>) target(%dma_start3A_18 : memref<96x16xf32, #tpu.memory_space<vmem>>) target_semaphore(%arg12 : memref<!tpu.dma_semaphore, #tpu.memory_space<semaphore_mem>>)
    %dma_start3A_22 = arith.constant 0 : i32
    %dma_start3A_23 = arith.constant 0 : i32
    %dma_start3A_24 = arith.constant 0 : i32
    %dma_start3A_25 = arith.constant 0 : i32
    %dma_start3A_26 = tpu.memref_slice %arg8[%dma_start3A_23, %dma_start3A_24, %dma_start3A_25] : memref<2x96x256xf32, #tpu.memory_space<vmem>> -> memref<1x96x256xf32, #tpu.memory_space<vmem>>
    %dma_start3A_27 = tpu.memref_squeeze %dma_start3A_26 : memref<1x96x256xf32, #tpu.memory_space<vmem>> -> memref<96x256xf32, #tpu.memory_space<vmem>>
    %dma_start3A_28 = arith.constant 0 : i32
    %dma_start3A_29 = tpu.memref_slice %arg6[%dma_start3A_22, %dma_start3A_28] : memref<64x96xi32, #tpu.memory_space<vmem>> -> memref<1x96xi32, #tpu.memory_space<vmem>>
    %dma_start3A_30 = tpu.memref_squeeze %dma_start3A_29 : memref<1x96xi32, #tpu.memory_space<vmem>> -> memref<96xi32, #tpu.memory_space<vmem>>
    %dma_start3A_31 = arith.constant 0 : i32
    %dma_start3A_32 = arith.constant 0 : i32
    %dma_start3A_33 = tpu.memref_slice %arg2[%dma_start3A_31, %dma_start3A_32] : memref<65536x256xf32, #tpu.memory_space<hbm>> -> memref<65536x256xf32, #tpu.memory_space<hbm>>
    tpu.enqueue_indirect_dma source(%dma_start3A_33 : memref<65536x256xf32, #tpu.memory_space<hbm>>) target(%dma_start3A_27 : memref<96x256xf32, #tpu.memory_space<vmem>>) offsets(%dma_start3A_30 : memref<96xi32, #tpu.memory_space<vmem>>) semaphore(%arg10 : memref<!tpu.dma_semaphore, #tpu.memory_space<semaphore_mem>>)
    %scan3A_34 = arith.constant 0 : i32
    %scan3A_35 = arith.constant 0 : i32
    %scan3A_36 = arith.constant 32 : i32
    %scan3A_37 = arith.addi %scan3A_35, %scan3A_36 : i32
    %scan3A_38 = arith.constant 1 : i32
    scf.for %scan3A_85 = %scan3A_35 to %scan3A_37 step %scan3A_38  : i32 {
      %mul3A_86 = arith.constant 2 : i32
      %mul3A_87 = arith.muli %mul3A_86, %scan3A_85 : i32
      %add3A_88 = arith.constant 0 : i32
      %add3A_89 = arith.addi %mul3A_87, %add3A_88 : i32
      %add3A_90 = arith.constant 1 : i32
      %add3A_91 = arith.addi %add3A_89, %add3A_90 : i32
      %lt3A = arith.constant 64 : i32
      %lt3A_92 = arith.cmpi slt, %add3A_91, %lt3A : i32
      %convert_element_type3A = arith.extui %lt3A_92 : i1 to i32
      %cond3A = arith.constant 0 : i32
      %cond3A_93 = arith.cmpi ne, %convert_element_type3A, %cond3A : i32
      scf.if %cond3A_93 {
        %add3A_217 = arith.constant 1 : i32
        %add3A_218 = arith.addi %add3A_89, %add3A_217 : i32
        %mul3A_219 = arith.constant 96 : i32
        %mul3A_220 = arith.muli %add3A_218, %mul3A_219 : i32
        %dma_start3A_221 = arith.constant 1 : i32
        %dma_start3A_222 = arith.constant 0 : i32
        %dma_start3A_223 = arith.constant 0 : i32
        %dma_start3A_224 = tpu.memref_slice %arg7[%dma_start3A_221, %dma_start3A_222, %dma_start3A_223] : memref<2x96x16xf32, #tpu.memory_space<vmem>> -> memref<1x96x16xf32, #tpu.memory_space<vmem>>
        %dma_start3A_225 = tpu.memref_squeeze %dma_start3A_224 : memref<1x96x16xf32, #tpu.memory_space<vmem>> -> memref<96x16xf32, #tpu.memory_space<vmem>>
        %dma_start3A_226 = arith.constant 0 : i32
        %dma_start3A_227 = tpu.memref_slice %arg3[%mul3A_220, %dma_start3A_226] : memref<6144x16xf32, #tpu.memory_space<hbm>> -> memref<96x16xf32, #tpu.memory_space<hbm>>
        %dma_start3A_228 = arith.constant 0 : i32
        %dma_start3A_229 = arith.constant 0 : i32
        %dma_start3A_230 = tpu.memref_slice %arg7[%dma_start3A_221, %dma_start3A_228, %dma_start3A_229] : memref<2x96x16xf32, #tpu.memory_space<vmem>> -> memref<1x96x16xf32, #tpu.memory_space<vmem>>
        %dma_start3A_231 = tpu.memref_squeeze %dma_start3A_230 : memref<1x96x16xf32, #tpu.memory_space<vmem>> -> memref<96x16xf32, #tpu.memory_space<vmem>>
        %dma_start3A_232 = arith.constant 0 : i32
        %dma_start3A_233 = tpu.memref_slice %arg3[%mul3A_220, %dma_start3A_232] : memref<6144x16xf32, #tpu.memory_space<hbm>> -> memref<96x16xf32, #tpu.memory_space<hbm>>
        tpu.enqueue_dma source(%dma_start3A_233 : memref<96x16xf32, #tpu.memory_space<hbm>>) target(%dma_start3A_231 : memref<96x16xf32, #tpu.memory_space<vmem>>) target_semaphore(%arg13 : memref<!tpu.dma_semaphore, #tpu.memory_space<semaphore_mem>>)
        %dma_start3A_234 = arith.constant 1 : i32
        %dma_start3A_235 = arith.constant 0 : i32
        %dma_start3A_236 = arith.constant 0 : i32
        %dma_start3A_237 = tpu.memref_slice %arg8[%dma_start3A_234, %dma_start3A_235, %dma_start3A_236] : memref<2x96x256xf32, #tpu.memory_space<vmem>> -> memref<1x96x256xf32, #tpu.memory_space<vmem>>
        %dma_start3A_238 = tpu.memref_squeeze %dma_start3A_237 : memref<1x96x256xf32, #tpu.memory_space<vmem>> -> memref<96x256xf32, #tpu.memory_space<vmem>>
        %dma_start3A_239 = arith.constant 0 : i32
        %dma_start3A_240 = tpu.memref_slice %arg6[%add3A_218, %dma_start3A_239] : memref<64x96xi32, #tpu.memory_space<vmem>> -> memref<1x96xi32, #tpu.memory_space<vmem>>
        %dma_start3A_241 = tpu.memref_squeeze %dma_start3A_240 : memref<1x96xi32, #tpu.memory_space<vmem>> -> memref<96xi32, #tpu.memory_space<vmem>>
        %dma_start3A_242 = arith.constant 0 : i32
        %dma_start3A_243 = arith.constant 0 : i32
        %dma_start3A_244 = tpu.memref_slice %arg2[%dma_start3A_242, %dma_start3A_243] : memref<65536x256xf32, #tpu.memory_space<hbm>> -> memref<65536x256xf32, #tpu.memory_space<hbm>>
        tpu.enqueue_indirect_dma source(%dma_start3A_244 : memref<65536x256xf32, #tpu.memory_space<hbm>>) target(%dma_start3A_238 : memref<96x256xf32, #tpu.memory_space<vmem>>) offsets(%dma_start3A_241 : memref<96xi32, #tpu.memory_space<vmem>>) semaphore(%arg11 : memref<!tpu.dma_semaphore, #tpu.memory_space<semaphore_mem>>)
      } else {
      }
      %mul3A_94 = arith.constant 96 : i32
      %mul3A_95 = arith.muli %add3A_89, %mul3A_94 : i32
      %dma_wait3A_96 = arith.constant 0 : i32
      %dma_wait3A_97 = arith.constant 0 : i32
      %dma_wait3A_98 = arith.constant 0 : i32
      %dma_wait3A_99 = tpu.memref_slice %arg7[%dma_wait3A_96, %dma_wait3A_97, %dma_wait3A_98] : memref<2x96x16xf32, #tpu.memory_space<vmem>> -> memref<1x96x16xf32, #tpu.memory_space<vmem>>
      %dma_wait3A_100 = tpu.memref_squeeze %dma_wait3A_99 : memref<1x96x16xf32, #tpu.memory_space<vmem>> -> memref<96x16xf32, #tpu.memory_space<vmem>>
      %dma_wait3A_101 = arith.constant 0 : i32
      %dma_wait3A_102 = tpu.memref_slice %arg3[%mul3A_95, %dma_wait3A_101] : memref<6144x16xf32, #tpu.memory_space<hbm>> -> memref<96x16xf32, #tpu.memory_space<hbm>>
      %dma_wait3A_103 = arith.constant 0 : i32
      %dma_wait3A_104 = arith.constant 0 : i32
      %dma_wait3A_105 = tpu.memref_slice %arg7[%dma_wait3A_96, %dma_wait3A_103, %dma_wait3A_104] : memref<2x96x16xf32, #tpu.memory_space<vmem>> -> memref<1x96x16xf32, #tpu.memory_space<vmem>>
      %dma_wait3A_106 = tpu.memref_squeeze %dma_wait3A_105 : memref<1x96x16xf32, #tpu.memory_space<vmem>> -> memref<96x16xf32, #tpu.memory_space<vmem>>
      %dma_wait3A_107 = arith.constant 0 : i32
      %dma_wait3A_108 = tpu.memref_slice %arg3[%mul3A_95, %dma_wait3A_107] : memref<6144x16xf32, #tpu.memory_space<hbm>> -> memref<96x16xf32, #tpu.memory_space<hbm>>
      tpu.wait_dma2 semaphore(%arg12 : memref<!tpu.dma_semaphore, #tpu.memory_space<semaphore_mem>>) src(%dma_wait3A_108 : memref<96x16xf32, #tpu.memory_space<hbm>>) dst(%dma_wait3A_106 : memref<96x16xf32, #tpu.memory_space<vmem>>)
      %dma_wait3A_109 = arith.constant 0 : i32
      %dma_wait3A_110 = arith.constant 0 : i32
      %dma_wait3A_111 = arith.constant 0 : i32
      %dma_wait3A_112 = tpu.memref_slice %arg8[%dma_wait3A_109, %dma_wait3A_110, %dma_wait3A_111] : memref<2x96x256xf32, #tpu.memory_space<vmem>> -> memref<1x96x256xf32, #tpu.memory_space<vmem>>
      %dma_wait3A_113 = tpu.memref_squeeze %dma_wait3A_112 : memref<1x96x256xf32, #tpu.memory_space<vmem>> -> memref<96x256xf32, #tpu.memory_space<vmem>>
      %dma_wait3A_114 = arith.constant 0 : i32
      %dma_wait3A_115 = tpu.memref_slice %arg6[%add3A_89, %dma_wait3A_114] : memref<64x96xi32, #tpu.memory_space<vmem>> -> memref<1x96xi32, #tpu.memory_space<vmem>>
      %dma_wait3A_116 = tpu.memref_squeeze %dma_wait3A_115 : memref<1x96xi32, #tpu.memory_space<vmem>> -> memref<96xi32, #tpu.memory_space<vmem>>
      %dma_wait3A_117 = arith.constant 0 : i32
      %dma_wait3A_118 = arith.constant 0 : i32
      %dma_wait3A_119 = tpu.memref_slice %arg2[%dma_wait3A_117, %dma_wait3A_118] : memref<65536x256xf32, #tpu.memory_space<hbm>> -> memref<65536x256xf32, #tpu.memory_space<hbm>>
      tpu.wait_indirect_dma semaphore(%arg10 : memref<!tpu.dma_semaphore, #tpu.memory_space<semaphore_mem>>) src(%dma_wait3A_119 : memref<65536x256xf32, #tpu.memory_space<hbm>>) dst(%dma_wait3A_113 : memref<96x256xf32, #tpu.memory_space<vmem>>)
      %ge3A = arith.constant 2 : i32
      %ge3A_120 = arith.cmpi sge, %add3A_89, %ge3A : i32
      %convert_element_type3A_121 = arith.extui %ge3A_120 : i1 to i32
      %cond3A_122 = arith.constant 0 : i32
      %cond3A_123 = arith.cmpi ne, %convert_element_type3A_121, %cond3A_122 : i32
      scf.if %cond3A_123 {
        %sub3A = arith.constant 2 : i32
        %sub3A_217 = arith.subi %add3A_89, %sub3A : i32
        %mul3A_218 = arith.constant 32 : i32
        %mul3A_219 = arith.muli %sub3A_217, %mul3A_218 : i32
        %dma_wait3A_220 = arith.constant 0 : i32
        %dma_wait3A_221 = arith.constant 0 : i32
        %dma_wait3A_222 = arith.constant 0 : i32
        %dma_wait3A_223 = tpu.memref_slice %arg9[%dma_wait3A_220, %dma_wait3A_221, %dma_wait3A_222] : memref<2x32x256xf32, #tpu.memory_space<vmem>> -> memref<1x32x256xf32, #tpu.memory_space<vmem>>
        %dma_wait3A_224 = tpu.memref_squeeze %dma_wait3A_223 : memref<1x32x256xf32, #tpu.memory_space<vmem>> -> memref<32x256xf32, #tpu.memory_space<vmem>>
        %dma_wait3A_225 = arith.constant 0 : i32
        %dma_wait3A_226 = arith.constant 0 : i32
        %dma_wait3A_227 = tpu.memref_slice %arg5[%add3A, %dma_wait3A_225, %dma_wait3A_226] : memref<32x2048x256xf32, #tpu.memory_space<hbm>> -> memref<1x2048x256xf32, #tpu.memory_space<hbm>>
        %dma_wait3A_228 = tpu.memref_squeeze %dma_wait3A_227 : memref<1x2048x256xf32, #tpu.memory_space<hbm>> -> memref<2048x256xf32, #tpu.memory_space<hbm>>
        %dma_wait3A_229 = arith.constant 0 : i32
        %dma_wait3A_230 = tpu.memref_slice %dma_wait3A_228[%mul3A_219, %dma_wait3A_229] : memref<2048x256xf32, #tpu.memory_space<hbm>> -> memref<32x256xf32, #tpu.memory_space<hbm>>
        %dma_wait3A_231 = arith.constant 0 : i32
        %dma_wait3A_232 = arith.constant 0 : i32
        %dma_wait3A_233 = tpu.memref_slice %arg5[%add3A, %dma_wait3A_231, %dma_wait3A_232] : memref<32x2048x256xf32, #tpu.memory_space<hbm>> -> memref<1x2048x256xf32, #tpu.memory_space<hbm>>
        %dma_wait3A_234 = tpu.memref_squeeze %dma_wait3A_233 : memref<1x2048x256xf32, #tpu.memory_space<hbm>> -> memref<2048x256xf32, #tpu.memory_space<hbm>>
        %dma_wait3A_235 = arith.constant 0 : i32
        %dma_wait3A_236 = tpu.memref_slice %dma_wait3A_234[%mul3A_219, %dma_wait3A_235] : memref<2048x256xf32, #tpu.memory_space<hbm>> -> memref<32x256xf32, #tpu.memory_space<hbm>>
        %dma_wait3A_237 = arith.constant 0 : i32
        %dma_wait3A_238 = arith.constant 0 : i32
        %dma_wait3A_239 = tpu.memref_slice %arg9[%dma_wait3A_220, %dma_wait3A_237, %dma_wait3A_238] : memref<2x32x256xf32, #tpu.memory_space<vmem>> -> memref<1x32x256xf32, #tpu.memory_space<vmem>>
        %dma_wait3A_240 = tpu.memref_squeeze %dma_wait3A_239 : memref<1x32x256xf32, #tpu.memory_space<vmem>> -> memref<32x256xf32, #tpu.memory_space<vmem>>
        tpu.wait_dma2 semaphore(%arg14 : memref<!tpu.dma_semaphore, #tpu.memory_space<semaphore_mem>>) src(%dma_wait3A_240 : memref<32x256xf32, #tpu.memory_space<vmem>>) dst(%dma_wait3A_236 : memref<32x256xf32, #tpu.memory_space<hbm>>)
      } else {
      }
      %parallel_loop3A = arith.constant 0 : i32
      %parallel_loop3A_124 = arith.constant 32 : i32
      %parallel_loop3A_125 = arith.constant 1 : i32
      scf.for %parallel_loop3A_217 = %parallel_loop3A to %parallel_loop3A_124 step %parallel_loop3A_125  : i32 {
        %parallel_loop3A_218 = arith.constant 3 : i32
        %parallel_loop3A_219 = arith.muli %parallel_loop3A_218, %parallel_loop3A_217 : i32
        %parallel_loop3A_220 = arith.constant 0 : i32
        %parallel_loop3A_221 = arith.index_cast %parallel_loop3A_220 : i32 to index
        %parallel_loop3A_222 = arith.index_cast %parallel_loop3A_219 : i32 to index
        %parallel_loop3A_223 = arith.constant 0 : index
        %parallel_loop3A_224 = tpu.vector_load %arg7[%parallel_loop3A_221, %parallel_loop3A_222, %parallel_loop3A_223] {strides = array<i32>} : memref<2x96x16xf32, #tpu.memory_space<vmem>>, vector<1x1x16xf32>,
        %parallel_loop3A_225 = vector.shape_cast %parallel_loop3A_224 : vector<1x1x16xf32> to vector<16xf32>
        %parallel_loop3A_226 = arith.constant 3 : i32
        %parallel_loop3A_227 = arith.muli %parallel_loop3A_226, %parallel_loop3A_217 : i32
        %parallel_loop3A_228 = arith.constant 1 : i32
        %parallel_loop3A_229 = arith.addi %parallel_loop3A_227, %parallel_loop3A_228 : i32
        %parallel_loop3A_230 = arith.constant 0 : i32
        %parallel_loop3A_231 = arith.index_cast %parallel_loop3A_230 : i32 to index
        %parallel_loop3A_232 = arith.index_cast %parallel_loop3A_229 : i32 to index
        %parallel_loop3A_233 = arith.constant 0 : index
        %parallel_loop3A_234 = tpu.vector_load %arg7[%parallel_loop3A_231, %parallel_loop3A_232, %parallel_loop3A_233] {strides = array<i32>} : memref<2x96x16xf32, #tpu.memory_space<vmem>>, vector<1x1x16xf32>,
        %parallel_loop3A_235 = vector.shape_cast %parallel_loop3A_234 : vector<1x1x16xf32> to vector<16xf32>
        %parallel_loop3A_236 = arith.constant 3 : i32
        %parallel_loop3A_237 = arith.muli %parallel_loop3A_236, %parallel_loop3A_217 : i32
        %parallel_loop3A_238 = arith.constant 2 : i32
        %parallel_loop3A_239 = arith.addi %parallel_loop3A_237, %parallel_loop3A_238 : i32
        %parallel_loop3A_240 = arith.constant 0 : i32
        %parallel_loop3A_241 = arith.index_cast %parallel_loop3A_240 : i32 to index
        %parallel_loop3A_242 = arith.index_cast %parallel_loop3A_239 : i32 to index
        %parallel_loop3A_243 = arith.constant 0 : index
        %parallel_loop3A_244 = tpu.vector_load %arg7[%parallel_loop3A_241, %parallel_loop3A_242, %parallel_loop3A_243] {strides = array<i32>} : memref<2x96x16xf32, #tpu.memory_space<vmem>>, vector<1x1x16xf32>,
        %parallel_loop3A_245 = vector.shape_cast %parallel_loop3A_244 : vector<1x1x16xf32> to vector<16xf32>
        %parallel_loop3A_246 = arith.constant 3 : i32
        %parallel_loop3A_247 = arith.muli %parallel_loop3A_246, %parallel_loop3A_217 : i32
        %parallel_loop3A_248 = arith.constant 0 : i32
        %parallel_loop3A_249 = arith.index_cast %parallel_loop3A_248 : i32 to index
        %parallel_loop3A_250 = arith.index_cast %parallel_loop3A_247 : i32 to index
        %parallel_loop3A_251 = arith.constant 0 : index
        %parallel_loop3A_252 = tpu.vector_load %arg8[%parallel_loop3A_249, %parallel_loop3A_250, %parallel_loop3A_251] {strides = array<i32>} : memref<2x96x256xf32, #tpu.memory_space<vmem>>, vector<1x1x16xf32>,
        %parallel_loop3A_253 = vector.shape_cast %parallel_loop3A_252 : vector<1x1x16xf32> to vector<16xf32>
        %parallel_loop3A_254 = arith.mulf %parallel_loop3A_253, %parallel_loop3A_225 : vector<16xf32>
        %parallel_loop3A_255 = arith.constant 3 : i32
        %parallel_loop3A_256 = arith.muli %parallel_loop3A_255, %parallel_loop3A_217 : i32
        %parallel_loop3A_257 = arith.constant 1 : i32
        %parallel_loop3A_258 = arith.addi %parallel_loop3A_256, %parallel_loop3A_257 : i32
        %parallel_loop3A_259 = arith.constant 0 : i32
        %parallel_loop3A_260 = arith.index_cast %parallel_loop3A_259 : i32 to index
        %parallel_loop3A_261 = arith.index_cast %parallel_loop3A_258 : i32 to index
        %parallel_loop3A_262 = arith.constant 0 : index
        %parallel_loop3A_263 = tpu.vector_load %arg8[%parallel_loop3A_260, %parallel_loop3A_261, %parallel_loop3A_262] {strides = array<i32>} : memref<2x96x256xf32, #tpu.memory_space<vmem>>, vector<1x1x16xf32>,
        %parallel_loop3A_264 = vector.shape_cast %parallel_loop3A_263 : vector<1x1x16xf32> to vector<16xf32>
        %parallel_loop3A_265 = arith.mulf %parallel_loop3A_264, %parallel_loop3A_235 : vector<16xf32>
        %parallel_loop3A_266 = arith.addf %parallel_loop3A_254, %parallel_loop3A_265 : vector<16xf32>
        %parallel_loop3A_267 = arith.constant 3 : i32
        %parallel_loop3A_268 = arith.muli %parallel_loop3A_267, %parallel_loop3A_217 : i32
        %parallel_loop3A_269 = arith.constant 2 : i32
        %parallel_loop3A_270 = arith.addi %parallel_loop3A_268, %parallel_loop3A_269 : i32
        %parallel_loop3A_271 = arith.constant 0 : i32
        %parallel_loop3A_272 = arith.index_cast %parallel_loop3A_271 : i32 to index
        %parallel_loop3A_273 = arith.index_cast %parallel_loop3A_270 : i32 to index
        %parallel_loop3A_274 = arith.constant 0 : index
        %parallel_loop3A_275 = tpu.vector_load %arg8[%parallel_loop3A_272, %parallel_loop3A_273, %parallel_loop3A_274] {strides = array<i32>} : memref<2x96x256xf32, #tpu.memory_space<vmem>>, vector<1x1x16xf32>,
        %parallel_loop3A_276 = vector.shape_cast %parallel_loop3A_275 : vector<1x1x16xf32> to vector<16xf32>
        %parallel_loop3A_277 = arith.mulf %parallel_loop3A_276, %parallel_loop3A_245 : vector<16xf32>
        %parallel_loop3A_278 = arith.addf %parallel_loop3A_266, %parallel_loop3A_277 : vector<16xf32>
        %parallel_loop3A_279 = arith.constant 0 : i32
        %parallel_loop3A_280 = arith.index_cast %parallel_loop3A_279 : i32 to index
        %parallel_loop3A_281 = arith.index_cast %parallel_loop3A_217 : i32 to index
        %parallel_loop3A_282 = arith.constant 0 : index
        %parallel_loop3A_283 = tpu.vector_load %arg9[%parallel_loop3A_280, %parallel_loop3A_281, %parallel_loop3A_282] {strides = array<i32>} : memref<2x32x256xf32, #tpu.memory_space<vmem>>, vector<1x1x16xf32>,
        %parallel_loop3A_284 = vector.shape_cast %parallel_loop3A_283 : vector<1x1x16xf32> to vector<16xf32>
        %parallel_loop3A_285 = vector.shape_cast %parallel_loop3A_278 : vector<16xf32> to vector<1x1x16xf32>
        tpu.vector_store %arg9[%parallel_loop3A_280, %parallel_loop3A_281, %parallel_loop3A_282], %parallel_loop3A_285 {strides = array<i32>} : memref<2x32x256xf32, #tpu.memory_space<vmem>>, vector<1x1x16xf32>,
        %parallel_loop3A_286 = arith.constant 3 : i32
        %parallel_loop3A_287 = arith.muli %parallel_loop3A_286, %parallel_loop3A_217 : i32
        %parallel_loop3A_288 = arith.constant 0 : i32
        %parallel_loop3A_289 = arith.index_cast %parallel_loop3A_288 : i32 to index
        %parallel_loop3A_290 = arith.index_cast %parallel_loop3A_287 : i32 to index
        %parallel_loop3A_291 = arith.constant 16 : index
        %parallel_loop3A_292 = tpu.vector_load %arg8[%parallel_loop3A_289, %parallel_loop3A_290, %parallel_loop3A_291] {strides = array<i32>} : memref<2x96x256xf32, #tpu.memory_space<vmem>>, vector<1x1x16xf32>,
        %parallel_loop3A_293 = vector.shape_cast %parallel_loop3A_292 : vector<1x1x16xf32> to vector<16xf32>
        %parallel_loop3A_294 = arith.mulf %parallel_loop3A_293, %parallel_loop3A_225 : vector<16xf32>
        %parallel_loop3A_295 = arith.constant 3 : i32
        %parallel_loop3A_296 = arith.muli %parallel_loop3A_295, %parallel_loop3A_217 : i32
        %parallel_loop3A_297 = arith.constant 1 : i32
        %parallel_loop3A_298 = arith.addi %parallel_loop3A_296, %parallel_loop3A_297 : i32
        %parallel_loop3A_299 = arith.constant 0 : i32
        %parallel_loop3A_300 = arith.index_cast %parallel_loop3A_299 : i32 to index
        %parallel_loop3A_301 = arith.index_cast %parallel_loop3A_298 : i32 to index
        %parallel_loop3A_302 = arith.constant 16 : index
        %parallel_loop3A_303 = tpu.vector_load %arg8[%parallel_loop3A_300, %parallel_loop3A_301, %parallel_loop3A_302] {strides = array<i32>} : memref<2x96x256xf32, #tpu.memory_space<vmem>>, vector<1x1x16xf32>,
        %parallel_loop3A_304 = vector.shape_cast %parallel_loop3A_303 : vector<1x1x16xf32> to vector<16xf32>
        %parallel_loop3A_305 = arith.mulf %parallel_loop3A_304, %parallel_loop3A_235 : vector<16xf32>
        %parallel_loop3A_306 = arith.addf %parallel_loop3A_294, %parallel_loop3A_305 : vector<16xf32>
        %parallel_loop3A_307 = arith.constant 3 : i32
        %parallel_loop3A_308 = arith.muli %parallel_loop3A_307, %parallel_loop3A_217 : i32
        %parallel_loop3A_309 = arith.constant 2 : i32
        %parallel_loop3A_310 = arith.addi %parallel_loop3A_308, %parallel_loop3A_309 : i32
        %parallel_loop3A_311 = arith.constant 0 : i32
        %parallel_loop3A_312 = arith.index_cast %parallel_loop3A_311 : i32 to index
        %parallel_loop3A_313 = arith.index_cast %parallel_loop3A_310 : i32 to index
        %parallel_loop3A_314 = arith.constant 16 : index
        %parallel_loop3A_315 = tpu.vector_load %arg8[%parallel_loop3A_312, %parallel_loop3A_313, %parallel_loop3A_314] {strides = array<i32>} : memref<2x96x256xf32, #tpu.memory_space<vmem>>, vector<1x1x16xf32>,
        %parallel_loop3A_316 = vector.shape_cast %parallel_loop3A_315 : vector<1x1x16xf32> to vector<16xf32>
        %parallel_loop3A_317 = arith.mulf %parallel_loop3A_316, %parallel_loop3A_245 : vector<16xf32>
        %parallel_loop3A_318 = arith.addf %parallel_loop3A_306, %parallel_loop3A_317 : vector<16xf32>
        %parallel_loop3A_319 = arith.constant 0 : i32
        %parallel_loop3A_320 = arith.index_cast %parallel_loop3A_319 : i32 to index
        %parallel_loop3A_321 = arith.index_cast %parallel_loop3A_217 : i32 to index
        %parallel_loop3A_322 = arith.constant 16 : index
        %parallel_loop3A_323 = tpu.vector_load %arg9[%parallel_loop3A_320, %parallel_loop3A_321, %parallel_loop3A_322] {strides = array<i32>} : memref<2x32x256xf32, #tpu.memory_space<vmem>>, vector<1x1x16xf32>,
        %parallel_loop3A_324 = vector.shape_cast %parallel_loop3A_323 : vector<1x1x16xf32> to vector<16xf32>
        %parallel_loop3A_325 = vector.shape_cast %parallel_loop3A_318 : vector<16xf32> to vector<1x1x16xf32>
        tpu.vector_store %arg9[%parallel_loop3A_320, %parallel_loop3A_321, %parallel_loop3A_322], %parallel_loop3A_325 {strides = array<i32>} : memref<2x32x256xf32, #tpu.memory_space<vmem>>, vector<1x1x16xf32>,
        %parallel_loop3A_326 = arith.constant 3 : i32
        %parallel_loop3A_327 = arith.muli %parallel_loop3A_326, %parallel_loop3A_217 : i32
        %parallel_loop3A_328 = arith.constant 0 : i32
        %parallel_loop3A_329 = arith.index_cast %parallel_loop3A_328 : i32 to index
        %parallel_loop3A_330 = arith.index_cast %parallel_loop3A_327 : i32 to index
        %parallel_loop3A_331 = arith.constant 32 : index
        %parallel_loop3A_332 = tpu.vector_load %arg8[%parallel_loop3A_329, %parallel_loop3A_330, %parallel_loop3A_331] {strides = array<i32>} : memref<2x96x256xf32, #tpu.memory_space<vmem>>, vector<1x1x16xf32>,
        %parallel_loop3A_333 = vector.shape_cast %parallel_loop3A_332 : vector<1x1x16xf32> to vector<16xf32>
        %parallel_loop3A_334 = arith.mulf %parallel_loop3A_333, %parallel_loop3A_225 : vector<16xf32>
        %parallel_loop3A_335 = arith.constant 3 : i32
        %parallel_loop3A_336 = arith.muli %parallel_loop3A_335, %parallel_loop3A_217 : i32
        %parallel_loop3A_337 = arith.constant 1 : i32
        %parallel_loop3A_338 = arith.addi %parallel_loop3A_336, %parallel_loop3A_337 : i32
        %parallel_loop3A_339 = arith.constant 0 : i32
        %parallel_loop3A_340 = arith.index_cast %parallel_loop3A_339 : i32 to index
        %parallel_loop3A_341 = arith.index_cast %parallel_loop3A_338 : i32 to index
        %parallel_loop3A_342 = arith.constant 32 : index
        %parallel_loop3A_343 = tpu.vector_load %arg8[%parallel_loop3A_340, %parallel_loop3A_341, %parallel_loop3A_342] {strides = array<i32>} : memref<2x96x256xf32, #tpu.memory_space<vmem>>, vector<1x1x16xf32>,
        %parallel_loop3A_344 = vector.shape_cast %parallel_loop3A_343 : vector<1x1x16xf32> to vector<16xf32>
        %parallel_loop3A_345 = arith.mulf %parallel_loop3A_344, %parallel_loop3A_235 : vector<16xf32>
        %parallel_loop3A_346 = arith.addf %parallel_loop3A_334, %parallel_loop3A_345 : vector<16xf32>
        %parallel_loop3A_347 = arith.constant 3 : i32
        %parallel_loop3A_348 = arith.muli %parallel_loop3A_347, %parallel_loop3A_217 : i32
        %parallel_loop3A_349 = arith.constant 2 : i32
        %parallel_loop3A_350 = arith.addi %parallel_loop3A_348, %parallel_loop3A_349 : i32
        %parallel_loop3A_351 = arith.constant 0 : i32
        %parallel_loop3A_352 = arith.index_cast %parallel_loop3A_351 : i32 to index
        %parallel_loop3A_353 = arith.index_cast %parallel_loop3A_350 : i32 to index
        %parallel_loop3A_354 = arith.constant 32 : index
        %parallel_loop3A_355 = tpu.vector_load %arg8[%parallel_loop3A_352, %parallel_loop3A_353, %parallel_loop3A_354] {strides = array<i32>} : memref<2x96x256xf32, #tpu.memory_space<vmem>>, vector<1x1x16xf32>,
        %parallel_loop3A_356 = vector.shape_cast %parallel_loop3A_355 : vector<1x1x16xf32> to vector<16xf32>
        %parallel_loop3A_357 = arith.mulf %parallel_loop3A_356, %parallel_loop3A_245 : vector<16xf32>
        %parallel_loop3A_358 = arith.addf %parallel_loop3A_346, %parallel_loop3A_357 : vector<16xf32>
        %parallel_loop3A_359 = arith.constant 0 : i32
        %parallel_loop3A_360 = arith.index_cast %parallel_loop3A_359 : i32 to index
        %parallel_loop3A_361 = arith.index_cast %parallel_loop3A_217 : i32 to index
        %parallel_loop3A_362 = arith.constant 32 : index
        %parallel_loop3A_363 = tpu.vector_load %arg9[%parallel_loop3A_360, %parallel_loop3A_361, %parallel_loop3A_362] {strides = array<i32>} : memref<2x32x256xf32, #tpu.memory_space<vmem>>, vector<1x1x16xf32>,
        %parallel_loop3A_364 = vector.shape_cast %parallel_loop3A_363 : vector<1x1x16xf32> to vector<16xf32>
        %parallel_loop3A_365 = vector.shape_cast %parallel_loop3A_358 : vector<16xf32> to vector<1x1x16xf32>
        tpu.vector_store %arg9[%parallel_loop3A_360, %parallel_loop3A_361, %parallel_loop3A_362], %parallel_loop3A_365 {strides = array<i32>} : memref<2x32x256xf32, #tpu.memory_space<vmem>>, vector<1x1x16xf32>,
        %parallel_loop3A_366 = arith.constant 3 : i32
        %parallel_loop3A_367 = arith.muli %parallel_loop3A_366, %parallel_loop3A_217 : i32
        %parallel_loop3A_368 = arith.constant 0 : i32
        %parallel_loop3A_369 = arith.index_cast %parallel_loop3A_368 : i32 to index
        %parallel_loop3A_370 = arith.index_cast %parallel_loop3A_367 : i32 to index
        %parallel_loop3A_371 = arith.constant 48 : index
        %parallel_loop3A_372 = tpu.vector_load %arg8[%parallel_loop3A_369, %parallel_loop3A_370, %parallel_loop3A_371] {strides = array<i32>} : memref<2x96x256xf32, #tpu.memory_space<vmem>>, vector<1x1x16xf32>,
        %parallel_loop3A_373 = vector.shape_cast %parallel_loop3A_372 : vector<1x1x16xf32> to vector<16xf32>
        %parallel_loop3A_374 = arith.mulf %parallel_loop3A_373, %parallel_loop3A_225 : vector<16xf32>
        %parallel_loop3A_375 = arith.constant 3 : i32
        %parallel_loop3A_376 = arith.muli %parallel_loop3A_375, %parallel_loop3A_217 : i32
        %parallel_loop3A_377 = arith.constant 1 : i32
        %parallel_loop3A_378 = arith.addi %parallel_loop3A_376, %parallel_loop3A_377 : i32
        %parallel_loop3A_379 = arith.constant 0 : i32
        %parallel_loop3A_380 = arith.index_cast %parallel_loop3A_379 : i32 to index
        %parallel_loop3A_381 = arith.index_cast %parallel_loop3A_378 : i32 to index
        %parallel_loop3A_382 = arith.constant 48 : index
        %parallel_loop3A_383 = tpu.vector_load %arg8[%parallel_loop3A_380, %parallel_loop3A_381, %parallel_loop3A_382] {strides = array<i32>} : memref<2x96x256xf32, #tpu.memory_space<vmem>>, vector<1x1x16xf32>,
        %parallel_loop3A_384 = vector.shape_cast %parallel_loop3A_383 : vector<1x1x16xf32> to vector<16xf32>
        %parallel_loop3A_385 = arith.mulf %parallel_loop3A_384, %parallel_loop3A_235 : vector<16xf32>
        %parallel_loop3A_386 = arith.addf %parallel_loop3A_374, %parallel_loop3A_385 : vector<16xf32>
        %parallel_loop3A_387 = arith.constant 3 : i32
        %parallel_loop3A_388 = arith.muli %parallel_loop3A_387, %parallel_loop3A_217 : i32
        %parallel_loop3A_389 = arith.constant 2 : i32
        %parallel_loop3A_390 = arith.addi %parallel_loop3A_388, %parallel_loop3A_389 : i32
        %parallel_loop3A_391 = arith.constant 0 : i32
        %parallel_loop3A_392 = arith.index_cast %parallel_loop3A_391 : i32 to index
        %parallel_loop3A_393 = arith.index_cast %parallel_loop3A_390 : i32 to index
        %parallel_loop3A_394 = arith.constant 48 : index
        %parallel_loop3A_395 = tpu.vector_load %arg8[%parallel_loop3A_392, %parallel_loop3A_393, %parallel_loop3A_394] {strides = array<i32>} : memref<2x96x256xf32, #tpu.memory_space<vmem>>, vector<1x1x16xf32>,
        %parallel_loop3A_396 = vector.shape_cast %parallel_loop3A_395 : vector<1x1x16xf32> to vector<16xf32>
        %parallel_loop3A_397 = arith.mulf %parallel_loop3A_396, %parallel_loop3A_245 : vector<16xf32>
        %parallel_loop3A_398 = arith.addf %parallel_loop3A_386, %parallel_loop3A_397 : vector<16xf32>
        %parallel_loop3A_399 = arith.constant 0 : i32
        %parallel_loop3A_400 = arith.index_cast %parallel_loop3A_399 : i32 to index
        %parallel_loop3A_401 = arith.index_cast %parallel_loop3A_217 : i32 to index
        %parallel_loop3A_402 = arith.constant 48 : index
        %parallel_loop3A_403 = tpu.vector_load %arg9[%parallel_loop3A_400, %parallel_loop3A_401, %parallel_loop3A_402] {strides = array<i32>} : memref<2x32x256xf32, #tpu.memory_space<vmem>>, vector<1x1x16xf32>,
        %parallel_loop3A_404 = vector.shape_cast %parallel_loop3A_403 : vector<1x1x16xf32> to vector<16xf32>
        %parallel_loop3A_405 = vector.shape_cast %parallel_loop3A_398 : vector<16xf32> to vector<1x1x16xf32>
        tpu.vector_store %arg9[%parallel_loop3A_400, %parallel_loop3A_401, %parallel_loop3A_402], %parallel_loop3A_405 {strides = array<i32>} : memref<2x32x256xf32, #tpu.memory_space<vmem>>, vector<1x1x16xf32>,
        %parallel_loop3A_406 = arith.constant 3 : i32
        %parallel_loop3A_407 = arith.muli %parallel_loop3A_406, %parallel_loop3A_217 : i32
        %parallel_loop3A_408 = arith.constant 0 : i32
        %parallel_loop3A_409 = arith.index_cast %parallel_loop3A_408 : i32 to index
        %parallel_loop3A_410 = arith.index_cast %parallel_loop3A_407 : i32 to index
        %parallel_loop3A_411 = arith.constant 64 : index
        %parallel_loop3A_412 = tpu.vector_load %arg8[%parallel_loop3A_409, %parallel_loop3A_410, %parallel_loop3A_411] {strides = array<i32>} : memref<2x96x256xf32, #tpu.memory_space<vmem>>, vector<1x1x16xf32>,
        %parallel_loop3A_413 = vector.shape_cast %parallel_loop3A_412 : vector<1x1x16xf32> to vector<16xf32>
        %parallel_loop3A_414 = arith.mulf %parallel_loop3A_413, %parallel_loop3A_225 : vector<16xf32>
        %parallel_loop3A_415 = arith.constant 3 : i32
        %parallel_loop3A_416 = arith.muli %parallel_loop3A_415, %parallel_loop3A_217 : i32
        %parallel_loop3A_417 = arith.constant 1 : i32
        %parallel_loop3A_418 = arith.addi %parallel_loop3A_416, %parallel_loop3A_417 : i32
        %parallel_loop3A_419 = arith.constant 0 : i32
        %parallel_loop3A_420 = arith.index_cast %parallel_loop3A_419 : i32 to index
        %parallel_loop3A_421 = arith.index_cast %parallel_loop3A_418 : i32 to index
        %parallel_loop3A_422 = arith.constant 64 : index
        %parallel_loop3A_423 = tpu.vector_load %arg8[%parallel_loop3A_420, %parallel_loop3A_421, %parallel_loop3A_422] {strides = array<i32>} : memref<2x96x256xf32, #tpu.memory_space<vmem>>, vector<1x1x16xf32>,
        %parallel_loop3A_424 = vector.shape_cast %parallel_loop3A_423 : vector<1x1x16xf32> to vector<16xf32>
        %parallel_loop3A_425 = arith.mulf %parallel_loop3A_424, %parallel_loop3A_235 : vector<16xf32>
        %parallel_loop3A_426 = arith.addf %parallel_loop3A_414, %parallel_loop3A_425 : vector<16xf32>
        %parallel_loop3A_427 = arith.constant 3 : i32
        %parallel_loop3A_428 = arith.muli %parallel_loop3A_427, %parallel_loop3A_217 : i32
        %parallel_loop3A_429 = arith.constant 2 : i32
        %parallel_loop3A_430 = arith.addi %parallel_loop3A_428, %parallel_loop3A_429 : i32
        %parallel_loop3A_431 = arith.constant 0 : i32
        %parallel_loop3A_432 = arith.index_cast %parallel_loop3A_431 : i32 to index
        %parallel_loop3A_433 = arith.index_cast %parallel_loop3A_430 : i32 to index
        %parallel_loop3A_434 = arith.constant 64 : index
        %parallel_loop3A_435 = tpu.vector_load %arg8[%parallel_loop3A_432, %parallel_loop3A_433, %parallel_loop3A_434] {strides = array<i32>} : memref<2x96x256xf32, #tpu.memory_space<vmem>>, vector<1x1x16xf32>,
        %parallel_loop3A_436 = vector.shape_cast %parallel_loop3A_435 : vector<1x1x16xf32> to vector<16xf32>
        %parallel_loop3A_437 = arith.mulf %parallel_loop3A_436, %parallel_loop3A_245 : vector<16xf32>
        %parallel_loop3A_438 = arith.addf %parallel_loop3A_426, %parallel_loop3A_437 : vector<16xf32>
        %parallel_loop3A_439 = arith.constant 0 : i32
        %parallel_loop3A_440 = arith.index_cast %parallel_loop3A_439 : i32 to index
        %parallel_loop3A_441 = arith.index_cast %parallel_loop3A_217 : i32 to index
        %parallel_loop3A_442 = arith.constant 64 : index
        %parallel_loop3A_443 = tpu.vector_load %arg9[%parallel_loop3A_440, %parallel_loop3A_441, %parallel_loop3A_442] {strides = array<i32>} : memref<2x32x256xf32, #tpu.memory_space<vmem>>, vector<1x1x16xf32>,
        %parallel_loop3A_444 = vector.shape_cast %parallel_loop3A_443 : vector<1x1x16xf32> to vector<16xf32>
        %parallel_loop3A_445 = vector.shape_cast %parallel_loop3A_438 : vector<16xf32> to vector<1x1x16xf32>
        tpu.vector_store %arg9[%parallel_loop3A_440, %parallel_loop3A_441, %parallel_loop3A_442], %parallel_loop3A_445 {strides = array<i32>} : memref<2x32x256xf32, #tpu.memory_space<vmem>>, vector<1x1x16xf32>,
        %parallel_loop3A_446 = arith.constant 3 : i32
        %parallel_loop3A_447 = arith.muli %parallel_loop3A_446, %parallel_loop3A_217 : i32
        %parallel_loop3A_448 = arith.constant 0 : i32
        %parallel_loop3A_449 = arith.index_cast %parallel_loop3A_448 : i32 to index
        %parallel_loop3A_450 = arith.index_cast %parallel_loop3A_447 : i32 to index
        %parallel_loop3A_451 = arith.constant 80 : index
        %parallel_loop3A_452 = tpu.vector_load %arg8[%parallel_loop3A_449, %parallel_loop3A_450, %parallel_loop3A_451] {strides = array<i32>} : memref<2x96x256xf32, #tpu.memory_space<vmem>>, vector<1x1x16xf32>,
        %parallel_loop3A_453 = vector.shape_cast %parallel_loop3A_452 : vector<1x1x16xf32> to vector<16xf32>
        %parallel_loop3A_454 = arith.mulf %parallel_loop3A_453, %parallel_loop3A_225 : vector<16xf32>
        %parallel_loop3A_455 = arith.constant 3 : i32
        %parallel_loop3A_456 = arith.muli %parallel_loop3A_455, %parallel_loop3A_217 : i32
        %parallel_loop3A_457 = arith.constant 1 : i32
        %parallel_loop3A_458 = arith.addi %parallel_loop3A_456, %parallel_loop3A_457 : i32
        %parallel_loop3A_459 = arith.constant 0 : i32
        %parallel_loop3A_460 = arith.index_cast %parallel_loop3A_459 : i32 to index
        %parallel_loop3A_461 = arith.index_cast %parallel_loop3A_458 : i32 to index
        %parallel_loop3A_462 = arith.constant 80 : index
        %parallel_loop3A_463 = tpu.vector_load %arg8[%parallel_loop3A_460, %parallel_loop3A_461, %parallel_loop3A_462] {strides = array<i32>} : memref<2x96x256xf32, #tpu.memory_space<vmem>>, vector<1x1x16xf32>,
        %parallel_loop3A_464 = vector.shape_cast %parallel_loop3A_463 : vector<1x1x16xf32> to vector<16xf32>
        %parallel_loop3A_465 = arith.mulf %parallel_loop3A_464, %parallel_loop3A_235 : vector<16xf32>
        %parallel_loop3A_466 = arith.addf %parallel_loop3A_454, %parallel_loop3A_465 : vector<16xf32>
        %parallel_loop3A_467 = arith.constant 3 : i32
        %parallel_loop3A_468 = arith.muli %parallel_loop3A_467, %parallel_loop3A_217 : i32
        %parallel_loop3A_469 = arith.constant 2 : i32
        %parallel_loop3A_470 = arith.addi %parallel_loop3A_468, %parallel_loop3A_469 : i32
        %parallel_loop3A_471 = arith.constant 0 : i32
        %parallel_loop3A_472 = arith.index_cast %parallel_loop3A_471 : i32 to index
        %parallel_loop3A_473 = arith.index_cast %parallel_loop3A_470 : i32 to index
        %parallel_loop3A_474 = arith.constant 80 : index
        %parallel_loop3A_475 = tpu.vector_load %arg8[%parallel_loop3A_472, %parallel_loop3A_473, %parallel_loop3A_474] {strides = array<i32>} : memref<2x96x256xf32, #tpu.memory_space<vmem>>, vector<1x1x16xf32>,
        %parallel_loop3A_476 = vector.shape_cast %parallel_loop3A_475 : vector<1x1x16xf32> to vector<16xf32>
        %parallel_loop3A_477 = arith.mulf %parallel_loop3A_476, %parallel_loop3A_245 : vector<16xf32>
        %parallel_loop3A_478 = arith.addf %parallel_loop3A_466, %parallel_loop3A_477 : vector<16xf32>
        %parallel_loop3A_479 = arith.constant 0 : i32
        %parallel_loop3A_480 = arith.index_cast %parallel_loop3A_479 : i32 to index
        %parallel_loop3A_481 = arith.index_cast %parallel_loop3A_217 : i32 to index
        %parallel_loop3A_482 = arith.constant 80 : index
        %parallel_loop3A_483 = tpu.vector_load %arg9[%parallel_loop3A_480, %parallel_loop3A_481, %parallel_loop3A_482] {strides = array<i32>} : memref<2x32x256xf32, #tpu.memory_space<vmem>>, vector<1x1x16xf32>,
        %parallel_loop3A_484 = vector.shape_cast %parallel_loop3A_483 : vector<1x1x16xf32> to vector<16xf32>
        %parallel_loop3A_485 = vector.shape_cast %parallel_loop3A_478 : vector<16xf32> to vector<1x1x16xf32>
        tpu.vector_store %arg9[%parallel_loop3A_480, %parallel_loop3A_481, %parallel_loop3A_482], %parallel_loop3A_485 {strides = array<i32>} : memref<2x32x256xf32, #tpu.memory_space<vmem>>, vector<1x1x16xf32>,
        %parallel_loop3A_486 = arith.constant 3 : i32
        %parallel_loop3A_487 = arith.muli %parallel_loop3A_486, %parallel_loop3A_217 : i32
        %parallel_loop3A_488 = arith.constant 0 : i32
        %parallel_loop3A_489 = arith.index_cast %parallel_loop3A_488 : i32 to index
        %parallel_loop3A_490 = arith.index_cast %parallel_loop3A_487 : i32 to index
        %parallel_loop3A_491 = arith.constant 96 : index
        %parallel_loop3A_492 = tpu.vector_load %arg8[%parallel_loop3A_489, %parallel_loop3A_490, %parallel_loop3A_491] {strides = array<i32>} : memref<2x96x256xf32, #tpu.memory_space<vmem>>, vector<1x1x16xf32>,
        %parallel_loop3A_493 = vector.shape_cast %parallel_loop3A_492 : vector<1x1x16xf32> to vector<16xf32>
        %parallel_loop3A_494 = arith.mulf %parallel_loop3A_493, %parallel_loop3A_225 : vector<16xf32>
        %parallel_loop3A_495 = arith.constant 3 : i32
        %parallel_loop3A_496 = arith.muli %parallel_loop3A_495, %parallel_loop3A_217 : i32
        %parallel_loop3A_497 = arith.constant 1 : i32
        %parallel_loop3A_498 = arith.addi %parallel_loop3A_496, %parallel_loop3A_497 : i32
        %parallel_loop3A_499 = arith.constant 0 : i32
        %parallel_loop3A_500 = arith.index_cast %parallel_loop3A_499 : i32 to index
        %parallel_loop3A_501 = arith.index_cast %parallel_loop3A_498 : i32 to index
        %parallel_loop3A_502 = arith.constant 96 : index
        %parallel_loop3A_503 = tpu.vector_load %arg8[%parallel_loop3A_500, %parallel_loop3A_501, %parallel_loop3A_502] {strides = array<i32>} : memref<2x96x256xf32, #tpu.memory_space<vmem>>, vector<1x1x16xf32>,
        %parallel_loop3A_504 = vector.shape_cast %parallel_loop3A_503 : vector<1x1x16xf32> to vector<16xf32>
        %parallel_loop3A_505 = arith.mulf %parallel_loop3A_504, %parallel_loop3A_235 : vector<16xf32>
        %parallel_loop3A_506 = arith.addf %parallel_loop3A_494, %parallel_loop3A_505 : vector<16xf32>
        %parallel_loop3A_507 = arith.constant 3 : i32
        %parallel_loop3A_508 = arith.muli %parallel_loop3A_507, %parallel_loop3A_217 : i32
        %parallel_loop3A_509 = arith.constant 2 : i32
        %parallel_loop3A_510 = arith.addi %parallel_loop3A_508, %parallel_loop3A_509 : i32
        %parallel_loop3A_511 = arith.constant 0 : i32
        %parallel_loop3A_512 = arith.index_cast %parallel_loop3A_511 : i32 to index
        %parallel_loop3A_513 = arith.index_cast %parallel_loop3A_510 : i32 to index
        %parallel_loop3A_514 = arith.constant 96 : index
        %parallel_loop3A_515 = tpu.vector_load %arg8[%parallel_loop3A_512, %parallel_loop3A_513, %parallel_loop3A_514] {strides = array<i32>} : memref<2x96x256xf32, #tpu.memory_space<vmem>>, vector<1x1x16xf32>,
        %parallel_loop3A_516 = vector.shape_cast %parallel_loop3A_515 : vector<1x1x16xf32> to vector<16xf32>
        %parallel_loop3A_517 = arith.mulf %parallel_loop3A_516, %parallel_loop3A_245 : vector<16xf32>
        %parallel_loop3A_518 = arith.addf %parallel_loop3A_506, %parallel_loop3A_517 : vector<16xf32>
        %parallel_loop3A_519 = arith.constant 0 : i32
        %parallel_loop3A_520 = arith.index_cast %parallel_loop3A_519 : i32 to index
        %parallel_loop3A_521 = arith.index_cast %parallel_loop3A_217 : i32 to index
        %parallel_loop3A_522 = arith.constant 96 : index
        %parallel_loop3A_523 = tpu.vector_load %arg9[%parallel_loop3A_520, %parallel_loop3A_521, %parallel_loop3A_522] {strides = array<i32>} : memref<2x32x256xf32, #tpu.memory_space<vmem>>, vector<1x1x16xf32>,
        %parallel_loop3A_524 = vector.shape_cast %parallel_loop3A_523 : vector<1x1x16xf32> to vector<16xf32>
        %parallel_loop3A_525 = vector.shape_cast %parallel_loop3A_518 : vector<16xf32> to vector<1x1x16xf32>
        tpu.vector_store %arg9[%parallel_loop3A_520, %parallel_loop3A_521, %parallel_loop3A_522], %parallel_loop3A_525 {strides = array<i32>} : memref<2x32x256xf32, #tpu.memory_space<vmem>>, vector<1x1x16xf32>,
        %parallel_loop3A_526 = arith.constant 3 : i32
        %parallel_loop3A_527 = arith.muli %parallel_loop3A_526, %parallel_loop3A_217 : i32
        %parallel_loop3A_528 = arith.constant 0 : i32
        %parallel_loop3A_529 = arith.index_cast %parallel_loop3A_528 : i32 to index
        %parallel_loop3A_530 = arith.index_cast %parallel_loop3A_527 : i32 to index
        %parallel_loop3A_531 = arith.constant 112 : index
        %parallel_loop3A_532 = tpu.vector_load %arg8[%parallel_loop3A_529, %parallel_loop3A_530, %parallel_loop3A_531] {strides = array<i32>} : memref<2x96x256xf32, #tpu.memory_space<vmem>>, vector<1x1x16xf32>,
        %parallel_loop3A_533 = vector.shape_cast %parallel_loop3A_532 : vector<1x1x16xf32> to vector<16xf32>
        %parallel_loop3A_534 = arith.mulf %parallel_loop3A_533, %parallel_loop3A_225 : vector<16xf32>
        %parallel_loop3A_535 = arith.constant 3 : i32
        %parallel_loop3A_536 = arith.muli %parallel_loop3A_535, %parallel_loop3A_217 : i32
        %parallel_loop3A_537 = arith.constant 1 : i32
        %parallel_loop3A_538 = arith.addi %parallel_loop3A_536, %parallel_loop3A_537 : i32
        %parallel_loop3A_539 = arith.constant 0 : i32
        %parallel_loop3A_540 = arith.index_cast %parallel_loop3A_539 : i32 to index
        %parallel_loop3A_541 = arith.index_cast %parallel_loop3A_538 : i32 to index
        %parallel_loop3A_542 = arith.constant 112 : index
        %parallel_loop3A_543 = tpu.vector_load %arg8[%parallel_loop3A_540, %parallel_loop3A_541, %parallel_loop3A_542] {strides = array<i32>} : memref<2x96x256xf32, #tpu.memory_space<vmem>>, vector<1x1x16xf32>,
        %parallel_loop3A_544 = vector.shape_cast %parallel_loop3A_543 : vector<1x1x16xf32> to vector<16xf32>
        %parallel_loop3A_545 = arith.mulf %parallel_loop3A_544, %parallel_loop3A_235 : vector<16xf32>
        %parallel_loop3A_546 = arith.addf %parallel_loop3A_534, %parallel_loop3A_545 : vector<16xf32>
        %parallel_loop3A_547 = arith.constant 3 : i32
        %parallel_loop3A_548 = arith.muli %parallel_loop3A_547, %parallel_loop3A_217 : i32
        %parallel_loop3A_549 = arith.constant 2 : i32
        %parallel_loop3A_550 = arith.addi %parallel_loop3A_548, %parallel_loop3A_549 : i32
        %parallel_loop3A_551 = arith.constant 0 : i32
        %parallel_loop3A_552 = arith.index_cast %parallel_loop3A_551 : i32 to index
        %parallel_loop3A_553 = arith.index_cast %parallel_loop3A_550 : i32 to index
        %parallel_loop3A_554 = arith.constant 112 : index
        %parallel_loop3A_555 = tpu.vector_load %arg8[%parallel_loop3A_552, %parallel_loop3A_553, %parallel_loop3A_554] {strides = array<i32>} : memref<2x96x256xf32, #tpu.memory_space<vmem>>, vector<1x1x16xf32>,
        %parallel_loop3A_556 = vector.shape_cast %parallel_loop3A_555 : vector<1x1x16xf32> to vector<16xf32>
        %parallel_loop3A_557 = arith.mulf %parallel_loop3A_556, %parallel_loop3A_245 : vector<16xf32>
        %parallel_loop3A_558 = arith.addf %parallel_loop3A_546, %parallel_loop3A_557 : vector<16xf32>
        %parallel_loop3A_559 = arith.constant 0 : i32
        %parallel_loop3A_560 = arith.index_cast %parallel_loop3A_559 : i32 to index
        %parallel_loop3A_561 = arith.index_cast %parallel_loop3A_217 : i32 to index
        %parallel_loop3A_562 = arith.constant 112 : index
        %parallel_loop3A_563 = tpu.vector_load %arg9[%parallel_loop3A_560, %parallel_loop3A_561, %parallel_loop3A_562] {strides = array<i32>} : memref<2x32x256xf32, #tpu.memory_space<vmem>>, vector<1x1x16xf32>,
        %parallel_loop3A_564 = vector.shape_cast %parallel_loop3A_563 : vector<1x1x16xf32> to vector<16xf32>
        %parallel_loop3A_565 = vector.shape_cast %parallel_loop3A_558 : vector<16xf32> to vector<1x1x16xf32>
        tpu.vector_store %arg9[%parallel_loop3A_560, %parallel_loop3A_561, %parallel_loop3A_562], %parallel_loop3A_565 {strides = array<i32>} : memref<2x32x256xf32, #tpu.memory_space<vmem>>, vector<1x1x16xf32>,
        %parallel_loop3A_566 = arith.constant 3 : i32
        %parallel_loop3A_567 = arith.muli %parallel_loop3A_566, %parallel_loop3A_217 : i32
        %parallel_loop3A_568 = arith.constant 0 : i32
        %parallel_loop3A_569 = arith.index_cast %parallel_loop3A_568 : i32 to index
        %parallel_loop3A_570 = arith.index_cast %parallel_loop3A_567 : i32 to index
        %parallel_loop3A_571 = arith.constant 128 : index
        %parallel_loop3A_572 = tpu.vector_load %arg8[%parallel_loop3A_569, %parallel_loop3A_570, %parallel_loop3A_571] {strides = array<i32>} : memref<2x96x256xf32, #tpu.memory_space<vmem>>, vector<1x1x16xf32>,
        %parallel_loop3A_573 = vector.shape_cast %parallel_loop3A_572 : vector<1x1x16xf32> to vector<16xf32>
        %parallel_loop3A_574 = arith.mulf %parallel_loop3A_573, %parallel_loop3A_225 : vector<16xf32>
        %parallel_loop3A_575 = arith.constant 3 : i32
        %parallel_loop3A_576 = arith.muli %parallel_loop3A_575, %parallel_loop3A_217 : i32
        %parallel_loop3A_577 = arith.constant 1 : i32
        %parallel_loop3A_578 = arith.addi %parallel_loop3A_576, %parallel_loop3A_577 : i32
        %parallel_loop3A_579 = arith.constant 0 : i32
        %parallel_loop3A_580 = arith.index_cast %parallel_loop3A_579 : i32 to index
        %parallel_loop3A_581 = arith.index_cast %parallel_loop3A_578 : i32 to index
        %parallel_loop3A_582 = arith.constant 128 : index
        %parallel_loop3A_583 = tpu.vector_load %arg8[%parallel_loop3A_580, %parallel_loop3A_581, %parallel_loop3A_582] {strides = array<i32>} : memref<2x96x256xf32, #tpu.memory_space<vmem>>, vector<1x1x16xf32>,
        %parallel_loop3A_584 = vector.shape_cast %parallel_loop3A_583 : vector<1x1x16xf32> to vector<16xf32>
        %parallel_loop3A_585 = arith.mulf %parallel_loop3A_584, %parallel_loop3A_235 : vector<16xf32>
        %parallel_loop3A_586 = arith.addf %parallel_loop3A_574, %parallel_loop3A_585 : vector<16xf32>
        %parallel_loop3A_587 = arith.constant 3 : i32
        %parallel_loop3A_588 = arith.muli %parallel_loop3A_587, %parallel_loop3A_217 : i32
        %parallel_loop3A_589 = arith.constant 2 : i32
        %parallel_loop3A_590 = arith.addi %parallel_loop3A_588, %parallel_loop3A_589 : i32
        %parallel_loop3A_591 = arith.constant 0 : i32
        %parallel_loop3A_592 = arith.index_cast %parallel_loop3A_591 : i32 to index
        %parallel_loop3A_593 = arith.index_cast %parallel_loop3A_590 : i32 to index
        %parallel_loop3A_594 = arith.constant 128 : index
        %parallel_loop3A_595 = tpu.vector_load %arg8[%parallel_loop3A_592, %parallel_loop3A_593, %parallel_loop3A_594] {strides = array<i32>} : memref<2x96x256xf32, #tpu.memory_space<vmem>>, vector<1x1x16xf32>,
        %parallel_loop3A_596 = vector.shape_cast %parallel_loop3A_595 : vector<1x1x16xf32> to vector<16xf32>
        %parallel_loop3A_597 = arith.mulf %parallel_loop3A_596, %parallel_loop3A_245 : vector<16xf32>
        %parallel_loop3A_598 = arith.addf %parallel_loop3A_586, %parallel_loop3A_597 : vector<16xf32>
        %parallel_loop3A_599 = arith.constant 0 : i32
        %parallel_loop3A_600 = arith.index_cast %parallel_loop3A_599 : i32 to index
        %parallel_loop3A_601 = arith.index_cast %parallel_loop3A_217 : i32 to index
        %parallel_loop3A_602 = arith.constant 128 : index
        %parallel_loop3A_603 = tpu.vector_load %arg9[%parallel_loop3A_600, %parallel_loop3A_601, %parallel_loop3A_602] {strides = array<i32>} : memref<2x32x256xf32, #tpu.memory_space<vmem>>, vector<1x1x16xf32>,
        %parallel_loop3A_604 = vector.shape_cast %parallel_loop3A_603 : vector<1x1x16xf32> to vector<16xf32>
        %parallel_loop3A_605 = vector.shape_cast %parallel_loop3A_598 : vector<16xf32> to vector<1x1x16xf32>
        tpu.vector_store %arg9[%parallel_loop3A_600, %parallel_loop3A_601, %parallel_loop3A_602], %parallel_loop3A_605 {strides = array<i32>} : memref<2x32x256xf32, #tpu.memory_space<vmem>>, vector<1x1x16xf32>,
        %parallel_loop3A_606 = arith.constant 3 : i32
        %parallel_loop3A_607 = arith.muli %parallel_loop3A_606, %parallel_loop3A_217 : i32
        %parallel_loop3A_608 = arith.constant 0 : i32
        %parallel_loop3A_609 = arith.index_cast %parallel_loop3A_608 : i32 to index
        %parallel_loop3A_610 = arith.index_cast %parallel_loop3A_607 : i32 to index
        %parallel_loop3A_611 = arith.constant 144 : index
        %parallel_loop3A_612 = tpu.vector_load %arg8[%parallel_loop3A_609, %parallel_loop3A_610, %parallel_loop3A_611] {strides = array<i32>} : memref<2x96x256xf32, #tpu.memory_space<vmem>>, vector<1x1x16xf32>,
        %parallel_loop3A_613 = vector.shape_cast %parallel_loop3A_612 : vector<1x1x16xf32> to vector<16xf32>
        %parallel_loop3A_614 = arith.mulf %parallel_loop3A_613, %parallel_loop3A_225 : vector<16xf32>
        %parallel_loop3A_615 = arith.constant 3 : i32
        %parallel_loop3A_616 = arith.muli %parallel_loop3A_615, %parallel_loop3A_217 : i32
        %parallel_loop3A_617 = arith.constant 1 : i32
        %parallel_loop3A_618 = arith.addi %parallel_loop3A_616, %parallel_loop3A_617 : i32
        %parallel_loop3A_619 = arith.constant 0 : i32
        %parallel_loop3A_620 = arith.index_cast %parallel_loop3A_619 : i32 to index
        %parallel_loop3A_621 = arith.index_cast %parallel_loop3A_618 : i32 to index
        %parallel_loop3A_622 = arith.constant 144 : index
        %parallel_loop3A_623 = tpu.vector_load %arg8[%parallel_loop3A_620, %parallel_loop3A_621, %parallel_loop3A_622] {strides = array<i32>} : memref<2x96x256xf32, #tpu.memory_space<vmem>>, vector<1x1x16xf32>,
        %parallel_loop3A_624 = vector.shape_cast %parallel_loop3A_623 : vector<1x1x16xf32> to vector<16xf32>
        %parallel_loop3A_625 = arith.mulf %parallel_loop3A_624, %parallel_loop3A_235 : vector<16xf32>
        %parallel_loop3A_626 = arith.addf %parallel_loop3A_614, %parallel_loop3A_625 : vector<16xf32>
        %parallel_loop3A_627 = arith.constant 3 : i32
        %parallel_loop3A_628 = arith.muli %parallel_loop3A_627, %parallel_loop3A_217 : i32
        %parallel_loop3A_629 = arith.constant 2 : i32
        %parallel_loop3A_630 = arith.addi %parallel_loop3A_628, %parallel_loop3A_629 : i32
        %parallel_loop3A_631 = arith.constant 0 : i32
        %parallel_loop3A_632 = arith.index_cast %parallel_loop3A_631 : i32 to index
        %parallel_loop3A_633 = arith.index_cast %parallel_loop3A_630 : i32 to index
        %parallel_loop3A_634 = arith.constant 144 : index
        %parallel_loop3A_635 = tpu.vector_load %arg8[%parallel_loop3A_632, %parallel_loop3A_633, %parallel_loop3A_634] {strides = array<i32>} : memref<2x96x256xf32, #tpu.memory_space<vmem>>, vector<1x1x16xf32>,
        %parallel_loop3A_636 = vector.shape_cast %parallel_loop3A_635 : vector<1x1x16xf32> to vector<16xf32>
        %parallel_loop3A_637 = arith.mulf %parallel_loop3A_636, %parallel_loop3A_245 : vector<16xf32>
        %parallel_loop3A_638 = arith.addf %parallel_loop3A_626, %parallel_loop3A_637 : vector<16xf32>
        %parallel_loop3A_639 = arith.constant 0 : i32
        %parallel_loop3A_640 = arith.index_cast %parallel_loop3A_639 : i32 to index
        %parallel_loop3A_641 = arith.index_cast %parallel_loop3A_217 : i32 to index
        %parallel_loop3A_642 = arith.constant 144 : index
        %parallel_loop3A_643 = tpu.vector_load %arg9[%parallel_loop3A_640, %parallel_loop3A_641, %parallel_loop3A_642] {strides = array<i32>} : memref<2x32x256xf32, #tpu.memory_space<vmem>>, vector<1x1x16xf32>,
        %parallel_loop3A_644 = vector.shape_cast %parallel_loop3A_643 : vector<1x1x16xf32> to vector<16xf32>
        %parallel_loop3A_645 = vector.shape_cast %parallel_loop3A_638 : vector<16xf32> to vector<1x1x16xf32>
        tpu.vector_store %arg9[%parallel_loop3A_640, %parallel_loop3A_641, %parallel_loop3A_642], %parallel_loop3A_645 {strides = array<i32>} : memref<2x32x256xf32, #tpu.memory_space<vmem>>, vector<1x1x16xf32>,
        %parallel_loop3A_646 = arith.constant 3 : i32
        %parallel_loop3A_647 = arith.muli %parallel_loop3A_646, %parallel_loop3A_217 : i32
        %parallel_loop3A_648 = arith.constant 0 : i32
        %parallel_loop3A_649 = arith.index_cast %parallel_loop3A_648 : i32 to index
        %parallel_loop3A_650 = arith.index_cast %parallel_loop3A_647 : i32 to index
        %parallel_loop3A_651 = arith.constant 160 : index
        %parallel_loop3A_652 = tpu.vector_load %arg8[%parallel_loop3A_649, %parallel_loop3A_650, %parallel_loop3A_651] {strides = array<i32>} : memref<2x96x256xf32, #tpu.memory_space<vmem>>, vector<1x1x16xf32>,
        %parallel_loop3A_653 = vector.shape_cast %parallel_loop3A_652 : vector<1x1x16xf32> to vector<16xf32>
        %parallel_loop3A_654 = arith.mulf %parallel_loop3A_653, %parallel_loop3A_225 : vector<16xf32>
        %parallel_loop3A_655 = arith.constant 3 : i32
        %parallel_loop3A_656 = arith.muli %parallel_loop3A_655, %parallel_loop3A_217 : i32
        %parallel_loop3A_657 = arith.constant 1 : i32
        %parallel_loop3A_658 = arith.addi %parallel_loop3A_656, %parallel_loop3A_657 : i32
        %parallel_loop3A_659 = arith.constant 0 : i32
        %parallel_loop3A_660 = arith.index_cast %parallel_loop3A_659 : i32 to index
        %parallel_loop3A_661 = arith.index_cast %parallel_loop3A_658 : i32 to index
        %parallel_loop3A_662 = arith.constant 160 : index
        %parallel_loop3A_663 = tpu.vector_load %arg8[%parallel_loop3A_660, %parallel_loop3A_661, %parallel_loop3A_662] {strides = array<i32>} : memref<2x96x256xf32, #tpu.memory_space<vmem>>, vector<1x1x16xf32>,
        %parallel_loop3A_664 = vector.shape_cast %parallel_loop3A_663 : vector<1x1x16xf32> to vector<16xf32>
        %parallel_loop3A_665 = arith.mulf %parallel_loop3A_664, %parallel_loop3A_235 : vector<16xf32>
        %parallel_loop3A_666 = arith.addf %parallel_loop3A_654, %parallel_loop3A_665 : vector<16xf32>
        %parallel_loop3A_667 = arith.constant 3 : i32
        %parallel_loop3A_668 = arith.muli %parallel_loop3A_667, %parallel_loop3A_217 : i32
        %parallel_loop3A_669 = arith.constant 2 : i32
        %parallel_loop3A_670 = arith.addi %parallel_loop3A_668, %parallel_loop3A_669 : i32
        %parallel_loop3A_671 = arith.constant 0 : i32
        %parallel_loop3A_672 = arith.index_cast %parallel_loop3A_671 : i32 to index
        %parallel_loop3A_673 = arith.index_cast %parallel_loop3A_670 : i32 to index
        %parallel_loop3A_674 = arith.constant 160 : index
        %parallel_loop3A_675 = tpu.vector_load %arg8[%parallel_loop3A_672, %parallel_loop3A_673, %parallel_loop3A_674] {strides = array<i32>} : memref<2x96x256xf32, #tpu.memory_space<vmem>>, vector<1x1x16xf32>,
        %parallel_loop3A_676 = vector.shape_cast %parallel_loop3A_675 : vector<1x1x16xf32> to vector<16xf32>
        %parallel_loop3A_677 = arith.mulf %parallel_loop3A_676, %parallel_loop3A_245 : vector<16xf32>
        %parallel_loop3A_678 = arith.addf %parallel_loop3A_666, %parallel_loop3A_677 : vector<16xf32>
        %parallel_loop3A_679 = arith.constant 0 : i32
        %parallel_loop3A_680 = arith.index_cast %parallel_loop3A_679 : i32 to index
        %parallel_loop3A_681 = arith.index_cast %parallel_loop3A_217 : i32 to index
        %parallel_loop3A_682 = arith.constant 160 : index
        %parallel_loop3A_683 = tpu.vector_load %arg9[%parallel_loop3A_680, %parallel_loop3A_681, %parallel_loop3A_682] {strides = array<i32>} : memref<2x32x256xf32, #tpu.memory_space<vmem>>, vector<1x1x16xf32>,
        %parallel_loop3A_684 = vector.shape_cast %parallel_loop3A_683 : vector<1x1x16xf32> to vector<16xf32>
        %parallel_loop3A_685 = vector.shape_cast %parallel_loop3A_678 : vector<16xf32> to vector<1x1x16xf32>
        tpu.vector_store %arg9[%parallel_loop3A_680, %parallel_loop3A_681, %parallel_loop3A_682], %parallel_loop3A_685 {strides = array<i32>} : memref<2x32x256xf32, #tpu.memory_space<vmem>>, vector<1x1x16xf32>,
        %parallel_loop3A_686 = arith.constant 3 : i32
        %parallel_loop3A_687 = arith.muli %parallel_loop3A_686, %parallel_loop3A_217 : i32
        %parallel_loop3A_688 = arith.constant 0 : i32
        %parallel_loop3A_689 = arith.index_cast %parallel_loop3A_688 : i32 to index
        %parallel_loop3A_690 = arith.index_cast %parallel_loop3A_687 : i32 to index
        %parallel_loop3A_691 = arith.constant 176 : index
        %parallel_loop3A_692 = tpu.vector_load %arg8[%parallel_loop3A_689, %parallel_loop3A_690, %parallel_loop3A_691] {strides = array<i32>} : memref<2x96x256xf32, #tpu.memory_space<vmem>>, vector<1x1x16xf32>,
        %parallel_loop3A_693 = vector.shape_cast %parallel_loop3A_692 : vector<1x1x16xf32> to vector<16xf32>
        %parallel_loop3A_694 = arith.mulf %parallel_loop3A_693, %parallel_loop3A_225 : vector<16xf32>
        %parallel_loop3A_695 = arith.constant 3 : i32
        %parallel_loop3A_696 = arith.muli %parallel_loop3A_695, %parallel_loop3A_217 : i32
        %parallel_loop3A_697 = arith.constant 1 : i32
        %parallel_loop3A_698 = arith.addi %parallel_loop3A_696, %parallel_loop3A_697 : i32
        %parallel_loop3A_699 = arith.constant 0 : i32
        %parallel_loop3A_700 = arith.index_cast %parallel_loop3A_699 : i32 to index
        %parallel_loop3A_701 = arith.index_cast %parallel_loop3A_698 : i32 to index
        %parallel_loop3A_702 = arith.constant 176 : index
        %parallel_loop3A_703 = tpu.vector_load %arg8[%parallel_loop3A_700, %parallel_loop3A_701, %parallel_loop3A_702] {strides = array<i32>} : memref<2x96x256xf32, #tpu.memory_space<vmem>>, vector<1x1x16xf32>,
        %parallel_loop3A_704 = vector.shape_cast %parallel_loop3A_703 : vector<1x1x16xf32> to vector<16xf32>
        %parallel_loop3A_705 = arith.mulf %parallel_loop3A_704, %parallel_loop3A_235 : vector<16xf32>
        %parallel_loop3A_706 = arith.addf %parallel_loop3A_694, %parallel_loop3A_705 : vector<16xf32>
        %parallel_loop3A_707 = arith.constant 3 : i32
        %parallel_loop3A_708 = arith.muli %parallel_loop3A_707, %parallel_loop3A_217 : i32
        %parallel_loop3A_709 = arith.constant 2 : i32
        %parallel_loop3A_710 = arith.addi %parallel_loop3A_708, %parallel_loop3A_709 : i32
        %parallel_loop3A_711 = arith.constant 0 : i32
        %parallel_loop3A_712 = arith.index_cast %parallel_loop3A_711 : i32 to index
        %parallel_loop3A_713 = arith.index_cast %parallel_loop3A_710 : i32 to index
        %parallel_loop3A_714 = arith.constant 176 : index
        %parallel_loop3A_715 = tpu.vector_load %arg8[%parallel_loop3A_712, %parallel_loop3A_713, %parallel_loop3A_714] {strides = array<i32>} : memref<2x96x256xf32, #tpu.memory_space<vmem>>, vector<1x1x16xf32>,
        %parallel_loop3A_716 = vector.shape_cast %parallel_loop3A_715 : vector<1x1x16xf32> to vector<16xf32>
        %parallel_loop3A_717 = arith.mulf %parallel_loop3A_716, %parallel_loop3A_245 : vector<16xf32>
        %parallel_loop3A_718 = arith.addf %parallel_loop3A_706, %parallel_loop3A_717 : vector<16xf32>
        %parallel_loop3A_719 = arith.constant 0 : i32
        %parallel_loop3A_720 = arith.index_cast %parallel_loop3A_719 : i32 to index
        %parallel_loop3A_721 = arith.index_cast %parallel_loop3A_217 : i32 to index
        %parallel_loop3A_722 = arith.constant 176 : index
        %parallel_loop3A_723 = tpu.vector_load %arg9[%parallel_loop3A_720, %parallel_loop3A_721, %parallel_loop3A_722] {strides = array<i32>} : memref<2x32x256xf32, #tpu.memory_space<vmem>>, vector<1x1x16xf32>,
        %parallel_loop3A_724 = vector.shape_cast %parallel_loop3A_723 : vector<1x1x16xf32> to vector<16xf32>
        %parallel_loop3A_725 = vector.shape_cast %parallel_loop3A_718 : vector<16xf32> to vector<1x1x16xf32>
        tpu.vector_store %arg9[%parallel_loop3A_720, %parallel_loop3A_721, %parallel_loop3A_722], %parallel_loop3A_725 {strides = array<i32>} : memref<2x32x256xf32, #tpu.memory_space<vmem>>, vector<1x1x16xf32>,
        %parallel_loop3A_726 = arith.constant 3 : i32
        %parallel_loop3A_727 = arith.muli %parallel_loop3A_726, %parallel_loop3A_217 : i32
        %parallel_loop3A_728 = arith.constant 0 : i32
        %parallel_loop3A_729 = arith.index_cast %parallel_loop3A_728 : i32 to index
        %parallel_loop3A_730 = arith.index_cast %parallel_loop3A_727 : i32 to index
        %parallel_loop3A_731 = arith.constant 192 : index
        %parallel_loop3A_732 = tpu.vector_load %arg8[%parallel_loop3A_729, %parallel_loop3A_730, %parallel_loop3A_731] {strides = array<i32>} : memref<2x96x256xf32, #tpu.memory_space<vmem>>, vector<1x1x16xf32>,
        %parallel_loop3A_733 = vector.shape_cast %parallel_loop3A_732 : vector<1x1x16xf32> to vector<16xf32>
        %parallel_loop3A_734 = arith.mulf %parallel_loop3A_733, %parallel_loop3A_225 : vector<16xf32>
        %parallel_loop3A_735 = arith.constant 3 : i32
        %parallel_loop3A_736 = arith.muli %parallel_loop3A_735, %parallel_loop3A_217 : i32
        %parallel_loop3A_737 = arith.constant 1 : i32
        %parallel_loop3A_738 = arith.addi %parallel_loop3A_736, %parallel_loop3A_737 : i32
        %parallel_loop3A_739 = arith.constant 0 : i32
        %parallel_loop3A_740 = arith.index_cast %parallel_loop3A_739 : i32 to index
        %parallel_loop3A_741 = arith.index_cast %parallel_loop3A_738 : i32 to index
        %parallel_loop3A_742 = arith.constant 192 : index
        %parallel_loop3A_743 = tpu.vector_load %arg8[%parallel_loop3A_740, %parallel_loop3A_741, %parallel_loop3A_742] {strides = array<i32>} : memref<2x96x256xf32, #tpu.memory_space<vmem>>, vector<1x1x16xf32>,
        %parallel_loop3A_744 = vector.shape_cast %parallel_loop3A_743 : vector<1x1x16xf32> to vector<16xf32>
        %parallel_loop3A_745 = arith.mulf %parallel_loop3A_744, %parallel_loop3A_235 : vector<16xf32>
        %parallel_loop3A_746 = arith.addf %parallel_loop3A_734, %parallel_loop3A_745 : vector<16xf32>
        %parallel_loop3A_747 = arith.constant 3 : i32
        %parallel_loop3A_748 = arith.muli %parallel_loop3A_747, %parallel_loop3A_217 : i32
        %parallel_loop3A_749 = arith.constant 2 : i32
        %parallel_loop3A_750 = arith.addi %parallel_loop3A_748, %parallel_loop3A_749 : i32
        %parallel_loop3A_751 = arith.constant 0 : i32
        %parallel_loop3A_752 = arith.index_cast %parallel_loop3A_751 : i32 to index
        %parallel_loop3A_753 = arith.index_cast %parallel_loop3A_750 : i32 to index
        %parallel_loop3A_754 = arith.constant 192 : index
        %parallel_loop3A_755 = tpu.vector_load %arg8[%parallel_loop3A_752, %parallel_loop3A_753, %parallel_loop3A_754] {strides = array<i32>} : memref<2x96x256xf32, #tpu.memory_space<vmem>>, vector<1x1x16xf32>,
        %parallel_loop3A_756 = vector.shape_cast %parallel_loop3A_755 : vector<1x1x16xf32> to vector<16xf32>
        %parallel_loop3A_757 = arith.mulf %parallel_loop3A_756, %parallel_loop3A_245 : vector<16xf32>
        %parallel_loop3A_758 = arith.addf %parallel_loop3A_746, %parallel_loop3A_757 : vector<16xf32>
        %parallel_loop3A_759 = arith.constant 0 : i32
        %parallel_loop3A_760 = arith.index_cast %parallel_loop3A_759 : i32 to index
        %parallel_loop3A_761 = arith.index_cast %parallel_loop3A_217 : i32 to index
        %parallel_loop3A_762 = arith.constant 192 : index
        %parallel_loop3A_763 = tpu.vector_load %arg9[%parallel_loop3A_760, %parallel_loop3A_761, %parallel_loop3A_762] {strides = array<i32>} : memref<2x32x256xf32, #tpu.memory_space<vmem>>, vector<1x1x16xf32>,
        %parallel_loop3A_764 = vector.shape_cast %parallel_loop3A_763 : vector<1x1x16xf32> to vector<16xf32>
        %parallel_loop3A_765 = vector.shape_cast %parallel_loop3A_758 : vector<16xf32> to vector<1x1x16xf32>
        tpu.vector_store %arg9[%parallel_loop3A_760, %parallel_loop3A_761, %parallel_loop3A_762], %parallel_loop3A_765 {strides = array<i32>} : memref<2x32x256xf32, #tpu.memory_space<vmem>>, vector<1x1x16xf32>,
        %parallel_loop3A_766 = arith.constant 3 : i32
        %parallel_loop3A_767 = arith.muli %parallel_loop3A_766, %parallel_loop3A_217 : i32
        %parallel_loop3A_768 = arith.constant 0 : i32
        %parallel_loop3A_769 = arith.index_cast %parallel_loop3A_768 : i32 to index
        %parallel_loop3A_770 = arith.index_cast %parallel_loop3A_767 : i32 to index
        %parallel_loop3A_771 = arith.constant 208 : index
        %parallel_loop3A_772 = tpu.vector_load %arg8[%parallel_loop3A_769, %parallel_loop3A_770, %parallel_loop3A_771] {strides = array<i32>} : memref<2x96x256xf32, #tpu.memory_space<vmem>>, vector<1x1x16xf32>,
        %parallel_loop3A_773 = vector.shape_cast %parallel_loop3A_772 : vector<1x1x16xf32> to vector<16xf32>
        %parallel_loop3A_774 = arith.mulf %parallel_loop3A_773, %parallel_loop3A_225 : vector<16xf32>
        %parallel_loop3A_775 = arith.constant 3 : i32
        %parallel_loop3A_776 = arith.muli %parallel_loop3A_775, %parallel_loop3A_217 : i32
        %parallel_loop3A_777 = arith.constant 1 : i32
        %parallel_loop3A_778 = arith.addi %parallel_loop3A_776, %parallel_loop3A_777 : i32
        %parallel_loop3A_779 = arith.constant 0 : i32
        %parallel_loop3A_780 = arith.index_cast %parallel_loop3A_779 : i32 to index
        %parallel_loop3A_781 = arith.index_cast %parallel_loop3A_778 : i32 to index
        %parallel_loop3A_782 = arith.constant 208 : index
        %parallel_loop3A_783 = tpu.vector_load %arg8[%parallel_loop3A_780, %parallel_loop3A_781, %parallel_loop3A_782] {strides = array<i32>} : memref<2x96x256xf32, #tpu.memory_space<vmem>>, vector<1x1x16xf32>,
        %parallel_loop3A_784 = vector.shape_cast %parallel_loop3A_783 : vector<1x1x16xf32> to vector<16xf32>
        %parallel_loop3A_785 = arith.mulf %parallel_loop3A_784, %parallel_loop3A_235 : vector<16xf32>
        %parallel_loop3A_786 = arith.addf %parallel_loop3A_774, %parallel_loop3A_785 : vector<16xf32>
        %parallel_loop3A_787 = arith.constant 3 : i32
        %parallel_loop3A_788 = arith.muli %parallel_loop3A_787, %parallel_loop3A_217 : i32
        %parallel_loop3A_789 = arith.constant 2 : i32
        %parallel_loop3A_790 = arith.addi %parallel_loop3A_788, %parallel_loop3A_789 : i32
        %parallel_loop3A_791 = arith.constant 0 : i32
        %parallel_loop3A_792 = arith.index_cast %parallel_loop3A_791 : i32 to index
        %parallel_loop3A_793 = arith.index_cast %parallel_loop3A_790 : i32 to index
        %parallel_loop3A_794 = arith.constant 208 : index
        %parallel_loop3A_795 = tpu.vector_load %arg8[%parallel_loop3A_792, %parallel_loop3A_793, %parallel_loop3A_794] {strides = array<i32>} : memref<2x96x256xf32, #tpu.memory_space<vmem>>, vector<1x1x16xf32>,
        %parallel_loop3A_796 = vector.shape_cast %parallel_loop3A_795 : vector<1x1x16xf32> to vector<16xf32>
        %parallel_loop3A_797 = arith.mulf %parallel_loop3A_796, %parallel_loop3A_245 : vector<16xf32>
        %parallel_loop3A_798 = arith.addf %parallel_loop3A_786, %parallel_loop3A_797 : vector<16xf32>
        %parallel_loop3A_799 = arith.constant 0 : i32
        %parallel_loop3A_800 = arith.index_cast %parallel_loop3A_799 : i32 to index
        %parallel_loop3A_801 = arith.index_cast %parallel_loop3A_217 : i32 to index
        %parallel_loop3A_802 = arith.constant 208 : index
        %parallel_loop3A_803 = tpu.vector_load %arg9[%parallel_loop3A_800, %parallel_loop3A_801, %parallel_loop3A_802] {strides = array<i32>} : memref<2x32x256xf32, #tpu.memory_space<vmem>>, vector<1x1x16xf32>,
        %parallel_loop3A_804 = vector.shape_cast %parallel_loop3A_803 : vector<1x1x16xf32> to vector<16xf32>
        %parallel_loop3A_805 = vector.shape_cast %parallel_loop3A_798 : vector<16xf32> to vector<1x1x16xf32>
        tpu.vector_store %arg9[%parallel_loop3A_800, %parallel_loop3A_801, %parallel_loop3A_802], %parallel_loop3A_805 {strides = array<i32>} : memref<2x32x256xf32, #tpu.memory_space<vmem>>, vector<1x1x16xf32>,
        %parallel_loop3A_806 = arith.constant 3 : i32
        %parallel_loop3A_807 = arith.muli %parallel_loop3A_806, %parallel_loop3A_217 : i32
        %parallel_loop3A_808 = arith.constant 0 : i32
        %parallel_loop3A_809 = arith.index_cast %parallel_loop3A_808 : i32 to index
        %parallel_loop3A_810 = arith.index_cast %parallel_loop3A_807 : i32 to index
        %parallel_loop3A_811 = arith.constant 224 : index
        %parallel_loop3A_812 = tpu.vector_load %arg8[%parallel_loop3A_809, %parallel_loop3A_810, %parallel_loop3A_811] {strides = array<i32>} : memref<2x96x256xf32, #tpu.memory_space<vmem>>, vector<1x1x16xf32>,
        %parallel_loop3A_813 = vector.shape_cast %parallel_loop3A_812 : vector<1x1x16xf32> to vector<16xf32>
        %parallel_loop3A_814 = arith.mulf %parallel_loop3A_813, %parallel_loop3A_225 : vector<16xf32>
        %parallel_loop3A_815 = arith.constant 3 : i32
        %parallel_loop3A_816 = arith.muli %parallel_loop3A_815, %parallel_loop3A_217 : i32
        %parallel_loop3A_817 = arith.constant 1 : i32
        %parallel_loop3A_818 = arith.addi %parallel_loop3A_816, %parallel_loop3A_817 : i32
        %parallel_loop3A_819 = arith.constant 0 : i32
        %parallel_loop3A_820 = arith.index_cast %parallel_loop3A_819 : i32 to index
        %parallel_loop3A_821 = arith.index_cast %parallel_loop3A_818 : i32 to index
        %parallel_loop3A_822 = arith.constant 224 : index
        %parallel_loop3A_823 = tpu.vector_load %arg8[%parallel_loop3A_820, %parallel_loop3A_821, %parallel_loop3A_822] {strides = array<i32>} : memref<2x96x256xf32, #tpu.memory_space<vmem>>, vector<1x1x16xf32>,
        %parallel_loop3A_824 = vector.shape_cast %parallel_loop3A_823 : vector<1x1x16xf32> to vector<16xf32>
        %parallel_loop3A_825 = arith.mulf %parallel_loop3A_824, %parallel_loop3A_235 : vector<16xf32>
        %parallel_loop3A_826 = arith.addf %parallel_loop3A_814, %parallel_loop3A_825 : vector<16xf32>
        %parallel_loop3A_827 = arith.constant 3 : i32
        %parallel_loop3A_828 = arith.muli %parallel_loop3A_827, %parallel_loop3A_217 : i32
        %parallel_loop3A_829 = arith.constant 2 : i32
        %parallel_loop3A_830 = arith.addi %parallel_loop3A_828, %parallel_loop3A_829 : i32
        %parallel_loop3A_831 = arith.constant 0 : i32
        %parallel_loop3A_832 = arith.index_cast %parallel_loop3A_831 : i32 to index
        %parallel_loop3A_833 = arith.index_cast %parallel_loop3A_830 : i32 to index
        %parallel_loop3A_834 = arith.constant 224 : index
        %parallel_loop3A_835 = tpu.vector_load %arg8[%parallel_loop3A_832, %parallel_loop3A_833, %parallel_loop3A_834] {strides = array<i32>} : memref<2x96x256xf32, #tpu.memory_space<vmem>>, vector<1x1x16xf32>,
        %parallel_loop3A_836 = vector.shape_cast %parallel_loop3A_835 : vector<1x1x16xf32> to vector<16xf32>
        %parallel_loop3A_837 = arith.mulf %parallel_loop3A_836, %parallel_loop3A_245 : vector<16xf32>
        %parallel_loop3A_838 = arith.addf %parallel_loop3A_826, %parallel_loop3A_837 : vector<16xf32>
        %parallel_loop3A_839 = arith.constant 0 : i32
        %parallel_loop3A_840 = arith.index_cast %parallel_loop3A_839 : i32 to index
        %parallel_loop3A_841 = arith.index_cast %parallel_loop3A_217 : i32 to index
        %parallel_loop3A_842 = arith.constant 224 : index
        %parallel_loop3A_843 = tpu.vector_load %arg9[%parallel_loop3A_840, %parallel_loop3A_841, %parallel_loop3A_842] {strides = array<i32>} : memref<2x32x256xf32, #tpu.memory_space<vmem>>, vector<1x1x16xf32>,
        %parallel_loop3A_844 = vector.shape_cast %parallel_loop3A_843 : vector<1x1x16xf32> to vector<16xf32>
        %parallel_loop3A_845 = vector.shape_cast %parallel_loop3A_838 : vector<16xf32> to vector<1x1x16xf32>
        tpu.vector_store %arg9[%parallel_loop3A_840, %parallel_loop3A_841, %parallel_loop3A_842], %parallel_loop3A_845 {strides = array<i32>} : memref<2x32x256xf32, #tpu.memory_space<vmem>>, vector<1x1x16xf32>,
        %parallel_loop3A_846 = arith.constant 3 : i32
        %parallel_loop3A_847 = arith.muli %parallel_loop3A_846, %parallel_loop3A_217 : i32
        %parallel_loop3A_848 = arith.constant 0 : i32
        %parallel_loop3A_849 = arith.index_cast %parallel_loop3A_848 : i32 to index
        %parallel_loop3A_850 = arith.index_cast %parallel_loop3A_847 : i32 to index
        %parallel_loop3A_851 = arith.constant 240 : index
        %parallel_loop3A_852 = tpu.vector_load %arg8[%parallel_loop3A_849, %parallel_loop3A_850, %parallel_loop3A_851] {strides = array<i32>} : memref<2x96x256xf32, #tpu.memory_space<vmem>>, vector<1x1x16xf32>,
        %parallel_loop3A_853 = vector.shape_cast %parallel_loop3A_852 : vector<1x1x16xf32> to vector<16xf32>
        %parallel_loop3A_854 = arith.mulf %parallel_loop3A_853, %parallel_loop3A_225 : vector<16xf32>
        %parallel_loop3A_855 = arith.constant 3 : i32
        %parallel_loop3A_856 = arith.muli %parallel_loop3A_855, %parallel_loop3A_217 : i32
        %parallel_loop3A_857 = arith.constant 1 : i32
        %parallel_loop3A_858 = arith.addi %parallel_loop3A_856, %parallel_loop3A_857 : i32
        %parallel_loop3A_859 = arith.constant 0 : i32
        %parallel_loop3A_860 = arith.index_cast %parallel_loop3A_859 : i32 to index
        %parallel_loop3A_861 = arith.index_cast %parallel_loop3A_858 : i32 to index
        %parallel_loop3A_862 = arith.constant 240 : index
        %parallel_loop3A_863 = tpu.vector_load %arg8[%parallel_loop3A_860, %parallel_loop3A_861, %parallel_loop3A_862] {strides = array<i32>} : memref<2x96x256xf32, #tpu.memory_space<vmem>>, vector<1x1x16xf32>,
        %parallel_loop3A_864 = vector.shape_cast %parallel_loop3A_863 : vector<1x1x16xf32> to vector<16xf32>
        %parallel_loop3A_865 = arith.mulf %parallel_loop3A_864, %parallel_loop3A_235 : vector<16xf32>
        %parallel_loop3A_866 = arith.addf %parallel_loop3A_854, %parallel_loop3A_865 : vector<16xf32>
        %parallel_loop3A_867 = arith.constant 3 : i32
        %parallel_loop3A_868 = arith.muli %parallel_loop3A_867, %parallel_loop3A_217 : i32
        %parallel_loop3A_869 = arith.constant 2 : i32
        %parallel_loop3A_870 = arith.addi %parallel_loop3A_868, %parallel_loop3A_869 : i32
        %parallel_loop3A_871 = arith.constant 0 : i32
        %parallel_loop3A_872 = arith.index_cast %parallel_loop3A_871 : i32 to index
        %parallel_loop3A_873 = arith.index_cast %parallel_loop3A_870 : i32 to index
        %parallel_loop3A_874 = arith.constant 240 : index
        %parallel_loop3A_875 = tpu.vector_load %arg8[%parallel_loop3A_872, %parallel_loop3A_873, %parallel_loop3A_874] {strides = array<i32>} : memref<2x96x256xf32, #tpu.memory_space<vmem>>, vector<1x1x16xf32>,
        %parallel_loop3A_876 = vector.shape_cast %parallel_loop3A_875 : vector<1x1x16xf32> to vector<16xf32>
        %parallel_loop3A_877 = arith.mulf %parallel_loop3A_876, %parallel_loop3A_245 : vector<16xf32>
        %parallel_loop3A_878 = arith.addf %parallel_loop3A_866, %parallel_loop3A_877 : vector<16xf32>
        %parallel_loop3A_879 = arith.constant 0 : i32
        %parallel_loop3A_880 = arith.index_cast %parallel_loop3A_879 : i32 to index
        %parallel_loop3A_881 = arith.index_cast %parallel_loop3A_217 : i32 to index
        %parallel_loop3A_882 = arith.constant 240 : index
        %parallel_loop3A_883 = tpu.vector_load %arg9[%parallel_loop3A_880, %parallel_loop3A_881, %parallel_loop3A_882] {strides = array<i32>} : memref<2x32x256xf32, #tpu.memory_space<vmem>>, vector<1x1x16xf32>,
        %parallel_loop3A_884 = vector.shape_cast %parallel_loop3A_883 : vector<1x1x16xf32> to vector<16xf32>
        %parallel_loop3A_885 = vector.shape_cast %parallel_loop3A_878 : vector<16xf32> to vector<1x1x16xf32>
        tpu.vector_store %arg9[%parallel_loop3A_880, %parallel_loop3A_881, %parallel_loop3A_882], %parallel_loop3A_885 {strides = array<i32>} : memref<2x32x256xf32, #tpu.memory_space<vmem>>, vector<1x1x16xf32>,
      } {sc.loop_unroll_factor = 2 : i64, sc.parallel_access}
      %mul3A_126 = arith.constant 32 : i32
      %mul3A_127 = arith.muli %add3A_89, %mul3A_126 : i32
      %dma_start3A_128 = arith.constant 0 : i32
      %dma_start3A_129 = arith.constant 0 : i32
      %dma_start3A_130 = arith.constant 0 : i32
      %dma_start3A_131 = tpu.memref_slice %arg9[%dma_start3A_128, %dma_start3A_129, %dma_start3A_130] : memref<2x32x256xf32, #tpu.memory_space<vmem>> -> memref<1x32x256xf32, #tpu.memory_space<vmem>>
      %dma_start3A_132 = tpu.memref_squeeze %dma_start3A_131 : memref<1x32x256xf32, #tpu.memory_space<vmem>> -> memref<32x256xf32, #tpu.memory_space<vmem>>
      %dma_start3A_133 = arith.constant 0 : i32
      %dma_start3A_134 = arith.constant 0 : i32
      %dma_start3A_135 = tpu.memref_slice %arg5[%add3A, %dma_start3A_133, %dma_start3A_134] : memref<32x2048x256xf32, #tpu.memory_space<hbm>> -> memref<1x2048x256xf32, #tpu.memory_space<hbm>>
      %dma_start3A_136 = tpu.memref_squeeze %dma_start3A_135 : memref<1x2048x256xf32, #tpu.memory_space<hbm>> -> memref<2048x256xf32, #tpu.memory_space<hbm>>
      %dma_start3A_137 = arith.constant 0 : i32
      %dma_start3A_138 = tpu.memref_slice %dma_start3A_136[%mul3A_127, %dma_start3A_137] : memref<2048x256xf32, #tpu.memory_space<hbm>> -> memref<32x256xf32, #tpu.memory_space<hbm>>
      %dma_start3A_139 = arith.constant 0 : i32
      %dma_start3A_140 = arith.constant 0 : i32
      %dma_start3A_141 = tpu.memref_slice %arg5[%add3A, %dma_start3A_139, %dma_start3A_140] : memref<32x2048x256xf32, #tpu.memory_space<hbm>> -> memref<1x2048x256xf32, #tpu.memory_space<hbm>>
      %dma_start3A_142 = tpu.memref_squeeze %dma_start3A_141 : memref<1x2048x256xf32, #tpu.memory_space<hbm>> -> memref<2048x256xf32, #tpu.memory_space<hbm>>
      %dma_start3A_143 = arith.constant 0 : i32
      %dma_start3A_144 = tpu.memref_slice %dma_start3A_142[%mul3A_127, %dma_start3A_143] : memref<2048x256xf32, #tpu.memory_space<hbm>> -> memref<32x256xf32, #tpu.memory_space<hbm>>
      %dma_start3A_145 = arith.constant 0 : i32
      %dma_start3A_146 = arith.constant 0 : i32
      %dma_start3A_147 = tpu.memref_slice %arg9[%dma_start3A_128, %dma_start3A_145, %dma_start3A_146] : memref<2x32x256xf32, #tpu.memory_space<vmem>> -> memref<1x32x256xf32, #tpu.memory_space<vmem>>
      %dma_start3A_148 = tpu.memref_squeeze %dma_start3A_147 : memref<1x32x256xf32, #tpu.memory_space<vmem>> -> memref<32x256xf32, #tpu.memory_space<vmem>>
      tpu.enqueue_dma source(%dma_start3A_148 : memref<32x256xf32, #tpu.memory_space<vmem>>) target(%dma_start3A_144 : memref<32x256xf32, #tpu.memory_space<hbm>>) target_semaphore(%arg14 : memref<!tpu.dma_semaphore, #tpu.memory_space<semaphore_mem>>)
      %mul3A_149 = arith.constant 2 : i32
      %mul3A_150 = arith.muli %mul3A_149, %scan3A_85 : i32
      %add3A_151 = arith.constant 1 : i32
      %add3A_152 = arith.addi %mul3A_150, %add3A_151 : i32
      %add3A_153 = arith.constant 1 : i32
      %add3A_154 = arith.addi %add3A_152, %add3A_153 : i32
      %lt3A_155 = arith.constant 64 : i32
      %lt3A_156 = arith.cmpi slt, %add3A_154, %lt3A_155 : i32
      %convert_element_type3A_157 = arith.extui %lt3A_156 : i1 to i32
      %cond3A_158 = arith.constant 0 : i32
      %cond3A_159 = arith.cmpi ne, %convert_element_type3A_157, %cond3A_158 : i32
      scf.if %cond3A_159 {
        %add3A_217 = arith.constant 1 : i32
        %add3A_218 = arith.addi %add3A_152, %add3A_217 : i32
        %mul3A_219 = arith.constant 96 : i32
        %mul3A_220 = arith.muli %add3A_218, %mul3A_219 : i32
        %dma_start3A_221 = arith.constant 0 : i32
        %dma_start3A_222 = arith.constant 0 : i32
        %dma_start3A_223 = arith.constant 0 : i32
        %dma_start3A_224 = tpu.memref_slice %arg7[%dma_start3A_221, %dma_start3A_222, %dma_start3A_223] : memref<2x96x16xf32, #tpu.memory_space<vmem>> -> memref<1x96x16xf32, #tpu.memory_space<vmem>>
        %dma_start3A_225 = tpu.memref_squeeze %dma_start3A_224 : memref<1x96x16xf32, #tpu.memory_space<vmem>> -> memref<96x16xf32, #tpu.memory_space<vmem>>
        %dma_start3A_226 = arith.constant 0 : i32
        %dma_start3A_227 = tpu.memref_slice %arg3[%mul3A_220, %dma_start3A_226] : memref<6144x16xf32, #tpu.memory_space<hbm>> -> memref<96x16xf32, #tpu.memory_space<hbm>>
        %dma_start3A_228 = arith.constant 0 : i32
        %dma_start3A_229 = arith.constant 0 : i32
        %dma_start3A_230 = tpu.memref_slice %arg7[%dma_start3A_221, %dma_start3A_228, %dma_start3A_229] : memref<2x96x16xf32, #tpu.memory_space<vmem>> -> memref<1x96x16xf32, #tpu.memory_space<vmem>>
        %dma_start3A_231 = tpu.memref_squeeze %dma_start3A_230 : memref<1x96x16xf32, #tpu.memory_space<vmem>> -> memref<96x16xf32, #tpu.memory_space<vmem>>
        %dma_start3A_232 = arith.constant 0 : i32
        %dma_start3A_233 = tpu.memref_slice %arg3[%mul3A_220, %dma_start3A_232] : memref<6144x16xf32, #tpu.memory_space<hbm>> -> memref<96x16xf32, #tpu.memory_space<hbm>>
        tpu.enqueue_dma source(%dma_start3A_233 : memref<96x16xf32, #tpu.memory_space<hbm>>) target(%dma_start3A_231 : memref<96x16xf32, #tpu.memory_space<vmem>>) target_semaphore(%arg12 : memref<!tpu.dma_semaphore, #tpu.memory_space<semaphore_mem>>)
        %dma_start3A_234 = arith.constant 0 : i32
        %dma_start3A_235 = arith.constant 0 : i32
        %dma_start3A_236 = arith.constant 0 : i32
        %dma_start3A_237 = tpu.memref_slice %arg8[%dma_start3A_234, %dma_start3A_235, %dma_start3A_236] : memref<2x96x256xf32, #tpu.memory_space<vmem>> -> memref<1x96x256xf32, #tpu.memory_space<vmem>>
        %dma_start3A_238 = tpu.memref_squeeze %dma_start3A_237 : memref<1x96x256xf32, #tpu.memory_space<vmem>> -> memref<96x256xf32, #tpu.memory_space<vmem>>
        %dma_start3A_239 = arith.constant 0 : i32
        %dma_start3A_240 = tpu.memref_slice %arg6[%add3A_218, %dma_start3A_239] : memref<64x96xi32, #tpu.memory_space<vmem>> -> memref<1x96xi32, #tpu.memory_space<vmem>>
        %dma_start3A_241 = tpu.memref_squeeze %dma_start3A_240 : memref<1x96xi32, #tpu.memory_space<vmem>> -> memref<96xi32, #tpu.memory_space<vmem>>
        %dma_start3A_242 = arith.constant 0 : i32
        %dma_start3A_243 = arith.constant 0 : i32
        %dma_start3A_244 = tpu.memref_slice %arg2[%dma_start3A_242, %dma_start3A_243] : memref<65536x256xf32, #tpu.memory_space<hbm>> -> memref<65536x256xf32, #tpu.memory_space<hbm>>
        tpu.enqueue_indirect_dma source(%dma_start3A_244 : memref<65536x256xf32, #tpu.memory_space<hbm>>) target(%dma_start3A_238 : memref<96x256xf32, #tpu.memory_space<vmem>>) offsets(%dma_start3A_241 : memref<96xi32, #tpu.memory_space<vmem>>) semaphore(%arg10 : memref<!tpu.dma_semaphore, #tpu.memory_space<semaphore_mem>>)
      } else {
      }
      %mul3A_160 = arith.constant 96 : i32
      %mul3A_161 = arith.muli %add3A_152, %mul3A_160 : i32
      %dma_wait3A_162 = arith.constant 1 : i32
      %dma_wait3A_163 = arith.constant 0 : i32
      %dma_wait3A_164 = arith.constant 0 : i32
      %dma_wait3A_165 = tpu.memref_slice %arg7[%dma_wait3A_162, %dma_wait3A_163, %dma_wait3A_164] : memref<2x96x16xf32, #tpu.memory_space<vmem>> -> memref<1x96x16xf32, #tpu.memory_space<vmem>>
      %dma_wait3A_166 = tpu.memref_squeeze %dma_wait3A_165 : memref<1x96x16xf32, #tpu.memory_space<vmem>> -> memref<96x16xf32, #tpu.memory_space<vmem>>
      %dma_wait3A_167 = arith.constant 0 : i32
      %dma_wait3A_168 = tpu.memref_slice %arg3[%mul3A_161, %dma_wait3A_167] : memref<6144x16xf32, #tpu.memory_space<hbm>> -> memref<96x16xf32, #tpu.memory_space<hbm>>
      %dma_wait3A_169 = arith.constant 0 : i32
      %dma_wait3A_170 = arith.constant 0 : i32
      %dma_wait3A_171 = tpu.memref_slice %arg7[%dma_wait3A_162, %dma_wait3A_169, %dma_wait3A_170] : memref<2x96x16xf32, #tpu.memory_space<vmem>> -> memref<1x96x16xf32, #tpu.memory_space<vmem>>
      %dma_wait3A_172 = tpu.memref_squeeze %dma_wait3A_171 : memref<1x96x16xf32, #tpu.memory_space<vmem>> -> memref<96x16xf32, #tpu.memory_space<vmem>>
      %dma_wait3A_173 = arith.constant 0 : i32
      %dma_wait3A_174 = tpu.memref_slice %arg3[%mul3A_161, %dma_wait3A_173] : memref<6144x16xf32, #tpu.memory_space<hbm>> -> memref<96x16xf32, #tpu.memory_space<hbm>>
      tpu.wait_dma2 semaphore(%arg13 : memref<!tpu.dma_semaphore, #tpu.memory_space<semaphore_mem>>) src(%dma_wait3A_174 : memref<96x16xf32, #tpu.memory_space<hbm>>) dst(%dma_wait3A_172 : memref<96x16xf32, #tpu.memory_space<vmem>>)
      %dma_wait3A_175 = arith.constant 1 : i32
      %dma_wait3A_176 = arith.constant 0 : i32
      %dma_wait3A_177 = arith.constant 0 : i32
      %dma_wait3A_178 = tpu.memref_slice %arg8[%dma_wait3A_175, %dma_wait3A_176, %dma_wait3A_177] : memref<2x96x256xf32, #tpu.memory_space<vmem>> -> memref<1x96x256xf32, #tpu.memory_space<vmem>>
      %dma_wait3A_179 = tpu.memref_squeeze %dma_wait3A_178 : memref<1x96x256xf32, #tpu.memory_space<vmem>> -> memref<96x256xf32, #tpu.memory_space<vmem>>
      %dma_wait3A_180 = arith.constant 0 : i32
      %dma_wait3A_181 = tpu.memref_slice %arg6[%add3A_152, %dma_wait3A_180] : memref<64x96xi32, #tpu.memory_space<vmem>> -> memref<1x96xi32, #tpu.memory_space<vmem>>
      %dma_wait3A_182 = tpu.memref_squeeze %dma_wait3A_181 : memref<1x96xi32, #tpu.memory_space<vmem>> -> memref<96xi32, #tpu.memory_space<vmem>>
      %dma_wait3A_183 = arith.constant 0 : i32
      %dma_wait3A_184 = arith.constant 0 : i32
      %dma_wait3A_185 = tpu.memref_slice %arg2[%dma_wait3A_183, %dma_wait3A_184] : memref<65536x256xf32, #tpu.memory_space<hbm>> -> memref<65536x256xf32, #tpu.memory_space<hbm>>
      tpu.wait_indirect_dma semaphore(%arg11 : memref<!tpu.dma_semaphore, #tpu.memory_space<semaphore_mem>>) src(%dma_wait3A_185 : memref<65536x256xf32, #tpu.memory_space<hbm>>) dst(%dma_wait3A_179 : memref<96x256xf32, #tpu.memory_space<vmem>>)
      %ge3A_186 = arith.constant 2 : i32
      %ge3A_187 = arith.cmpi sge, %add3A_152, %ge3A_186 : i32
      %convert_element_type3A_188 = arith.extui %ge3A_187 : i1 to i32
      %cond3A_189 = arith.constant 0 : i32
      %cond3A_190 = arith.cmpi ne, %convert_element_type3A_188, %cond3A_189 : i32
      scf.if %cond3A_190 {
        %sub3A = arith.constant 2 : i32
        %sub3A_217 = arith.subi %add3A_152, %sub3A : i32
        %mul3A_218 = arith.constant 32 : i32
        %mul3A_219 = arith.muli %sub3A_217, %mul3A_218 : i32
        %dma_wait3A_220 = arith.constant 1 : i32
        %dma_wait3A_221 = arith.constant 0 : i32
        %dma_wait3A_222 = arith.constant 0 : i32
        %dma_wait3A_223 = tpu.memref_slice %arg9[%dma_wait3A_220, %dma_wait3A_221, %dma_wait3A_222] : memref<2x32x256xf32, #tpu.memory_space<vmem>> -> memref<1x32x256xf32, #tpu.memory_space<vmem>>
        %dma_wait3A_224 = tpu.memref_squeeze %dma_wait3A_223 : memref<1x32x256xf32, #tpu.memory_space<vmem>> -> memref<32x256xf32, #tpu.memory_space<vmem>>
        %dma_wait3A_225 = arith.constant 0 : i32
        %dma_wait3A_226 = arith.constant 0 : i32
        %dma_wait3A_227 = tpu.memref_slice %arg5[%add3A, %dma_wait3A_225, %dma_wait3A_226] : memref<32x2048x256xf32, #tpu.memory_space<hbm>> -> memref<1x2048x256xf32, #tpu.memory_space<hbm>>
        %dma_wait3A_228 = tpu.memref_squeeze %dma_wait3A_227 : memref<1x2048x256xf32, #tpu.memory_space<hbm>> -> memref<2048x256xf32, #tpu.memory_space<hbm>>
        %dma_wait3A_229 = arith.constant 0 : i32
        %dma_wait3A_230 = tpu.memref_slice %dma_wait3A_228[%mul3A_219, %dma_wait3A_229] : memref<2048x256xf32, #tpu.memory_space<hbm>> -> memref<32x256xf32, #tpu.memory_space<hbm>>
        %dma_wait3A_231 = arith.constant 0 : i32
        %dma_wait3A_232 = arith.constant 0 : i32
        %dma_wait3A_233 = tpu.memref_slice %arg5[%add3A, %dma_wait3A_231, %dma_wait3A_232] : memref<32x2048x256xf32, #tpu.memory_space<hbm>> -> memref<1x2048x256xf32, #tpu.memory_space<hbm>>
        %dma_wait3A_234 = tpu.memref_squeeze %dma_wait3A_233 : memref<1x2048x256xf32, #tpu.memory_space<hbm>> -> memref<2048x256xf32, #tpu.memory_space<hbm>>
        %dma_wait3A_235 = arith.constant 0 : i32
        %dma_wait3A_236 = tpu.memref_slice %dma_wait3A_234[%mul3A_219, %dma_wait3A_235] : memref<2048x256xf32, #tpu.memory_space<hbm>> -> memref<32x256xf32, #tpu.memory_space<hbm>>
        %dma_wait3A_237 = arith.constant 0 : i32
        %dma_wait3A_238 = arith.constant 0 : i32
        %dma_wait3A_239 = tpu.memref_slice %arg9[%dma_wait3A_220, %dma_wait3A_237, %dma_wait3A_238] : memref<2x32x256xf32, #tpu.memory_space<vmem>> -> memref<1x32x256xf32, #tpu.memory_space<vmem>>
        %dma_wait3A_240 = tpu.memref_squeeze %dma_wait3A_239 : memref<1x32x256xf32, #tpu.memory_space<vmem>> -> memref<32x256xf32, #tpu.memory_space<vmem>>
        tpu.wait_dma2 semaphore(%arg15 : memref<!tpu.dma_semaphore, #tpu.memory_space<semaphore_mem>>) src(%dma_wait3A_240 : memref<32x256xf32, #tpu.memory_space<vmem>>) dst(%dma_wait3A_236 : memref<32x256xf32, #tpu.memory_space<hbm>>)
      } else {
      }
      %parallel_loop3A_191 = arith.constant 0 : i32
      %parallel_loop3A_192 = arith.constant 32 : i32
      %parallel_loop3A_193 = arith.constant 1 : i32
      scf.for %parallel_loop3A_217 = %parallel_loop3A_191 to %parallel_loop3A_192 step %parallel_loop3A_193  : i32 {
        %parallel_loop3A_218 = arith.constant 3 : i32
        %parallel_loop3A_219 = arith.muli %parallel_loop3A_218, %parallel_loop3A_217 : i32
        %parallel_loop3A_220 = arith.constant 1 : i32
        %parallel_loop3A_221 = arith.index_cast %parallel_loop3A_220 : i32 to index
        %parallel_loop3A_222 = arith.index_cast %parallel_loop3A_219 : i32 to index
        %parallel_loop3A_223 = arith.constant 0 : index
        %parallel_loop3A_224 = tpu.vector_load %arg7[%parallel_loop3A_221, %parallel_loop3A_222, %parallel_loop3A_223] {strides = array<i32>} : memref<2x96x16xf32, #tpu.memory_space<vmem>>, vector<1x1x16xf32>,
        %parallel_loop3A_225 = vector.shape_cast %parallel_loop3A_224 : vector<1x1x16xf32> to vector<16xf32>
        %parallel_loop3A_226 = arith.constant 3 : i32
        %parallel_loop3A_227 = arith.muli %parallel_loop3A_226, %parallel_loop3A_217 : i32
        %parallel_loop3A_228 = arith.constant 1 : i32
        %parallel_loop3A_229 = arith.addi %parallel_loop3A_227, %parallel_loop3A_228 : i32
        %parallel_loop3A_230 = arith.constant 1 : i32
        %parallel_loop3A_231 = arith.index_cast %parallel_loop3A_230 : i32 to index
        %parallel_loop3A_232 = arith.index_cast %parallel_loop3A_229 : i32 to index
        %parallel_loop3A_233 = arith.constant 0 : index
        %parallel_loop3A_234 = tpu.vector_load %arg7[%parallel_loop3A_231, %parallel_loop3A_232, %parallel_loop3A_233] {strides = array<i32>} : memref<2x96x16xf32, #tpu.memory_space<vmem>>, vector<1x1x16xf32>,
        %parallel_loop3A_235 = vector.shape_cast %parallel_loop3A_234 : vector<1x1x16xf32> to vector<16xf32>
        %parallel_loop3A_236 = arith.constant 3 : i32
        %parallel_loop3A_237 = arith.muli %parallel_loop3A_236, %parallel_loop3A_217 : i32
        %parallel_loop3A_238 = arith.constant 2 : i32
        %parallel_loop3A_239 = arith.addi %parallel_loop3A_237, %parallel_loop3A_238 : i32
        %parallel_loop3A_240 = arith.constant 1 : i32
        %parallel_loop3A_241 = arith.index_cast %parallel_loop3A_240 : i32 to index
        %parallel_loop3A_242 = arith.index_cast %parallel_loop3A_239 : i32 to index
        %parallel_loop3A_243 = arith.constant 0 : index
        %parallel_loop3A_244 = tpu.vector_load %arg7[%parallel_loop3A_241, %parallel_loop3A_242, %parallel_loop3A_243] {strides = array<i32>} : memref<2x96x16xf32, #tpu.memory_space<vmem>>, vector<1x1x16xf32>,
        %parallel_loop3A_245 = vector.shape_cast %parallel_loop3A_244 : vector<1x1x16xf32> to vector<16xf32>
        %parallel_loop3A_246 = arith.constant 3 : i32
        %parallel_loop3A_247 = arith.muli %parallel_loop3A_246, %parallel_loop3A_217 : i32
        %parallel_loop3A_248 = arith.constant 1 : i32
        %parallel_loop3A_249 = arith.index_cast %parallel_loop3A_248 : i32 to index
        %parallel_loop3A_250 = arith.index_cast %parallel_loop3A_247 : i32 to index
        %parallel_loop3A_251 = arith.constant 0 : index
        %parallel_loop3A_252 = tpu.vector_load %arg8[%parallel_loop3A_249, %parallel_loop3A_250, %parallel_loop3A_251] {strides = array<i32>} : memref<2x96x256xf32, #tpu.memory_space<vmem>>, vector<1x1x16xf32>,
        %parallel_loop3A_253 = vector.shape_cast %parallel_loop3A_252 : vector<1x1x16xf32> to vector<16xf32>
        %parallel_loop3A_254 = arith.mulf %parallel_loop3A_253, %parallel_loop3A_225 : vector<16xf32>
        %parallel_loop3A_255 = arith.constant 3 : i32
        %parallel_loop3A_256 = arith.muli %parallel_loop3A_255, %parallel_loop3A_217 : i32
        %parallel_loop3A_257 = arith.constant 1 : i32
        %parallel_loop3A_258 = arith.addi %parallel_loop3A_256, %parallel_loop3A_257 : i32
        %parallel_loop3A_259 = arith.constant 1 : i32
        %parallel_loop3A_260 = arith.index_cast %parallel_loop3A_259 : i32 to index
        %parallel_loop3A_261 = arith.index_cast %parallel_loop3A_258 : i32 to index
        %parallel_loop3A_262 = arith.constant 0 : index
        %parallel_loop3A_263 = tpu.vector_load %arg8[%parallel_loop3A_260, %parallel_loop3A_261, %parallel_loop3A_262] {strides = array<i32>} : memref<2x96x256xf32, #tpu.memory_space<vmem>>, vector<1x1x16xf32>,
        %parallel_loop3A_264 = vector.shape_cast %parallel_loop3A_263 : vector<1x1x16xf32> to vector<16xf32>
        %parallel_loop3A_265 = arith.mulf %parallel_loop3A_264, %parallel_loop3A_235 : vector<16xf32>
        %parallel_loop3A_266 = arith.addf %parallel_loop3A_254, %parallel_loop3A_265 : vector<16xf32>
        %parallel_loop3A_267 = arith.constant 3 : i32
        %parallel_loop3A_268 = arith.muli %parallel_loop3A_267, %parallel_loop3A_217 : i32
        %parallel_loop3A_269 = arith.constant 2 : i32
        %parallel_loop3A_270 = arith.addi %parallel_loop3A_268, %parallel_loop3A_269 : i32
        %parallel_loop3A_271 = arith.constant 1 : i32
        %parallel_loop3A_272 = arith.index_cast %parallel_loop3A_271 : i32 to index
        %parallel_loop3A_273 = arith.index_cast %parallel_loop3A_270 : i32 to index
        %parallel_loop3A_274 = arith.constant 0 : index
        %parallel_loop3A_275 = tpu.vector_load %arg8[%parallel_loop3A_272, %parallel_loop3A_273, %parallel_loop3A_274] {strides = array<i32>} : memref<2x96x256xf32, #tpu.memory_space<vmem>>, vector<1x1x16xf32>,
        %parallel_loop3A_276 = vector.shape_cast %parallel_loop3A_275 : vector<1x1x16xf32> to vector<16xf32>
        %parallel_loop3A_277 = arith.mulf %parallel_loop3A_276, %parallel_loop3A_245 : vector<16xf32>
        %parallel_loop3A_278 = arith.addf %parallel_loop3A_266, %parallel_loop3A_277 : vector<16xf32>
        %parallel_loop3A_279 = arith.constant 1 : i32
        %parallel_loop3A_280 = arith.index_cast %parallel_loop3A_279 : i32 to index
        %parallel_loop3A_281 = arith.index_cast %parallel_loop3A_217 : i32 to index
        %parallel_loop3A_282 = arith.constant 0 : index
        %parallel_loop3A_283 = tpu.vector_load %arg9[%parallel_loop3A_280, %parallel_loop3A_281, %parallel_loop3A_282] {strides = array<i32>} : memref<2x32x256xf32, #tpu.memory_space<vmem>>, vector<1x1x16xf32>,
        %parallel_loop3A_284 = vector.shape_cast %parallel_loop3A_283 : vector<1x1x16xf32> to vector<16xf32>
        %parallel_loop3A_285 = vector.shape_cast %parallel_loop3A_278 : vector<16xf32> to vector<1x1x16xf32>
        tpu.vector_store %arg9[%parallel_loop3A_280, %parallel_loop3A_281, %parallel_loop3A_282], %parallel_loop3A_285 {strides = array<i32>} : memref<2x32x256xf32, #tpu.memory_space<vmem>>, vector<1x1x16xf32>,
        %parallel_loop3A_286 = arith.constant 3 : i32
        %parallel_loop3A_287 = arith.muli %parallel_loop3A_286, %parallel_loop3A_217 : i32
        %parallel_loop3A_288 = arith.constant 1 : i32
        %parallel_loop3A_289 = arith.index_cast %parallel_loop3A_288 : i32 to index
        %parallel_loop3A_290 = arith.index_cast %parallel_loop3A_287 : i32 to index
        %parallel_loop3A_291 = arith.constant 16 : index
        %parallel_loop3A_292 = tpu.vector_load %arg8[%parallel_loop3A_289, %parallel_loop3A_290, %parallel_loop3A_291] {strides = array<i32>} : memref<2x96x256xf32, #tpu.memory_space<vmem>>, vector<1x1x16xf32>,
        %parallel_loop3A_293 = vector.shape_cast %parallel_loop3A_292 : vector<1x1x16xf32> to vector<16xf32>
        %parallel_loop3A_294 = arith.mulf %parallel_loop3A_293, %parallel_loop3A_225 : vector<16xf32>
        %parallel_loop3A_295 = arith.constant 3 : i32
        %parallel_loop3A_296 = arith.muli %parallel_loop3A_295, %parallel_loop3A_217 : i32
        %parallel_loop3A_297 = arith.constant 1 : i32
        %parallel_loop3A_298 = arith.addi %parallel_loop3A_296, %parallel_loop3A_297 : i32
        %parallel_loop3A_299 = arith.constant 1 : i32
        %parallel_loop3A_300 = arith.index_cast %parallel_loop3A_299 : i32 to index
        %parallel_loop3A_301 = arith.index_cast %parallel_loop3A_298 : i32 to index
        %parallel_loop3A_302 = arith.constant 16 : index
        %parallel_loop3A_303 = tpu.vector_load %arg8[%parallel_loop3A_300, %parallel_loop3A_301, %parallel_loop3A_302] {strides = array<i32>} : memref<2x96x256xf32, #tpu.memory_space<vmem>>, vector<1x1x16xf32>,
        %parallel_loop3A_304 = vector.shape_cast %parallel_loop3A_303 : vector<1x1x16xf32> to vector<16xf32>
        %parallel_loop3A_305 = arith.mulf %parallel_loop3A_304, %parallel_loop3A_235 : vector<16xf32>
        %parallel_loop3A_306 = arith.addf %parallel_loop3A_294, %parallel_loop3A_305 : vector<16xf32>
        %parallel_loop3A_307 = arith.constant 3 : i32
        %parallel_loop3A_308 = arith.muli %parallel_loop3A_307, %parallel_loop3A_217 : i32
        %parallel_loop3A_309 = arith.constant 2 : i32
        %parallel_loop3A_310 = arith.addi %parallel_loop3A_308, %parallel_loop3A_309 : i32
        %parallel_loop3A_311 = arith.constant 1 : i32
        %parallel_loop3A_312 = arith.index_cast %parallel_loop3A_311 : i32 to index
        %parallel_loop3A_313 = arith.index_cast %parallel_loop3A_310 : i32 to index
        %parallel_loop3A_314 = arith.constant 16 : index
        %parallel_loop3A_315 = tpu.vector_load %arg8[%parallel_loop3A_312, %parallel_loop3A_313, %parallel_loop3A_314] {strides = array<i32>} : memref<2x96x256xf32, #tpu.memory_space<vmem>>, vector<1x1x16xf32>,
        %parallel_loop3A_316 = vector.shape_cast %parallel_loop3A_315 : vector<1x1x16xf32> to vector<16xf32>
        %parallel_loop3A_317 = arith.mulf %parallel_loop3A_316, %parallel_loop3A_245 : vector<16xf32>
        %parallel_loop3A_318 = arith.addf %parallel_loop3A_306, %parallel_loop3A_317 : vector<16xf32>
        %parallel_loop3A_319 = arith.constant 1 : i32
        %parallel_loop3A_320 = arith.index_cast %parallel_loop3A_319 : i32 to index
        %parallel_loop3A_321 = arith.index_cast %parallel_loop3A_217 : i32 to index
        %parallel_loop3A_322 = arith.constant 16 : index
        %parallel_loop3A_323 = tpu.vector_load %arg9[%parallel_loop3A_320, %parallel_loop3A_321, %parallel_loop3A_322] {strides = array<i32>} : memref<2x32x256xf32, #tpu.memory_space<vmem>>, vector<1x1x16xf32>,
        %parallel_loop3A_324 = vector.shape_cast %parallel_loop3A_323 : vector<1x1x16xf32> to vector<16xf32>
        %parallel_loop3A_325 = vector.shape_cast %parallel_loop3A_318 : vector<16xf32> to vector<1x1x16xf32>
        tpu.vector_store %arg9[%parallel_loop3A_320, %parallel_loop3A_321, %parallel_loop3A_322], %parallel_loop3A_325 {strides = array<i32>} : memref<2x32x256xf32, #tpu.memory_space<vmem>>, vector<1x1x16xf32>,
        %parallel_loop3A_326 = arith.constant 3 : i32
        %parallel_loop3A_327 = arith.muli %parallel_loop3A_326, %parallel_loop3A_217 : i32
        %parallel_loop3A_328 = arith.constant 1 : i32
        %parallel_loop3A_329 = arith.index_cast %parallel_loop3A_328 : i32 to index
        %parallel_loop3A_330 = arith.index_cast %parallel_loop3A_327 : i32 to index
        %parallel_loop3A_331 = arith.constant 32 : index
        %parallel_loop3A_332 = tpu.vector_load %arg8[%parallel_loop3A_329, %parallel_loop3A_330, %parallel_loop3A_331] {strides = array<i32>} : memref<2x96x256xf32, #tpu.memory_space<vmem>>, vector<1x1x16xf32>,
        %parallel_loop3A_333 = vector.shape_cast %parallel_loop3A_332 : vector<1x1x16xf32> to vector<16xf32>
        %parallel_loop3A_334 = arith.mulf %parallel_loop3A_333, %parallel_loop3A_225 : vector<16xf32>
        %parallel_loop3A_335 = arith.constant 3 : i32
        %parallel_loop3A_336 = arith.muli %parallel_loop3A_335, %parallel_loop3A_217 : i32
        %parallel_loop3A_337 = arith.constant 1 : i32
        %parallel_loop3A_338 = arith.addi %parallel_loop3A_336, %parallel_loop3A_337 : i32
        %parallel_loop3A_339 = arith.constant 1 : i32
        %parallel_loop3A_340 = arith.index_cast %parallel_loop3A_339 : i32 to index
        %parallel_loop3A_341 = arith.index_cast %parallel_loop3A_338 : i32 to index
        %parallel_loop3A_342 = arith.constant 32 : index
        %parallel_loop3A_343 = tpu.vector_load %arg8[%parallel_loop3A_340, %parallel_loop3A_341, %parallel_loop3A_342] {strides = array<i32>} : memref<2x96x256xf32, #tpu.memory_space<vmem>>, vector<1x1x16xf32>,
        %parallel_loop3A_344 = vector.shape_cast %parallel_loop3A_343 : vector<1x1x16xf32> to vector<16xf32>
        %parallel_loop3A_345 = arith.mulf %parallel_loop3A_344, %parallel_loop3A_235 : vector<16xf32>
        %parallel_loop3A_346 = arith.addf %parallel_loop3A_334, %parallel_loop3A_345 : vector<16xf32>
        %parallel_loop3A_347 = arith.constant 3 : i32
        %parallel_loop3A_348 = arith.muli %parallel_loop3A_347, %parallel_loop3A_217 : i32
        %parallel_loop3A_349 = arith.constant 2 : i32
        %parallel_loop3A_350 = arith.addi %parallel_loop3A_348, %parallel_loop3A_349 : i32
        %parallel_loop3A_351 = arith.constant 1 : i32
        %parallel_loop3A_352 = arith.index_cast %parallel_loop3A_351 : i32 to index
        %parallel_loop3A_353 = arith.index_cast %parallel_loop3A_350 : i32 to index
        %parallel_loop3A_354 = arith.constant 32 : index
        %parallel_loop3A_355 = tpu.vector_load %arg8[%parallel_loop3A_352, %parallel_loop3A_353, %parallel_loop3A_354] {strides = array<i32>} : memref<2x96x256xf32, #tpu.memory_space<vmem>>, vector<1x1x16xf32>,
        %parallel_loop3A_356 = vector.shape_cast %parallel_loop3A_355 : vector<1x1x16xf32> to vector<16xf32>
        %parallel_loop3A_357 = arith.mulf %parallel_loop3A_356, %parallel_loop3A_245 : vector<16xf32>
        %parallel_loop3A_358 = arith.addf %parallel_loop3A_346, %parallel_loop3A_357 : vector<16xf32>
        %parallel_loop3A_359 = arith.constant 1 : i32
        %parallel_loop3A_360 = arith.index_cast %parallel_loop3A_359 : i32 to index
        %parallel_loop3A_361 = arith.index_cast %parallel_loop3A_217 : i32 to index
        %parallel_loop3A_362 = arith.constant 32 : index
        %parallel_loop3A_363 = tpu.vector_load %arg9[%parallel_loop3A_360, %parallel_loop3A_361, %parallel_loop3A_362] {strides = array<i32>} : memref<2x32x256xf32, #tpu.memory_space<vmem>>, vector<1x1x16xf32>,
        %parallel_loop3A_364 = vector.shape_cast %parallel_loop3A_363 : vector<1x1x16xf32> to vector<16xf32>
        %parallel_loop3A_365 = vector.shape_cast %parallel_loop3A_358 : vector<16xf32> to vector<1x1x16xf32>
        tpu.vector_store %arg9[%parallel_loop3A_360, %parallel_loop3A_361, %parallel_loop3A_362], %parallel_loop3A_365 {strides = array<i32>} : memref<2x32x256xf32, #tpu.memory_space<vmem>>, vector<1x1x16xf32>,
        %parallel_loop3A_366 = arith.constant 3 : i32
        %parallel_loop3A_367 = arith.muli %parallel_loop3A_366, %parallel_loop3A_217 : i32
        %parallel_loop3A_368 = arith.constant 1 : i32
        %parallel_loop3A_369 = arith.index_cast %parallel_loop3A_368 : i32 to index
        %parallel_loop3A_370 = arith.index_cast %parallel_loop3A_367 : i32 to index
        %parallel_loop3A_371 = arith.constant 48 : index
        %parallel_loop3A_372 = tpu.vector_load %arg8[%parallel_loop3A_369, %parallel_loop3A_370, %parallel_loop3A_371] {strides = array<i32>} : memref<2x96x256xf32, #tpu.memory_space<vmem>>, vector<1x1x16xf32>,
        %parallel_loop3A_373 = vector.shape_cast %parallel_loop3A_372 : vector<1x1x16xf32> to vector<16xf32>
        %parallel_loop3A_374 = arith.mulf %parallel_loop3A_373, %parallel_loop3A_225 : vector<16xf32>
        %parallel_loop3A_375 = arith.constant 3 : i32
        %parallel_loop3A_376 = arith.muli %parallel_loop3A_375, %parallel_loop3A_217 : i32
        %parallel_loop3A_377 = arith.constant 1 : i32
        %parallel_loop3A_378 = arith.addi %parallel_loop3A_376, %parallel_loop3A_377 : i32
        %parallel_loop3A_379 = arith.constant 1 : i32
        %parallel_loop3A_380 = arith.index_cast %parallel_loop3A_379 : i32 to index
        %parallel_loop3A_381 = arith.index_cast %parallel_loop3A_378 : i32 to index
        %parallel_loop3A_382 = arith.constant 48 : index
        %parallel_loop3A_383 = tpu.vector_load %arg8[%parallel_loop3A_380, %parallel_loop3A_381, %parallel_loop3A_382] {strides = array<i32>} : memref<2x96x256xf32, #tpu.memory_space<vmem>>, vector<1x1x16xf32>,
        %parallel_loop3A_384 = vector.shape_cast %parallel_loop3A_383 : vector<1x1x16xf32> to vector<16xf32>
        %parallel_loop3A_385 = arith.mulf %parallel_loop3A_384, %parallel_loop3A_235 : vector<16xf32>
        %parallel_loop3A_386 = arith.addf %parallel_loop3A_374, %parallel_loop3A_385 : vector<16xf32>
        %parallel_loop3A_387 = arith.constant 3 : i32
        %parallel_loop3A_388 = arith.muli %parallel_loop3A_387, %parallel_loop3A_217 : i32
        %parallel_loop3A_389 = arith.constant 2 : i32
        %parallel_loop3A_390 = arith.addi %parallel_loop3A_388, %parallel_loop3A_389 : i32
        %parallel_loop3A_391 = arith.constant 1 : i32
        %parallel_loop3A_392 = arith.index_cast %parallel_loop3A_391 : i32 to index
        %parallel_loop3A_393 = arith.index_cast %parallel_loop3A_390 : i32 to index
        %parallel_loop3A_394 = arith.constant 48 : index
        %parallel_loop3A_395 = tpu.vector_load %arg8[%parallel_loop3A_392, %parallel_loop3A_393, %parallel_loop3A_394] {strides = array<i32>} : memref<2x96x256xf32, #tpu.memory_space<vmem>>, vector<1x1x16xf32>,
        %parallel_loop3A_396 = vector.shape_cast %parallel_loop3A_395 : vector<1x1x16xf32> to vector<16xf32>
        %parallel_loop3A_397 = arith.mulf %parallel_loop3A_396, %parallel_loop3A_245 : vector<16xf32>
        %parallel_loop3A_398 = arith.addf %parallel_loop3A_386, %parallel_loop3A_397 : vector<16xf32>
        %parallel_loop3A_399 = arith.constant 1 : i32
        %parallel_loop3A_400 = arith.index_cast %parallel_loop3A_399 : i32 to index
        %parallel_loop3A_401 = arith.index_cast %parallel_loop3A_217 : i32 to index
        %parallel_loop3A_402 = arith.constant 48 : index
        %parallel_loop3A_403 = tpu.vector_load %arg9[%parallel_loop3A_400, %parallel_loop3A_401, %parallel_loop3A_402] {strides = array<i32>} : memref<2x32x256xf32, #tpu.memory_space<vmem>>, vector<1x1x16xf32>,
        %parallel_loop3A_404 = vector.shape_cast %parallel_loop3A_403 : vector<1x1x16xf32> to vector<16xf32>
        %parallel_loop3A_405 = vector.shape_cast %parallel_loop3A_398 : vector<16xf32> to vector<1x1x16xf32>
        tpu.vector_store %arg9[%parallel_loop3A_400, %parallel_loop3A_401, %parallel_loop3A_402], %parallel_loop3A_405 {strides = array<i32>} : memref<2x32x256xf32, #tpu.memory_space<vmem>>, vector<1x1x16xf32>,
        %parallel_loop3A_406 = arith.constant 3 : i32
        %parallel_loop3A_407 = arith.muli %parallel_loop3A_406, %parallel_loop3A_217 : i32
        %parallel_loop3A_408 = arith.constant 1 : i32
        %parallel_loop3A_409 = arith.index_cast %parallel_loop3A_408 : i32 to index
        %parallel_loop3A_410 = arith.index_cast %parallel_loop3A_407 : i32 to index
        %parallel_loop3A_411 = arith.constant 64 : index
        %parallel_loop3A_412 = tpu.vector_load %arg8[%parallel_loop3A_409, %parallel_loop3A_410, %parallel_loop3A_411] {strides = array<i32>} : memref<2x96x256xf32, #tpu.memory_space<vmem>>, vector<1x1x16xf32>,
        %parallel_loop3A_413 = vector.shape_cast %parallel_loop3A_412 : vector<1x1x16xf32> to vector<16xf32>
        %parallel_loop3A_414 = arith.mulf %parallel_loop3A_413, %parallel_loop3A_225 : vector<16xf32>
        %parallel_loop3A_415 = arith.constant 3 : i32
        %parallel_loop3A_416 = arith.muli %parallel_loop3A_415, %parallel_loop3A_217 : i32
        %parallel_loop3A_417 = arith.constant 1 : i32
        %parallel_loop3A_418 = arith.addi %parallel_loop3A_416, %parallel_loop3A_417 : i32
        %parallel_loop3A_419 = arith.constant 1 : i32
        %parallel_loop3A_420 = arith.index_cast %parallel_loop3A_419 : i32 to index
        %parallel_loop3A_421 = arith.index_cast %parallel_loop3A_418 : i32 to index
        %parallel_loop3A_422 = arith.constant 64 : index
        %parallel_loop3A_423 = tpu.vector_load %arg8[%parallel_loop3A_420, %parallel_loop3A_421, %parallel_loop3A_422] {strides = array<i32>} : memref<2x96x256xf32, #tpu.memory_space<vmem>>, vector<1x1x16xf32>,
        %parallel_loop3A_424 = vector.shape_cast %parallel_loop3A_423 : vector<1x1x16xf32> to vector<16xf32>
        %parallel_loop3A_425 = arith.mulf %parallel_loop3A_424, %parallel_loop3A_235 : vector<16xf32>
        %parallel_loop3A_426 = arith.addf %parallel_loop3A_414, %parallel_loop3A_425 : vector<16xf32>
        %parallel_loop3A_427 = arith.constant 3 : i32
        %parallel_loop3A_428 = arith.muli %parallel_loop3A_427, %parallel_loop3A_217 : i32
        %parallel_loop3A_429 = arith.constant 2 : i32
        %parallel_loop3A_430 = arith.addi %parallel_loop3A_428, %parallel_loop3A_429 : i32
        %parallel_loop3A_431 = arith.constant 1 : i32
        %parallel_loop3A_432 = arith.index_cast %parallel_loop3A_431 : i32 to index
        %parallel_loop3A_433 = arith.index_cast %parallel_loop3A_430 : i32 to index
        %parallel_loop3A_434 = arith.constant 64 : index
        %parallel_loop3A_435 = tpu.vector_load %arg8[%parallel_loop3A_432, %parallel_loop3A_433, %parallel_loop3A_434] {strides = array<i32>} : memref<2x96x256xf32, #tpu.memory_space<vmem>>, vector<1x1x16xf32>,
        %parallel_loop3A_436 = vector.shape_cast %parallel_loop3A_435 : vector<1x1x16xf32> to vector<16xf32>
        %parallel_loop3A_437 = arith.mulf %parallel_loop3A_436, %parallel_loop3A_245 : vector<16xf32>
        %parallel_loop3A_438 = arith.addf %parallel_loop3A_426, %parallel_loop3A_437 : vector<16xf32>
        %parallel_loop3A_439 = arith.constant 1 : i32
        %parallel_loop3A_440 = arith.index_cast %parallel_loop3A_439 : i32 to index
        %parallel_loop3A_441 = arith.index_cast %parallel_loop3A_217 : i32 to index
        %parallel_loop3A_442 = arith.constant 64 : index
        %parallel_loop3A_443 = tpu.vector_load %arg9[%parallel_loop3A_440, %parallel_loop3A_441, %parallel_loop3A_442] {strides = array<i32>} : memref<2x32x256xf32, #tpu.memory_space<vmem>>, vector<1x1x16xf32>,
        %parallel_loop3A_444 = vector.shape_cast %parallel_loop3A_443 : vector<1x1x16xf32> to vector<16xf32>
        %parallel_loop3A_445 = vector.shape_cast %parallel_loop3A_438 : vector<16xf32> to vector<1x1x16xf32>
        tpu.vector_store %arg9[%parallel_loop3A_440, %parallel_loop3A_441, %parallel_loop3A_442], %parallel_loop3A_445 {strides = array<i32>} : memref<2x32x256xf32, #tpu.memory_space<vmem>>, vector<1x1x16xf32>,
        %parallel_loop3A_446 = arith.constant 3 : i32
        %parallel_loop3A_447 = arith.muli %parallel_loop3A_446, %parallel_loop3A_217 : i32
        %parallel_loop3A_448 = arith.constant 1 : i32
        %parallel_loop3A_449 = arith.index_cast %parallel_loop3A_448 : i32 to index
        %parallel_loop3A_450 = arith.index_cast %parallel_loop3A_447 : i32 to index
        %parallel_loop3A_451 = arith.constant 80 : index
        %parallel_loop3A_452 = tpu.vector_load %arg8[%parallel_loop3A_449, %parallel_loop3A_450, %parallel_loop3A_451] {strides = array<i32>} : memref<2x96x256xf32, #tpu.memory_space<vmem>>, vector<1x1x16xf32>,
        %parallel_loop3A_453 = vector.shape_cast %parallel_loop3A_452 : vector<1x1x16xf32> to vector<16xf32>
        %parallel_loop3A_454 = arith.mulf %parallel_loop3A_453, %parallel_loop3A_225 : vector<16xf32>
        %parallel_loop3A_455 = arith.constant 3 : i32
        %parallel_loop3A_456 = arith.muli %parallel_loop3A_455, %parallel_loop3A_217 : i32
        %parallel_loop3A_457 = arith.constant 1 : i32
        %parallel_loop3A_458 = arith.addi %parallel_loop3A_456, %parallel_loop3A_457 : i32
        %parallel_loop3A_459 = arith.constant 1 : i32
        %parallel_loop3A_460 = arith.index_cast %parallel_loop3A_459 : i32 to index
        %parallel_loop3A_461 = arith.index_cast %parallel_loop3A_458 : i32 to index
        %parallel_loop3A_462 = arith.constant 80 : index
        %parallel_loop3A_463 = tpu.vector_load %arg8[%parallel_loop3A_460, %parallel_loop3A_461, %parallel_loop3A_462] {strides = array<i32>} : memref<2x96x256xf32, #tpu.memory_space<vmem>>, vector<1x1x16xf32>,
        %parallel_loop3A_464 = vector.shape_cast %parallel_loop3A_463 : vector<1x1x16xf32> to vector<16xf32>
        %parallel_loop3A_465 = arith.mulf %parallel_loop3A_464, %parallel_loop3A_235 : vector<16xf32>
        %parallel_loop3A_466 = arith.addf %parallel_loop3A_454, %parallel_loop3A_465 : vector<16xf32>
        %parallel_loop3A_467 = arith.constant 3 : i32
        %parallel_loop3A_468 = arith.muli %parallel_loop3A_467, %parallel_loop3A_217 : i32
        %parallel_loop3A_469 = arith.constant 2 : i32
        %parallel_loop3A_470 = arith.addi %parallel_loop3A_468, %parallel_loop3A_469 : i32
        %parallel_loop3A_471 = arith.constant 1 : i32
        %parallel_loop3A_472 = arith.index_cast %parallel_loop3A_471 : i32 to index
        %parallel_loop3A_473 = arith.index_cast %parallel_loop3A_470 : i32 to index
        %parallel_loop3A_474 = arith.constant 80 : index
        %parallel_loop3A_475 = tpu.vector_load %arg8[%parallel_loop3A_472, %parallel_loop3A_473, %parallel_loop3A_474] {strides = array<i32>} : memref<2x96x256xf32, #tpu.memory_space<vmem>>, vector<1x1x16xf32>,
        %parallel_loop3A_476 = vector.shape_cast %parallel_loop3A_475 : vector<1x1x16xf32> to vector<16xf32>
        %parallel_loop3A_477 = arith.mulf %parallel_loop3A_476, %parallel_loop3A_245 : vector<16xf32>
        %parallel_loop3A_478 = arith.addf %parallel_loop3A_466, %parallel_loop3A_477 : vector<16xf32>
        %parallel_loop3A_479 = arith.constant 1 : i32
        %parallel_loop3A_480 = arith.index_cast %parallel_loop3A_479 : i32 to index
        %parallel_loop3A_481 = arith.index_cast %parallel_loop3A_217 : i32 to index
        %parallel_loop3A_482 = arith.constant 80 : index
        %parallel_loop3A_483 = tpu.vector_load %arg9[%parallel_loop3A_480, %parallel_loop3A_481, %parallel_loop3A_482] {strides = array<i32>} : memref<2x32x256xf32, #tpu.memory_space<vmem>>, vector<1x1x16xf32>,
        %parallel_loop3A_484 = vector.shape_cast %parallel_loop3A_483 : vector<1x1x16xf32> to vector<16xf32>
        %parallel_loop3A_485 = vector.shape_cast %parallel_loop3A_478 : vector<16xf32> to vector<1x1x16xf32>
        tpu.vector_store %arg9[%parallel_loop3A_480, %parallel_loop3A_481, %parallel_loop3A_482], %parallel_loop3A_485 {strides = array<i32>} : memref<2x32x256xf32, #tpu.memory_space<vmem>>, vector<1x1x16xf32>,
        %parallel_loop3A_486 = arith.constant 3 : i32
        %parallel_loop3A_487 = arith.muli %parallel_loop3A_486, %parallel_loop3A_217 : i32
        %parallel_loop3A_488 = arith.constant 1 : i32
        %parallel_loop3A_489 = arith.index_cast %parallel_loop3A_488 : i32 to index
        %parallel_loop3A_490 = arith.index_cast %parallel_loop3A_487 : i32 to index
        %parallel_loop3A_491 = arith.constant 96 : index
        %parallel_loop3A_492 = tpu.vector_load %arg8[%parallel_loop3A_489, %parallel_loop3A_490, %parallel_loop3A_491] {strides = array<i32>} : memref<2x96x256xf32, #tpu.memory_space<vmem>>, vector<1x1x16xf32>,
        %parallel_loop3A_493 = vector.shape_cast %parallel_loop3A_492 : vector<1x1x16xf32> to vector<16xf32>
        %parallel_loop3A_494 = arith.mulf %parallel_loop3A_493, %parallel_loop3A_225 : vector<16xf32>
        %parallel_loop3A_495 = arith.constant 3 : i32
        %parallel_loop3A_496 = arith.muli %parallel_loop3A_495, %parallel_loop3A_217 : i32
        %parallel_loop3A_497 = arith.constant 1 : i32
        %parallel_loop3A_498 = arith.addi %parallel_loop3A_496, %parallel_loop3A_497 : i32
        %parallel_loop3A_499 = arith.constant 1 : i32
        %parallel_loop3A_500 = arith.index_cast %parallel_loop3A_499 : i32 to index
        %parallel_loop3A_501 = arith.index_cast %parallel_loop3A_498 : i32 to index
        %parallel_loop3A_502 = arith.constant 96 : index
        %parallel_loop3A_503 = tpu.vector_load %arg8[%parallel_loop3A_500, %parallel_loop3A_501, %parallel_loop3A_502] {strides = array<i32>} : memref<2x96x256xf32, #tpu.memory_space<vmem>>, vector<1x1x16xf32>,
        %parallel_loop3A_504 = vector.shape_cast %parallel_loop3A_503 : vector<1x1x16xf32> to vector<16xf32>
        %parallel_loop3A_505 = arith.mulf %parallel_loop3A_504, %parallel_loop3A_235 : vector<16xf32>
        %parallel_loop3A_506 = arith.addf %parallel_loop3A_494, %parallel_loop3A_505 : vector<16xf32>
        %parallel_loop3A_507 = arith.constant 3 : i32
        %parallel_loop3A_508 = arith.muli %parallel_loop3A_507, %parallel_loop3A_217 : i32
        %parallel_loop3A_509 = arith.constant 2 : i32
        %parallel_loop3A_510 = arith.addi %parallel_loop3A_508, %parallel_loop3A_509 : i32
        %parallel_loop3A_511 = arith.constant 1 : i32
        %parallel_loop3A_512 = arith.index_cast %parallel_loop3A_511 : i32 to index
        %parallel_loop3A_513 = arith.index_cast %parallel_loop3A_510 : i32 to index
        %parallel_loop3A_514 = arith.constant 96 : index
        %parallel_loop3A_515 = tpu.vector_load %arg8[%parallel_loop3A_512, %parallel_loop3A_513, %parallel_loop3A_514] {strides = array<i32>} : memref<2x96x256xf32, #tpu.memory_space<vmem>>, vector<1x1x16xf32>,
        %parallel_loop3A_516 = vector.shape_cast %parallel_loop3A_515 : vector<1x1x16xf32> to vector<16xf32>
        %parallel_loop3A_517 = arith.mulf %parallel_loop3A_516, %parallel_loop3A_245 : vector<16xf32>
        %parallel_loop3A_518 = arith.addf %parallel_loop3A_506, %parallel_loop3A_517 : vector<16xf32>
        %parallel_loop3A_519 = arith.constant 1 : i32
        %parallel_loop3A_520 = arith.index_cast %parallel_loop3A_519 : i32 to index
        %parallel_loop3A_521 = arith.index_cast %parallel_loop3A_217 : i32 to index
        %parallel_loop3A_522 = arith.constant 96 : index
        %parallel_loop3A_523 = tpu.vector_load %arg9[%parallel_loop3A_520, %parallel_loop3A_521, %parallel_loop3A_522] {strides = array<i32>} : memref<2x32x256xf32, #tpu.memory_space<vmem>>, vector<1x1x16xf32>,
        %parallel_loop3A_524 = vector.shape_cast %parallel_loop3A_523 : vector<1x1x16xf32> to vector<16xf32>
        %parallel_loop3A_525 = vector.shape_cast %parallel_loop3A_518 : vector<16xf32> to vector<1x1x16xf32>
        tpu.vector_store %arg9[%parallel_loop3A_520, %parallel_loop3A_521, %parallel_loop3A_522], %parallel_loop3A_525 {strides = array<i32>} : memref<2x32x256xf32, #tpu.memory_space<vmem>>, vector<1x1x16xf32>,
        %parallel_loop3A_526 = arith.constant 3 : i32
        %parallel_loop3A_527 = arith.muli %parallel_loop3A_526, %parallel_loop3A_217 : i32
        %parallel_loop3A_528 = arith.constant 1 : i32
        %parallel_loop3A_529 = arith.index_cast %parallel_loop3A_528 : i32 to index
        %parallel_loop3A_530 = arith.index_cast %parallel_loop3A_527 : i32 to index
        %parallel_loop3A_531 = arith.constant 112 : index
        %parallel_loop3A_532 = tpu.vector_load %arg8[%parallel_loop3A_529, %parallel_loop3A_530, %parallel_loop3A_531] {strides = array<i32>} : memref<2x96x256xf32, #tpu.memory_space<vmem>>, vector<1x1x16xf32>,
        %parallel_loop3A_533 = vector.shape_cast %parallel_loop3A_532 : vector<1x1x16xf32> to vector<16xf32>
        %parallel_loop3A_534 = arith.mulf %parallel_loop3A_533, %parallel_loop3A_225 : vector<16xf32>
        %parallel_loop3A_535 = arith.constant 3 : i32
        %parallel_loop3A_536 = arith.muli %parallel_loop3A_535, %parallel_loop3A_217 : i32
        %parallel_loop3A_537 = arith.constant 1 : i32
        %parallel_loop3A_538 = arith.addi %parallel_loop3A_536, %parallel_loop3A_537 : i32
        %parallel_loop3A_539 = arith.constant 1 : i32
        %parallel_loop3A_540 = arith.index_cast %parallel_loop3A_539 : i32 to index
        %parallel_loop3A_541 = arith.index_cast %parallel_loop3A_538 : i32 to index
        %parallel_loop3A_542 = arith.constant 112 : index
        %parallel_loop3A_543 = tpu.vector_load %arg8[%parallel_loop3A_540, %parallel_loop3A_541, %parallel_loop3A_542] {strides = array<i32>} : memref<2x96x256xf32, #tpu.memory_space<vmem>>, vector<1x1x16xf32>,
        %parallel_loop3A_544 = vector.shape_cast %parallel_loop3A_543 : vector<1x1x16xf32> to vector<16xf32>
        %parallel_loop3A_545 = arith.mulf %parallel_loop3A_544, %parallel_loop3A_235 : vector<16xf32>
        %parallel_loop3A_546 = arith.addf %parallel_loop3A_534, %parallel_loop3A_545 : vector<16xf32>
        %parallel_loop3A_547 = arith.constant 3 : i32
        %parallel_loop3A_548 = arith.muli %parallel_loop3A_547, %parallel_loop3A_217 : i32
        %parallel_loop3A_549 = arith.constant 2 : i32
        %parallel_loop3A_550 = arith.addi %parallel_loop3A_548, %parallel_loop3A_549 : i32
        %parallel_loop3A_551 = arith.constant 1 : i32
        %parallel_loop3A_552 = arith.index_cast %parallel_loop3A_551 : i32 to index
        %parallel_loop3A_553 = arith.index_cast %parallel_loop3A_550 : i32 to index
        %parallel_loop3A_554 = arith.constant 112 : index
        %parallel_loop3A_555 = tpu.vector_load %arg8[%parallel_loop3A_552, %parallel_loop3A_553, %parallel_loop3A_554] {strides = array<i32>} : memref<2x96x256xf32, #tpu.memory_space<vmem>>, vector<1x1x16xf32>,
        %parallel_loop3A_556 = vector.shape_cast %parallel_loop3A_555 : vector<1x1x16xf32> to vector<16xf32>
        %parallel_loop3A_557 = arith.mulf %parallel_loop3A_556, %parallel_loop3A_245 : vector<16xf32>
        %parallel_loop3A_558 = arith.addf %parallel_loop3A_546, %parallel_loop3A_557 : vector<16xf32>
        %parallel_loop3A_559 = arith.constant 1 : i32
        %parallel_loop3A_560 = arith.index_cast %parallel_loop3A_559 : i32 to index
        %parallel_loop3A_561 = arith.index_cast %parallel_loop3A_217 : i32 to index
        %parallel_loop3A_562 = arith.constant 112 : index
        %parallel_loop3A_563 = tpu.vector_load %arg9[%parallel_loop3A_560, %parallel_loop3A_561, %parallel_loop3A_562] {strides = array<i32>} : memref<2x32x256xf32, #tpu.memory_space<vmem>>, vector<1x1x16xf32>,
        %parallel_loop3A_564 = vector.shape_cast %parallel_loop3A_563 : vector<1x1x16xf32> to vector<16xf32>
        %parallel_loop3A_565 = vector.shape_cast %parallel_loop3A_558 : vector<16xf32> to vector<1x1x16xf32>
        tpu.vector_store %arg9[%parallel_loop3A_560, %parallel_loop3A_561, %parallel_loop3A_562], %parallel_loop3A_565 {strides = array<i32>} : memref<2x32x256xf32, #tpu.memory_space<vmem>>, vector<1x1x16xf32>,
        %parallel_loop3A_566 = arith.constant 3 : i32
        %parallel_loop3A_567 = arith.muli %parallel_loop3A_566, %parallel_loop3A_217 : i32
        %parallel_loop3A_568 = arith.constant 1 : i32
        %parallel_loop3A_569 = arith.index_cast %parallel_loop3A_568 : i32 to index
        %parallel_loop3A_570 = arith.index_cast %parallel_loop3A_567 : i32 to index
        %parallel_loop3A_571 = arith.constant 128 : index
        %parallel_loop3A_572 = tpu.vector_load %arg8[%parallel_loop3A_569, %parallel_loop3A_570, %parallel_loop3A_571] {strides = array<i32>} : memref<2x96x256xf32, #tpu.memory_space<vmem>>, vector<1x1x16xf32>,
        %parallel_loop3A_573 = vector.shape_cast %parallel_loop3A_572 : vector<1x1x16xf32> to vector<16xf32>
        %parallel_loop3A_574 = arith.mulf %parallel_loop3A_573, %parallel_loop3A_225 : vector<16xf32>
        %parallel_loop3A_575 = arith.constant 3 : i32
        %parallel_loop3A_576 = arith.muli %parallel_loop3A_575, %parallel_loop3A_217 : i32
        %parallel_loop3A_577 = arith.constant 1 : i32
        %parallel_loop3A_578 = arith.addi %parallel_loop3A_576, %parallel_loop3A_577 : i32
        %parallel_loop3A_579 = arith.constant 1 : i32
        %parallel_loop3A_580 = arith.index_cast %parallel_loop3A_579 : i32 to index
        %parallel_loop3A_581 = arith.index_cast %parallel_loop3A_578 : i32 to index
        %parallel_loop3A_582 = arith.constant 128 : index
        %parallel_loop3A_583 = tpu.vector_load %arg8[%parallel_loop3A_580, %parallel_loop3A_581, %parallel_loop3A_582] {strides = array<i32>} : memref<2x96x256xf32, #tpu.memory_space<vmem>>, vector<1x1x16xf32>,
        %parallel_loop3A_584 = vector.shape_cast %parallel_loop3A_583 : vector<1x1x16xf32> to vector<16xf32>
        %parallel_loop3A_585 = arith.mulf %parallel_loop3A_584, %parallel_loop3A_235 : vector<16xf32>
        %parallel_loop3A_586 = arith.addf %parallel_loop3A_574, %parallel_loop3A_585 : vector<16xf32>
        %parallel_loop3A_587 = arith.constant 3 : i32
        %parallel_loop3A_588 = arith.muli %parallel_loop3A_587, %parallel_loop3A_217 : i32
        %parallel_loop3A_589 = arith.constant 2 : i32
        %parallel_loop3A_590 = arith.addi %parallel_loop3A_588, %parallel_loop3A_589 : i32
        %parallel_loop3A_591 = arith.constant 1 : i32
        %parallel_loop3A_592 = arith.index_cast %parallel_loop3A_591 : i32 to index
        %parallel_loop3A_593 = arith.index_cast %parallel_loop3A_590 : i32 to index
        %parallel_loop3A_594 = arith.constant 128 : index
        %parallel_loop3A_595 = tpu.vector_load %arg8[%parallel_loop3A_592, %parallel_loop3A_593, %parallel_loop3A_594] {strides = array<i32>} : memref<2x96x256xf32, #tpu.memory_space<vmem>>, vector<1x1x16xf32>,
        %parallel_loop3A_596 = vector.shape_cast %parallel_loop3A_595 : vector<1x1x16xf32> to vector<16xf32>
        %parallel_loop3A_597 = arith.mulf %parallel_loop3A_596, %parallel_loop3A_245 : vector<16xf32>
        %parallel_loop3A_598 = arith.addf %parallel_loop3A_586, %parallel_loop3A_597 : vector<16xf32>
        %parallel_loop3A_599 = arith.constant 1 : i32
        %parallel_loop3A_600 = arith.index_cast %parallel_loop3A_599 : i32 to index
        %parallel_loop3A_601 = arith.index_cast %parallel_loop3A_217 : i32 to index
        %parallel_loop3A_602 = arith.constant 128 : index
        %parallel_loop3A_603 = tpu.vector_load %arg9[%parallel_loop3A_600, %parallel_loop3A_601, %parallel_loop3A_602] {strides = array<i32>} : memref<2x32x256xf32, #tpu.memory_space<vmem>>, vector<1x1x16xf32>,
        %parallel_loop3A_604 = vector.shape_cast %parallel_loop3A_603 : vector<1x1x16xf32> to vector<16xf32>
        %parallel_loop3A_605 = vector.shape_cast %parallel_loop3A_598 : vector<16xf32> to vector<1x1x16xf32>
        tpu.vector_store %arg9[%parallel_loop3A_600, %parallel_loop3A_601, %parallel_loop3A_602], %parallel_loop3A_605 {strides = array<i32>} : memref<2x32x256xf32, #tpu.memory_space<vmem>>, vector<1x1x16xf32>,
        %parallel_loop3A_606 = arith.constant 3 : i32
        %parallel_loop3A_607 = arith.muli %parallel_loop3A_606, %parallel_loop3A_217 : i32
        %parallel_loop3A_608 = arith.constant 1 : i32
        %parallel_loop3A_609 = arith.index_cast %parallel_loop3A_608 : i32 to index
        %parallel_loop3A_610 = arith.index_cast %parallel_loop3A_607 : i32 to index
        %parallel_loop3A_611 = arith.constant 144 : index
        %parallel_loop3A_612 = tpu.vector_load %arg8[%parallel_loop3A_609, %parallel_loop3A_610, %parallel_loop3A_611] {strides = array<i32>} : memref<2x96x256xf32, #tpu.memory_space<vmem>>, vector<1x1x16xf32>,
        %parallel_loop3A_613 = vector.shape_cast %parallel_loop3A_612 : vector<1x1x16xf32> to vector<16xf32>
        %parallel_loop3A_614 = arith.mulf %parallel_loop3A_613, %parallel_loop3A_225 : vector<16xf32>
        %parallel_loop3A_615 = arith.constant 3 : i32
        %parallel_loop3A_616 = arith.muli %parallel_loop3A_615, %parallel_loop3A_217 : i32
        %parallel_loop3A_617 = arith.constant 1 : i32
        %parallel_loop3A_618 = arith.addi %parallel_loop3A_616, %parallel_loop3A_617 : i32
        %parallel_loop3A_619 = arith.constant 1 : i32
        %parallel_loop3A_620 = arith.index_cast %parallel_loop3A_619 : i32 to index
        %parallel_loop3A_621 = arith.index_cast %parallel_loop3A_618 : i32 to index
        %parallel_loop3A_622 = arith.constant 144 : index
        %parallel_loop3A_623 = tpu.vector_load %arg8[%parallel_loop3A_620, %parallel_loop3A_621, %parallel_loop3A_622] {strides = array<i32>} : memref<2x96x256xf32, #tpu.memory_space<vmem>>, vector<1x1x16xf32>,
        %parallel_loop3A_624 = vector.shape_cast %parallel_loop3A_623 : vector<1x1x16xf32> to vector<16xf32>
        %parallel_loop3A_625 = arith.mulf %parallel_loop3A_624, %parallel_loop3A_235 : vector<16xf32>
        %parallel_loop3A_626 = arith.addf %parallel_loop3A_614, %parallel_loop3A_625 : vector<16xf32>
        %parallel_loop3A_627 = arith.constant 3 : i32
        %parallel_loop3A_628 = arith.muli %parallel_loop3A_627, %parallel_loop3A_217 : i32
        %parallel_loop3A_629 = arith.constant 2 : i32
        %parallel_loop3A_630 = arith.addi %parallel_loop3A_628, %parallel_loop3A_629 : i32
        %parallel_loop3A_631 = arith.constant 1 : i32
        %parallel_loop3A_632 = arith.index_cast %parallel_loop3A_631 : i32 to index
        %parallel_loop3A_633 = arith.index_cast %parallel_loop3A_630 : i32 to index
        %parallel_loop3A_634 = arith.constant 144 : index
        %parallel_loop3A_635 = tpu.vector_load %arg8[%parallel_loop3A_632, %parallel_loop3A_633, %parallel_loop3A_634] {strides = array<i32>} : memref<2x96x256xf32, #tpu.memory_space<vmem>>, vector<1x1x16xf32>,
        %parallel_loop3A_636 = vector.shape_cast %parallel_loop3A_635 : vector<1x1x16xf32> to vector<16xf32>
        %parallel_loop3A_637 = arith.mulf %parallel_loop3A_636, %parallel_loop3A_245 : vector<16xf32>
        %parallel_loop3A_638 = arith.addf %parallel_loop3A_626, %parallel_loop3A_637 : vector<16xf32>
        %parallel_loop3A_639 = arith.constant 1 : i32
        %parallel_loop3A_640 = arith.index_cast %parallel_loop3A_639 : i32 to index
        %parallel_loop3A_641 = arith.index_cast %parallel_loop3A_217 : i32 to index
        %parallel_loop3A_642 = arith.constant 144 : index
        %parallel_loop3A_643 = tpu.vector_load %arg9[%parallel_loop3A_640, %parallel_loop3A_641, %parallel_loop3A_642] {strides = array<i32>} : memref<2x32x256xf32, #tpu.memory_space<vmem>>, vector<1x1x16xf32>,
        %parallel_loop3A_644 = vector.shape_cast %parallel_loop3A_643 : vector<1x1x16xf32> to vector<16xf32>
        %parallel_loop3A_645 = vector.shape_cast %parallel_loop3A_638 : vector<16xf32> to vector<1x1x16xf32>
        tpu.vector_store %arg9[%parallel_loop3A_640, %parallel_loop3A_641, %parallel_loop3A_642], %parallel_loop3A_645 {strides = array<i32>} : memref<2x32x256xf32, #tpu.memory_space<vmem>>, vector<1x1x16xf32>,
        %parallel_loop3A_646 = arith.constant 3 : i32
        %parallel_loop3A_647 = arith.muli %parallel_loop3A_646, %parallel_loop3A_217 : i32
        %parallel_loop3A_648 = arith.constant 1 : i32
        %parallel_loop3A_649 = arith.index_cast %parallel_loop3A_648 : i32 to index
        %parallel_loop3A_650 = arith.index_cast %parallel_loop3A_647 : i32 to index
        %parallel_loop3A_651 = arith.constant 160 : index
        %parallel_loop3A_652 = tpu.vector_load %arg8[%parallel_loop3A_649, %parallel_loop3A_650, %parallel_loop3A_651] {strides = array<i32>} : memref<2x96x256xf32, #tpu.memory_space<vmem>>, vector<1x1x16xf32>,
        %parallel_loop3A_653 = vector.shape_cast %parallel_loop3A_652 : vector<1x1x16xf32> to vector<16xf32>
        %parallel_loop3A_654 = arith.mulf %parallel_loop3A_653, %parallel_loop3A_225 : vector<16xf32>
        %parallel_loop3A_655 = arith.constant 3 : i32
        %parallel_loop3A_656 = arith.muli %parallel_loop3A_655, %parallel_loop3A_217 : i32
        %parallel_loop3A_657 = arith.constant 1 : i32
        %parallel_loop3A_658 = arith.addi %parallel_loop3A_656, %parallel_loop3A_657 : i32
        %parallel_loop3A_659 = arith.constant 1 : i32
        %parallel_loop3A_660 = arith.index_cast %parallel_loop3A_659 : i32 to index
        %parallel_loop3A_661 = arith.index_cast %parallel_loop3A_658 : i32 to index
        %parallel_loop3A_662 = arith.constant 160 : index
        %parallel_loop3A_663 = tpu.vector_load %arg8[%parallel_loop3A_660, %parallel_loop3A_661, %parallel_loop3A_662] {strides = array<i32>} : memref<2x96x256xf32, #tpu.memory_space<vmem>>, vector<1x1x16xf32>,
        %parallel_loop3A_664 = vector.shape_cast %parallel_loop3A_663 : vector<1x1x16xf32> to vector<16xf32>
        %parallel_loop3A_665 = arith.mulf %parallel_loop3A_664, %parallel_loop3A_235 : vector<16xf32>
        %parallel_loop3A_666 = arith.addf %parallel_loop3A_654, %parallel_loop3A_665 : vector<16xf32>
        %parallel_loop3A_667 = arith.constant 3 : i32
        %parallel_loop3A_668 = arith.muli %parallel_loop3A_667, %parallel_loop3A_217 : i32
        %parallel_loop3A_669 = arith.constant 2 : i32
        %parallel_loop3A_670 = arith.addi %parallel_loop3A_668, %parallel_loop3A_669 : i32
        %parallel_loop3A_671 = arith.constant 1 : i32
        %parallel_loop3A_672 = arith.index_cast %parallel_loop3A_671 : i32 to index
        %parallel_loop3A_673 = arith.index_cast %parallel_loop3A_670 : i32 to index
        %parallel_loop3A_674 = arith.constant 160 : index
        %parallel_loop3A_675 = tpu.vector_load %arg8[%parallel_loop3A_672, %parallel_loop3A_673, %parallel_loop3A_674] {strides = array<i32>} : memref<2x96x256xf32, #tpu.memory_space<vmem>>, vector<1x1x16xf32>,
        %parallel_loop3A_676 = vector.shape_cast %parallel_loop3A_675 : vector<1x1x16xf32> to vector<16xf32>
        %parallel_loop3A_677 = arith.mulf %parallel_loop3A_676, %parallel_loop3A_245 : vector<16xf32>
        %parallel_loop3A_678 = arith.addf %parallel_loop3A_666, %parallel_loop3A_677 : vector<16xf32>
        %parallel_loop3A_679 = arith.constant 1 : i32
        %parallel_loop3A_680 = arith.index_cast %parallel_loop3A_679 : i32 to index
        %parallel_loop3A_681 = arith.index_cast %parallel_loop3A_217 : i32 to index
        %parallel_loop3A_682 = arith.constant 160 : index
        %parallel_loop3A_683 = tpu.vector_load %arg9[%parallel_loop3A_680, %parallel_loop3A_681, %parallel_loop3A_682] {strides = array<i32>} : memref<2x32x256xf32, #tpu.memory_space<vmem>>, vector<1x1x16xf32>,
        %parallel_loop3A_684 = vector.shape_cast %parallel_loop3A_683 : vector<1x1x16xf32> to vector<16xf32>
        %parallel_loop3A_685 = vector.shape_cast %parallel_loop3A_678 : vector<16xf32> to vector<1x1x16xf32>
        tpu.vector_store %arg9[%parallel_loop3A_680, %parallel_loop3A_681, %parallel_loop3A_682], %parallel_loop3A_685 {strides = array<i32>} : memref<2x32x256xf32, #tpu.memory_space<vmem>>, vector<1x1x16xf32>,
        %parallel_loop3A_686 = arith.constant 3 : i32
        %parallel_loop3A_687 = arith.muli %parallel_loop3A_686, %parallel_loop3A_217 : i32
        %parallel_loop3A_688 = arith.constant 1 : i32
        %parallel_loop3A_689 = arith.index_cast %parallel_loop3A_688 : i32 to index
        %parallel_loop3A_690 = arith.index_cast %parallel_loop3A_687 : i32 to index
        %parallel_loop3A_691 = arith.constant 176 : index
        %parallel_loop3A_692 = tpu.vector_load %arg8[%parallel_loop3A_689, %parallel_loop3A_690, %parallel_loop3A_691] {strides = array<i32>} : memref<2x96x256xf32, #tpu.memory_space<vmem>>, vector<1x1x16xf32>,
        %parallel_loop3A_693 = vector.shape_cast %parallel_loop3A_692 : vector<1x1x16xf32> to vector<16xf32>
        %parallel_loop3A_694 = arith.mulf %parallel_loop3A_693, %parallel_loop3A_225 : vector<16xf32>
        %parallel_loop3A_695 = arith.constant 3 : i32
        %parallel_loop3A_696 = arith.muli %parallel_loop3A_695, %parallel_loop3A_217 : i32
        %parallel_loop3A_697 = arith.constant 1 : i32
        %parallel_loop3A_698 = arith.addi %parallel_loop3A_696, %parallel_loop3A_697 : i32
        %parallel_loop3A_699 = arith.constant 1 : i32
        %parallel_loop3A_700 = arith.index_cast %parallel_loop3A_699 : i32 to index
        %parallel_loop3A_701 = arith.index_cast %parallel_loop3A_698 : i32 to index
        %parallel_loop3A_702 = arith.constant 176 : index
        %parallel_loop3A_703 = tpu.vector_load %arg8[%parallel_loop3A_700, %parallel_loop3A_701, %parallel_loop3A_702] {strides = array<i32>} : memref<2x96x256xf32, #tpu.memory_space<vmem>>, vector<1x1x16xf32>,
        %parallel_loop3A_704 = vector.shape_cast %parallel_loop3A_703 : vector<1x1x16xf32> to vector<16xf32>
        %parallel_loop3A_705 = arith.mulf %parallel_loop3A_704, %parallel_loop3A_235 : vector<16xf32>
        %parallel_loop3A_706 = arith.addf %parallel_loop3A_694, %parallel_loop3A_705 : vector<16xf32>
        %parallel_loop3A_707 = arith.constant 3 : i32
        %parallel_loop3A_708 = arith.muli %parallel_loop3A_707, %parallel_loop3A_217 : i32
        %parallel_loop3A_709 = arith.constant 2 : i32
        %parallel_loop3A_710 = arith.addi %parallel_loop3A_708, %parallel_loop3A_709 : i32
        %parallel_loop3A_711 = arith.constant 1 : i32
        %parallel_loop3A_712 = arith.index_cast %parallel_loop3A_711 : i32 to index
        %parallel_loop3A_713 = arith.index_cast %parallel_loop3A_710 : i32 to index
        %parallel_loop3A_714 = arith.constant 176 : index
        %parallel_loop3A_715 = tpu.vector_load %arg8[%parallel_loop3A_712, %parallel_loop3A_713, %parallel_loop3A_714] {strides = array<i32>} : memref<2x96x256xf32, #tpu.memory_space<vmem>>, vector<1x1x16xf32>,
        %parallel_loop3A_716 = vector.shape_cast %parallel_loop3A_715 : vector<1x1x16xf32> to vector<16xf32>
        %parallel_loop3A_717 = arith.mulf %parallel_loop3A_716, %parallel_loop3A_245 : vector<16xf32>
        %parallel_loop3A_718 = arith.addf %parallel_loop3A_706, %parallel_loop3A_717 : vector<16xf32>
        %parallel_loop3A_719 = arith.constant 1 : i32
        %parallel_loop3A_720 = arith.index_cast %parallel_loop3A_719 : i32 to index
        %parallel_loop3A_721 = arith.index_cast %parallel_loop3A_217 : i32 to index
        %parallel_loop3A_722 = arith.constant 176 : index
        %parallel_loop3A_723 = tpu.vector_load %arg9[%parallel_loop3A_720, %parallel_loop3A_721, %parallel_loop3A_722] {strides = array<i32>} : memref<2x32x256xf32, #tpu.memory_space<vmem>>, vector<1x1x16xf32>,
        %parallel_loop3A_724 = vector.shape_cast %parallel_loop3A_723 : vector<1x1x16xf32> to vector<16xf32>
        %parallel_loop3A_725 = vector.shape_cast %parallel_loop3A_718 : vector<16xf32> to vector<1x1x16xf32>
        tpu.vector_store %arg9[%parallel_loop3A_720, %parallel_loop3A_721, %parallel_loop3A_722], %parallel_loop3A_725 {strides = array<i32>} : memref<2x32x256xf32, #tpu.memory_space<vmem>>, vector<1x1x16xf32>,
        %parallel_loop3A_726 = arith.constant 3 : i32
        %parallel_loop3A_727 = arith.muli %parallel_loop3A_726, %parallel_loop3A_217 : i32
        %parallel_loop3A_728 = arith.constant 1 : i32
        %parallel_loop3A_729 = arith.index_cast %parallel_loop3A_728 : i32 to index
        %parallel_loop3A_730 = arith.index_cast %parallel_loop3A_727 : i32 to index
        %parallel_loop3A_731 = arith.constant 192 : index
        %parallel_loop3A_732 = tpu.vector_load %arg8[%parallel_loop3A_729, %parallel_loop3A_730, %parallel_loop3A_731] {strides = array<i32>} : memref<2x96x256xf32, #tpu.memory_space<vmem>>, vector<1x1x16xf32>,
        %parallel_loop3A_733 = vector.shape_cast %parallel_loop3A_732 : vector<1x1x16xf32> to vector<16xf32>
        %parallel_loop3A_734 = arith.mulf %parallel_loop3A_733, %parallel_loop3A_225 : vector<16xf32>
        %parallel_loop3A_735 = arith.constant 3 : i32
        %parallel_loop3A_736 = arith.muli %parallel_loop3A_735, %parallel_loop3A_217 : i32
        %parallel_loop3A_737 = arith.constant 1 : i32
        %parallel_loop3A_738 = arith.addi %parallel_loop3A_736, %parallel_loop3A_737 : i32
        %parallel_loop3A_739 = arith.constant 1 : i32
        %parallel_loop3A_740 = arith.index_cast %parallel_loop3A_739 : i32 to index
        %parallel_loop3A_741 = arith.index_cast %parallel_loop3A_738 : i32 to index
        %parallel_loop3A_742 = arith.constant 192 : index
        %parallel_loop3A_743 = tpu.vector_load %arg8[%parallel_loop3A_740, %parallel_loop3A_741, %parallel_loop3A_742] {strides = array<i32>} : memref<2x96x256xf32, #tpu.memory_space<vmem>>, vector<1x1x16xf32>,
        %parallel_loop3A_744 = vector.shape_cast %parallel_loop3A_743 : vector<1x1x16xf32> to vector<16xf32>
        %parallel_loop3A_745 = arith.mulf %parallel_loop3A_744, %parallel_loop3A_235 : vector<16xf32>
        %parallel_loop3A_746 = arith.addf %parallel_loop3A_734, %parallel_loop3A_745 : vector<16xf32>
        %parallel_loop3A_747 = arith.constant 3 : i32
        %parallel_loop3A_748 = arith.muli %parallel_loop3A_747, %parallel_loop3A_217 : i32
        %parallel_loop3A_749 = arith.constant 2 : i32
        %parallel_loop3A_750 = arith.addi %parallel_loop3A_748, %parallel_loop3A_749 : i32
        %parallel_loop3A_751 = arith.constant 1 : i32
        %parallel_loop3A_752 = arith.index_cast %parallel_loop3A_751 : i32 to index
        %parallel_loop3A_753 = arith.index_cast %parallel_loop3A_750 : i32 to index
        %parallel_loop3A_754 = arith.constant 192 : index
        %parallel_loop3A_755 = tpu.vector_load %arg8[%parallel_loop3A_752, %parallel_loop3A_753, %parallel_loop3A_754] {strides = array<i32>} : memref<2x96x256xf32, #tpu.memory_space<vmem>>, vector<1x1x16xf32>,
        %parallel_loop3A_756 = vector.shape_cast %parallel_loop3A_755 : vector<1x1x16xf32> to vector<16xf32>
        %parallel_loop3A_757 = arith.mulf %parallel_loop3A_756, %parallel_loop3A_245 : vector<16xf32>
        %parallel_loop3A_758 = arith.addf %parallel_loop3A_746, %parallel_loop3A_757 : vector<16xf32>
        %parallel_loop3A_759 = arith.constant 1 : i32
        %parallel_loop3A_760 = arith.index_cast %parallel_loop3A_759 : i32 to index
        %parallel_loop3A_761 = arith.index_cast %parallel_loop3A_217 : i32 to index
        %parallel_loop3A_762 = arith.constant 192 : index
        %parallel_loop3A_763 = tpu.vector_load %arg9[%parallel_loop3A_760, %parallel_loop3A_761, %parallel_loop3A_762] {strides = array<i32>} : memref<2x32x256xf32, #tpu.memory_space<vmem>>, vector<1x1x16xf32>,
        %parallel_loop3A_764 = vector.shape_cast %parallel_loop3A_763 : vector<1x1x16xf32> to vector<16xf32>
        %parallel_loop3A_765 = vector.shape_cast %parallel_loop3A_758 : vector<16xf32> to vector<1x1x16xf32>
        tpu.vector_store %arg9[%parallel_loop3A_760, %parallel_loop3A_761, %parallel_loop3A_762], %parallel_loop3A_765 {strides = array<i32>} : memref<2x32x256xf32, #tpu.memory_space<vmem>>, vector<1x1x16xf32>,
        %parallel_loop3A_766 = arith.constant 3 : i32
        %parallel_loop3A_767 = arith.muli %parallel_loop3A_766, %parallel_loop3A_217 : i32
        %parallel_loop3A_768 = arith.constant 1 : i32
        %parallel_loop3A_769 = arith.index_cast %parallel_loop3A_768 : i32 to index
        %parallel_loop3A_770 = arith.index_cast %parallel_loop3A_767 : i32 to index
        %parallel_loop3A_771 = arith.constant 208 : index
        %parallel_loop3A_772 = tpu.vector_load %arg8[%parallel_loop3A_769, %parallel_loop3A_770, %parallel_loop3A_771] {strides = array<i32>} : memref<2x96x256xf32, #tpu.memory_space<vmem>>, vector<1x1x16xf32>,
        %parallel_loop3A_773 = vector.shape_cast %parallel_loop3A_772 : vector<1x1x16xf32> to vector<16xf32>
        %parallel_loop3A_774 = arith.mulf %parallel_loop3A_773, %parallel_loop3A_225 : vector<16xf32>
        %parallel_loop3A_775 = arith.constant 3 : i32
        %parallel_loop3A_776 = arith.muli %parallel_loop3A_775, %parallel_loop3A_217 : i32
        %parallel_loop3A_777 = arith.constant 1 : i32
        %parallel_loop3A_778 = arith.addi %parallel_loop3A_776, %parallel_loop3A_777 : i32
        %parallel_loop3A_779 = arith.constant 1 : i32
        %parallel_loop3A_780 = arith.index_cast %parallel_loop3A_779 : i32 to index
        %parallel_loop3A_781 = arith.index_cast %parallel_loop3A_778 : i32 to index
        %parallel_loop3A_782 = arith.constant 208 : index
        %parallel_loop3A_783 = tpu.vector_load %arg8[%parallel_loop3A_780, %parallel_loop3A_781, %parallel_loop3A_782] {strides = array<i32>} : memref<2x96x256xf32, #tpu.memory_space<vmem>>, vector<1x1x16xf32>,
        %parallel_loop3A_784 = vector.shape_cast %parallel_loop3A_783 : vector<1x1x16xf32> to vector<16xf32>
        %parallel_loop3A_785 = arith.mulf %parallel_loop3A_784, %parallel_loop3A_235 : vector<16xf32>
        %parallel_loop3A_786 = arith.addf %parallel_loop3A_774, %parallel_loop3A_785 : vector<16xf32>
        %parallel_loop3A_787 = arith.constant 3 : i32
        %parallel_loop3A_788 = arith.muli %parallel_loop3A_787, %parallel_loop3A_217 : i32
        %parallel_loop3A_789 = arith.constant 2 : i32
        %parallel_loop3A_790 = arith.addi %parallel_loop3A_788, %parallel_loop3A_789 : i32
        %parallel_loop3A_791 = arith.constant 1 : i32
        %parallel_loop3A_792 = arith.index_cast %parallel_loop3A_791 : i32 to index
        %parallel_loop3A_793 = arith.index_cast %parallel_loop3A_790 : i32 to index
        %parallel_loop3A_794 = arith.constant 208 : index
        %parallel_loop3A_795 = tpu.vector_load %arg8[%parallel_loop3A_792, %parallel_loop3A_793, %parallel_loop3A_794] {strides = array<i32>} : memref<2x96x256xf32, #tpu.memory_space<vmem>>, vector<1x1x16xf32>,
        %parallel_loop3A_796 = vector.shape_cast %parallel_loop3A_795 : vector<1x1x16xf32> to vector<16xf32>
        %parallel_loop3A_797 = arith.mulf %parallel_loop3A_796, %parallel_loop3A_245 : vector<16xf32>
        %parallel_loop3A_798 = arith.addf %parallel_loop3A_786, %parallel_loop3A_797 : vector<16xf32>
        %parallel_loop3A_799 = arith.constant 1 : i32
        %parallel_loop3A_800 = arith.index_cast %parallel_loop3A_799 : i32 to index
        %parallel_loop3A_801 = arith.index_cast %parallel_loop3A_217 : i32 to index
        %parallel_loop3A_802 = arith.constant 208 : index
        %parallel_loop3A_803 = tpu.vector_load %arg9[%parallel_loop3A_800, %parallel_loop3A_801, %parallel_loop3A_802] {strides = array<i32>} : memref<2x32x256xf32, #tpu.memory_space<vmem>>, vector<1x1x16xf32>,
        %parallel_loop3A_804 = vector.shape_cast %parallel_loop3A_803 : vector<1x1x16xf32> to vector<16xf32>
        %parallel_loop3A_805 = vector.shape_cast %parallel_loop3A_798 : vector<16xf32> to vector<1x1x16xf32>
        tpu.vector_store %arg9[%parallel_loop3A_800, %parallel_loop3A_801, %parallel_loop3A_802], %parallel_loop3A_805 {strides = array<i32>} : memref<2x32x256xf32, #tpu.memory_space<vmem>>, vector<1x1x16xf32>,
        %parallel_loop3A_806 = arith.constant 3 : i32
        %parallel_loop3A_807 = arith.muli %parallel_loop3A_806, %parallel_loop3A_217 : i32
        %parallel_loop3A_808 = arith.constant 1 : i32
        %parallel_loop3A_809 = arith.index_cast %parallel_loop3A_808 : i32 to index
        %parallel_loop3A_810 = arith.index_cast %parallel_loop3A_807 : i32 to index
        %parallel_loop3A_811 = arith.constant 224 : index
        %parallel_loop3A_812 = tpu.vector_load %arg8[%parallel_loop3A_809, %parallel_loop3A_810, %parallel_loop3A_811] {strides = array<i32>} : memref<2x96x256xf32, #tpu.memory_space<vmem>>, vector<1x1x16xf32>,
        %parallel_loop3A_813 = vector.shape_cast %parallel_loop3A_812 : vector<1x1x16xf32> to vector<16xf32>
        %parallel_loop3A_814 = arith.mulf %parallel_loop3A_813, %parallel_loop3A_225 : vector<16xf32>
        %parallel_loop3A_815 = arith.constant 3 : i32
        %parallel_loop3A_816 = arith.muli %parallel_loop3A_815, %parallel_loop3A_217 : i32
        %parallel_loop3A_817 = arith.constant 1 : i32
        %parallel_loop3A_818 = arith.addi %parallel_loop3A_816, %parallel_loop3A_817 : i32
        %parallel_loop3A_819 = arith.constant 1 : i32
        %parallel_loop3A_820 = arith.index_cast %parallel_loop3A_819 : i32 to index
        %parallel_loop3A_821 = arith.index_cast %parallel_loop3A_818 : i32 to index
        %parallel_loop3A_822 = arith.constant 224 : index
        %parallel_loop3A_823 = tpu.vector_load %arg8[%parallel_loop3A_820, %parallel_loop3A_821, %parallel_loop3A_822] {strides = array<i32>} : memref<2x96x256xf32, #tpu.memory_space<vmem>>, vector<1x1x16xf32>,
        %parallel_loop3A_824 = vector.shape_cast %parallel_loop3A_823 : vector<1x1x16xf32> to vector<16xf32>
        %parallel_loop3A_825 = arith.mulf %parallel_loop3A_824, %parallel_loop3A_235 : vector<16xf32>
        %parallel_loop3A_826 = arith.addf %parallel_loop3A_814, %parallel_loop3A_825 : vector<16xf32>
        %parallel_loop3A_827 = arith.constant 3 : i32
        %parallel_loop3A_828 = arith.muli %parallel_loop3A_827, %parallel_loop3A_217 : i32
        %parallel_loop3A_829 = arith.constant 2 : i32
        %parallel_loop3A_830 = arith.addi %parallel_loop3A_828, %parallel_loop3A_829 : i32
        %parallel_loop3A_831 = arith.constant 1 : i32
        %parallel_loop3A_832 = arith.index_cast %parallel_loop3A_831 : i32 to index
        %parallel_loop3A_833 = arith.index_cast %parallel_loop3A_830 : i32 to index
        %parallel_loop3A_834 = arith.constant 224 : index
        %parallel_loop3A_835 = tpu.vector_load %arg8[%parallel_loop3A_832, %parallel_loop3A_833, %parallel_loop3A_834] {strides = array<i32>} : memref<2x96x256xf32, #tpu.memory_space<vmem>>, vector<1x1x16xf32>,
        %parallel_loop3A_836 = vector.shape_cast %parallel_loop3A_835 : vector<1x1x16xf32> to vector<16xf32>
        %parallel_loop3A_837 = arith.mulf %parallel_loop3A_836, %parallel_loop3A_245 : vector<16xf32>
        %parallel_loop3A_838 = arith.addf %parallel_loop3A_826, %parallel_loop3A_837 : vector<16xf32>
        %parallel_loop3A_839 = arith.constant 1 : i32
        %parallel_loop3A_840 = arith.index_cast %parallel_loop3A_839 : i32 to index
        %parallel_loop3A_841 = arith.index_cast %parallel_loop3A_217 : i32 to index
        %parallel_loop3A_842 = arith.constant 224 : index
        %parallel_loop3A_843 = tpu.vector_load %arg9[%parallel_loop3A_840, %parallel_loop3A_841, %parallel_loop3A_842] {strides = array<i32>} : memref<2x32x256xf32, #tpu.memory_space<vmem>>, vector<1x1x16xf32>,
        %parallel_loop3A_844 = vector.shape_cast %parallel_loop3A_843 : vector<1x1x16xf32> to vector<16xf32>
        %parallel_loop3A_845 = vector.shape_cast %parallel_loop3A_838 : vector<16xf32> to vector<1x1x16xf32>
        tpu.vector_store %arg9[%parallel_loop3A_840, %parallel_loop3A_841, %parallel_loop3A_842], %parallel_loop3A_845 {strides = array<i32>} : memref<2x32x256xf32, #tpu.memory_space<vmem>>, vector<1x1x16xf32>,
        %parallel_loop3A_846 = arith.constant 3 : i32
        %parallel_loop3A_847 = arith.muli %parallel_loop3A_846, %parallel_loop3A_217 : i32
        %parallel_loop3A_848 = arith.constant 1 : i32
        %parallel_loop3A_849 = arith.index_cast %parallel_loop3A_848 : i32 to index
        %parallel_loop3A_850 = arith.index_cast %parallel_loop3A_847 : i32 to index
        %parallel_loop3A_851 = arith.constant 240 : index
        %parallel_loop3A_852 = tpu.vector_load %arg8[%parallel_loop3A_849, %parallel_loop3A_850, %parallel_loop3A_851] {strides = array<i32>} : memref<2x96x256xf32, #tpu.memory_space<vmem>>, vector<1x1x16xf32>,
        %parallel_loop3A_853 = vector.shape_cast %parallel_loop3A_852 : vector<1x1x16xf32> to vector<16xf32>
        %parallel_loop3A_854 = arith.mulf %parallel_loop3A_853, %parallel_loop3A_225 : vector<16xf32>
        %parallel_loop3A_855 = arith.constant 3 : i32
        %parallel_loop3A_856 = arith.muli %parallel_loop3A_855, %parallel_loop3A_217 : i32
        %parallel_loop3A_857 = arith.constant 1 : i32
        %parallel_loop3A_858 = arith.addi %parallel_loop3A_856, %parallel_loop3A_857 : i32
        %parallel_loop3A_859 = arith.constant 1 : i32
        %parallel_loop3A_860 = arith.index_cast %parallel_loop3A_859 : i32 to index
        %parallel_loop3A_861 = arith.index_cast %parallel_loop3A_858 : i32 to index
        %parallel_loop3A_862 = arith.constant 240 : index
        %parallel_loop3A_863 = tpu.vector_load %arg8[%parallel_loop3A_860, %parallel_loop3A_861, %parallel_loop3A_862] {strides = array<i32>} : memref<2x96x256xf32, #tpu.memory_space<vmem>>, vector<1x1x16xf32>,
        %parallel_loop3A_864 = vector.shape_cast %parallel_loop3A_863 : vector<1x1x16xf32> to vector<16xf32>
        %parallel_loop3A_865 = arith.mulf %parallel_loop3A_864, %parallel_loop3A_235 : vector<16xf32>
        %parallel_loop3A_866 = arith.addf %parallel_loop3A_854, %parallel_loop3A_865 : vector<16xf32>
        %parallel_loop3A_867 = arith.constant 3 : i32
        %parallel_loop3A_868 = arith.muli %parallel_loop3A_867, %parallel_loop3A_217 : i32
        %parallel_loop3A_869 = arith.constant 2 : i32
        %parallel_loop3A_870 = arith.addi %parallel_loop3A_868, %parallel_loop3A_869 : i32
        %parallel_loop3A_871 = arith.constant 1 : i32
        %parallel_loop3A_872 = arith.index_cast %parallel_loop3A_871 : i32 to index
        %parallel_loop3A_873 = arith.index_cast %parallel_loop3A_870 : i32 to index
        %parallel_loop3A_874 = arith.constant 240 : index
        %parallel_loop3A_875 = tpu.vector_load %arg8[%parallel_loop3A_872, %parallel_loop3A_873, %parallel_loop3A_874] {strides = array<i32>} : memref<2x96x256xf32, #tpu.memory_space<vmem>>, vector<1x1x16xf32>,
        %parallel_loop3A_876 = vector.shape_cast %parallel_loop3A_875 : vector<1x1x16xf32> to vector<16xf32>
        %parallel_loop3A_877 = arith.mulf %parallel_loop3A_876, %parallel_loop3A_245 : vector<16xf32>
        %parallel_loop3A_878 = arith.addf %parallel_loop3A_866, %parallel_loop3A_877 : vector<16xf32>
        %parallel_loop3A_879 = arith.constant 1 : i32
        %parallel_loop3A_880 = arith.index_cast %parallel_loop3A_879 : i32 to index
        %parallel_loop3A_881 = arith.index_cast %parallel_loop3A_217 : i32 to index
        %parallel_loop3A_882 = arith.constant 240 : index
        %parallel_loop3A_883 = tpu.vector_load %arg9[%parallel_loop3A_880, %parallel_loop3A_881, %parallel_loop3A_882] {strides = array<i32>} : memref<2x32x256xf32, #tpu.memory_space<vmem>>, vector<1x1x16xf32>,
        %parallel_loop3A_884 = vector.shape_cast %parallel_loop3A_883 : vector<1x1x16xf32> to vector<16xf32>
        %parallel_loop3A_885 = vector.shape_cast %parallel_loop3A_878 : vector<16xf32> to vector<1x1x16xf32>
        tpu.vector_store %arg9[%parallel_loop3A_880, %parallel_loop3A_881, %parallel_loop3A_882], %parallel_loop3A_885 {strides = array<i32>} : memref<2x32x256xf32, #tpu.memory_space<vmem>>, vector<1x1x16xf32>,
      } {sc.loop_unroll_factor = 2 : i64, sc.parallel_access}
      %mul3A_194 = arith.constant 32 : i32
      %mul3A_195 = arith.muli %add3A_152, %mul3A_194 : i32
      %dma_start3A_196 = arith.constant 1 : i32
      %dma_start3A_197 = arith.constant 0 : i32
      %dma_start3A_198 = arith.constant 0 : i32
      %dma_start3A_199 = tpu.memref_slice %arg9[%dma_start3A_196, %dma_start3A_197, %dma_start3A_198] : memref<2x32x256xf32, #tpu.memory_space<vmem>> -> memref<1x32x256xf32, #tpu.memory_space<vmem>>
      %dma_start3A_200 = tpu.memref_squeeze %dma_start3A_199 : memref<1x32x256xf32, #tpu.memory_space<vmem>> -> memref<32x256xf32, #tpu.memory_space<vmem>>
      %dma_start3A_201 = arith.constant 0 : i32
      %dma_start3A_202 = arith.constant 0 : i32
      %dma_start3A_203 = tpu.memref_slice %arg5[%add3A, %dma_start3A_201, %dma_start3A_202] : memref<32x2048x256xf32, #tpu.memory_space<hbm>> -> memref<1x2048x256xf32, #tpu.memory_space<hbm>>
      %dma_start3A_204 = tpu.memref_squeeze %dma_start3A_203 : memref<1x2048x256xf32, #tpu.memory_space<hbm>> -> memref<2048x256xf32, #tpu.memory_space<hbm>>
      %dma_start3A_205 = arith.constant 0 : i32
      %dma_start3A_206 = tpu.memref_slice %dma_start3A_204[%mul3A_195, %dma_start3A_205] : memref<2048x256xf32, #tpu.memory_space<hbm>> -> memref<32x256xf32, #tpu.memory_space<hbm>>
      %dma_start3A_207 = arith.constant 0 : i32
      %dma_start3A_208 = arith.constant 0 : i32
      %dma_start3A_209 = tpu.memref_slice %arg5[%add3A, %dma_start3A_207, %dma_start3A_208] : memref<32x2048x256xf32, #tpu.memory_space<hbm>> -> memref<1x2048x256xf32, #tpu.memory_space<hbm>>
      %dma_start3A_210 = tpu.memref_squeeze %dma_start3A_209 : memref<1x2048x256xf32, #tpu.memory_space<hbm>> -> memref<2048x256xf32, #tpu.memory_space<hbm>>
      %dma_start3A_211 = arith.constant 0 : i32
      %dma_start3A_212 = tpu.memref_slice %dma_start3A_210[%mul3A_195, %dma_start3A_211] : memref<2048x256xf32, #tpu.memory_space<hbm>> -> memref<32x256xf32, #tpu.memory_space<hbm>>
      %dma_start3A_213 = arith.constant 0 : i32
      %dma_start3A_214 = arith.constant 0 : i32
      %dma_start3A_215 = tpu.memref_slice %arg9[%dma_start3A_196, %dma_start3A_213, %dma_start3A_214] : memref<2x32x256xf32, #tpu.memory_space<vmem>> -> memref<1x32x256xf32, #tpu.memory_space<vmem>>
      %dma_start3A_216 = tpu.memref_squeeze %dma_start3A_215 : memref<1x32x256xf32, #tpu.memory_space<vmem>> -> memref<32x256xf32, #tpu.memory_space<vmem>>
      tpu.enqueue_dma source(%dma_start3A_216 : memref<32x256xf32, #tpu.memory_space<vmem>>) target(%dma_start3A_212 : memref<32x256xf32, #tpu.memory_space<hbm>>) target_semaphore(%arg15 : memref<!tpu.dma_semaphore, #tpu.memory_space<semaphore_mem>>)
    }
    %scan3A_39 = arith.constant 32 : i32
    %dma_wait3A = arith.constant 0 : i32
    %dma_wait3A_40 = arith.constant 0 : i32
    %dma_wait3A_41 = arith.constant 0 : i32
    %dma_wait3A_42 = tpu.memref_slice %arg9[%dma_wait3A, %dma_wait3A_40, %dma_wait3A_41] : memref<2x32x256xf32, #tpu.memory_space<vmem>> -> memref<1x32x256xf32, #tpu.memory_space<vmem>>
    %dma_wait3A_43 = tpu.memref_squeeze %dma_wait3A_42 : memref<1x32x256xf32, #tpu.memory_space<vmem>> -> memref<32x256xf32, #tpu.memory_space<vmem>>
    %dma_wait3A_44 = arith.constant 0 : i32
    %dma_wait3A_45 = arith.constant 0 : i32
    %dma_wait3A_46 = tpu.memref_slice %arg5[%add3A, %dma_wait3A_44, %dma_wait3A_45] : memref<32x2048x256xf32, #tpu.memory_space<hbm>> -> memref<1x2048x256xf32, #tpu.memory_space<hbm>>
    %dma_wait3A_47 = tpu.memref_squeeze %dma_wait3A_46 : memref<1x2048x256xf32, #tpu.memory_space<hbm>> -> memref<2048x256xf32, #tpu.memory_space<hbm>>
    %dma_wait3A_48 = arith.constant 1984 : i32
    %dma_wait3A_49 = arith.constant 0 : i32
    %dma_wait3A_50 = tpu.memref_slice %dma_wait3A_47[%dma_wait3A_48, %dma_wait3A_49] : memref<2048x256xf32, #tpu.memory_space<hbm>> -> memref<32x256xf32, #tpu.memory_space<hbm>>
    %dma_wait3A_51 = arith.constant 0 : i32
    %dma_wait3A_52 = arith.constant 0 : i32
    %dma_wait3A_53 = tpu.memref_slice %arg5[%add3A, %dma_wait3A_51, %dma_wait3A_52] : memref<32x2048x256xf32, #tpu.memory_space<hbm>> -> memref<1x2048x256xf32, #tpu.memory_space<hbm>>
    %dma_wait3A_54 = tpu.memref_squeeze %dma_wait3A_53 : memref<1x2048x256xf32, #tpu.memory_space<hbm>> -> memref<2048x256xf32, #tpu.memory_space<hbm>>
    %dma_wait3A_55 = arith.constant 1984 : i32
    %dma_wait3A_56 = arith.constant 0 : i32
    %dma_wait3A_57 = tpu.memref_slice %dma_wait3A_54[%dma_wait3A_55, %dma_wait3A_56] : memref<2048x256xf32, #tpu.memory_space<hbm>> -> memref<32x256xf32, #tpu.memory_space<hbm>>
    %dma_wait3A_58 = arith.constant 0 : i32
    %dma_wait3A_59 = arith.constant 0 : i32
    %dma_wait3A_60 = tpu.memref_slice %arg9[%dma_wait3A, %dma_wait3A_58, %dma_wait3A_59] : memref<2x32x256xf32, #tpu.memory_space<vmem>> -> memref<1x32x256xf32, #tpu.memory_space<vmem>>
    %dma_wait3A_61 = tpu.memref_squeeze %dma_wait3A_60 : memref<1x32x256xf32, #tpu.memory_space<vmem>> -> memref<32x256xf32, #tpu.memory_space<vmem>>
    tpu.wait_dma2 semaphore(%arg14 : memref<!tpu.dma_semaphore, #tpu.memory_space<semaphore_mem>>) src(%dma_wait3A_61 : memref<32x256xf32, #tpu.memory_space<vmem>>) dst(%dma_wait3A_57 : memref<32x256xf32, #tpu.memory_space<hbm>>)
    %dma_wait3A_62 = arith.constant 1 : i32
    %dma_wait3A_63 = arith.constant 0 : i32
    %dma_wait3A_64 = arith.constant 0 : i32
    %dma_wait3A_65 = tpu.memref_slice %arg9[%dma_wait3A_62, %dma_wait3A_63, %dma_wait3A_64] : memref<2x32x256xf32, #tpu.memory_space<vmem>> -> memref<1x32x256xf32, #tpu.memory_space<vmem>>
    %dma_wait3A_66 = tpu.memref_squeeze %dma_wait3A_65 : memref<1x32x256xf32, #tpu.memory_space<vmem>> -> memref<32x256xf32, #tpu.memory_space<vmem>>
    %dma_wait3A_67 = arith.constant 0 : i32
    %dma_wait3A_68 = arith.constant 0 : i32
    %dma_wait3A_69 = tpu.memref_slice %arg5[%add3A, %dma_wait3A_67, %dma_wait3A_68] : memref<32x2048x256xf32, #tpu.memory_space<hbm>> -> memref<1x2048x256xf32, #tpu.memory_space<hbm>>
    %dma_wait3A_70 = tpu.memref_squeeze %dma_wait3A_69 : memref<1x2048x256xf32, #tpu.memory_space<hbm>> -> memref<2048x256xf32, #tpu.memory_space<hbm>>
    %dma_wait3A_71 = arith.constant 2016 : i32
    %dma_wait3A_72 = arith.constant 0 : i32
    %dma_wait3A_73 = tpu.memref_slice %dma_wait3A_70[%dma_wait3A_71, %dma_wait3A_72] : memref<2048x256xf32, #tpu.memory_space<hbm>> -> memref<32x256xf32, #tpu.memory_space<hbm>>
    %dma_wait3A_74 = arith.constant 0 : i32
    %dma_wait3A_75 = arith.constant 0 : i32
    %dma_wait3A_76 = tpu.memref_slice %arg5[%add3A, %dma_wait3A_74, %dma_wait3A_75] : memref<32x2048x256xf32, #tpu.memory_space<hbm>> -> memref<1x2048x256xf32, #tpu.memory_space<hbm>>
    %dma_wait3A_77 = tpu.memref_squeeze %dma_wait3A_76 : memref<1x2048x256xf32, #tpu.memory_space<hbm>> -> memref<2048x256xf32, #tpu.memory_space<hbm>>
    %dma_wait3A_78 = arith.constant 2016 : i32
    %dma_wait3A_79 = arith.constant 0 : i32
    %dma_wait3A_80 = tpu.memref_slice %dma_wait3A_77[%dma_wait3A_78, %dma_wait3A_79] : memref<2048x256xf32, #tpu.memory_space<hbm>> -> memref<32x256xf32, #tpu.memory_space<hbm>>
    %dma_wait3A_81 = arith.constant 0 : i32
    %dma_wait3A_82 = arith.constant 0 : i32
    %dma_wait3A_83 = tpu.memref_slice %arg9[%dma_wait3A_62, %dma_wait3A_81, %dma_wait3A_82] : memref<2x32x256xf32, #tpu.memory_space<vmem>> -> memref<1x32x256xf32, #tpu.memory_space<vmem>>
    %dma_wait3A_84 = tpu.memref_squeeze %dma_wait3A_83 : memref<1x32x256xf32, #tpu.memory_space<vmem>> -> memref<32x256xf32, #tpu.memory_space<vmem>>
    tpu.wait_dma2 semaphore(%arg15 : memref<!tpu.dma_semaphore, #tpu.memory_space<semaphore_mem>>) src(%dma_wait3A_84 : memref<32x256xf32, #tpu.memory_space<vmem>>) dst(%dma_wait3A_80 : memref<32x256xf32, #tpu.memory_space<hbm>>)
    return
  }
}

</mosaic_0001>

<sc_bundles>
// kernel: kernel.3.cloned.1.call-start
scs
__scs_entry_jumppad:
0x0: {  	(pc) =	sbr.rel $0x88, $3  }
0x1: {  	(tag) =	ssettag $0x0;
	lr =	simm.s32 $0x1  }
0x2: {  	[smem:$0x3F9E] =	sst lr;
	_ =	strace $0xD0000000  }
0x3: {  	_ = 	snop  }
0x4: {  	_ = 	snop  }
0x5: {  	_ = 	snop  }
0x6: {  	_ = 	snop  }
0x7: {  	_ = 	snop  }
__scs_overlays_trampoline_lowered:
0x8: {  	[smem:$0x3FAD] =	sst s0  }
0x9: {  	[smem:$0x3FAE] =	sst s1  }
0xa: {  	[smem:$0x3FAF] =	sst s2  }
0xb: {  	[smem:$0x3FB0] =	sst s3  }
0xc: {  	[smem:$0x3FB1] =	sst s4  }
0xd: {  	[smem:$0x3FB2] =	sst s5  }
0xe: {  	[smem:$0x3FB3] =	sst s6  }
0xf: {  	[smem:$0x3FB4] =	sst s7  }
0x10: {  	[smem:$0x3FB5] =	sst s8  }
0x11: {  	[smem:$0x3FB6] =	sst s9;
	s0 =	simm.s32 @!p0 $0x0  }
0x12: {  	s1 =	sld [smem:$0x3F9C];
	s0 =	simm.s32 @p0 $0x1  }
0x13: {  	[smem:$0x3FB7] =	sst s0;
	s0 =	simm.s32 @!p1 $0x0  }
0x14: {  	s2 =	sld [smem:$0x3F9B];
	s0 =	simm.s32 @p1 $0x1  }
0x15: {  	[smem:$0x3FB8] =	sst s0;
	s0 =	simm.s32 @!p2 $0x0  }
0x16: {  	s3 =	sld [smem:$0x3FDB];
	s0 =	simm.s32 @p2 $0x1  }
0x17: {  	s4 =	simm.s32 $0x1BF5;
	[smem:$0x3FBA] =	sst s0  }
0x18: {  	s0 =	sld [smem:$0x3F9D];
	_ =	swait.ge [sflag:s4], $0x0  }
0x19: {  	s7 =	sld [smem:$0x3F9E]  }
0x1a: {  	s8 =	sadd.s32 $0xFFFFE003, lr  }
0x1b: {  	s9 =	sadd.s32 $0xFFFFFEF7, lr;
	s5 =	simm.s32 $0xFFFFFFFF;
	p2 =	slt.u32 s8, $0xFFFFF086  }
0x1c: {  	p1 =	slt.u32 s9, $0xF7A;
	s5 =	simm.s32 @!p2 $0x0  }
0x1d: {  	s5 =	simm.s32 @p1 $0x1;
	p0 =	seq.s32 s7, s2  }
0x1e: {  	s7 =	smul.u32 @!p0 $0xF7A, s2;
	p2 =	seq.s32 @!p0 s5, $0x0  }
0x1f: {  	s9 =	smul.u32 $0xF7A, s1;
	s8 =	simm.s32 @!p0 $0x1BF5;
	p2 =	por !p2, p0  }
0x20: {  	[sflag:s8] =	ssyncset.s32 @!p0 $0xFFFFF086;
	s6 =	sadd.s32 @!p0 s3, s7;
	s7 =	simm.s32 @!p0 $0x108  }
0x21: {  	s3 =	sadd.s32 s3, s9;
	s6 =	sadd.s32 @!p0 $0x88, s6;
	s7 =	simm.s32 @p2 $0x1082  }
0x22: {  	[simem:s7], [sflag:s8] =	dma.local @!p0 [hbm:s6], $0xF7A  }
0x23: {  	s9 =	sor.u32 $0xD0000000, s2;
	s6 =	simm.s32 $0x108;
	_ =	swait.ge @!p0 [sflag:s8], $0x0  }
0x24: {  	s3 =	sadd.s32 $0x88, s3;
	s6 =	simm.s32 @!p1 $0x1082;
	[sflag:s4] =	ssyncset.s32 $0xFFFFF086  }
0x25: {  	[simem:s6], [sflag:s4] =	dma.local [hbm:s3], $0xF7A  }
0x26: {  	[smem:$0x3F9E] =	sst s1;
	(tag) =	ssettag s2;
	_ =	strace s9  }
0x27: {  	s1 =	sld [smem:$0x3FAE]  }
0x28: {  	s2 =	sld [smem:$0x3FAF]  }
0x29: {  	s4 =	sld [smem:$0x3FB1]  }
0x2a: {  	p0 =	seq.s32 s5, $0x0;
	s5 =	sld [smem:$0x3FB2]  }
0x2b: {  	s6 =	sld [smem:$0x3FB3]  }
0x2c: {  	s7 =	sld [smem:$0x3FB4]  }
0x2d: {  	s3 =	simm.s32 $0x108;
	s8 =	sld [smem:$0x3FB5]  }
0x2e: {  	s3 =	simm.s32 @!p0 $0x1082;
	s9 =	sld [smem:$0x3FB6]  }
0x2f: {  	lr =	sadd.s32 s0, s3;
	s0 =	sld [smem:$0x3FAD]  }
0x30: {  	s3 =	sld [smem:$0x3FB0]  }
0x31: {  	[smem:$0x3FB9] =	sst s10  }
0x32: {  	s10 =	sld [smem:$0x3FB7];
	_ =	sdelay $0x3  }
0x33: {  	p0 =	seq.s32 s10, $0x1;
	s10 =	sld [smem:$0x3FB9];
	_ =	sdelay $0x3  }
0x34: {  	[smem:$0x3FB9] =	sst s10  }
0x35: {  	s10 =	sld [smem:$0x3FB8];
	_ =	sdelay $0x3  }
0x36: {  	p1 =	seq.s32 s10, $0x1;
	s10 =	sld [smem:$0x3FB9];
	_ =	sdelay $0x3  }
0x37: {  	[smem:$0x3FB9] =	sst s10  }
0x38: {  	s10 =	sld [smem:$0x3FBA]  }
0x39: {  	_ = 	snop;
	(pc) =	sbr.ind lr, $3  }
0x3a: {  	_ = 	snop  }
0x3b: {  	_ = 	snop  }
0x3c: {  	p2 =	seq.s32 s10, $0x1;
	s10 =	sld [smem:$0x3FB9]  }
0x3d: {  	_ =	shalt  }
0x3e: {  	_ =	shalt  }
0x3f: {  	_ =	shalt  }
0x40: {  	_ =	shalt  }
0x41: {  	_ =	shalt  }
0x42: {  	_ =	shalt  }
0x43: {  	_ =	shalt  }
0x44: {  	_ =	shalt  }
0x45: {  	_ =	shalt  }
0x46: {  	_ =	shalt  }
0x47: {  	_ =	shalt  }
0x48: {  	_ =	shalt  }
0x49: {  	_ =	shalt  }
0x4a: {  	_ =	shalt  }
0x4b: {  	_ =	shalt  }
0x4c: {  	_ =	shalt  }
0x4d: {  	_ =	shalt  }
0x4e: {  	_ =	shalt  }
0x4f: {  	_ =	shalt  }
0x50: {  	_ =	shalt  }
0x51: {  	_ =	shalt  }
0x52: {  	_ =	shalt  }
0x53: {  	_ =	shalt  }
0x54: {  	_ =	shalt  }
0x55: {  	_ =	shalt  }
0x56: {  	_ =	shalt  }
0x57: {  	_ =	shalt  }
0x58: {  	_ =	shalt  }
0x59: {  	_ =	shalt  }
0x5a: {  	_ =	shalt  }
0x5b: {  	_ =	shalt  }
0x5c: {  	_ =	shalt  }
0x5d: {  	_ =	shalt  }
0x5e: {  	_ =	shalt  }
0x5f: {  	_ =	shalt  }
0x60: {  	_ =	shalt  }
0x61: {  	_ =	shalt  }
0x62: {  	_ =	shalt  }
0x63: {  	_ =	shalt  }
0x64: {  	_ =	shalt  }
0x65: {  	_ =	shalt  }
0x66: {  	_ =	shalt  }
0x67: {  	_ =	shalt  }
0x68: {  	_ =	shalt  }
0x69: {  	_ =	shalt  }
0x6a: {  	_ =	shalt  }
0x6b: {  	_ =	shalt  }
0x6c: {  	_ =	shalt  }
0x6d: {  	_ =	shalt  }
0x6e: {  	_ =	shalt  }
0x6f: {  	_ =	shalt  }
0x70: {  	_ =	shalt  }
0x71: {  	_ =	shalt  }
0x72: {  	_ =	shalt  }
0x73: {  	_ =	shalt  }
0x74: {  	_ =	shalt  }
0x75: {  	_ =	shalt  }
0x76: {  	_ =	shalt  }
0x77: {  	_ =	shalt  }
0x78: {  	_ =	shalt  }
0x79: {  	_ =	shalt  }
0x7a: {  	_ =	shalt  }
0x7b: {  	_ =	shalt  }
0x7c: {  	_ =	shalt  }
0x7d: {  	_ =	shalt  }
0x7e: {  	_ =	shalt  }
0x7f: {  	_ =	shalt  }
0x80: {  	_ =	shalt  }
0x81: {  	_ =	shalt  }
0x82: {  	_ =	shalt  }
0x83: {  	_ =	shalt  }
0x84: {  	_ =	shalt  }
0x85: {  	_ =	shalt  }
0x86: {  	_ =	shalt  }
0x87: {  	_ =	shalt  }
.Lfunc_end0:
.L_simem_size_0:
called_computation_lowered:
.L_overlay_start_0:
0x88: {  	s2 =	sld [smem:$0x3FD9]  }
0x89: {  	s3 =	sld [smem:$0x3FFE];
	_ =	sdelay $0x1  }
0x8a: {  	s1 =	srdreg.scid  }
0x8b: {  	s0 =	sand.u32 $0x1, s1  }
0x8c: {  	s17 =	sshll.u32 s0, $0xA;
	s2 =	sadd.s32 s3, s2  }
0x8d: {  	s2 =	sadd.s32 s2, s17  }
0x8e: {  	[smem:$0x3FC5] =	sst s2  }
0x8f: {  	_ = 	snop  }
0x90: {  	s2 =	sld [smem:$0x3FC9]  }
0x91: {  	s18 =	sld [smem:$0x3FD0];
	(tm) =	ssettm $0x1  }
0x92: {  	s4 =	sld [smem:$0x3FFB];
	_ =	sdelay $0x3  }
0x93: {  	_ =	strace s4  }
0x94: {  	s4 =	sld [smem:$0x3FFC];
	_ =	sdelay $0x3  }
0x95: {  	_ =	strace s4  }
0x96: {  	s4 =	sld [smem:$0x3FFD];
	_ =	sdelay $0x3  }
0x97: {  	_ =	strace s4  }
0x98: {  	_ =	strace $0x8FFFFFFF  }
0x99: {  	s19 =	sld [smem:$0x3FDB];
	_ =	sdelay $0x1  }
0x9a: {  	s5 =	simm.s32 $_scs_section_size  }
0x9b: {  	s6 =	simm.s32 $_size__tile_overlayer_lowered;
	s7 =	simm.s32 $_tile_overlayer_lowered  }
0x9c: {  	s22 =	simm.s32 $0x1BFF;
	s21 =	sshll.u32 s7, $0x1;
	s4 =	sadd.s32 s5, s19  }
0x9d: {  	s8 =	simm.s32 $0x0;
	s20 =	sshll.u32 s6, $0x1;
	s6 =	sadd.s32 s21, s4  }
0x9e: {  	[timem:s8], [sflag:s22] =	dma.local [hbm:s6], s20  }
0x9f: {  	_ =	swait.ge [sflag:s22], s20  }
0xa0: {  	s5 =	ssub.s32 $0x0, s20;
	[sflag:s22] =	ssyncset.done $0x0  }
0xa1: {  	[sflag:s22] =	ssyncadd.s32 s5;
	_ =	sdelay $0x1  }
0xa2: {  	s23 =	simm.s32 $0x1B8B  }
0xa3: {  	_ =	swait.ge [sflag:s23], $0x1  }
0xa4: {  	[sflag:s23] =	ssyncset.done $0x0  }
0xa5: {  	s25 =	simm.s32 $0x1B8E;
	s24 =	sld [smem:$0x3FFE];
	[sflag:s23] =	ssyncadd.s32 $0xFFFFFFFF  }
0xa6: {  	s26 =	simm.s32 $execute0_lowered;
	[smem:$0x3FD2] =	sst s25  }
0xa7: {  	s6 =	sshll.u32 s26, $0x1;
	_ =	strace $0x80000046;
	[dreg:$0x1] =	wrdreg $0xFFFFFFFF  }
0xa8: {  	s28 =	simm.s32 $_size_execute0_lowered;
	s4 =	sadd.s32 s4, s6;
	[dreg:$0x0] =	wrdreg $0x0  }
0xa9: {  	s6 =	sshll.u32 s28, $0x1;
	[dreg:$0x2] =	wrdreg s4  }
0xaa: {  	[dreg:$0x3] =	wrdreg s6  }
0xab: {  	[dreg:$0x4] =	wrdreg $0xC0  }
0xac: {  	_ =	task [dreg:s8], $0x5FFFF  }
0xad: {  	[dreg:$0x1] =	wrdreg $0xFFFFFFFF  }
0xae: {  	[dreg:$0x0] =	wrdreg $0x60  }
0xaf: {  	[dreg:$0x2] =	wrdreg s2  }
0xb0: {  	[dreg:$0x3] =	wrdreg s24  }
0xb1: {  	[dreg:$0x4] =	wrdreg s18  }
0xb2: {  	[dreg:$0x5] =	wrdreg $0x9  }
0xb3: {  	_ =	task.clear_ibuf [dreg:s8], $0x6FFFF;
	_ =	strace $0x90000046  }
0xb4: {  	s29 =	simm.s32 $0x9;
	_ =	strace $0x80000048  }
0xb5: {  	_ =	swait.ge [sflag:s29], $0x1  }
0xb6: {  	[sflag:s29] =	ssyncadd.s32 $0xFFFFFFFF  }
0xb7: {  	_ =	strace $0x90000048  }
0xb8: {  	_ =	sfence  }
0xb9: {  	s30 =	sld [smem:$0x0];
	_ =	sdelay $0x2  }
0xba: {  	s31 =	sshll.u32 s1, $0xD;
	s1 =	sshrl.u32 s1, $0x2  }
0xbb: {  	s3 =	sand.u32 $0x4000, s31;
	s1 =	sadd.s32 s1, s30  }
0xbc: {  	s0 =	sor.u32 s3, s0;
	s1 =	sshll.u32 s1, $0x11  }
0xbd: {  	s0 =	sor.u32 s1, s0  }
0xbe: {  	s0 =	sadd.s32 $0x8F2B, s0  }
0xbf: {  	[sflag:s0] =	ssyncadd.remote.s32 $0x1  }
0xc0: {  	_ =	sfence.sel $0xFFFF  }
0xc1: {  	[dreg:$0x0] =	wrdreg $0xFFFFFFFF;
	(pc) =	sbr.abs _section_cstart, $3  }
0xc2: {  	[dreg:$0x1] =	wrdreg $0xFFFFFFFF  }
0xc3: {  	_ =	task.clear_ibuf [dreg:s8], $0x2FFFF;
	_ =	strace $0x9FFFFFFF  }
0xc4: {  	(tm) =	ssettm $0x7FFFFFFF  }
0xc5: {  	_ =	shalt  }
tec
execute0_lowered:
.L_overlay_start_1:
0x0: {  	(tag) =	ssettag $0x1  }
0x1: {  	s0 =	rddreg [dreg:$0x1]  }
0x2: {  	s1 =	rddreg [dreg:$0x2];
	s6 =	simm.s32 $0x0;
	s2 =	srdreg.scid  }
0x3: {  	s4 =	stileid.u32;
	[smem:$0x7FF] =	sst s6;
	s2 =	sand.u32 $0x1, s2  }
0x4: {  	s4 =	sshll.u32 s4, $0x1;
	s5 =	sadd.s32 $0x800, s0;
	s0 =	sadd.s32 $0x400, s0  }
0x5: {  	_ =	strace $0x80000047;
	s3 =	ssub.s32 $0x2, s2;
	s2 =	sor.u32 s2, s4  }
0x6: {  	[dreg:$0x9] =	wrdreg s5;
	s29 =	sshrl.u32 s3, $0x1;
	s31 =	sshll.u32 s2, $0x10  }
0x7: {  	v3 =	vlaneseq.u32;
	[dreg:$0xa] =	wrdreg s0;
	s30 =	ssub.s32 s3, s29;
	s1 =	sadd.s32 s1, s31  }
0x8: {  	vm0 =	vmmov $0xffff;
	v1 =	vand.u32 $0x7, v3;
	v2 =	vshrl.u32 v3, $0x3;
	s2 =	sshll.u32 s2, $0xB;
	[dreg:$0xb] =	wrdreg s1;
	s0 =	smax.u32 s30, $0x1  }
0x9: {  	v3 =	vor.u32 $0x8, v3;
	v2 =	vmul.u32 $0x8, v2;
	v0 =	vmov s2;
	s2 =	simm.s32 $0x0;
	[dreg:$0xc] =	wrdreg s0  }
.LBB2_1:
0xa: {  	[dreg:$0xd] =	wrdreg s2  }
0xb: {  	s0 =	rddreg [dreg:$0xa];
	s31 =	simm.s32 $0x7  }
0xc: {  	[tilespmem:s6], [sflag:$0x7] =	stream.linear.gather [hbm4b:s0+s6], $0x2000, $0x38;
	[tilespmem:$0x18000] =	vst v63  }
0xd: {  	_ =	swait.ge [sflag:s31], $0x2000  }
0xe: {  	[sflag:s31] =	ssyncset.done $0x0  }
0xf: {  	s0 =	simm.s32 $0x0;
	[sflag:s31] =	ssyncadd.s32 $0xFFFFE000  }
0x10: {  	v8 =	vld [tilespmem:s0+$0x0]  }
0x11: {  	v7 =	vld [tilespmem:s0+$0x10]  }
0x12: {  	v6 =	vld [tilespmem:s0+$0x20]  }
0x13: {  	v5 =	vld [tilespmem:s0+$0x30]  }
0x14: {  	s1 =	simm.s32 $0x200;
	v4 =	vld [tilespmem:s0+$0x40]  }
.LBB2_2:
0x15: {  	p0 =	sne.s32 s1, $0x7E00;
	v8 =	vadd.s32 v0, v8;
	v9 =	vld [tilespmem:s0+$0x50]  }
0x16: {  	s2 =	sshra.s32 s1, $0x2;
	[tilespmem:s0+$0x0] =	vst v8;
	v7 =	vadd.s32 v0, v7  }
.Ltmp0:
0x17: {  	v8 =	vld [tilespmem:s2+$0x0];
	[tilespmem:s0+$0x10] =	vst v7;
	v6 =	vadd.s32 v0, v6;
	(pc) =	sbr.rel @p0 .LBB2_2-.Ltmp0, $4  }
0x18: {  	v7 =	vld [tilespmem:s2+$0x10];
	[tilespmem:s0+$0x20] =	vst v6;
	v5 =	vadd.s32 v0, v5  }
0x19: {  	v6 =	vld [tilespmem:s2+$0x20];
	[tilespmem:s0+$0x30] =	vst v5;
	v4 =	vadd.s32 v0, v4  }
0x1a: {  	v5 =	vld [tilespmem:s2+$0x30];
	[tilespmem:s0+$0x40] =	vst v4;
	v9 =	vadd.s32 v0, v9  }
0x1b: {  	s1 =	sadd.s32 $0x200, s1;
	v4 =	vld [tilespmem:s2+$0x40];
	[tilespmem:s0+$0x50] =	vst v9;
	s0 =	smov.u32 s2  }
0x1c: {  	v8 =	vadd.s32 v0, v8;
	v9 =	vld [tilespmem:s0+$0x50]  }
0x1d: {  	[tilespmem:s0+$0x0] =	vst v8;
	v7 =	vadd.s32 v0, v7  }
0x1e: {  	[tilespmem:s0+$0x10] =	vst v7;
	v6 =	vadd.s32 v0, v6  }
0x1f: {  	[tilespmem:s0+$0x20] =	vst v6;
	v5 =	vadd.s32 v0, v5  }
0x20: {  	[tilespmem:s0+$0x30] =	vst v5;
	v4 =	vadd.s32 v0, v4  }
0x21: {  	[tilespmem:s0+$0x40] =	vst v4;
	v4 =	vadd.s32 v0, v9  }
0x22: {  	s2 =	simm.s32 $0x0;
	s17 =	rddreg [dreg:$0x9];
	s1 =	simm.s32 $0x2000;
	[tilespmem:s0+$0x50] =	vst v4  }
0x23: {  	[tilespmem:s1], [sflag:$0x3] =	stream.linear.gather [hbm4b:s17+s2], $0x3000, $0x38;
	[tilespmem:$0x18000] =	vst v63  }
0x24: {  	v4 =	vld [tilespmem:$0x0];
	_ =	sdelay $0x4  }
0x25: {  	v5 =	vshll.u32 v4, $0x1  }
0x26: {  	v4 =	vand.u32 $0x7, v4;
	v5 =	vand.u32 $0xFFFFFFF0, v5  }
0x27: {  	v4 =	vor.u32 v4, v5  }
0x28: {  	v5 =	vperm.xlane v4, v1;
	_ =	sdelay $0x1  }
0x29: {  	v4 =	vperm.xlane v4, v3;
	v5 =	vadd.s32 v2, v5;
	_ =	sdelay $0x1  }
0x2a: {  	v4 =	vadd.s32 v2, v4;
	_ =	sdelay $0x1  }
0x2b: {  	s18 =	rddreg [dreg:$0x0];
	s19 =	simm.s32 $0x8000  }
0x2c: {  	[tilespmem:s19], [sflag:$0x1] =	stream.indirect_vreg.gather [hbm4b:s18+s2], $0x80, v5, vm0, $0xb8;
	[tilespmem:$0x18000] =	vst v63  }
0x2d: {  	s20 =	simm.s32 $0x8800  }
0x2e: {  	[tilespmem:s20], [sflag:$0x1] =	stream.indirect_vreg.gather [hbm4b:s18+s2], $0x80, v4, vm0, $0xb8;
	[tilespmem:$0x18000] =	vst v63  }
0x2f: {  	v4 =	vld [tilespmem:$0x10];
	_ =	sdelay $0x4  }
0x30: {  	v5 =	vshll.u32 v4, $0x1  }
0x31: {  	v4 =	vand.u32 $0x7, v4;
	v5 =	vand.u32 $0xFFFFFFF0, v5  }
0x32: {  	v4 =	vor.u32 v4, v5  }
0x33: {  	v5 =	vperm.xlane v4, v1;
	_ =	sdelay $0x1  }
0x34: {  	v4 =	vperm.xlane v4, v3;
	v5 =	vadd.s32 v2, v5;
	_ =	sdelay $0x1  }
0x35: {  	v4 =	vadd.s32 v2, v4;
	_ =	sdelay $0x1  }
0x36: {  	s21 =	simm.s32 $0x9000  }
0x37: {  	[tilespmem:s21], [sflag:$0x1] =	stream.indirect_vreg.gather [hbm4b:s18+s2], $0x80, v5, vm0, $0xb8;
	[tilespmem:$0x18000] =	vst v63  }
0x38: {  	s22 =	simm.s32 $0x9800  }
0x39: {  	[tilespmem:s22], [sflag:$0x1] =	stream.indirect_vreg.gather [hbm4b:s18+s2], $0x80, v4, vm0, $0xb8;
	[tilespmem:$0x18000] =	vst v63  }
0x3a: {  	v4 =	vld [tilespmem:$0x20];
	_ =	sdelay $0x4  }
0x3b: {  	v5 =	vshll.u32 v4, $0x1  }
0x3c: {  	v4 =	vand.u32 $0x7, v4;
	v5 =	vand.u32 $0xFFFFFFF0, v5  }
0x3d: {  	v4 =	vor.u32 v4, v5  }
0x3e: {  	v5 =	vperm.xlane v4, v1;
	_ =	sdelay $0x1  }
0x3f: {  	v4 =	vperm.xlane v4, v3;
	v5 =	vadd.s32 v2, v5;
	_ =	sdelay $0x1  }
0x40: {  	v4 =	vadd.s32 v2, v4;
	_ =	sdelay $0x1  }
0x41: {  	s23 =	simm.s32 $0xA000  }
0x42: {  	[tilespmem:s23], [sflag:$0x1] =	stream.indirect_vreg.gather [hbm4b:s18+s2], $0x80, v5, vm0, $0xb8;
	[tilespmem:$0x18000] =	vst v63  }
0x43: {  	s24 =	simm.s32 $0xA800  }
0x44: {  	[tilespmem:s24], [sflag:$0x1] =	stream.indirect_vreg.gather [hbm4b:s18+s2], $0x80, v4, vm0, $0xb8;
	[tilespmem:$0x18000] =	vst v63  }
0x45: {  	v4 =	vld [tilespmem:$0x30];
	_ =	sdelay $0x4  }
0x46: {  	v5 =	vshll.u32 v4, $0x1  }
0x47: {  	v4 =	vand.u32 $0x7, v4;
	v5 =	vand.u32 $0xFFFFFFF0, v5  }
0x48: {  	v4 =	vor.u32 v4, v5  }
0x49: {  	v5 =	vperm.xlane v4, v1;
	_ =	sdelay $0x1  }
0x4a: {  	v4 =	vperm.xlane v4, v3;
	v5 =	vadd.s32 v2, v5;
	_ =	sdelay $0x1  }
0x4b: {  	v4 =	vadd.s32 v2, v4;
	_ =	sdelay $0x1  }
0x4c: {  	s25 =	simm.s32 $0xB000  }
0x4d: {  	[tilespmem:s25], [sflag:$0x1] =	stream.indirect_vreg.gather [hbm4b:s18+s2], $0x80, v5, vm0, $0xb8;
	[tilespmem:$0x18000] =	vst v63  }
0x4e: {  	s26 =	simm.s32 $0xB800  }
0x4f: {  	[tilespmem:s26], [sflag:$0x1] =	stream.indirect_vreg.gather [hbm4b:s18+s2], $0x80, v4, vm0, $0xb8;
	[tilespmem:$0x18000] =	vst v63  }
0x50: {  	v4 =	vld [tilespmem:$0x40];
	_ =	sdelay $0x4  }
0x51: {  	v5 =	vshll.u32 v4, $0x1  }
0x52: {  	v4 =	vand.u32 $0x7, v4;
	v5 =	vand.u32 $0xFFFFFFF0, v5  }
0x53: {  	v4 =	vor.u32 v4, v5  }
0x54: {  	v5 =	vperm.xlane v4, v1;
	_ =	sdelay $0x1  }
0x55: {  	v4 =	vperm.xlane v4, v3;
	v5 =	vadd.s32 v2, v5;
	_ =	sdelay $0x1  }
0x56: {  	v4 =	vadd.s32 v2, v4;
	_ =	sdelay $0x1  }
0x57: {  	s28 =	simm.s32 $0xC000  }
0x58: {  	[tilespmem:s28], [sflag:$0x1] =	stream.indirect_vreg.gather [hbm4b:s18+s2], $0x80, v5, vm0, $0xb8;
	[tilespmem:$0x18000] =	vst v63  }
0x59: {  	s29 =	simm.s32 $0xC800  }
0x5a: {  	[tilespmem:s29], [sflag:$0x1] =	stream.indirect_vreg.gather [hbm4b:s18+s2], $0x80, v4, vm0, $0xb8;
	[tilespmem:$0x18000] =	vst v63  }
0x5b: {  	v4 =	vld [tilespmem:$0x50];
	_ =	sdelay $0x4  }
0x5c: {  	v5 =	vshll.u32 v4, $0x1  }
0x5d: {  	v4 =	vand.u32 $0x7, v4;
	v5 =	vand.u32 $0xFFFFFFF0, v5  }
0x5e: {  	v4 =	vor.u32 v4, v5  }
0x5f: {  	v5 =	vperm.xlane v4, v1;
	_ =	sdelay $0x1  }
0x60: {  	v4 =	vperm.xlane v4, v3;
	v5 =	vadd.s32 v2, v5;
	_ =	sdelay $0x1  }
0x61: {  	v4 =	vadd.s32 v2, v4;
	_ =	sdelay $0x1  }
0x62: {  	s30 =	simm.s32 $0xD000  }
0x63: {  	[tilespmem:s30], [sflag:$0x1] =	stream.indirect_vreg.gather [hbm4b:s18+s2], $0x80, v5, vm0, $0xb8;
	[tilespmem:$0x18000] =	vst v63  }
0x64: {  	s31 =	simm.s32 $0xD800;
	s15 =	simm.s32 $0x0  }
0x65: {  	[tilespmem:s31], [sflag:$0x1] =	stream.indirect_vreg.gather [hbm4b:s18+s2], $0x80, v4, vm0, $0xb8;
	[tilespmem:$0x18000] =	vst v63  }
.LBB2_4:
0x66: {  	s2 =	sshllo.u32 s15, $0x1  }
0x67: {  	s0 =	smul.u32 $0x600, s2  }
0x68: {  	s1 =	rddreg [dreg:$0x9]  }
0x69: {  	s21 =	simm.s32 $0x5000;
	s22 =	sshll.u32 s2, $0x7;
	s0 =	sadd.s32 s1, s0  }
0x6a: {  	[tilespmem:s21], [sflag:$0x4] =	stream.linear.gather [hbm4b:s0+s6], $0x3000, $0x38;
	[tilespmem:$0x18000] =	vst v63  }
0x6b: {  	s0 =	sand.u32 $0x3FFFFF80, s22  }
0x6c: {  	v4 =	vld [tilespmem:s0+$0x0];
	_ =	sdelay $0x4  }
0x6d: {  	v5 =	vshll.u32 v4, $0x1  }
0x6e: {  	v4 =	vand.u32 $0x7, v4;
	v5 =	vand.u32 $0xFFFFFFF0, v5  }
0x6f: {  	v4 =	vor.u32 v4, v5  }
0x70: {  	v5 =	vperm.xlane v4, v1;
	_ =	sdelay $0x1  }
0x71: {  	v4 =	vperm.xlane v4, v3;
	v5 =	vadd.s32 v2, v5;
	_ =	sdelay $0x1  }
0x72: {  	v4 =	vadd.s32 v2, v4;
	_ =	sdelay $0x1  }
0x73: {  	s23 =	rddreg [dreg:$0x0];
	s24 =	simm.s32 $0xE000  }
0x74: {  	[tilespmem:s24], [sflag:$0x2] =	stream.indirect_vreg.gather [hbm4b:s23+s6], $0x80, v5, vm0, $0xb8;
	[tilespmem:$0x18000] =	vst v63  }
0x75: {  	s25 =	simm.s32 $0xE800  }
0x76: {  	[tilespmem:s25], [sflag:$0x2] =	stream.indirect_vreg.gather [hbm4b:s23+s6], $0x80, v4, vm0, $0xb8;
	[tilespmem:$0x18000] =	vst v63  }
0x77: {  	v4 =	vld [tilespmem:s0+$0x10];
	_ =	sdelay $0x4  }
0x78: {  	v5 =	vshll.u32 v4, $0x1  }
0x79: {  	v4 =	vand.u32 $0x7, v4;
	v5 =	vand.u32 $0xFFFFFFF0, v5  }
0x7a: {  	v4 =	vor.u32 v4, v5  }
0x7b: {  	v5 =	vperm.xlane v4, v1;
	_ =	sdelay $0x1  }
0x7c: {  	v4 =	vperm.xlane v4, v3;
	v5 =	vadd.s32 v2, v5;
	_ =	sdelay $0x1  }
0x7d: {  	v4 =	vadd.s32 v2, v4;
	_ =	sdelay $0x1  }
0x7e: {  	s26 =	simm.s32 $0xF000  }
0x7f: {  	[tilespmem:s26], [sflag:$0x2] =	stream.indirect_vreg.gather [hbm4b:s23+s6], $0x80, v5, vm0, $0xb8;
	[tilespmem:$0x18000] =	vst v63  }
0x80: {  	s3 =	simm.s32 $0xF800  }
0x81: {  	[tilespmem:s3], [sflag:$0x2] =	stream.indirect_vreg.gather [hbm4b:s23+s6], $0x80, v4, vm0, $0xb8;
	[tilespmem:$0x18000] =	vst v63  }
0x82: {  	v4 =	vld [tilespmem:s0+$0x20];
	_ =	sdelay $0x4  }
0x83: {  	v5 =	vshll.u32 v4, $0x1  }
0x84: {  	v4 =	vand.u32 $0x7, v4;
	v5 =	vand.u32 $0xFFFFFFF0, v5  }
0x85: {  	v4 =	vor.u32 v4, v5  }
0x86: {  	v5 =	vperm.xlane v4, v1;
	_ =	sdelay $0x1  }
0x87: {  	v4 =	vperm.xlane v4, v3;
	v5 =	vadd.s32 v2, v5;
	_ =	sdelay $0x1  }
0x88: {  	v4 =	vadd.s32 v2, v4;
	_ =	sdelay $0x1  }
0x89: {  	s4 =	simm.s32 $0x10000  }
0x8a: {  	[tilespmem:s4], [sflag:$0x2] =	stream.indirect_vreg.gather [hbm4b:s23+s6], $0x80, v5, vm0, $0xb8;
	[tilespmem:$0x18000] =	vst v63  }
0x8b: {  	s5 =	simm.s32 $0x10800  }
0x8c: {  	[tilespmem:s5], [sflag:$0x2] =	stream.indirect_vreg.gather [hbm4b:s23+s6], $0x80, v4, vm0, $0xb8;
	[tilespmem:$0x18000] =	vst v63  }
0x8d: {  	v4 =	vld [tilespmem:s0+$0x30];
	_ =	sdelay $0x4  }
0x8e: {  	v5 =	vshll.u32 v4, $0x1  }
0x8f: {  	v4 =	vand.u32 $0x7, v4;
	v5 =	vand.u32 $0xFFFFFFF0, v5  }
0x90: {  	v4 =	vor.u32 v4, v5  }
0x91: {  	v5 =	vperm.xlane v4, v1;
	_ =	sdelay $0x1  }
0x92: {  	v4 =	vperm.xlane v4, v3;
	v5 =	vadd.s32 v2, v5;
	_ =	sdelay $0x1  }
0x93: {  	v4 =	vadd.s32 v2, v4;
	_ =	sdelay $0x1  }
0x94: {  	s7 =	simm.s32 $0x11000  }
0x95: {  	[tilespmem:s7], [sflag:$0x2] =	stream.indirect_vreg.gather [hbm4b:s23+s6], $0x80, v5, vm0, $0xb8;
	[tilespmem:$0x18000] =	vst v63  }
0x96: {  	s8 =	simm.s32 $0x11800  }
0x97: {  	[tilespmem:s8], [sflag:$0x2] =	stream.indirect_vreg.gather [hbm4b:s23+s6], $0x80, v4, vm0, $0xb8;
	[tilespmem:$0x18000] =	vst v63  }
0x98: {  	v4 =	vld [tilespmem:s0+$0x40];
	_ =	sdelay $0x4  }
0x99: {  	v5 =	vshll.u32 v4, $0x1  }
0x9a: {  	v4 =	vand.u32 $0x7, v4;
	v5 =	vand.u32 $0xFFFFFFF0, v5  }
0x9b: {  	v4 =	vor.u32 v4, v5  }
0x9c: {  	v5 =	vperm.xlane v4, v1;
	_ =	sdelay $0x1  }
0x9d: {  	v4 =	vperm.xlane v4, v3;
	v5 =	vadd.s32 v2, v5;
	_ =	sdelay $0x1  }
0x9e: {  	v4 =	vadd.s32 v2, v4;
	_ =	sdelay $0x1  }
0x9f: {  	s9 =	simm.s32 $0x12000  }
0xa0: {  	[tilespmem:s9], [sflag:$0x2] =	stream.indirect_vreg.gather [hbm4b:s23+s6], $0x80, v5, vm0, $0xb8;
	[tilespmem:$0x18000] =	vst v63  }
0xa1: {  	s10 =	simm.s32 $0x12800  }
0xa2: {  	[tilespmem:s10], [sflag:$0x2] =	stream.indirect_vreg.gather [hbm4b:s23+s6], $0x80, v4, vm0, $0xb8;
	[tilespmem:$0x18000] =	vst v63  }
0xa3: {  	v4 =	vld [tilespmem:s0+$0x50];
	_ =	sdelay $0x4  }
0xa4: {  	v5 =	vshll.u32 v4, $0x1  }
0xa5: {  	v4 =	vand.u32 $0x7, v4;
	v5 =	vand.u32 $0xFFFFFFF0, v5  }
0xa6: {  	v4 =	vor.u32 v4, v5  }
0xa7: {  	v5 =	vperm.xlane v4, v1;
	_ =	sdelay $0x1  }
0xa8: {  	v4 =	vperm.xlane v4, v3;
	v5 =	vadd.s32 v2, v5;
	_ =	sdelay $0x1  }
0xa9: {  	v4 =	vadd.s32 v2, v4;
	_ =	sdelay $0x1  }
0xaa: {  	s11 =	simm.s32 $0x13000  }
0xab: {  	[tilespmem:s11], [sflag:$0x2] =	stream.indirect_vreg.gather [hbm4b:s23+s6], $0x80, v5, vm0, $0xb8;
	[tilespmem:$0x18000] =	vst v63  }
0xac: {  	s12 =	simm.s32 $0x13800;
	s13 =	simm.s32 $0x3;
	[dreg:$0xf] =	wrdreg s2  }
0xad: {  	[tilespmem:s12], [sflag:$0x2] =	stream.indirect_vreg.gather [hbm4b:s23+s6], $0x80, v4, vm0, $0xb8;
	[tilespmem:$0x18000] =	vst v63  }
0xae: {  	_ =	swait.ge [sflag:s13], $0x3000  }
0xaf: {  	[sflag:s13] =	ssyncset.done $0x0  }
0xb0: {  	s14 =	simm.s32 $0x1;
	[sflag:s13] =	ssyncadd.s32 $0xFFFFD000  }
0xb1: {  	_ =	swait.ge [sflag:s14], $0x6000  }
0xb2: {  	p0 =	seq.s32 s15, $0x0;
	[sflag:s14] =	ssyncset.done $0x0  }
0xb3: {  	s0 =	simm.s32 @!p0 $0x5;
	[sflag:s14] =	ssyncadd.s32 $0xFFFFA000  }
0xb4: {  	_ =	swait.ge @!p0 [sflag:s0], $0x2000  }
0xb5: {  	s16 =	simm.s32 $0x0;
	s17 =	simm.s32 $0x2180;
	[sflag:s0] =	ssyncset.done @!p0 $0x0  }
0xb6: {  	s21 =	simm.s32 $0x0;
	[sflag:s0] =	ssyncadd.s32 @!p0 $0xFFFFE000;
	s0 =	sand.u32 $0x7800, s16  }
0xb7: {  	s2 =	sand.u32 $0x300, s21;
	s3 =	simm.s32 $0x80;
	v19 =	vld [tilespmem:s17+$0xFFFFFE80];
	s0 =	sor.u32 $0x8000, s0  }
0xb8: {  	s3 =	sand.u32 $0x380, s3;
	v21 =	vld [tilespmem:s17+$0xFFFFFF00];
	s2 =	sor.u32 s2, s0  }
0xb9: {  	s4 =	simm.s32 $0x200;
	s5 =	simm.s32 $0x100;
	s0 =	sor.u32 s3, s0;
	v4 =	vld [tilespmem:s2+$0x0]  }
0xba: {  	s22 =	sand.u32 $0xF800, s4;
	s23 =	sand.u32 $0x300, s5;
	v5 =	vld [tilespmem:s0+$0x0]  }
0xbb: {  	s14 =	sor.u32 s23, s22;
	v20 =	vld [tilespmem:s17+$0xFFFFFF80]  }
0xbc: {  	v6 =	vld [tilespmem:s14+$0x8000];
	_ =	sdelay $0x2  }
0xbd: {  	v4 =	vmul.f32 v4, v19;
	v5 =	vmul.f32 v5, v21;
	_ =	sdelay $0x1  }
0xbe: {  	s24 =	simm.s32 $0x0;
	v4 =	vadd.f32 v5, v4;
	v5 =	vmul.f32 v6, v20  }
0xbf: {  	s25 =	simm.s32 $0x0;
	s3 =	sand.u32 $0x1800, s24  }
0xc0: {  	s4 =	sand.u32 $0x300, s25;
	s3 =	sor.u32 $0x14000, s3;
	v4 =	vadd.f32 v5, v4  }
0xc1: {  	s8 =	sor.u32 s4, s3  }
0xc2: {  	[tilespmem:s8+$0x0] =	vst v4  }
0xc3: {  	v4 =	vld [tilespmem:s2+$0x10]  }
0xc4: {  	v5 =	vld [tilespmem:s0+$0x10];
	_ =	sdelay $0x1  }
0xc5: {  	v6 =	vld [tilespmem:s14+$0x8010];
	_ =	sdelay $0x2  }
0xc6: {  	v4 =	vmul.f32 v4, v19;
	v5 =	vmul.f32 v5, v21;
	_ =	sdelay $0x1  }
0xc7: {  	v4 =	vadd.f32 v5, v4;
	v5 =	vmul.f32 v6, v20;
	_ =	sdelay $0x1  }
0xc8: {  	v4 =	vadd.f32 v5, v4;
	_ =	sdelay $0x1  }
0xc9: {  	[tilespmem:s8+$0x10] =	vst v4  }
0xca: {  	v5 =	vld [tilespmem:s2+$0x20]  }
0xcb: {  	s26 =	simm.s32 $0x180;
	s9 =	simm.s32 $0x400;
	s10 =	simm.s32 $0x200;
	v6 =	vld [tilespmem:s0+$0x20]  }
0xcc: {  	s7 =	simm.s32 $0x300;
	s5 =	sand.u32 $0xF800, s9;
	s6 =	sand.u32 $0x300, s10  }
0xcd: {  	s7 =	sand.u32 $0x7800, s7;
	s18 =	sor.u32 s6, s5;
	s4 =	sand.u32 $0x380, s26;
	v7 =	vld [tilespmem:s14+$0x8020]  }
0xce: {  	v8 =	vld [tilespmem:s18+$0x8000];
	s20 =	sor.u32 s4, s7  }
0xcf: {  	s11 =	simm.s32 $0x500;
	s12 =	simm.s32 $0x280;
	v9 =	vld [tilespmem:s20+$0x8000]  }
0xd0: {  	s5 =	sand.u32 $0x380, s12;
	s4 =	sand.u32 $0xF800, s11;
	v4 =	vld [tilespmem:s17+$0x0];
	v10 =	vmul.f32 v5, v19;
	v6 =	vmul.f32 v6, v21  }
0xd1: {  	s19 =	sor.u32 s5, s4;
	v5 =	vld [tilespmem:s17+$0x80]  }
0xd2: {  	v11 =	vld [tilespmem:s19+$0x8000];
	v7 =	vmul.f32 v7, v20;
	v10 =	vadd.f32 v6, v10  }
0xd3: {  	v6 =	vld [tilespmem:s17+$0x100]  }
0xd4: {  	v7 =	vadd.f32 v7, v10;
	_ =	sdelay $0x1  }
0xd5: {  	v9 =	vmul.f32 v9, v4;
	v8 =	vmul.f32 v8, v5;
	[tilespmem:s8+$0x20] =	vst v7  }
0xd6: {  	v7 =	vld [tilespmem:s2+$0x30]  }
0xd7: {  	v8 =	vadd.f32 v8, v9;
	v9 =	vmul.f32 v11, v6;
	v10 =	vld [tilespmem:s0+$0x30]  }
0xd8: {  	s13 =	simm.s32 $0x80  }
0xd9: {  	s1 =	sand.u32 $0x380, s13;
	v8 =	vadd.f32 v9, v8;
	v9 =	vld [tilespmem:s14+$0x8030]  }
0xda: {  	s17 =	sor.u32 s1, s3  }
0xdb: {  	[tilespmem:s17+$0x0] =	vst v8  }
0xdc: {  	v8 =	vld [tilespmem:s20+$0x8010];
	v7 =	vmul.f32 v7, v19;
	v10 =	vmul.f32 v10, v21  }
0xdd: {  	v11 =	vld [tilespmem:s18+$0x8010]  }
0xde: {  	v7 =	vadd.f32 v10, v7;
	v9 =	vmul.f32 v9, v20  }
0xdf: {  	v10 =	vld [tilespmem:s19+$0x8010]  }
0xe0: {  	v7 =	vadd.f32 v9, v7;
	_ =	sdelay $0x1  }
0xe1: {  	v8 =	vmul.f32 v8, v4;
	v9 =	vmul.f32 v11, v5;
	[tilespmem:s8+$0x30] =	vst v7  }
0xe2: {  	v7 =	vld [tilespmem:s2+$0x40]  }
0xe3: {  	v10 =	vmul.f32 v10, v6;
	v8 =	vadd.f32 v9, v8;
	v9 =	vld [tilespmem:s0+$0x40];
	_ =	sdelay $0x1  }
0xe4: {  	v8 =	vadd.f32 v10, v8;
	v10 =	vld [tilespmem:s14+$0x8040];
	_ =	sdelay $0x1  }
0xe5: {  	[tilespmem:s17+$0x10] =	vst v8  }
0xe6: {  	v8 =	vld [tilespmem:s20+$0x8020];
	v7 =	vmul.f32 v7, v19;
	v9 =	vmul.f32 v9, v21  }
0xe7: {  	v11 =	vld [tilespmem:s18+$0x8020]  }
0xe8: {  	v7 =	vadd.f32 v9, v7;
	v9 =	vmul.f32 v10, v20  }
0xe9: {  	v10 =	vld [tilespmem:s19+$0x8020]  }
0xea: {  	v7 =	vadd.f32 v9, v7;
	_ =	sdelay $0x1  }
0xeb: {  	v8 =	vmul.f32 v8, v4;
	v9 =	vmul.f32 v11, v5;
	[tilespmem:s8+$0x40] =	vst v7  }
0xec: {  	v7 =	vld [tilespmem:s2+$0x50]  }
0xed: {  	v10 =	vmul.f32 v10, v6;
	v8 =	vadd.f32 v9, v8;
	v9 =	vld [tilespmem:s0+$0x50];
	_ =	sdelay $0x1  }
0xee: {  	v8 =	vadd.f32 v10, v8;
	v10 =	vld [tilespmem:s14+$0x8050];
	_ =	sdelay $0x1  }
0xef: {  	[tilespmem:s17+$0x20] =	vst v8  }
0xf0: {  	v8 =	vld [tilespmem:s20+$0x8030];
	v7 =	vmul.f32 v7, v19;
	v9 =	vmul.f32 v9, v21  }
0xf1: {  	v11 =	vld [tilespmem:s18+$0x8030]  }
0xf2: {  	v7 =	vadd.f32 v9, v7;
	v9 =	vmul.f32 v10, v20  }
0xf3: {  	v10 =	vld [tilespmem:s19+$0x8030]  }
0xf4: {  	v7 =	vadd.f32 v9, v7;
	_ =	sdelay $0x1  }
0xf5: {  	v8 =	vmul.f32 v8, v4;
	v9 =	vmul.f32 v11, v5;
	[tilespmem:s8+$0x50] =	vst v7  }
0xf6: {  	v7 =	vld [tilespmem:s2+$0x60]  }
0xf7: {  	v10 =	vmul.f32 v10, v6;
	v8 =	vadd.f32 v9, v8;
	v9 =	vld [tilespmem:s0+$0x60];
	_ =	sdelay $0x1  }
0xf8: {  	v8 =	vadd.f32 v10, v8;
	v10 =	vld [tilespmem:s14+$0x8060];
	_ =	sdelay $0x1  }
0xf9: {  	[tilespmem:s17+$0x30] =	vst v8  }
0xfa: {  	v8 =	vld [tilespmem:s20+$0x8040];
	v7 =	vmul.f32 v7, v19;
	v9 =	vmul.f32 v9, v21  }
0xfb: {  	v11 =	vld [tilespmem:s18+$0x8040]  }
0xfc: {  	v7 =	vadd.f32 v9, v7;
	v9 =	vmul.f32 v10, v20  }
0xfd: {  	v10 =	vld [tilespmem:s19+$0x8040]  }
0xfe: {  	v7 =	vadd.f32 v9, v7;
	_ =	sdelay $0x1  }
0xff: {  	v8 =	vmul.f32 v8, v4;
	v9 =	vmul.f32 v11, v5;
	[tilespmem:s8+$0x60] =	vst v7  }
0x100: {  	s21 =	simm.s32 $0x300;
	s22 =	simm.s32 $0x380;
	v7 =	vld [tilespmem:s2+$0x70]  }
0x101: {  	s23 =	simm.s32 $0x800;
	s16 =	simm.s32 $0x600;
	s24 =	simm.s32 $0x400;
	v10 =	vmul.f32 v10, v6;
	v8 =	vadd.f32 v9, v8;
	v9 =	vld [tilespmem:s0+$0x70]  }
0x102: {  	s25 =	sand.u32 $0xF800, s23;
	s26 =	sand.u32 $0x300, s24;
	s1 =	sand.u32 $0x7800, s16  }
0x103: {  	s11 =	sor.u32 s26, s25;
	s5 =	sand.u32 $0x380, s22;
	s1 =	sor.u32 $0x8000, s1;
	v8 =	vadd.f32 v10, v8;
	v10 =	vld [tilespmem:s14+$0x8070]  }
0x104: {  	s4 =	sand.u32 $0x300, s21;
	v14 =	vld [tilespmem:s11+$0x8000];
	s12 =	sor.u32 s5, s1  }
0x105: {  	s4 =	sor.u32 s4, s1;
	v12 =	vld [tilespmem:s12+$0x0]  }
0x106: {  	s9 =	simm.s32 $0x480;
	s7 =	simm.s32 $0x900;
	s3 =	simm.s32 $0x2480;
	v11 =	vld [tilespmem:s4+$0x0];
	[tilespmem:s17+$0x40] =	vst v8;
	v8 =	vmul.f32 v7, v19;
	v9 =	vmul.f32 v9, v21  }
0x107: {  	s6 =	simm.s32 $0x500;
	s13 =	sand.u32 $0x380, s9;
	s10 =	sand.u32 $0x7800, s7;
	v7 =	vld [tilespmem:s3+$0xFFFFFE80]  }
0x108: {  	s24 =	simm.s32 $0x580;
	s22 =	sor.u32 s13, s10;
	s5 =	simm.s32 $0xA00;
	v10 =	vmul.f32 v10, v20;
	v9 =	vadd.f32 v9, v8;
	v8 =	vld [tilespmem:s3+$0xFFFFFF00]  }
0x109: {  	v22 =	vld [tilespmem:s22+$0x8000];
	s16 =	simm.s32 $0xB00;
	s1 =	sand.u32 $0xF800, s5;
	s5 =	sand.u32 $0x300, s6  }
0x10a: {  	s23 =	sand.u32 $0xF800, s16;
	s21 =	sor.u32 s5, s1;
	s5 =	sand.u32 $0x380, s24;
	v10 =	vadd.f32 v10, v9;
	v9 =	vld [tilespmem:s3+$0xFFFFFF80]  }
0x10b: {  	v17 =	vld [tilespmem:s21+$0x8000];
	s23 =	sor.u32 s5, s23  }
0x10c: {  	v23 =	vld [tilespmem:s23+$0x8000];
	[tilespmem:s8+$0x70] =	vst v10  }
0x10d: {  	v10 =	vmul.f32 v11, v7;
	v15 =	vld [tilespmem:s2+$0x400];
	v11 =	vmul.f32 v12, v8  }
0x10e: {  	v16 =	vld [tilespmem:s0+$0x400]  }
0x10f: {  	s25 =	simm.s32 $0x200;
	v13 =	vld [tilespmem:s20+$0x8050];
	v12 =	vadd.f32 v11, v10;
	v14 =	vmul.f32 v14, v9  }
0x110: {  	s26 =	simm.s32 $0x100;
	s6 =	sand.u32 $0x1800, s25;
	v18 =	vld [tilespmem:s14+$0x8400]  }
0x111: {  	s6 =	sor.u32 $0x14000, s6;
	s5 =	sand.u32 $0x300, s26;
	v10 =	vld [tilespmem:s3+$0x0];
	v14 =	vadd.f32 v14, v12  }
0x112: {  	s24 =	sor.u32 s5, s6;
	v11 =	vld [tilespmem:s3+$0x80]  }
0x113: {  	v12 =	vld [tilespmem:s3+$0x100];
	v15 =	vmul.f32 v15, v19;
	v16 =	vmul.f32 v16, v21;
	[tilespmem:s24+$0x0] =	vst v14  }
0x114: {  	v14 =	vld [tilespmem:s4+$0x10]  }
0x115: {  	v15 =	vadd.f32 v16, v15;
	v16 =	vmul.f32 v18, v20;
	v18 =	vld [tilespmem:s12+$0x10]  }
0x116: {  	v24 =	vld [tilespmem:s18+$0x8050]  }
0x117: {  	v22 =	vmul.f32 v22, v10;
	v15 =	vadd.f32 v16, v15;
	v16 =	vmul.f32 v17, v11;
	v17 =	vld [tilespmem:s11+$0x8010];
	_ =	sdelay $0x1  }
0x118: {  	v25 =	vld [tilespmem:s19+$0x8050];
	[tilespmem:s8+$0x400] =	vst v15;
	v15 =	vadd.f32 v16, v22;
	v16 =	vmul.f32 v23, v12  }
0x119: {  	s7 =	simm.s32 $0x180;
	v22 =	vld [tilespmem:s2+$0x410];
	v14 =	vmul.f32 v14, v7;
	v18 =	vmul.f32 v18, v8  }
0x11a: {  	s1 =	sand.u32 $0x380, s7;
	v13 =	vmul.f32 v13, v4;
	v23 =	vld [tilespmem:s0+$0x410];
	v15 =	vadd.f32 v16, v15  }
0x11b: {  	s25 =	sor.u32 s1, s6;
	v16 =	vmul.f32 v24, v5;
	v14 =	vadd.f32 v18, v14;
	v17 =	vmul.f32 v17, v9  }
0x11c: {  	v18 =	vld [tilespmem:s14+$0x8410];
	[tilespmem:s25+$0x0] =	vst v15  }
0x11d: {  	v15 =	vmul.f32 v25, v6;
	v13 =	vadd.f32 v16, v13;
	v16 =	vld [tilespmem:s22+$0x8010];
	v14 =	vadd.f32 v17, v14  }
0x11e: {  	v17 =	vld [tilespmem:s21+$0x8010]  }
0x11f: {  	v13 =	vadd.f32 v15, v13;
	v15 =	vmul.f32 v22, v19;
	v22 =	vmul.f32 v23, v21;
	v23 =	vld [tilespmem:s23+$0x8010];
	[tilespmem:s24+$0x10] =	vst v14  }
0x120: {  	v14 =	vld [tilespmem:s4+$0x20]  }
0x121: {  	[tilespmem:s17+$0x50] =	vst v13;
	v13 =	vadd.f32 v22, v15;
	v15 =	vmul.f32 v18, v20;
	v18 =	vld [tilespmem:s12+$0x20]  }
0x122: {  	v22 =	vld [tilespmem:s20+$0x8060]  }
0x123: {  	v16 =	vmul.f32 v16, v10;
	v13 =	vadd.f32 v15, v13;
	v15 =	vmul.f32 v17, v11;
	v17 =	vld [tilespmem:s11+$0x8020]  }
0x124: {  	v24 =	vld [tilespmem:s18+$0x8060]  }
0x125: {  	v25 =	vld [tilespmem:s19+$0x8060];
	v23 =	vmul.f32 v23, v12;
	[tilespmem:s8+$0x410] =	vst v13;
	v13 =	vadd.f32 v15, v16  }
0x126: {  	v15 =	vld [tilespmem:s2+$0x420];
	v14 =	vmul.f32 v14, v7;
	v16 =	vmul.f32 v18, v8  }
0x127: {  	v18 =	vld [tilespmem:s0+$0x420];
	v13 =	vadd.f32 v23, v13  }
0x128: {  	v14 =	vadd.f32 v16, v14;
	v16 =	vmul.f32 v17, v9  }
0x129: {  	v17 =	vld [tilespmem:s14+$0x8420];
	[tilespmem:s25+$0x10] =	vst v13  }
0x12a: {  	v13 =	vmul.f32 v22, v4;
	v22 =	vmul.f32 v24, v5;
	v23 =	vld [tilespmem:s22+$0x8020];
	v14 =	vadd.f32 v16, v14  }
0x12b: {  	v16 =	vmul.f32 v25, v6;
	v24 =	vld [tilespmem:s21+$0x8020]  }
0x12c: {  	v13 =	vadd.f32 v22, v13;
	v15 =	vmul.f32 v15, v19;
	v18 =	vmul.f32 v18, v21;
	v22 =	vld [tilespmem:s23+$0x8020];
	[tilespmem:s24+$0x20] =	vst v14  }
0x12d: {  	v14 =	vld [tilespmem:s4+$0x30]  }
0x12e: {  	v13 =	vadd.f32 v16, v13;
	v15 =	vadd.f32 v18, v15;
	v16 =	vmul.f32 v17, v20;
	v17 =	vld [tilespmem:s12+$0x30];
	_ =	sdelay $0x1  }
0x12f: {  	v18 =	vld [tilespmem:s11+$0x8030];
	[tilespmem:s17+$0x60] =	vst v13;
	v13 =	vmul.f32 v23, v10;
	v15 =	vadd.f32 v16, v15;
	v16 =	vmul.f32 v24, v11  }
0x130: {  	v23 =	vld [tilespmem:s20+$0x8070]  }
0x131: {  	v24 =	vld [tilespmem:s18+$0x8070];
	v22 =	vmul.f32 v22, v12;
	[tilespmem:s8+$0x420] =	vst v15;
	v13 =	vadd.f32 v16, v13  }
0x132: {  	v15 =	vld [tilespmem:s2+$0x430];
	v14 =	vmul.f32 v14, v7;
	v16 =	vmul.f32 v17, v8  }
0x133: {  	v17 =	vld [tilespmem:s0+$0x430];
	v13 =	vadd.f32 v22, v13  }
0x134: {  	v22 =	vld [tilespmem:s19+$0x8070];
	v14 =	vadd.f32 v16, v14;
	v16 =	vmul.f32 v18, v9  }
0x135: {  	v18 =	vld [tilespmem:s14+$0x8430];
	[tilespmem:s25+$0x20] =	vst v13  }
0x136: {  	v13 =	vld [tilespmem:s22+$0x8030];
	v14 =	vadd.f32 v16, v14  }
0x137: {  	v16 =	vmul.f32 v23, v4;
	v23 =	vmul.f32 v24, v5;
	v24 =	vld [tilespmem:s21+$0x8030]  }
0x138: {  	v25 =	vld [tilespmem:s23+$0x8030];
	v15 =	vmul.f32 v15, v19;
	v17 =	vmul.f32 v17, v21;
	[tilespmem:s24+$0x30] =	vst v14  }
0x139: {  	v14 =	vadd.f32 v23, v16;
	v16 =	vmul.f32 v22, v6;
	v22 =	vld [tilespmem:s4+$0x40]  }
0x13a: {  	v15 =	vadd.f32 v17, v15;
	v17 =	vmul.f32 v18, v20;
	v18 =	vld [tilespmem:s12+$0x40]  }
0x13b: {  	v14 =	vadd.f32 v16, v14  }
0x13c: {  	v16 =	vld [tilespmem:s11+$0x8040];
	v15 =	vadd.f32 v17, v15  }
0x13d: {  	v13 =	vmul.f32 v13, v10;
	[tilespmem:s17+$0x70] =	vst v14;
	v14 =	vmul.f32 v24, v11  }
0x13e: {  	v23 =	vmul.f32 v25, v12;
	v17 =	vld [tilespmem:s20+$0x8400];
	[tilespmem:s8+$0x430] =	vst v15  }
0x13f: {  	v13 =	vadd.f32 v14, v13;
	v14 =	vld [tilespmem:s2+$0x440];
	v15 =	vmul.f32 v22, v7;
	v18 =	vmul.f32 v18, v8  }
0x140: {  	v22 =	vld [tilespmem:s0+$0x440]  }
0x141: {  	v24 =	vld [tilespmem:s18+$0x8400];
	v16 =	vmul.f32 v16, v9;
	v13 =	vadd.f32 v23, v13;
	v15 =	vadd.f32 v18, v15  }
0x142: {  	v18 =	vld [tilespmem:s14+$0x8440]  }
0x143: {  	v23 =	vld [tilespmem:s19+$0x8400];
	[tilespmem:s25+$0x30] =	vst v13;
	v13 =	vadd.f32 v16, v15  }
0x144: {  	v15 =	vld [tilespmem:s22+$0x8040]  }
0x145: {  	v16 =	vld [tilespmem:s21+$0x8040];
	v14 =	vmul.f32 v14, v19;
	v22 =	vmul.f32 v22, v21;
	[tilespmem:s24+$0x40] =	vst v13  }
0x146: {  	v13 =	vmul.f32 v17, v4;
	v17 =	vld [tilespmem:s4+$0x50]  }
0x147: {  	v24 =	vmul.f32 v24, v5;
	v14 =	vadd.f32 v22, v14;
	v18 =	vmul.f32 v18, v20;
	v22 =	vld [tilespmem:s12+$0x50]  }
0x148: {  	v25 =	vld [tilespmem:s23+$0x8040]  }
0x149: {  	v23 =	vmul.f32 v23, v6;
	v13 =	vadd.f32 v24, v13;
	v14 =	vadd.f32 v18, v14;
	v18 =	vld [tilespmem:s11+$0x8050];
	_ =	sdelay $0x1  }
0x14a: {  	v13 =	vadd.f32 v23, v13;
	v15 =	vmul.f32 v15, v10;
	v16 =	vmul.f32 v16, v11;
	[tilespmem:s8+$0x440] =	vst v14  }
0x14b: {  	v14 =	vld [tilespmem:s2+$0x450];
	v17 =	vmul.f32 v17, v7;
	v22 =	vmul.f32 v22, v8  }
0x14c: {  	[tilespmem:s17+$0x400] =	vst v13;
	v13 =	vmul.f32 v25, v12;
	v15 =	vadd.f32 v16, v15;
	v16 =	vld [tilespmem:s0+$0x450]  }
0x14d: {  	v23 =	vld [tilespmem:s20+$0x8410];
	v17 =	vadd.f32 v22, v17;
	v18 =	vmul.f32 v18, v9  }
0x14e: {  	v13 =	vadd.f32 v13, v15;
	v15 =	vld [tilespmem:s14+$0x8450]  }
0x14f: {  	v22 =	vld [tilespmem:s18+$0x8410];
	v17 =	vadd.f32 v18, v17  }
0x150: {  	v18 =	vld [tilespmem:s19+$0x8410];
	[tilespmem:s25+$0x40] =	vst v13  }
0x151: {  	v13 =	vld [tilespmem:s22+$0x8050];
	v14 =	vmul.f32 v14, v19;
	v16 =	vmul.f32 v16, v21;
	[tilespmem:s24+$0x50] =	vst v17  }
0x152: {  	v17 =	vld [tilespmem:s4+$0x60]  }
0x153: {  	v14 =	vadd.f32 v16, v14;
	v15 =	vmul.f32 v15, v20;
	v16 =	vld [tilespmem:s12+$0x60]  }
0x154: {  	v24 =	vld [tilespmem:s21+$0x8050]  }
0x155: {  	v23 =	vmul.f32 v23, v4;
	v22 =	vmul.f32 v22, v5;
	v14 =	vadd.f32 v15, v14;
	v15 =	vld [tilespmem:s11+$0x8060];
	_ =	sdelay $0x1  }
0x156: {  	v22 =	vadd.f32 v22, v23;
	v18 =	vmul.f32 v18, v6;
	v23 =	vld [tilespmem:s23+$0x8050];
	[tilespmem:s8+$0x450] =	vst v14  }
0x157: {  	v14 =	vld [tilespmem:s2+$0x460];
	v17 =	vmul.f32 v17, v7;
	v16 =	vmul.f32 v16, v8  }
0x158: {  	v13 =	vmul.f32 v13, v10;
	v18 =	vadd.f32 v18, v22;
	v22 =	vld [tilespmem:s0+$0x460]  }
0x159: {  	v24 =	vmul.f32 v24, v11;
	v16 =	vadd.f32 v16, v17;
	v15 =	vmul.f32 v15, v9  }
0x15a: {  	[tilespmem:s17+$0x410] =	vst v18;
	v17 =	vld [tilespmem:s14+$0x8460]  }
0x15b: {  	v13 =	vadd.f32 v24, v13;
	v25 =	vld [tilespmem:s20+$0x8420];
	v18 =	vmul.f32 v23, v12;
	v15 =	vadd.f32 v15, v16  }
0x15c: {  	v24 =	vld [tilespmem:s18+$0x8420]  }
0x15d: {  	v26 =	vld [tilespmem:s19+$0x8420];
	v13 =	vadd.f32 v18, v13;
	v14 =	vmul.f32 v14, v19;
	v16 =	vmul.f32 v22, v21;
	[tilespmem:s24+$0x60] =	vst v15  }
0x15e: {  	v15 =	vld [tilespmem:s4+$0x70]  }
0x15f: {  	[tilespmem:s25+$0x50] =	vst v13;
	v13 =	vadd.f32 v16, v14;
	v16 =	vld [tilespmem:s12+$0x70]  }
0x160: {  	v14 =	vmul.f32 v17, v20;
	v27 =	vld [tilespmem:s22+$0x8060]  }
0x161: {  	v17 =	vld [tilespmem:s11+$0x8070]  }
0x162: {  	v28 =	vld [tilespmem:s21+$0x8060];
	v13 =	vadd.f32 v14, v13  }
0x163: {  	s7 =	simm.s32 $0x2780;
	v29 =	vld [tilespmem:s23+$0x8060]  }
0x164: {  	s9 =	simm.s32 $0xC00;
	[tilespmem:s8+$0x460] =	vst v13;
	v13 =	vld [tilespmem:s7+$0xFFFFFE80];
	v14 =	vmul.f32 v15, v7;
	v16 =	vmul.f32 v16, v8  }
0x165: {  	s10 =	simm.s32 $0x600;
	s13 =	simm.s32 $0xE00;
	s1 =	sand.u32 $0x7800, s9;
	v22 =	vld [tilespmem:s2+$0x470]  }
0x166: {  	s16 =	simm.s32 $0x680;
	s1 =	sor.u32 $0x8000, s1;
	v15 =	vld [tilespmem:s7+$0xFFFFFF80];
	v17 =	vmul.f32 v17, v9;
	s2 =	sand.u32 $0x300, s10;
	v16 =	vadd.f32 v16, v14  }
0x167: {  	s9 =	simm.s32 $0x700;
	s6 =	sand.u32 $0x380, s16;
	s26 =	sor.u32 s2, s1;
	v14 =	vld [tilespmem:s7+$0xFFFFFF00]  }
0x168: {  	s28 =	sor.u32 s6, s1;
	s10 =	sand.u32 $0xF800, s13;
	s13 =	sand.u32 $0x300, s9;
	v18 =	vld [tilespmem:s26+$0x0];
	v16 =	vadd.f32 v17, v16  }
0x169: {  	s29 =	sor.u32 s13, s10;
	v17 =	vld [tilespmem:s28+$0x0]  }
0x16a: {  	v30 =	vld [tilespmem:s29+$0x8000];
	[tilespmem:s24+$0x70] =	vst v16  }
0x16b: {  	s16 =	simm.s32 $0xF00;
	s5 =	simm.s32 $0x1000;
	v16 =	vld [tilespmem:s4+$0x400]  }
0x16c: {  	s6 =	simm.s32 $0x800;
	s9 =	sand.u32 $0xF800, s5;
	s5 =	simm.s32 $0x1100;
	v31 =	vld [tilespmem:s12+$0x400]  }
0x16d: {  	v23 =	vld [tilespmem:s0+$0x470];
	s10 =	simm.s32 $0x780;
	s13 =	sand.u32 $0x300, s6;
	s1 =	sand.u32 $0x7800, s16  }
0x16e: {  	s6 =	simm.s32 $0x880;
	s16 =	sand.u32 $0x380, s10;
	s30 =	sor.u32 s13, s9;
	v18 =	vmul.f32 v18, v13;
	v32 =	vld [tilespmem:s11+$0x8400];
	v17 =	vmul.f32 v17, v14  }
0x16f: {  	s0 =	sand.u32 $0xF800, s5;
	s31 =	sor.u32 s16, s1;
	v33 =	vld [tilespmem:s30+$0x8000];
	s1 =	sand.u32 $0x380, s6  }
0x170: {  	s13 =	simm.s32 $0x400;
	v34 =	vld [tilespmem:s31+$0x8000];
	s0 =	sor.u32 s1, s0;
	v30 =	vmul.f32 v30, v15;
	v17 =	vadd.f32 v17, v18  }
0x171: {  	s9 =	sand.u32 $0x1800, s13;
	s16 =	simm.s32 $0x200;
	v36 =	vld [tilespmem:s0+$0x8000];
	v35 =	vmul.f32 v16, v7;
	v31 =	vmul.f32 v31, v8  }
0x172: {  	v25 =	vmul.f32 v25, v4;
	s5 =	sand.u32 $0x300, s16;
	s6 =	sor.u32 $0x14000, s9;
	v18 =	vld [tilespmem:s7+$0x0];
	v30 =	vadd.f32 v30, v17  }
0x173: {  	v24 =	vmul.f32 v24, v5;
	s2 =	sor.u32 s5, s6;
	v16 =	vld [tilespmem:s7+$0x80];
	v32 =	vmul.f32 v32, v9;
	v31 =	vadd.f32 v31, v35  }
0x174: {  	v17 =	vld [tilespmem:s7+$0x100];
	[tilespmem:s2+$0x0] =	vst v30  }
0x175: {  	v24 =	vadd.f32 v24, v25;
	v25 =	vmul.f32 v26, v6;
	v26 =	vld [tilespmem:s26+$0x10];
	v59 =	vadd.f32 v32, v31  }
0x176: {  	v60 =	vld [tilespmem:s28+$0x10]  }
0x177: {  	v24 =	vadd.f32 v25, v24;
	v25 =	vmul.f32 v27, v10;
	v27 =	vmul.f32 v28, v11;
	v28 =	vld [tilespmem:s29+$0x8010];
	[tilespmem:s24+$0x400] =	vst v59  }
0x178: {  	v61 =	vmul.f32 v34, v18;
	v62 =	vmul.f32 v33, v16;
	v63 =	vld [tilespmem:s4+$0x410]  }
0x179: {  	[tilespmem:s17+$0x420] =	vst v24;
	v24 =	vmul.f32 v29, v12;
	v25 =	vadd.f32 v27, v25;
	v27 =	vld [tilespmem:s12+$0x410]  }
0x17a: {  	v29 =	vld [tilespmem:s20+$0x8430];
	v36 =	vmul.f32 v36, v17;
	v30 =	vadd.f32 v62, v61  }
0x17b: {  	v24 =	vadd.f32 v24, v25;
	s9 =	simm.s32 $0x280;
	v37 =	vld [tilespmem:s11+$0x8410];
	v25 =	vmul.f32 v26, v13;
	v26 =	vmul.f32 v60, v14  }
0x17c: {  	v38 =	vld [tilespmem:s18+$0x8430];
	s16 =	sand.u32 $0x380, s9;
	v30 =	vadd.f32 v36, v30  }
0x17d: {  	v39 =	vld [tilespmem:s19+$0x8430];
	s5 =	sor.u32 s16, s6;
	[tilespmem:s25+$0x60] =	vst v24;
	v24 =	vadd.f32 v26, v25;
	v25 =	vmul.f32 v28, v15  }
0x17e: {  	v44 =	vld [tilespmem:s21+$0x8070];
	[tilespmem:s5+$0x0] =	vst v30;
	v28 =	vmul.f32 v63, v7;
	v27 =	vmul.f32 v27, v8  }
0x17f: {  	v30 =	vld [tilespmem:s31+$0x8010];
	v24 =	vadd.f32 v25, v24  }
0x180: {  	v25 =	vld [tilespmem:s30+$0x8010];
	v27 =	vadd.f32 v27, v28;
	v28 =	vmul.f32 v37, v9  }
0x181: {  	v40 =	vld [tilespmem:s0+$0x8010];
	[tilespmem:s2+$0x10] =	vst v24  }
0x182: {  	v24 =	vld [tilespmem:s26+$0x20];
	v27 =	vadd.f32 v28, v27  }
0x183: {  	v28 =	vmul.f32 v29, v4;
	v29 =	vmul.f32 v38, v5;
	v41 =	vld [tilespmem:s28+$0x20]  }
0x184: {  	v32 =	vmul.f32 v39, v6;
	v42 =	vld [tilespmem:s29+$0x8020];
	[tilespmem:s24+$0x410] =	vst v27  }
0x185: {  	v27 =	vadd.f32 v29, v28;
	v28 =	vmul.f32 v30, v18;
	v25 =	vmul.f32 v25, v16;
	v29 =	vld [tilespmem:s4+$0x420]  }
0x186: {  	v43 =	vld [tilespmem:s12+$0x420]  }
0x187: {  	v26 =	vld [tilespmem:s22+$0x8070];
	v31 =	vmul.f32 v40, v17;
	v27 =	vadd.f32 v32, v27;
	v25 =	vadd.f32 v25, v28  }
0x188: {  	v45 =	vld [tilespmem:s11+$0x8420];
	v24 =	vmul.f32 v24, v13;
	v28 =	vmul.f32 v41, v14  }
0x189: {  	[tilespmem:s17+$0x430] =	vst v27;
	v27 =	vld [tilespmem:s23+$0x8070];
	v25 =	vadd.f32 v31, v25  }
0x18a: {  	v46 =	vld [tilespmem:s20+$0x8440];
	v24 =	vadd.f32 v28, v24;
	v28 =	vmul.f32 v42, v15  }
0x18b: {  	v47 =	vld [tilespmem:s18+$0x8440];
	[tilespmem:s5+$0x10] =	vst v25;
	v25 =	vmul.f32 v29, v7;
	v29 =	vmul.f32 v43, v8  }
0x18c: {  	v26 =	vmul.f32 v26, v10;
	v48 =	vld [tilespmem:s31+$0x8020];
	v24 =	vadd.f32 v28, v24  }
0x18d: {  	v28 =	vmul.f32 v44, v11;
	v49 =	vld [tilespmem:s30+$0x8020];
	v25 =	vadd.f32 v29, v25;
	v29 =	vmul.f32 v45, v9  }
0x18e: {  	v50 =	vld [tilespmem:s0+$0x8020];
	[tilespmem:s2+$0x20] =	vst v24  }
0x18f: {  	v24 =	vadd.f32 v28, v26;
	v26 =	vmul.f32 v27, v12;
	v27 =	vld [tilespmem:s26+$0x30];
	v25 =	vadd.f32 v29, v25  }
0x190: {  	v28 =	vld [tilespmem:s28+$0x30]  }
0x191: {  	v24 =	vadd.f32 v26, v24;
	v26 =	vld [tilespmem:s29+$0x8030];
	[tilespmem:s24+$0x420] =	vst v25  }
0x192: {  	v25 =	vmul.f32 v48, v18;
	v29 =	vmul.f32 v49, v16;
	v51 =	vld [tilespmem:s4+$0x430]  }
0x193: {  	[tilespmem:s25+$0x70] =	vst v24;
	v24 =	vld [tilespmem:s12+$0x430]  }
0x194: {  	v33 =	vmul.f32 v50, v17;
	v52 =	vld [tilespmem:s22+$0x8400];
	v25 =	vadd.f32 v29, v25  }
0x195: {  	v29 =	vld [tilespmem:s11+$0x8430];
	v27 =	vmul.f32 v27, v13;
	v28 =	vmul.f32 v28, v14  }
0x196: {  	v53 =	vld [tilespmem:s21+$0x8400];
	v25 =	vadd.f32 v33, v25  }
0x197: {  	v54 =	vld [tilespmem:s23+$0x8400];
	v26 =	vmul.f32 v26, v15;
	v27 =	vadd.f32 v28, v27  }
0x198: {  	v28 =	vld [tilespmem:s19+$0x8440];
	[tilespmem:s5+$0x20] =	vst v25;
	v25 =	vmul.f32 v51, v7;
	v24 =	vmul.f32 v24, v8  }
0x199: {  	v55 =	vld [tilespmem:s31+$0x8030];
	v26 =	vadd.f32 v26, v27  }
0x19a: {  	v27 =	vld [tilespmem:s30+$0x8030];
	v24 =	vadd.f32 v24, v25;
	v25 =	vmul.f32 v29, v9  }
0x19b: {  	v29 =	vld [tilespmem:s0+$0x8030];
	[tilespmem:s2+$0x30] =	vst v26  }
0x19c: {  	v56 =	vmul.f32 v53, v11;
	v26 =	vmul.f32 v52, v10;
	v57 =	vld [tilespmem:s26+$0x40];
	v24 =	vadd.f32 v25, v24  }
0x19d: {  	v25 =	vld [tilespmem:s28+$0x40]  }
0x19e: {  	v58 =	vmul.f32 v54, v12;
	v59 =	vld [tilespmem:s29+$0x8040];
	v26 =	vadd.f32 v56, v26;
	[tilespmem:s24+$0x430] =	vst v24  }
0x19f: {  	v60 =	vmul.f32 v47, v5;
	v24 =	vmul.f32 v46, v4;
	v61 =	vld [tilespmem:s4+$0x440]  }
0x1a0: {  	v30 =	vmul.f32 v55, v18;
	v27 =	vmul.f32 v27, v16;
	v26 =	vadd.f32 v58, v26;
	v62 =	vld [tilespmem:s12+$0x440]  }
0x1a1: {  	v63 =	vld [tilespmem:s14+$0x8470];
	v28 =	vmul.f32 v28, v6;
	v24 =	vadd.f32 v60, v24  }
0x1a2: {  	v27 =	vadd.f32 v27, v30;
	[tilespmem:s25+$0x400] =	vst v26;
	v26 =	vmul.f32 v29, v17;
	v29 =	vld [tilespmem:s11+$0x8440]  }
0x1a3: {  	v37 =	vmul.f32 v57, v13;
	v25 =	vmul.f32 v25, v14;
	v24 =	vadd.f32 v28, v24;
	v28 =	vld [tilespmem:s22+$0x8410]  }
0x1a4: {  	v38 =	vld [tilespmem:s21+$0x8410];
	v26 =	vadd.f32 v26, v27;
	v27 =	vmul.f32 v59, v15  }
0x1a5: {  	v25 =	vadd.f32 v25, v37;
	[tilespmem:s17+$0x440] =	vst v24;
	v24 =	vld [tilespmem:s23+$0x8410];
	v39 =	vmul.f32 v61, v7;
	v32 =	vmul.f32 v62, v8  }
0x1a6: {  	[tilespmem:s5+$0x30] =	vst v26;
	v26 =	vld [tilespmem:s20+$0x8450]  }
0x1a7: {  	v25 =	vadd.f32 v27, v25;
	v40 =	vld [tilespmem:s31+$0x8040];
	v27 =	vadd.f32 v32, v39;
	v29 =	vmul.f32 v29, v9  }
0x1a8: {  	v41 =	vld [tilespmem:s30+$0x8040]  }
0x1a9: {  	v42 =	vld [tilespmem:s0+$0x8040];
	[tilespmem:s2+$0x40] =	vst v25;
	v25 =	vadd.f32 v29, v27  }
0x1aa: {  	v27 =	vld [tilespmem:s26+$0x50]  }
0x1ab: {  	v28 =	vmul.f32 v28, v10;
	v29 =	vmul.f32 v38, v11;
	v43 =	vld [tilespmem:s28+$0x50];
	[tilespmem:s24+$0x440] =	vst v25  }
0x1ac: {  	v24 =	vmul.f32 v24, v12;
	v25 =	vld [tilespmem:s4+$0x450]  }
0x1ad: {  	v28 =	vadd.f32 v29, v28;
	v29 =	vmul.f32 v40, v18;
	v30 =	vmul.f32 v41, v16;
	v44 =	vld [tilespmem:s12+$0x450]  }
0x1ae: {  	v45 =	vld [tilespmem:s29+$0x8050]  }
0x1af: {  	v46 =	vld [tilespmem:s11+$0x8450];
	v24 =	vadd.f32 v24, v28;
	v28 =	vmul.f32 v42, v17;
	v29 =	vadd.f32 v30, v29  }
0x1b0: {  	v47 =	vld [tilespmem:s18+$0x8450]  }
0x1b1: {  	v27 =	vmul.f32 v27, v13;
	[tilespmem:s25+$0x410] =	vst v24;
	v24 =	vld [tilespmem:s19+$0x8450];
	v28 =	vadd.f32 v28, v29;
	v29 =	vmul.f32 v43, v14  }
0x1b2: {  	v48 =	vld [tilespmem:s22+$0x8420];
	v25 =	vmul.f32 v25, v7;
	v33 =	vmul.f32 v44, v8  }
0x1b3: {  	v52 =	vld [tilespmem:s23+$0x8420];
	[tilespmem:s5+$0x40] =	vst v28;
	v27 =	vadd.f32 v29, v27;
	v29 =	vmul.f32 v45, v15  }
0x1b4: {  	v30 =	vmul.f32 v46, v9;
	v49 =	vld [tilespmem:s31+$0x8050];
	v25 =	vadd.f32 v33, v25  }
0x1b5: {  	v50 =	vld [tilespmem:s30+$0x8050];
	v27 =	vadd.f32 v29, v27  }
0x1b6: {  	v28 =	vld [tilespmem:s21+$0x8420];
	v25 =	vadd.f32 v30, v25  }
0x1b7: {  	v26 =	vmul.f32 v26, v4;
	v51 =	vmul.f32 v47, v5;
	v29 =	vld [tilespmem:s0+$0x8050];
	[tilespmem:s2+$0x50] =	vst v27  }
0x1b8: {  	v27 =	vld [tilespmem:s26+$0x60];
	[tilespmem:s24+$0x450] =	vst v25  }
0x1b9: {  	v24 =	vmul.f32 v24, v6;
	v25 =	vadd.f32 v51, v26;
	v26 =	vld [tilespmem:s4+$0x460]  }
0x1ba: {  	v53 =	vmul.f32 v49, v18;
	v33 =	vmul.f32 v50, v16;
	v54 =	vld [tilespmem:s12+$0x460]  }
0x1bb: {  	v24 =	vadd.f32 v24, v25;
	v25 =	vld [tilespmem:s28+$0x60]  }
0x1bc: {  	v55 =	vld [tilespmem:s11+$0x8460];
	v29 =	vmul.f32 v29, v17;
	v30 =	vadd.f32 v33, v53  }
0x1bd: {  	v28 =	vmul.f32 v28, v11;
	v56 =	vld [tilespmem:s29+$0x8060];
	[tilespmem:s17+$0x450] =	vst v24;
	v24 =	vmul.f32 v48, v10  }
0x1be: {  	v32 =	vmul.f32 v52, v12;
	v29 =	vadd.f32 v29, v30;
	v57 =	vld [tilespmem:s20+$0x8460]  }
0x1bf: {  	v24 =	vadd.f32 v28, v24;
	v28 =	vld [tilespmem:s18+$0x8460];
	v26 =	vmul.f32 v26, v7;
	v34 =	vmul.f32 v54, v8  }
0x1c0: {  	v27 =	vmul.f32 v27, v13;
	v25 =	vmul.f32 v25, v14;
	[tilespmem:s5+$0x50] =	vst v29;
	v29 =	vld [tilespmem:s19+$0x8460]  }
0x1c1: {  	v33 =	vmul.f32 v55, v9;
	v24 =	vadd.f32 v32, v24;
	v26 =	vadd.f32 v34, v26;
	v58 =	vld [tilespmem:s31+$0x8060]  }
0x1c2: {  	v59 =	vld [tilespmem:s30+$0x8060];
	v25 =	vadd.f32 v25, v27;
	v27 =	vmul.f32 v56, v15  }
0x1c3: {  	v60 =	vld [tilespmem:s0+$0x8060];
	[tilespmem:s25+$0x420] =	vst v24;
	v24 =	vadd.f32 v33, v26  }
0x1c4: {  	v22 =	vmul.f32 v22, v19;
	v21 =	vmul.f32 v23, v21;
	v23 =	vadd.f32 v27, v25;
	v27 =	vld [tilespmem:s22+$0x8430]  }
0x1c5: {  	v25 =	vmul.f32 v57, v4;
	v26 =	vmul.f32 v28, v5;
	v28 =	vld [tilespmem:s21+$0x8430];
	[tilespmem:s24+$0x460] =	vst v24  }
0x1c6: {  	v21 =	vadd.f32 v21, v22;
	v20 =	vmul.f32 v63, v20;
	v19 =	vld [tilespmem:s4+$0x470];
	[tilespmem:s2+$0x60] =	vst v23;
	v23 =	vmul.f32 v29, v6  }
0x1c7: {  	v22 =	vadd.f32 v26, v25;
	v29 =	vmul.f32 v58, v18;
	v61 =	vmul.f32 v59, v16;
	v25 =	vld [tilespmem:s26+$0x70]  }
0x1c8: {  	v20 =	vadd.f32 v20, v21;
	v26 =	vld [tilespmem:s28+$0x70]  }
0x1c9: {  	v62 =	vmul.f32 v60, v17;
	v24 =	vld [tilespmem:s29+$0x8070];
	v29 =	vadd.f32 v61, v29  }
0x1ca: {  	[tilespmem:s8+$0x470] =	vst v20;
	v21 =	vld [tilespmem:s12+$0x470];
	v22 =	vadd.f32 v23, v22;
	v63 =	vmul.f32 v27, v10;
	v28 =	vmul.f32 v28, v11  }
0x1cb: {  	v23 =	vld [tilespmem:s23+$0x8430];
	[dreg:$0xe] =	wrdreg s15;
	v27 =	vadd.f32 v62, v29  }
0x1cc: {  	s8 =	sshll.u32 s15, $0x1;
	s4 =	simm.s32 $0x4;
	v20 =	vld [tilespmem:s11+$0x8470];
	s11 =	simm.s32 $0x1500;
	[tilespmem:s17+$0x460] =	vst v22;
	v22 =	vadd.f32 v28, v63  }
.LBB2_5:
0x1cd: {  	s1 =	sadd.s32 $0xFFFFFD00, s11;
	v25 =	vmul.f32 v25, v13;
	v26 =	vmul.f32 v26, v14;
	[tilespmem:s5+$0x60] =	vst v27;
	s10 =	sadd.s32 $0x300, s10;
	s7 =	sadd.s32 $0x300, s7;
	v27 =	vld [tilespmem:s20+$0x8470]  }
0x1ce: {  	s6 =	sadd.s32 $0xFFFFFF00, s11;
	v24 =	vmul.f32 v24, v15;
	v28 =	vld [tilespmem:s7+$0xFFFFFF80];
	s1 =	sand.u32 $0x7800, s1;
	s3 =	sadd.s32 $0xFFFFFE80, s10  }
0x1cf: {  	s14 =	sadd.s32 $0xFFFFFF00, s10;
	v19 =	vmul.f32 v19, v7;
	v7 =	vmovc v13;
	s3 =	sand.u32 $0x300, s3;
	s1 =	sor.u32 $0x8000, s1;
	v25 =	vadd.f32 v26, v25;
	v21 =	vmul.f32 v21, v8;
	v13 =	vld [tilespmem:s7+$0xFFFFFE80]  }
0x1d0: {  	s15 =	sadd.s32 $0xFFFFFF80, s10;
	v8 =	vmov v14;
	s12 =	sor.u32 s3, s1;
	s3 =	sand.u32 $0x380, s14;
	v23 =	vmul.f32 v23, v12;
	v14 =	vld [tilespmem:s7+$0xFFFFFF00]  }
0x1d1: {  	v26 =	vld [tilespmem:s12+$0x0];
	s14 =	sor.u32 s3, s1;
	s1 =	sand.u32 $0xF800, s6;
	s3 =	sand.u32 $0x300, s15;
	v24 =	vadd.f32 v24, v25;
	v21 =	vadd.f32 v21, v19;
	v20 =	vmul.f32 v20, v9;
	v9 =	vmovc v15  }
0x1d2: {  	v25 =	vld [tilespmem:s14+$0x0];
	s6 =	sor.u32 s3, s1;
	s1 =	sadd.s32 $0x100, s11;
	s3 =	sadd.s32 $0x80, s10;
	v22 =	vadd.f32 v23, v22;
	v19 =	vmul.f32 v27, v4;
	v4 =	vmovc v10;
	v10 =	vmov v18  }
0x1d3: {  	s15 =	sand.u32 $0x7800, s11;
	v18 =	vld [tilespmem:s6+$0x8000];
	s1 =	sand.u32 $0xF800, s1;
	s3 =	sand.u32 $0x300, s3;
	[tilespmem:s2+$0x70] =	vst v24;
	v20 =	vadd.f32 v20, v21;
	v15 =	vmov v28  }
0x1d4: {  	s16 =	sand.u32 $0x380, s10;
	s3 =	sor.u32 s3, s1;
	s1 =	sadd.s32 $0x200, s11;
	v23 =	vld [tilespmem:s26+$0x400];
	[tilespmem:s25+$0x430] =	vst v22  }
0x1d5: {  	s16 =	sor.u32 s16, s15;
	s15 =	sadd.s32 $0x100, s10;
	s1 =	sand.u32 $0xF800, s1;
	v22 =	vld [tilespmem:s28+$0x400];
	[tilespmem:s24+$0x470] =	vst v20  }
0x1d6: {  	s20 =	smov.u32 s22;
	s22 =	smov.u32 s31;
	s15 =	sand.u32 $0x380, s15;
	v24 =	vld [tilespmem:s3+$0x8000]  }
0x1d7: {  	s31 =	smov.u32 s16;
	s24 =	smov.u32 s2;
	v20 =	vmul.f32 v26, v13;
	s15 =	sor.u32 s15, s1;
	v21 =	vmul.f32 v25, v14;
	v25 =	vld [tilespmem:s29+$0x8400]  }
0x1d8: {  	v26 =	vld [tilespmem:s31+$0x8000]  }
0x1d9: {  	s9 =	sadd.s32 $0x100, s9;
	s13 =	sadd.s32 $0x200, s13;
	v27 =	vmul.f32 v18, v15;
	v20 =	vadd.f32 v21, v20;
	v18 =	vld [tilespmem:s7+$0x0]  }
0x1da: {  	s16 =	sand.u32 $0x380, s9;
	s2 =	sadd.s32 $0xFFFFFF80, s9;
	s1 =	sand.u32 $0x1800, s13;
	v23 =	vmul.f32 v23, v7;
	v21 =	vld [tilespmem:s7+$0x80];
	v22 =	vmul.f32 v22, v8  }
0x1db: {  	s2 =	sand.u32 $0x300, s2;
	s1 =	sor.u32 $0x14000, s1;
	v27 =	vadd.f32 v27, v20;
	v28 =	vld [tilespmem:s15+$0x8000]  }
0x1dc: {  	s2 =	sor.u32 s2, s1;
	s1 =	sor.u32 s16, s1;
	v20 =	vld [tilespmem:s7+$0x100];
	v22 =	vadd.f32 v22, v23;
	v23 =	vmul.f32 v25, v9  }
0x1dd: {  	[tilespmem:s2+$0x0] =	vst v27;
	v25 =	vld [tilespmem:s22+$0x8070]  }
0x1de: {  	s4 =	sadd.s32 $0x2, s4;
	v27 =	vld [tilespmem:s12+$0x10];
	v26 =	vmul.f32 v26, v18;
	v22 =	vadd.f32 v23, v22  }
0x1df: {  	p1 =	slt.u32 s4, $0x1E;
	v23 =	vld [tilespmem:s14+$0x10];
	v24 =	vmul.f32 v24, v21  }
0x1e0: {  	v29 =	vld [tilespmem:s6+$0x8010];
	[tilespmem:s24+$0x400] =	vst v22  }
0x1e1: {  	v22 =	vadd.f32 v24, v26;
	v24 =	vmul.f32 v28, v20;
	v26 =	vld [tilespmem:s26+$0x410]  }
0x1e2: {  	v28 =	vld [tilespmem:s28+$0x410];
	v25 =	vmul.f32 v25, v10  }
0x1e3: {  	v22 =	vadd.f32 v24, v22;
	v24 =	vld [tilespmem:s30+$0x8070]  }
0x1e4: {  	v27 =	vmul.f32 v27, v13;
	v23 =	vmul.f32 v23, v14;
	v30 =	vld [tilespmem:s29+$0x8410]  }
0x1e5: {  	[tilespmem:s1+$0x0] =	vst v22;
	v22 =	vld [tilespmem:s0+$0x8070]  }
0x1e6: {  	v23 =	vadd.f32 v23, v27;
	v27 =	vmul.f32 v29, v15;
	v29 =	vld [tilespmem:s31+$0x8010]  }
0x1e7: {  	v26 =	vmul.f32 v26, v7;
	v31 =	vld [tilespmem:s3+$0x8010];
	v28 =	vmul.f32 v28, v8  }
0x1e8: {  	v23 =	vadd.f32 v27, v23;
	v27 =	vld [tilespmem:s15+$0x8010];
	v24 =	vmul.f32 v24, v16  }
0x1e9: {  	v26 =	vadd.f32 v28, v26;
	v28 =	vmul.f32 v30, v9;
	v30 =	vld [tilespmem:s20+$0x8440]  }
0x1ea: {  	[tilespmem:s2+$0x10] =	vst v23;
	v23 =	vadd.f32 v24, v25;
	v22 =	vmul.f32 v22, v17;
	v24 =	vld [tilespmem:s21+$0x8440]  }
0x1eb: {  	v25 =	vld [tilespmem:s12+$0x20];
	v29 =	vmul.f32 v29, v18;
	v26 =	vadd.f32 v28, v26  }
0x1ec: {  	v28 =	vld [tilespmem:s14+$0x20];
	v31 =	vmul.f32 v31, v21;
	v22 =	vadd.f32 v22, v23  }
0x1ed: {  	v23 =	vld [tilespmem:s6+$0x8020];
	v27 =	vmul.f32 v27, v20;
	[tilespmem:s24+$0x410] =	vst v26  }
0x1ee: {  	v26 =	vadd.f32 v31, v29;
	v29 =	vld [tilespmem:s26+$0x420];
	[tilespmem:s5+$0x70] =	vst v22;
	v22 =	vmul.f32 v30, v4  }
0x1ef: {  	v30 =	vld [tilespmem:s28+$0x420];
	v24 =	vmul.f32 v24, v11  }
0x1f0: {  	v26 =	vadd.f32 v27, v26;
	v27 =	vld [tilespmem:s22+$0x8400]  }
0x1f1: {  	v25 =	vmul.f32 v25, v13;
	v28 =	vmul.f32 v28, v14;
	v31 =	vld [tilespmem:s29+$0x8420];
	v22 =	vadd.f32 v24, v22  }
0x1f2: {  	[tilespmem:s1+$0x10] =	vst v26;
	v24 =	vld [tilespmem:s30+$0x8400]  }
0x1f3: {  	v23 =	vmul.f32 v23, v15;
	v25 =	vadd.f32 v28, v25;
	v26 =	vld [tilespmem:s31+$0x8020]  }
0x1f4: {  	v29 =	vmul.f32 v29, v7;
	v28 =	vld [tilespmem:s3+$0x8020];
	v30 =	vmul.f32 v30, v8  }
0x1f5: {  	v23 =	vadd.f32 v23, v25;
	v25 =	vld [tilespmem:s15+$0x8020];
	v27 =	vmul.f32 v27, v10  }
0x1f6: {  	v29 =	vadd.f32 v30, v29;
	v30 =	vmul.f32 v31, v9;
	v31 =	vld [tilespmem:s0+$0x8400]  }
0x1f7: {  	[tilespmem:s2+$0x20] =	vst v23;
	v23 =	vmul.f32 v24, v16;
	v24 =	vld [tilespmem:s23+$0x8440]  }
0x1f8: {  	v32 =	vld [tilespmem:s12+$0x30];
	v26 =	vmul.f32 v26, v18;
	v29 =	vadd.f32 v30, v29  }
0x1f9: {  	v30 =	vld [tilespmem:s14+$0x30];
	v28 =	vmul.f32 v28, v21;
	v23 =	vadd.f32 v23, v27  }
0x1fa: {  	v27 =	vld [tilespmem:s6+$0x8030];
	v25 =	vmul.f32 v25, v20;
	[tilespmem:s24+$0x420] =	vst v29  }
0x1fb: {  	v26 =	vadd.f32 v28, v26;
	v28 =	vld [tilespmem:s26+$0x430];
	v29 =	vmul.f32 v31, v17  }
0x1fc: {  	v31 =	vld [tilespmem:s28+$0x430];
	v24 =	vmul.f32 v24, v12  }
0x1fd: {  	v25 =	vadd.f32 v25, v26;
	v23 =	vadd.f32 v29, v23;
	v26 =	vld [tilespmem:s18+$0x8470];
	s18 =	smov.u32 s21;
	s21 =	smov.u32 s30;
	s30 =	smov.u32 s3  }
0x1fe: {  	v29 =	vmul.f32 v32, v13;
	v30 =	vmul.f32 v30, v14;
	v32 =	vld [tilespmem:s29+$0x8430];
	v22 =	vadd.f32 v24, v22  }
0x1ff: {  	[tilespmem:s1+$0x20] =	vst v25;
	v24 =	vld [tilespmem:s19+$0x8470];
	s19 =	smov.u32 s23;
	s23 =	smov.u32 s0;
	s0 =	smov.u32 s15  }
0x200: {  	v27 =	vmul.f32 v27, v15;
	v25 =	vadd.f32 v30, v29;
	v29 =	vld [tilespmem:s31+$0x8030];
	[tilespmem:s5+$0x400] =	vst v23  }
0x201: {  	v28 =	vmul.f32 v28, v7;
	v23 =	vld [tilespmem:s30+$0x8030];
	v30 =	vmul.f32 v31, v8;
	[tilespmem:s25+$0x440] =	vst v22  }
0x202: {  	v22 =	vadd.f32 v27, v25;
	v25 =	vld [tilespmem:s0+$0x8030];
	v26 =	vmul.f32 v26, v5;
	v5 =	vmovc v11;
	v11 =	vmovc v16;
	v16 =	vmov v21  }
0x203: {  	v21 =	vadd.f32 v30, v28;
	v27 =	vmul.f32 v32, v9;
	v28 =	vld [tilespmem:s22+$0x8410]  }
0x204: {  	[tilespmem:s2+$0x30] =	vst v22;
	v22 =	vld [tilespmem:s21+$0x8410];
	v19 =	vadd.f32 v26, v19;
	v24 =	vmul.f32 v24, v6;
	v6 =	vmovc v12;
	v12 =	vmov v17  }
0x205: {  	v17 =	vmov v20;
	v26 =	vld [tilespmem:s12+$0x40];
	v29 =	vmul.f32 v29, v18;
	v21 =	vadd.f32 v27, v21  }
0x206: {  	v20 =	vld [tilespmem:s14+$0x40];
	v23 =	vmul.f32 v23, v16;
	v19 =	vadd.f32 v24, v19  }
0x207: {  	v24 =	vld [tilespmem:s6+$0x8040];
	v25 =	vmul.f32 v25, v17;
	[tilespmem:s24+$0x430] =	vst v21  }
0x208: {  	v21 =	vadd.f32 v23, v29;
	v23 =	vld [tilespmem:s26+$0x440];
	v27 =	vmul.f32 v28, v10;
	[tilespmem:s17+$0x470] =	vst v19;
	s17 =	smov.u32 s25;
	s25 =	smov.u32 s5;
	s5 =	smov.u32 s1  }
0x209: {  	v19 =	vld [tilespmem:s28+$0x440];
	v22 =	vmul.f32 v22, v11  }
0x20a: {  	v21 =	vadd.f32 v25, v21;
	v25 =	vld [tilespmem:s23+$0x8410]  }
0x20b: {  	v26 =	vmul.f32 v26, v13;
	v20 =	vmul.f32 v20, v14;
	v28 =	vld [tilespmem:s29+$0x8440];
	v22 =	vadd.f32 v22, v27  }
0x20c: {  	[tilespmem:s5+$0x30] =	vst v21;
	v21 =	vld [tilespmem:s20+$0x8450]  }
0x20d: {  	v24 =	vmul.f32 v24, v15;
	v20 =	vadd.f32 v20, v26;
	v26 =	vld [tilespmem:s31+$0x8040]  }
0x20e: {  	v23 =	vmul.f32 v23, v7;
	v27 =	vld [tilespmem:s30+$0x8040];
	v19 =	vmul.f32 v19, v8  }
0x20f: {  	v20 =	vadd.f32 v24, v20;
	v24 =	vld [tilespmem:s0+$0x8040];
	v25 =	vmul.f32 v25, v12  }
0x210: {  	v19 =	vadd.f32 v19, v23;
	v23 =	vmul.f32 v28, v9;
	v28 =	vld [tilespmem:s18+$0x8450]  }
0x211: {  	[tilespmem:s2+$0x40] =	vst v20;
	v20 =	vadd.f32 v25, v22;
	v21 =	vmul.f32 v21, v4;
	v22 =	vld [tilespmem:s19+$0x8450]  }
0x212: {  	v25 =	vld [tilespmem:s12+$0x50];
	v26 =	vmul.f32 v26, v18;
	v19 =	vadd.f32 v23, v19  }
0x213: {  	v23 =	vld [tilespmem:s14+$0x50];
	v27 =	vmul.f32 v27, v16;
	[tilespmem:s25+$0x410] =	vst v20  }
0x214: {  	v20 =	vld [tilespmem:s6+$0x8050];
	v24 =	vmul.f32 v24, v17;
	[tilespmem:s24+$0x440] =	vst v19  }
0x215: {  	v19 =	vadd.f32 v27, v26;
	v26 =	vld [tilespmem:s26+$0x450];
	v27 =	vmul.f32 v28, v5  }
0x216: {  	v28 =	vld [tilespmem:s28+$0x450];
	v22 =	vmul.f32 v22, v6  }
0x217: {  	v19 =	vadd.f32 v24, v19;
	v24 =	vld [tilespmem:s22+$0x8420];
	v21 =	vadd.f32 v27, v21  }
0x218: {  	v25 =	vmul.f32 v25, v13;
	v23 =	vmul.f32 v23, v14;
	v27 =	vld [tilespmem:s29+$0x8450]  }
0x219: {  	[tilespmem:s5+$0x40] =	vst v19;
	v19 =	vld [tilespmem:s21+$0x8420];
	v21 =	vadd.f32 v22, v21  }
0x21a: {  	v20 =	vmul.f32 v20, v15;
	v22 =	vadd.f32 v23, v25;
	v23 =	vld [tilespmem:s31+$0x8050]  }
0x21b: {  	v26 =	vmul.f32 v26, v7;
	v25 =	vld [tilespmem:s30+$0x8050];
	v28 =	vmul.f32 v28, v8;
	[tilespmem:s17+$0x450] =	vst v21  }
0x21c: {  	v20 =	vadd.f32 v20, v22;
	v21 =	vld [tilespmem:s0+$0x8050];
	v22 =	vmul.f32 v24, v10  }
0x21d: {  	v24 =	vadd.f32 v28, v26;
	v26 =	vmul.f32 v27, v9;
	v27 =	vld [tilespmem:s23+$0x8420]  }
0x21e: {  	[tilespmem:s2+$0x50] =	vst v20;
	v19 =	vmul.f32 v19, v11;
	v20 =	vld [tilespmem:s20+$0x8460]  }
0x21f: {  	v28 =	vld [tilespmem:s12+$0x60];
	v23 =	vmul.f32 v23, v18;
	v24 =	vadd.f32 v26, v24  }
0x220: {  	v26 =	vld [tilespmem:s14+$0x60];
	v25 =	vmul.f32 v25, v16;
	v19 =	vadd.f32 v19, v22  }
0x221: {  	v22 =	vld [tilespmem:s6+$0x8060];
	v21 =	vmul.f32 v21, v17;
	[tilespmem:s24+$0x450] =	vst v24  }
0x222: {  	v23 =	vadd.f32 v25, v23;
	v24 =	vld [tilespmem:s26+$0x460];
	v25 =	vmul.f32 v27, v12  }
0x223: {  	v27 =	vld [tilespmem:s28+$0x460];
	v20 =	vmul.f32 v20, v4  }
0x224: {  	v21 =	vadd.f32 v21, v23;
	v19 =	vadd.f32 v25, v19;
	v23 =	vld [tilespmem:s18+$0x8460]  }
0x225: {  	v25 =	vmul.f32 v28, v13;
	v26 =	vmul.f32 v26, v14;
	v28 =	vld [tilespmem:s29+$0x8460]  }
0x226: {  	[tilespmem:s5+$0x50] =	vst v21;
	v21 =	vld [tilespmem:s19+$0x8460]  }
0x227: {  	v22 =	vmul.f32 v22, v15;
	v25 =	vadd.f32 v26, v25;
	v26 =	vld [tilespmem:s31+$0x8060];
	[tilespmem:s25+$0x420] =	vst v19  }
0x228: {  	v24 =	vmul.f32 v24, v7;
	v19 =	vld [tilespmem:s30+$0x8060];
	v27 =	vmul.f32 v27, v8  }
0x229: {  	v22 =	vadd.f32 v22, v25;
	v29 =	vld [tilespmem:s0+$0x8060];
	v23 =	vmul.f32 v23, v5  }
0x22a: {  	v25 =	vadd.f32 v27, v24;
	v27 =	vmul.f32 v28, v9;
	v28 =	vld [tilespmem:s22+$0x8430]  }
0x22b: {  	[tilespmem:s2+$0x60] =	vst v22;
	v22 =	vld [tilespmem:s21+$0x8430];
	v20 =	vadd.f32 v23, v20;
	v21 =	vmul.f32 v21, v6  }
0x22c: {  	v24 =	vld [tilespmem:s6+$0x8070];
	v23 =	vmul.f32 v26, v18;
	v27 =	vadd.f32 v27, v25  }
0x22d: {  	v25 =	vld [tilespmem:s12+$0x70];
	v19 =	vmul.f32 v19, v16;
	v20 =	vadd.f32 v21, v20  }
.Ltmp1:
0x22e: {  	v26 =	vld [tilespmem:s14+$0x70];
	v29 =	vmul.f32 v29, v17;
	[tilespmem:s24+$0x460] =	vst v27;
	(pc) =	sbr.rel @p1 .LBB2_5-.Ltmp1, $4  }
0x22f: {  	v23 =	vadd.f32 v19, v23;
	v19 =	vld [tilespmem:s26+$0x470];
	v28 =	vmul.f32 v28, v10;
	[tilespmem:s17+$0x460] =	vst v20;
	s26 =	smov.u32 s12  }
0x230: {  	v21 =	vld [tilespmem:s28+$0x470];
	v22 =	vmul.f32 v22, v11;
	s28 =	smov.u32 s14  }
0x231: {  	v27 =	vadd.f32 v29, v23;
	v23 =	vld [tilespmem:s23+$0x8430]  }
0x232: {  	s11 =	sadd.s32 $0x600, s11;
	v20 =	vld [tilespmem:s29+$0x8470];
	v22 =	vadd.f32 v22, v28;
	s29 =	smov.u32 s6  }
0x233: {  	[tilespmem:s5+$0x60] =	vst v27  }
0x234: {  	v27 =	vld [tilespmem:s31+$0x8070]  }
0x235: {  	v28 =	vld [tilespmem:s30+$0x8070]  }
0x236: {  	v25 =	vmul.f32 v25, v13;
	v26 =	vmul.f32 v26, v14  }
0x237: {  	v51 =	vld [tilespmem:s0+$0x8070]  }
0x238: {  	v24 =	vmul.f32 v24, v15;
	v25 =	vadd.f32 v26, v25;
	_ =	sdelay $0x1  }
0x239: {  	v24 =	vadd.f32 v24, v25;
	v52 =	vmul.f32 v27, v18;
	v53 =	vmul.f32 v28, v16;
	_ =	sdelay $0x1  }
0x23a: {  	[tilespmem:s2+$0x70] =	vst v24;
	v26 =	vmul.f32 v51, v17;
	v25 =	vadd.f32 v53, v52  }
0x23b: {  	v24 =	vld [tilespmem:s26+$0x400]  }
0x23c: {  	v54 =	vld [tilespmem:s28+$0x400];
	v25 =	vadd.f32 v26, v25;
	_ =	sdelay $0x1  }
0x23d: {  	v55 =	vld [tilespmem:s29+$0x8400];
	[tilespmem:s5+$0x70] =	vst v25  }
0x23e: {  	v25 =	vld [tilespmem:s31+$0x8400]  }
0x23f: {  	v56 =	vld [tilespmem:s30+$0x8400]  }
0x240: {  	v24 =	vmul.f32 v24, v13;
	v27 =	vmul.f32 v54, v14  }
0x241: {  	v57 =	vld [tilespmem:s0+$0x8400]  }
0x242: {  	v26 =	vmul.f32 v55, v15;
	v24 =	vadd.f32 v27, v24;
	_ =	sdelay $0x1  }
0x243: {  	v24 =	vadd.f32 v26, v24;
	v25 =	vmul.f32 v25, v18;
	v58 =	vmul.f32 v56, v16;
	_ =	sdelay $0x1  }
0x244: {  	[tilespmem:s2+$0x400] =	vst v24;
	v59 =	vmul.f32 v57, v17;
	v25 =	vadd.f32 v58, v25  }
0x245: {  	v24 =	vld [tilespmem:s26+$0x410]  }
0x246: {  	v60 =	vld [tilespmem:s28+$0x410];
	v25 =	vadd.f32 v59, v25;
	_ =	sdelay $0x1  }
0x247: {  	v61 =	vld [tilespmem:s29+$0x8410];
	[tilespmem:s5+$0x400] =	vst v25  }
0x248: {  	v25 =	vld [tilespmem:s31+$0x8410]  }
0x249: {  	v62 =	vld [tilespmem:s30+$0x8410]  }
0x24a: {  	v24 =	vmul.f32 v24, v13;
	v27 =	vmul.f32 v60, v14  }
0x24b: {  	v63 =	vld [tilespmem:s0+$0x8410]  }
0x24c: {  	v26 =	vmul.f32 v61, v15;
	v24 =	vadd.f32 v27, v24;
	_ =	sdelay $0x1  }
0x24d: {  	v24 =	vadd.f32 v26, v24;
	v25 =	vmul.f32 v25, v18;
	v29 =	vmul.f32 v62, v16;
	_ =	sdelay $0x1  }
0x24e: {  	[tilespmem:s2+$0x410] =	vst v24;
	v30 =	vmul.f32 v63, v17;
	v25 =	vadd.f32 v29, v25  }
0x24f: {  	v24 =	vld [tilespmem:s26+$0x420]  }
0x250: {  	v31 =	vld [tilespmem:s28+$0x420];
	v25 =	vadd.f32 v30, v25;
	_ =	sdelay $0x1  }
0x251: {  	v32 =	vld [tilespmem:s29+$0x8420];
	[tilespmem:s5+$0x410] =	vst v25  }
0x252: {  	v25 =	vld [tilespmem:s31+$0x8420]  }
0x253: {  	v33 =	vld [tilespmem:s30+$0x8420]  }
0x254: {  	v24 =	vmul.f32 v24, v13;
	v27 =	vmul.f32 v31, v14  }
0x255: {  	v34 =	vld [tilespmem:s0+$0x8420]  }
0x256: {  	v26 =	vmul.f32 v32, v15;
	v24 =	vadd.f32 v27, v24;
	_ =	sdelay $0x1  }
0x257: {  	v24 =	vadd.f32 v26, v24;
	v25 =	vmul.f32 v25, v18;
	v35 =	vmul.f32 v33, v16;
	_ =	sdelay $0x1  }
0x258: {  	[tilespmem:s2+$0x420] =	vst v24;
	v36 =	vmul.f32 v34, v17;
	v25 =	vadd.f32 v35, v25  }
0x259: {  	v24 =	vld [tilespmem:s26+$0x430]  }
0x25a: {  	v37 =	vld [tilespmem:s28+$0x430];
	v25 =	vadd.f32 v36, v25;
	_ =	sdelay $0x1  }
0x25b: {  	v38 =	vld [tilespmem:s29+$0x8430];
	[tilespmem:s5+$0x420] =	vst v25  }
0x25c: {  	v25 =	vld [tilespmem:s31+$0x8430]  }
0x25d: {  	v23 =	vmul.f32 v23, v12;
	v39 =	vld [tilespmem:s30+$0x8430]  }
0x25e: {  	v24 =	vmul.f32 v24, v13;
	v27 =	vmul.f32 v37, v14  }
0x25f: {  	v22 =	vadd.f32 v23, v22;
	v42 =	vld [tilespmem:s0+$0x8430]  }
0x260: {  	v41 =	vmul.f32 v38, v15;
	v40 =	vadd.f32 v27, v24  }
0x261: {  	[tilespmem:s25+$0x430] =	vst v22  }
0x262: {  	v22 =	vld [tilespmem:s22+$0x8440];
	v23 =	vadd.f32 v41, v40;
	v25 =	vmul.f32 v25, v18;
	v44 =	vmul.f32 v39, v16  }
0x263: {  	v43 =	vld [tilespmem:s21+$0x8440]  }
0x264: {  	v45 =	vld [tilespmem:s23+$0x8440];
	[tilespmem:s2+$0x430] =	vst v23;
	v26 =	vmul.f32 v42, v17;
	v25 =	vadd.f32 v44, v25  }
0x265: {  	v23 =	vld [tilespmem:s26+$0x440]  }
0x266: {  	v46 =	vld [tilespmem:s28+$0x440];
	v25 =	vadd.f32 v26, v25;
	_ =	sdelay $0x1  }
0x267: {  	v22 =	vmul.f32 v22, v10;
	v24 =	vmul.f32 v43, v11;
	v47 =	vld [tilespmem:s29+$0x8440];
	[tilespmem:s5+$0x430] =	vst v25  }
0x268: {  	v49 =	vld [tilespmem:s31+$0x8440]  }
0x269: {  	v48 =	vmul.f32 v45, v12;
	v22 =	vadd.f32 v24, v22;
	v51 =	vld [tilespmem:s30+$0x8440]  }
0x26a: {  	v23 =	vmul.f32 v23, v13;
	v50 =	vmul.f32 v46, v14  }
0x26b: {  	v22 =	vadd.f32 v48, v22;
	v53 =	vld [tilespmem:s0+$0x8440]  }
0x26c: {  	v52 =	vmul.f32 v47, v15;
	v23 =	vadd.f32 v50, v23  }
0x26d: {  	[tilespmem:s25+$0x440] =	vst v22  }
0x26e: {  	v55 =	vld [tilespmem:s22+$0x8450];
	v54 =	vadd.f32 v52, v23;
	v56 =	vmul.f32 v49, v18;
	v57 =	vmul.f32 v51, v16  }
0x26f: {  	v58 =	vld [tilespmem:s21+$0x8450]  }
0x270: {  	v60 =	vld [tilespmem:s23+$0x8450];
	[tilespmem:s2+$0x440] =	vst v54;
	v25 =	vmul.f32 v53, v17;
	v24 =	vadd.f32 v57, v56  }
0x271: {  	v22 =	vld [tilespmem:s26+$0x450]  }
0x272: {  	v59 =	vld [tilespmem:s28+$0x450];
	v24 =	vadd.f32 v25, v24;
	_ =	sdelay $0x1  }
0x273: {  	v62 =	vmul.f32 v58, v11;
	v23 =	vmul.f32 v55, v10;
	v61 =	vld [tilespmem:s29+$0x8450];
	[tilespmem:s5+$0x440] =	vst v24  }
0x274: {  	v63 =	vld [tilespmem:s31+$0x8450]  }
0x275: {  	v28 =	vmul.f32 v60, v12;
	v23 =	vadd.f32 v62, v23;
	v29 =	vld [tilespmem:s30+$0x8450]  }
0x276: {  	v22 =	vmul.f32 v22, v13;
	v26 =	vmul.f32 v59, v14  }
0x277: {  	v23 =	vadd.f32 v28, v23;
	v31 =	vld [tilespmem:s0+$0x8450]  }
0x278: {  	v30 =	vmul.f32 v61, v15;
	v22 =	vadd.f32 v26, v22  }
0x279: {  	[tilespmem:s25+$0x450] =	vst v23  }
0x27a: {  	v34 =	vld [tilespmem:s22+$0x8460];
	v22 =	vadd.f32 v30, v22;
	v32 =	vmul.f32 v63, v18;
	v33 =	vmul.f32 v29, v16  }
0x27b: {  	v36 =	vld [tilespmem:s21+$0x8460]  }
0x27c: {  	v38 =	vld [tilespmem:s23+$0x8460];
	[tilespmem:s2+$0x450] =	vst v22;
	v25 =	vmul.f32 v31, v17;
	v23 =	vadd.f32 v33, v32  }
0x27d: {  	v22 =	vld [tilespmem:s26+$0x460]  }
0x27e: {  	v35 =	vld [tilespmem:s28+$0x460];
	v23 =	vadd.f32 v25, v23;
	_ =	sdelay $0x1  }
0x27f: {  	v37 =	vld [tilespmem:s29+$0x8460];
	[tilespmem:s5+$0x450] =	vst v23  }
0x280: {  	v26 =	vmul.f32 v34, v10;
	v27 =	vmul.f32 v36, v11;
	v23 =	vld [tilespmem:s31+$0x8460]  }
0x281: {  	v28 =	vmul.f32 v38, v12;
	v39 =	vld [tilespmem:s30+$0x8460]  }
0x282: {  	v26 =	vadd.f32 v27, v26;
	v22 =	vmul.f32 v22, v13;
	v24 =	vmul.f32 v35, v14  }
0x283: {  	v41 =	vld [tilespmem:s0+$0x8460]  }
0x284: {  	v43 =	vld [tilespmem:s18+$0x8470];
	v26 =	vadd.f32 v28, v26;
	v40 =	vmul.f32 v37, v15;
	v22 =	vadd.f32 v24, v22  }
0x285: {  	v42 =	vld [tilespmem:s20+$0x8470]  }
0x286: {  	v44 =	vld [tilespmem:s19+$0x8470];
	[tilespmem:s25+$0x460] =	vst v26;
	v22 =	vadd.f32 v40, v22;
	v23 =	vmul.f32 v23, v18;
	v29 =	vmul.f32 v39, v16  }
0x287: {  	v48 =	vld [tilespmem:s22+$0x8470]  }
0x288: {  	v49 =	vld [tilespmem:s21+$0x8470];
	[tilespmem:s2+$0x460] =	vst v22;
	v25 =	vmul.f32 v41, v17;
	v23 =	vadd.f32 v29, v23  }
0x289: {  	v45 =	vld [tilespmem:s26+$0x470]  }
0x28a: {  	v46 =	vld [tilespmem:s28+$0x470];
	v23 =	vadd.f32 v25, v23  }
0x28b: {  	v7 =	vmul.f32 v19, v7;
	v8 =	vmul.f32 v21, v8;
	v52 =	vld [tilespmem:s23+$0x8470]  }
0x28c: {  	v5 =	vmul.f32 v43, v5;
	v4 =	vmul.f32 v42, v4;
	v47 =	vld [tilespmem:s29+$0x8470];
	[tilespmem:s5+$0x460] =	vst v23  }
0x28d: {  	v9 =	vmul.f32 v20, v9;
	v6 =	vmul.f32 v44, v6;
	v50 =	vld [tilespmem:s31+$0x8470]  }
0x28e: {  	v4 =	vadd.f32 v5, v4;
	v5 =	vmul.f32 v48, v10;
	v57 =	vmul.f32 v49, v11;
	v51 =	vld [tilespmem:s30+$0x8470]  }
0x28f: {  	v7 =	vadd.f32 v8, v7;
	v53 =	vmul.f32 v45, v13;
	v55 =	vmul.f32 v46, v14  }
0x290: {  	v4 =	vadd.f32 v6, v4;
	v60 =	vmul.f32 v52, v12;
	v5 =	vadd.f32 v57, v5;
	v54 =	vld [tilespmem:s0+$0x8470]  }
0x291: {  	v7 =	vadd.f32 v9, v7;
	v56 =	vmul.f32 v47, v15;
	v9 =	vadd.f32 v55, v53  }
0x292: {  	[tilespmem:s17+$0x470] =	vst v4;
	v4 =	vadd.f32 v60, v5  }
0x293: {  	[tilespmem:s24+$0x470] =	vst v7;
	v61 =	vadd.f32 v56, v9;
	v58 =	vmul.f32 v50, v18;
	v59 =	vmul.f32 v51, v16  }
0x294: {  	[tilespmem:s25+$0x470] =	vst v4  }
0x295: {  	v63 =	vmul.f32 v54, v17;
	[tilespmem:s2+$0x470] =	vst v61;
	v62 =	vadd.f32 v59, v58  }
0x296: {  	s3 =	rddreg [dreg:$0xe]  }
0x297: {  	p1 =	seq.s32 s3, $0x1F;
	v5 =	vadd.f32 v63, v62  }
.Ltmp2:
0x298: {  	_ = 	snop;
	(pc) =	sbr.rel @p1 .LBB2_8-.Ltmp2, $4  }
0x299: {  	[tilespmem:s5+$0x470] =	vst v5  }
0x29a: {  	s30 =	sshll.u32 s3, $0xB;
	s1 =	rddreg [dreg:$0xb]  }
0x29b: {  	s31 =	simm.s32 $0x14000;
	s2 =	simm.s32 $0x0;
	s0 =	sadd.s32 s30, s1  }
0x29c: {  	[hbm4b:s0+s2] =	stream.linear.scatter [tilespmem:s31], [sflag:$0x5], $0x2000, $0x38;
	[tilespmem:$0x18000] =	vst v63  }
0x29d: {  	s0 =	sadd.s32 $0x2, s8  }
0x29e: {  	s1 =	smul.u32 $0x600, s0  }
0x29f: {  	s3 =	rddreg [dreg:$0x9];
	s0 =	sshll.u32 s0, $0x7  }
0x2a0: {  	s17 =	simm.s32 $0x2000;
	s0 =	sand.u32 $0x3FFFFF80, s0;
	s1 =	sadd.s32 s3, s1  }
0x2a1: {  	[tilespmem:s17], [sflag:$0x3] =	stream.linear.gather [hbm4b:s1+s2], $0x3000, $0x38;
	[tilespmem:$0x18000] =	vst v63  }
0x2a2: {  	v4 =	vld [tilespmem:s0+$0x0];
	_ =	sdelay $0x4  }
0x2a3: {  	v5 =	vshll.u32 v4, $0x1  }
0x2a4: {  	v4 =	vand.u32 $0x7, v4;
	v5 =	vand.u32 $0xFFFFFFF0, v5  }
0x2a5: {  	v4 =	vor.u32 v4, v5  }
0x2a6: {  	v5 =	vperm.xlane v4, v1;
	_ =	sdelay $0x1  }
0x2a7: {  	v4 =	vperm.xlane v4, v3;
	v5 =	vadd.s32 v2, v5;
	_ =	sdelay $0x1  }
0x2a8: {  	v4 =	vadd.s32 v2, v4;
	_ =	sdelay $0x1  }
0x2a9: {  	s18 =	rddreg [dreg:$0x0];
	s19 =	simm.s32 $0x8000  }
0x2aa: {  	[tilespmem:s19], [sflag:$0x1] =	stream.indirect_vreg.gather [hbm4b:s18+s2], $0x80, v5, vm0, $0xb8;
	[tilespmem:$0x18000] =	vst v63  }
0x2ab: {  	s20 =	simm.s32 $0x8800  }
0x2ac: {  	[tilespmem:s20], [sflag:$0x1] =	stream.indirect_vreg.gather [hbm4b:s18+s2], $0x80, v4, vm0, $0xb8;
	[tilespmem:$0x18000] =	vst v63  }
0x2ad: {  	v4 =	vld [tilespmem:s0+$0x10];
	_ =	sdelay $0x4  }
0x2ae: {  	v5 =	vshll.u32 v4, $0x1  }
0x2af: {  	v4 =	vand.u32 $0x7, v4;
	v5 =	vand.u32 $0xFFFFFFF0, v5  }
0x2b0: {  	v4 =	vor.u32 v4, v5  }
0x2b1: {  	v5 =	vperm.xlane v4, v1;
	_ =	sdelay $0x1  }
0x2b2: {  	v4 =	vperm.xlane v4, v3;
	v5 =	vadd.s32 v2, v5;
	_ =	sdelay $0x1  }
0x2b3: {  	v4 =	vadd.s32 v2, v4;
	_ =	sdelay $0x1  }
0x2b4: {  	s21 =	simm.s32 $0x9000  }
0x2b5: {  	[tilespmem:s21], [sflag:$0x1] =	stream.indirect_vreg.gather [hbm4b:s18+s2], $0x80, v5, vm0, $0xb8;
	[tilespmem:$0x18000] =	vst v63  }
0x2b6: {  	s22 =	simm.s32 $0x9800  }
0x2b7: {  	[tilespmem:s22], [sflag:$0x1] =	stream.indirect_vreg.gather [hbm4b:s18+s2], $0x80, v4, vm0, $0xb8;
	[tilespmem:$0x18000] =	vst v63  }
0x2b8: {  	v4 =	vld [tilespmem:s0+$0x20];
	_ =	sdelay $0x4  }
0x2b9: {  	v5 =	vshll.u32 v4, $0x1  }
0x2ba: {  	v4 =	vand.u32 $0x7, v4;
	v5 =	vand.u32 $0xFFFFFFF0, v5  }
0x2bb: {  	v4 =	vor.u32 v4, v5  }
0x2bc: {  	v5 =	vperm.xlane v4, v1;
	_ =	sdelay $0x1  }
0x2bd: {  	v4 =	vperm.xlane v4, v3;
	v5 =	vadd.s32 v2, v5;
	_ =	sdelay $0x1  }
0x2be: {  	v4 =	vadd.s32 v2, v4;
	_ =	sdelay $0x1  }
0x2bf: {  	s23 =	simm.s32 $0xA000  }
0x2c0: {  	[tilespmem:s23], [sflag:$0x1] =	stream.indirect_vreg.gather [hbm4b:s18+s2], $0x80, v5, vm0, $0xb8;
	[tilespmem:$0x18000] =	vst v63  }
0x2c1: {  	s24 =	simm.s32 $0xA800  }
0x2c2: {  	[tilespmem:s24], [sflag:$0x1] =	stream.indirect_vreg.gather [hbm4b:s18+s2], $0x80, v4, vm0, $0xb8;
	[tilespmem:$0x18000] =	vst v63  }
0x2c3: {  	v4 =	vld [tilespmem:s0+$0x30];
	_ =	sdelay $0x4  }
0x2c4: {  	v5 =	vshll.u32 v4, $0x1  }
0x2c5: {  	v4 =	vand.u32 $0x7, v4;
	v5 =	vand.u32 $0xFFFFFFF0, v5  }
0x2c6: {  	v4 =	vor.u32 v4, v5  }
0x2c7: {  	v5 =	vperm.xlane v4, v1;
	_ =	sdelay $0x1  }
0x2c8: {  	v4 =	vperm.xlane v4, v3;
	v5 =	vadd.s32 v2, v5;
	_ =	sdelay $0x1  }
0x2c9: {  	v4 =	vadd.s32 v2, v4;
	_ =	sdelay $0x1  }
0x2ca: {  	s25 =	simm.s32 $0xB000  }
0x2cb: {  	[tilespmem:s25], [sflag:$0x1] =	stream.indirect_vreg.gather [hbm4b:s18+s2], $0x80, v5, vm0, $0xb8;
	[tilespmem:$0x18000] =	vst v63  }
0x2cc: {  	s26 =	simm.s32 $0xB800  }
0x2cd: {  	[tilespmem:s26], [sflag:$0x1] =	stream.indirect_vreg.gather [hbm4b:s18+s2], $0x80, v4, vm0, $0xb8;
	[tilespmem:$0x18000] =	vst v63  }
0x2ce: {  	v4 =	vld [tilespmem:s0+$0x40];
	_ =	sdelay $0x4  }
0x2cf: {  	v5 =	vshll.u32 v4, $0x1  }
0x2d0: {  	v4 =	vand.u32 $0x7, v4;
	v5 =	vand.u32 $0xFFFFFFF0, v5  }
0x2d1: {  	v4 =	vor.u32 v4, v5  }
0x2d2: {  	v5 =	vperm.xlane v4, v1;
	_ =	sdelay $0x1  }
0x2d3: {  	v4 =	vperm.xlane v4, v3;
	v5 =	vadd.s32 v2, v5;
	_ =	sdelay $0x1  }
0x2d4: {  	v4 =	vadd.s32 v2, v4;
	_ =	sdelay $0x1  }
0x2d5: {  	s28 =	simm.s32 $0xC000  }
0x2d6: {  	[tilespmem:s28], [sflag:$0x1] =	stream.indirect_vreg.gather [hbm4b:s18+s2], $0x80, v5, vm0, $0xb8;
	[tilespmem:$0x18000] =	vst v63  }
0x2d7: {  	s29 =	simm.s32 $0xC800  }
0x2d8: {  	[tilespmem:s29], [sflag:$0x1] =	stream.indirect_vreg.gather [hbm4b:s18+s2], $0x80, v4, vm0, $0xb8;
	[tilespmem:$0x18000] =	vst v63  }
0x2d9: {  	v4 =	vld [tilespmem:s0+$0x50];
	_ =	sdelay $0x4  }
0x2da: {  	v5 =	vshll.u32 v4, $0x1  }
0x2db: {  	v4 =	vand.u32 $0x7, v4;
	v5 =	vand.u32 $0xFFFFFFF0, v5  }
0x2dc: {  	v4 =	vor.u32 v4, v5  }
0x2dd: {  	v5 =	vperm.xlane v4, v1;
	_ =	sdelay $0x1  }
0x2de: {  	v4 =	vperm.xlane v4, v3;
	v5 =	vadd.s32 v2, v5;
	_ =	sdelay $0x1  }
0x2df: {  	v4 =	vadd.s32 v2, v4;
	_ =	sdelay $0x1  }
0x2e0: {  	s30 =	simm.s32 $0xD000  }
0x2e1: {  	[tilespmem:s30], [sflag:$0x1] =	stream.indirect_vreg.gather [hbm4b:s18+s2], $0x80, v5, vm0, $0xb8;
	[tilespmem:$0x18000] =	vst v63  }
0x2e2: {  	s31 =	simm.s32 $0xD800  }
0x2e3: {  	[tilespmem:s31], [sflag:$0x1] =	stream.indirect_vreg.gather [hbm4b:s18+s2], $0x80, v4, vm0, $0xb8;
	[tilespmem:$0x18000] =	vst v63  }
.LBB2_8:
0x2e4: {  	s0 =	simm.s32 $0x4  }
0x2e5: {  	_ =	swait.ge [sflag:s0], $0x3000  }
0x2e6: {  	[sflag:s0] =	ssyncset.done $0x0  }
0x2e7: {  	s23 =	simm.s32 $0x2;
	[sflag:s0] =	ssyncadd.s32 $0xFFFFD000  }
0x2e8: {  	_ =	swait.ge [sflag:s23], $0x6000  }
0x2e9: {  	[sflag:s23] =	ssyncset.done $0x0  }
0x2ea: {  	s0 =	simm.s32 @!p0 $0x6;
	[sflag:s23] =	ssyncadd.s32 $0xFFFFA000  }
0x2eb: {  	_ =	swait.ge @!p0 [sflag:s0], $0x2000  }
0x2ec: {  	s24 =	simm.s32 $0x0;
	s4 =	simm.s32 $0x5280;
	[sflag:s0] =	ssyncset.done @!p0 $0x0  }
0x2ed: {  	s25 =	simm.s32 $0x0;
	s7 =	sand.u32 $0x7800, s24;
	[sflag:s0] =	ssyncadd.s32 @!p0 $0xFFFFE000  }
0x2ee: {  	s2 =	simm.s32 $0x80;
	s3 =	sand.u32 $0x300, s25;
	s26 =	sadd.s32 $0xE000, s7;
	v19 =	vld [tilespmem:s4+$0xFFFFFD80]  }
0x2ef: {  	s9 =	sand.u32 $0x380, s2;
	s1 =	sor.u32 s3, s26;
	v21 =	vld [tilespmem:s4+$0xFFFFFE00]  }
0x2f0: {  	s5 =	simm.s32 $0x200;
	s6 =	simm.s32 $0x100;
	s2 =	sor.u32 s9, s26;
	v4 =	vld [tilespmem:s1+$0x0]  }
0x2f1: {  	s8 =	sand.u32 $0xF800, s5;
	s10 =	sand.u32 $0x300, s6;
	v5 =	vld [tilespmem:s2+$0x0]  }
0x2f2: {  	s0 =	sor.u32 s10, s8;
	v20 =	vld [tilespmem:s4+$0xFFFFFE80]  }
0x2f3: {  	v6 =	vld [tilespmem:s0+$0xE000];
	_ =	sdelay $0x2  }
0x2f4: {  	v4 =	vmul.f32 v4, v19;
	v5 =	vmul.f32 v5, v21;
	_ =	sdelay $0x1  }
0x2f5: {  	s11 =	simm.s32 $0x0;
	v4 =	vadd.f32 v5, v4;
	v5 =	vmul.f32 v6, v20  }
0x2f6: {  	s12 =	simm.s32 $0x0;
	s5 =	sand.u32 $0x1800, s11  }
0x2f7: {  	s6 =	sand.u32 $0x300, s12;
	s5 =	sor.u32 $0x14000, s5;
	v4 =	vadd.f32 v5, v4  }
0x2f8: {  	s8 =	sor.u32 s6, s5  }
0x2f9: {  	[tilespmem:s8+$0x2000] =	vst v4  }
0x2fa: {  	v5 =	vld [tilespmem:s1+$0x10]  }
0x2fb: {  	s13 =	simm.s32 $0x180;
	s11 =	simm.s32 $0x200;
	s12 =	simm.s32 $0x300;
	v6 =	vld [tilespmem:s2+$0x10]  }
0x2fc: {  	s12 =	sand.u32 $0x7800, s12;
	s10 =	simm.s32 $0x400;
	s6 =	sand.u32 $0x380, s13  }
0x2fd: {  	s11 =	sand.u32 $0x300, s11;
	s10 =	sand.u32 $0xF800, s10;
	s21 =	sor.u32 s6, s12;
	v7 =	vld [tilespmem:s0+$0xE010]  }
0x2fe: {  	s18 =	sor.u32 s11, s10;
	v9 =	vld [tilespmem:s21+$0xE000]  }
0x2ff: {  	s14 =	simm.s32 $0x500;
	s15 =	simm.s32 $0x280;
	v8 =	vld [tilespmem:s18+$0xE000]  }
0x300: {  	s6 =	sand.u32 $0xF800, s14;
	s10 =	sand.u32 $0x380, s15;
	v4 =	vld [tilespmem:s4+$0xFFFFFF00];
	v10 =	vmul.f32 v5, v19;
	v6 =	vmul.f32 v6, v21  }
0x301: {  	s19 =	sor.u32 s10, s6;
	v5 =	vld [tilespmem:s4+$0xFFFFFF80]  }
0x302: {  	v11 =	vld [tilespmem:s19+$0xE000];
	v7 =	vmul.f32 v7, v20;
	v10 =	vadd.f32 v6, v10  }
0x303: {  	v6 =	vld [tilespmem:s4+$0x0]  }
0x304: {  	v7 =	vadd.f32 v7, v10;
	_ =	sdelay $0x1  }
0x305: {  	v9 =	vmul.f32 v9, v4;
	v8 =	vmul.f32 v8, v5;
	[tilespmem:s8+$0x2010] =	vst v7  }
0x306: {  	v7 =	vld [tilespmem:s1+$0x20]  }
0x307: {  	v8 =	vadd.f32 v8, v9;
	v9 =	vmul.f32 v11, v6;
	v10 =	vld [tilespmem:s2+$0x20]  }
0x308: {  	s16 =	simm.s32 $0x80  }
0x309: {  	s4 =	sand.u32 $0x380, s16;
	v8 =	vadd.f32 v9, v8;
	v9 =	vld [tilespmem:s0+$0xE020]  }
0x30a: {  	s15 =	sor.u32 s4, s5  }
0x30b: {  	[tilespmem:s15+$0x2000] =	vst v8  }
0x30c: {  	v8 =	vld [tilespmem:s21+$0xE010];
	v7 =	vmul.f32 v7, v19;
	v10 =	vmul.f32 v10, v21  }
0x30d: {  	v11 =	vld [tilespmem:s18+$0xE010]  }
0x30e: {  	v7 =	vadd.f32 v10, v7;
	v9 =	vmul.f32 v9, v20  }
0x30f: {  	v10 =	vld [tilespmem:s19+$0xE010]  }
0x310: {  	v7 =	vadd.f32 v9, v7;
	_ =	sdelay $0x1  }
0x311: {  	v8 =	vmul.f32 v8, v4;
	v9 =	vmul.f32 v11, v5;
	[tilespmem:s8+$0x2020] =	vst v7  }
0x312: {  	v7 =	vld [tilespmem:s1+$0x30]  }
0x313: {  	v10 =	vmul.f32 v10, v6;
	v8 =	vadd.f32 v9, v8;
	v9 =	vld [tilespmem:s2+$0x30];
	_ =	sdelay $0x1  }
0x314: {  	v8 =	vadd.f32 v10, v8;
	v10 =	vld [tilespmem:s0+$0xE030];
	_ =	sdelay $0x1  }
0x315: {  	[tilespmem:s15+$0x2010] =	vst v8  }
0x316: {  	v8 =	vld [tilespmem:s21+$0xE020];
	v7 =	vmul.f32 v7, v19;
	v9 =	vmul.f32 v9, v21  }
0x317: {  	v11 =	vld [tilespmem:s18+$0xE020]  }
0x318: {  	v7 =	vadd.f32 v9, v7;
	v9 =	vmul.f32 v10, v20  }
0x319: {  	v10 =	vld [tilespmem:s19+$0xE020]  }
0x31a: {  	v7 =	vadd.f32 v9, v7;
	_ =	sdelay $0x1  }
0x31b: {  	v8 =	vmul.f32 v8, v4;
	v9 =	vmul.f32 v11, v5;
	[tilespmem:s8+$0x2030] =	vst v7  }
0x31c: {  	v7 =	vld [tilespmem:s1+$0x40]  }
0x31d: {  	v10 =	vmul.f32 v10, v6;
	v8 =	vadd.f32 v9, v8;
	v9 =	vld [tilespmem:s2+$0x40];
	_ =	sdelay $0x1  }
0x31e: {  	v8 =	vadd.f32 v10, v8;
	v10 =	vld [tilespmem:s0+$0xE040];
	_ =	sdelay $0x1  }
0x31f: {  	[tilespmem:s15+$0x2020] =	vst v8  }
0x320: {  	v8 =	vld [tilespmem:s21+$0xE030];
	v7 =	vmul.f32 v7, v19;
	v9 =	vmul.f32 v9, v21  }
0x321: {  	v11 =	vld [tilespmem:s18+$0xE030]  }
0x322: {  	v7 =	vadd.f32 v9, v7;
	v9 =	vmul.f32 v10, v20  }
0x323: {  	v10 =	vld [tilespmem:s19+$0xE030]  }
0x324: {  	v7 =	vadd.f32 v9, v7;
	_ =	sdelay $0x1  }
0x325: {  	v8 =	vmul.f32 v8, v4;
	v9 =	vmul.f32 v11, v5;
	[tilespmem:s8+$0x2040] =	vst v7  }
0x326: {  	v7 =	vld [tilespmem:s1+$0x50]  }
0x327: {  	v10 =	vmul.f32 v10, v6;
	v8 =	vadd.f32 v9, v8;
	v9 =	vld [tilespmem:s2+$0x50];
	_ =	sdelay $0x1  }
0x328: {  	v8 =	vadd.f32 v10, v8;
	v10 =	vld [tilespmem:s0+$0xE050];
	_ =	sdelay $0x1  }
0x329: {  	[tilespmem:s15+$0x2030] =	vst v8  }
0x32a: {  	v8 =	vld [tilespmem:s21+$0xE040];
	v7 =	vmul.f32 v7, v19;
	v9 =	vmul.f32 v9, v21  }
0x32b: {  	v11 =	vld [tilespmem:s18+$0xE040]  }
0x32c: {  	v7 =	vadd.f32 v9, v7;
	v9 =	vmul.f32 v10, v20  }
0x32d: {  	v10 =	vld [tilespmem:s19+$0xE040]  }
0x32e: {  	v7 =	vadd.f32 v9, v7;
	_ =	sdelay $0x1  }
0x32f: {  	v8 =	vmul.f32 v8, v4;
	v9 =	vmul.f32 v11, v5;
	[tilespmem:s8+$0x2050] =	vst v7  }
0x330: {  	v7 =	vld [tilespmem:s1+$0x60]  }
0x331: {  	v10 =	vmul.f32 v10, v6;
	v8 =	vadd.f32 v9, v8;
	v9 =	vld [tilespmem:s2+$0x60];
	_ =	sdelay $0x1  }
0x332: {  	v8 =	vadd.f32 v10, v8;
	v10 =	vld [tilespmem:s0+$0xE060];
	_ =	sdelay $0x1  }
0x333: {  	[tilespmem:s15+$0x2040] =	vst v8  }
0x334: {  	v8 =	vld [tilespmem:s21+$0xE050];
	v7 =	vmul.f32 v7, v19;
	v9 =	vmul.f32 v9, v21  }
0x335: {  	v11 =	vld [tilespmem:s18+$0xE050]  }
0x336: {  	v7 =	vadd.f32 v9, v7;
	v9 =	vmul.f32 v10, v20  }
0x337: {  	v10 =	vld [tilespmem:s19+$0xE050]  }
0x338: {  	v7 =	vadd.f32 v9, v7;
	_ =	sdelay $0x1  }
0x339: {  	v8 =	vmul.f32 v8, v4;
	v9 =	vmul.f32 v11, v5;
	[tilespmem:s8+$0x2060] =	vst v7  }
0x33a: {  	v7 =	vld [tilespmem:s1+$0x70]  }
0x33b: {  	s17 =	simm.s32 $0x600;
	s20 =	simm.s32 $0x300;
	v10 =	vmul.f32 v10, v6;
	v8 =	vadd.f32 v9, v8;
	v9 =	vld [tilespmem:s2+$0x70]  }
0x33c: {  	s24 =	simm.s32 $0x800;
	s25 =	simm.s32 $0x400;
	s23 =	simm.s32 $0x380  }
0x33d: {  	s12 =	sand.u32 $0x300, s25;
	s11 =	sand.u32 $0xF800, s24;
	s1 =	sand.u32 $0x7800, s17;
	v8 =	vadd.f32 v10, v8;
	v10 =	vld [tilespmem:s0+$0xE070]  }
0x33e: {  	s11 =	sor.u32 s12, s11;
	s2 =	sand.u32 $0x300, s20;
	s22 =	sadd.s32 $0xE000, s1  }
0x33f: {  	v14 =	vld [tilespmem:s11+$0xE000];
	s4 =	sand.u32 $0x380, s23;
	s5 =	sor.u32 s2, s22  }
0x340: {  	s6 =	sor.u32 s4, s22;
	v11 =	vld [tilespmem:s5+$0x0];
	[tilespmem:s15+$0x2050] =	vst v8;
	v8 =	vmul.f32 v7, v19;
	v9 =	vmul.f32 v9, v21  }
0x341: {  	s13 =	simm.s32 $0xA00;
	s14 =	simm.s32 $0x500;
	s10 =	simm.s32 $0x5580;
	v12 =	vld [tilespmem:s6+$0x0]  }
0x342: {  	s16 =	sand.u32 $0xF800, s13;
	s17 =	sand.u32 $0x300, s14;
	v7 =	vld [tilespmem:s10+$0xFFFFFD80];
	v10 =	vmul.f32 v10, v20;
	v9 =	vadd.f32 v9, v8  }
0x343: {  	s23 =	simm.s32 $0x480;
	s20 =	simm.s32 $0x900;
	s22 =	sor.u32 s17, s16;
	v8 =	vld [tilespmem:s10+$0xFFFFFE00]  }
0x344: {  	s25 =	sand.u32 $0x380, s23;
	s24 =	sand.u32 $0x7800, s20;
	v17 =	vld [tilespmem:s22+$0xE000];
	v10 =	vadd.f32 v10, v9  }
0x345: {  	s26 =	sadd.s32 $0xE400, s7;
	s17 =	sor.u32 s25, s24;
	v9 =	vld [tilespmem:s10+$0xFFFFFE80]  }
0x346: {  	s7 =	sor.u32 s3, s26;
	v22 =	vld [tilespmem:s17+$0xE000];
	[tilespmem:s8+$0x2070] =	vst v10  }
0x347: {  	s9 =	sor.u32 s9, s26;
	v15 =	vld [tilespmem:s7+$0x0]  }
0x348: {  	s26 =	simm.s32 $0xB00;
	s16 =	simm.s32 $0x580;
	v10 =	vmul.f32 v11, v7;
	v16 =	vld [tilespmem:s9+$0x0];
	v11 =	vmul.f32 v12, v8  }
0x349: {  	s14 =	sand.u32 $0xF800, s26;
	s12 =	sand.u32 $0x380, s16;
	v13 =	vld [tilespmem:s21+$0xE060]  }
0x34a: {  	s20 =	simm.s32 $0x200;
	s24 =	sor.u32 s12, s14;
	v18 =	vld [tilespmem:s0+$0xE400];
	v12 =	vadd.f32 v11, v10;
	v14 =	vmul.f32 v14, v9  }
0x34b: {  	s23 =	simm.s32 $0x100;
	s13 =	sand.u32 $0x1800, s20;
	v23 =	vld [tilespmem:s24+$0xE000]  }
0x34c: {  	s25 =	sand.u32 $0x300, s23;
	s26 =	sor.u32 $0x14000, s13;
	v10 =	vld [tilespmem:s10+$0xFFFFFF00];
	v14 =	vadd.f32 v14, v12  }
0x34d: {  	s25 =	sor.u32 s25, s26;
	v11 =	vld [tilespmem:s10+$0xFFFFFF80];
	v15 =	vmul.f32 v15, v19;
	v16 =	vmul.f32 v16, v21  }
0x34e: {  	v12 =	vld [tilespmem:s10+$0x0];
	[tilespmem:s25+$0x2000] =	vst v14  }
0x34f: {  	v14 =	vadd.f32 v16, v15;
	v15 =	vmul.f32 v18, v20;
	v16 =	vld [tilespmem:s5+$0x10]  }
0x350: {  	v18 =	vld [tilespmem:s6+$0x10]  }
0x351: {  	v24 =	vld [tilespmem:s18+$0xE060];
	v14 =	vadd.f32 v15, v14  }
0x352: {  	v17 =	vmul.f32 v17, v11;
	v15 =	vmul.f32 v22, v10;
	v22 =	vld [tilespmem:s11+$0xE010]  }
0x353: {  	v25 =	vld [tilespmem:s19+$0xE060];
	[tilespmem:s8+$0x2400] =	vst v14  }
0x354: {  	v14 =	vadd.f32 v17, v15;
	v15 =	vmul.f32 v23, v12;
	v17 =	vld [tilespmem:s7+$0x10]  }
0x355: {  	s10 =	simm.s32 $0x180;
	v23 =	vld [tilespmem:s9+$0x10];
	v16 =	vmul.f32 v16, v7;
	v18 =	vmul.f32 v18, v8  }
0x356: {  	v13 =	vmul.f32 v13, v4;
	s3 =	sand.u32 $0x380, s10;
	v14 =	vadd.f32 v15, v14  }
0x357: {  	s31 =	sor.u32 s3, s26;
	v15 =	vmul.f32 v24, v5;
	v24 =	vld [tilespmem:s0+$0xE410];
	v16 =	vadd.f32 v18, v16;
	v18 =	vmul.f32 v22, v9  }
0x358: {  	[tilespmem:s31+$0x2000] =	vst v14  }
0x359: {  	v14 =	vmul.f32 v25, v6;
	v13 =	vadd.f32 v15, v13;
	v15 =	vld [tilespmem:s17+$0xE010];
	v16 =	vadd.f32 v18, v16  }
0x35a: {  	v18 =	vld [tilespmem:s22+$0xE010];
	v17 =	vmul.f32 v17, v19;
	v22 =	vmul.f32 v23, v21  }
0x35b: {  	v13 =	vadd.f32 v14, v13;
	v14 =	vld [tilespmem:s24+$0xE010];
	[tilespmem:s25+$0x2010] =	vst v16  }
0x35c: {  	v16 =	vadd.f32 v22, v17;
	v17 =	vmul.f32 v24, v20;
	v22 =	vld [tilespmem:s5+$0x20]  }
0x35d: {  	[tilespmem:s15+$0x2060] =	vst v13;
	v13 =	vld [tilespmem:s6+$0x20]  }
0x35e: {  	v23 =	vld [tilespmem:s21+$0xE070];
	v16 =	vadd.f32 v17, v16  }
0x35f: {  	v15 =	vmul.f32 v15, v10;
	v17 =	vmul.f32 v18, v11;
	v18 =	vld [tilespmem:s11+$0xE020]  }
0x360: {  	v24 =	vld [tilespmem:s18+$0xE070];
	[tilespmem:s8+$0x2410] =	vst v16  }
0x361: {  	v14 =	vmul.f32 v14, v12;
	v15 =	vadd.f32 v17, v15;
	v16 =	vld [tilespmem:s7+$0x20]  }
0x362: {  	v17 =	vld [tilespmem:s9+$0x20];
	v22 =	vmul.f32 v22, v7;
	v13 =	vmul.f32 v13, v8  }
0x363: {  	v25 =	vld [tilespmem:s19+$0xE070];
	v14 =	vadd.f32 v14, v15  }
0x364: {  	v15 =	vld [tilespmem:s0+$0xE420];
	v13 =	vadd.f32 v13, v22;
	v18 =	vmul.f32 v18, v9  }
0x365: {  	[tilespmem:s31+$0x2010] =	vst v14  }
0x366: {  	v22 =	vmul.f32 v24, v5;
	v14 =	vmul.f32 v23, v4;
	v23 =	vld [tilespmem:s17+$0xE020];
	v13 =	vadd.f32 v18, v13  }
0x367: {  	v18 =	vld [tilespmem:s22+$0xE020];
	v16 =	vmul.f32 v16, v19;
	v17 =	vmul.f32 v17, v21  }
0x368: {  	v24 =	vld [tilespmem:s24+$0xE020];
	v14 =	vadd.f32 v22, v14;
	v22 =	vmul.f32 v25, v6;
	[tilespmem:s25+$0x2020] =	vst v13  }
0x369: {  	v15 =	vmul.f32 v15, v20;
	v13 =	vadd.f32 v17, v16;
	v16 =	vld [tilespmem:s5+$0x30]  }
0x36a: {  	v14 =	vadd.f32 v22, v14;
	v17 =	vld [tilespmem:s6+$0x30]  }
0x36b: {  	v13 =	vadd.f32 v15, v13  }
0x36c: {  	[tilespmem:s15+$0x2070] =	vst v14;
	v14 =	vmul.f32 v23, v10;
	v15 =	vmul.f32 v18, v11;
	v18 =	vld [tilespmem:s11+$0xE030]  }
0x36d: {  	v22 =	vld [tilespmem:s21+$0xE400];
	[tilespmem:s8+$0x2420] =	vst v13  }
0x36e: {  	v13 =	vmul.f32 v24, v12;
	v14 =	vadd.f32 v15, v14;
	v15 =	vld [tilespmem:s7+$0x30]  }
0x36f: {  	v23 =	vld [tilespmem:s9+$0x30];
	v16 =	vmul.f32 v16, v7;
	v17 =	vmul.f32 v17, v8  }
0x370: {  	v24 =	vld [tilespmem:s18+$0xE400];
	v13 =	vadd.f32 v13, v14  }
0x371: {  	v14 =	vld [tilespmem:s0+$0xE430];
	v16 =	vadd.f32 v17, v16;
	v17 =	vmul.f32 v18, v9  }
0x372: {  	v18 =	vld [tilespmem:s19+$0xE400];
	[tilespmem:s31+$0x2020] =	vst v13  }
0x373: {  	v13 =	vld [tilespmem:s17+$0xE030];
	v16 =	vadd.f32 v17, v16  }
0x374: {  	v17 =	vld [tilespmem:s22+$0xE030];
	v15 =	vmul.f32 v15, v19;
	v23 =	vmul.f32 v23, v21  }
0x375: {  	v25 =	vld [tilespmem:s24+$0xE030];
	[tilespmem:s25+$0x2030] =	vst v16  }
0x376: {  	v14 =	vmul.f32 v14, v20;
	v15 =	vadd.f32 v23, v15;
	v16 =	vld [tilespmem:s5+$0x40]  }
0x377: {  	v23 =	vld [tilespmem:s6+$0x40]  }
0x378: {  	v22 =	vmul.f32 v22, v4;
	v24 =	vmul.f32 v24, v5;
	v14 =	vadd.f32 v14, v15  }
0x379: {  	v13 =	vmul.f32 v13, v10;
	v15 =	vmul.f32 v17, v11;
	v17 =	vld [tilespmem:s11+$0xE040]  }
0x37a: {  	v22 =	vadd.f32 v24, v22;
	v18 =	vmul.f32 v18, v6;
	[tilespmem:s8+$0x2430] =	vst v14  }
0x37b: {  	v14 =	vmul.f32 v25, v12;
	v13 =	vadd.f32 v15, v13;
	v15 =	vld [tilespmem:s7+$0x40]  }
0x37c: {  	v18 =	vadd.f32 v18, v22;
	v22 =	vld [tilespmem:s9+$0x40];
	v16 =	vmul.f32 v16, v7;
	v23 =	vmul.f32 v23, v8  }
0x37d: {  	v13 =	vadd.f32 v14, v13  }
0x37e: {  	[tilespmem:s15+$0x2400] =	vst v18;
	v14 =	vld [tilespmem:s0+$0xE440];
	v16 =	vadd.f32 v23, v16;
	v17 =	vmul.f32 v17, v9  }
0x37f: {  	v18 =	vld [tilespmem:s21+$0xE410];
	[tilespmem:s31+$0x2030] =	vst v13  }
0x380: {  	v13 =	vld [tilespmem:s17+$0xE040];
	v16 =	vadd.f32 v17, v16  }
0x381: {  	v17 =	vld [tilespmem:s22+$0xE040];
	v15 =	vmul.f32 v15, v19;
	v22 =	vmul.f32 v22, v21  }
0x382: {  	v23 =	vld [tilespmem:s24+$0xE040];
	[tilespmem:s25+$0x2040] =	vst v16  }
0x383: {  	v14 =	vmul.f32 v14, v20;
	v15 =	vadd.f32 v22, v15;
	v16 =	vld [tilespmem:s5+$0x50]  }
0x384: {  	v22 =	vld [tilespmem:s6+$0x50]  }
0x385: {  	v24 =	vld [tilespmem:s18+$0xE410];
	v14 =	vadd.f32 v14, v15  }
0x386: {  	v13 =	vmul.f32 v13, v10;
	v15 =	vmul.f32 v17, v11;
	v17 =	vld [tilespmem:s11+$0xE050]  }
0x387: {  	v25 =	vld [tilespmem:s19+$0xE410];
	[tilespmem:s8+$0x2440] =	vst v14  }
0x388: {  	v14 =	vmul.f32 v23, v12;
	v13 =	vadd.f32 v15, v13;
	v15 =	vld [tilespmem:s7+$0x50]  }
0x389: {  	v23 =	vld [tilespmem:s9+$0x50];
	v16 =	vmul.f32 v16, v7;
	v22 =	vmul.f32 v22, v8  }
0x38a: {  	v18 =	vmul.f32 v18, v4;
	v13 =	vadd.f32 v14, v13  }
0x38b: {  	v14 =	vmul.f32 v24, v5;
	v24 =	vld [tilespmem:s0+$0xE450];
	v16 =	vadd.f32 v22, v16;
	v17 =	vmul.f32 v17, v9  }
0x38c: {  	[tilespmem:s31+$0x2040] =	vst v13  }
0x38d: {  	v13 =	vadd.f32 v14, v18;
	v14 =	vmul.f32 v25, v6;
	v18 =	vld [tilespmem:s17+$0xE050];
	v16 =	vadd.f32 v17, v16  }
0x38e: {  	v17 =	vld [tilespmem:s22+$0xE050];
	v15 =	vmul.f32 v15, v19;
	v22 =	vmul.f32 v23, v21  }
0x38f: {  	v13 =	vadd.f32 v14, v13;
	v14 =	vld [tilespmem:s24+$0xE050];
	[tilespmem:s25+$0x2050] =	vst v16  }
0x390: {  	v16 =	vmul.f32 v24, v20;
	v15 =	vadd.f32 v22, v15;
	v22 =	vld [tilespmem:s5+$0x60]  }
0x391: {  	[tilespmem:s15+$0x2410] =	vst v13;
	v13 =	vld [tilespmem:s6+$0x60]  }
0x392: {  	v23 =	vld [tilespmem:s21+$0xE420];
	v15 =	vadd.f32 v16, v15  }
0x393: {  	v16 =	vld [tilespmem:s11+$0xE060]  }
0x394: {  	v24 =	vld [tilespmem:s18+$0xE420];
	v18 =	vmul.f32 v18, v10;
	v17 =	vmul.f32 v17, v11;
	[tilespmem:s8+$0x2450] =	vst v15  }
0x395: {  	v14 =	vmul.f32 v14, v12;
	v15 =	vld [tilespmem:s7+$0x60]  }
0x396: {  	s13 =	simm.s32 $0xC00;
	v17 =	vadd.f32 v17, v18;
	v18 =	vld [tilespmem:s9+$0x60];
	v22 =	vmul.f32 v22, v7;
	v13 =	vmul.f32 v13, v8  }
0x397: {  	s23 =	simm.s32 $0x680;
	s10 =	sand.u32 $0x7800, s13;
	v25 =	vld [tilespmem:s19+$0xE420]  }
0x398: {  	s28 =	sand.u32 $0x380, s23;
	s20 =	sadd.s32 $0xE000, s10;
	v14 =	vadd.f32 v14, v17;
	v13 =	vadd.f32 v13, v22;
	v16 =	vmul.f32 v16, v9  }
0x399: {  	s12 =	sor.u32 s28, s20;
	v17 =	vld [tilespmem:s0+$0xE460]  }
0x39a: {  	v28 =	vld [tilespmem:s12+$0x0];
	v22 =	vmul.f32 v23, v4;
	v23 =	vmul.f32 v24, v5;
	[tilespmem:s31+$0x2050] =	vst v14;
	v13 =	vadd.f32 v16, v13  }
0x39b: {  	v16 =	vld [tilespmem:s17+$0xE060];
	v14 =	vmul.f32 v15, v19;
	v15 =	vmul.f32 v18, v21  }
0x39c: {  	v26 =	vld [tilespmem:s22+$0xE060];
	v18 =	vadd.f32 v23, v22;
	v22 =	vmul.f32 v25, v6;
	[tilespmem:s25+$0x2060] =	vst v13  }
0x39d: {  	v13 =	vadd.f32 v15, v14;
	v15 =	vld [tilespmem:s5+$0x70]  }
0x39e: {  	v14 =	vmul.f32 v17, v20;
	v17 =	vadd.f32 v22, v18;
	v18 =	vld [tilespmem:s6+$0x70]  }
0x39f: {  	v27 =	vld [tilespmem:s24+$0xE060]  }
0x3a0: {  	v13 =	vadd.f32 v14, v13;
	[tilespmem:s15+$0x2420] =	vst v17;
	v14 =	vld [tilespmem:s11+$0xE070]  }
0x3a1: {  	s5 =	simm.s32 $0x5880;
	v25 =	vld [tilespmem:s21+$0xE430]  }
0x3a2: {  	[tilespmem:s8+$0x2460] =	vst v13;
	v13 =	vld [tilespmem:s5+$0xFFFFFD80]  }
0x3a3: {  	v22 =	vld [tilespmem:s7+$0x70];
	v17 =	vmul.f32 v15, v7;
	v18 =	vmul.f32 v18, v8  }
0x3a4: {  	s14 =	simm.s32 $0x600;
	v23 =	vld [tilespmem:s9+$0x70]  }
0x3a5: {  	s16 =	simm.s32 $0xE00;
	s26 =	simm.s32 $0x700;
	v15 =	vld [tilespmem:s5+$0xFFFFFE80];
	s7 =	sand.u32 $0x300, s14;
	v24 =	vmul.f32 v14, v9;
	v17 =	vadd.f32 v18, v17  }
0x3a6: {  	s14 =	sand.u32 $0xF800, s16;
	s16 =	sand.u32 $0x300, s26;
	s6 =	sor.u32 s7, s20;
	v14 =	vld [tilespmem:s5+$0xFFFFFE00]  }
0x3a7: {  	s26 =	sor.u32 s16, s14;
	v18 =	vld [tilespmem:s6+$0x0];
	v17 =	vadd.f32 v24, v17  }
0x3a8: {  	s1 =	sadd.s32 $0xE400, s1;
	v29 =	vld [tilespmem:s26+$0xE000]  }
0x3a9: {  	s23 =	simm.s32 $0x800;
	s16 =	sor.u32 s2, s1;
	s20 =	simm.s32 $0x1000;
	v24 =	vld [tilespmem:s0+$0xE470];
	[tilespmem:s25+$0x2070] =	vst v17  }
0x3aa: {  	s1 =	sor.u32 s4, s1;
	s14 =	sand.u32 $0x300, s23;
	s9 =	sand.u32 $0xF800, s20;
	v17 =	vld [tilespmem:s16+$0x0]  }
0x3ab: {  	s13 =	simm.s32 $0x780;
	s2 =	simm.s32 $0xF00;
	s23 =	sor.u32 s14, s9;
	v30 =	vld [tilespmem:s1+$0x0]  }
0x3ac: {  	s3 =	simm.s32 $0x1100;
	s2 =	sand.u32 $0x7800, s2;
	s20 =	sand.u32 $0x380, s13;
	v32 =	vld [tilespmem:s23+$0xE000];
	v18 =	vmul.f32 v18, v13;
	v28 =	vmul.f32 v28, v14  }
0x3ad: {  	v34 =	vmul.f32 v16, v10;
	v26 =	vmul.f32 v26, v11;
	s4 =	simm.s32 $0x880;
	s30 =	sor.u32 s20, s2;
	s9 =	simm.s32 $0x400;
	v31 =	vld [tilespmem:s11+$0xE400]  }
0x3ae: {  	s2 =	sand.u32 $0x380, s4;
	s14 =	simm.s32 $0x400;
	s0 =	sand.u32 $0xF800, s3;
	v33 =	vld [tilespmem:s30+$0xE000];
	v29 =	vmul.f32 v29, v15;
	v28 =	vadd.f32 v28, v18  }
0x3af: {  	v27 =	vmul.f32 v27, v12;
	v26 =	vadd.f32 v26, v34;
	s20 =	sand.u32 $0x1800, s9;
	s9 =	simm.s32 $0x200;
	v18 =	vld [tilespmem:s5+$0xFFFFFF00];
	[dreg:$0x5] =	wrdreg s14  }
0x3b0: {  	s0 =	sor.u32 s2, s0;
	s3 =	sor.u32 $0x14000, s20;
	s14 =	sand.u32 $0x300, s9;
	v16 =	vld [tilespmem:s5+$0xFFFFFF80];
	v28 =	vadd.f32 v29, v28;
	v17 =	vmul.f32 v17, v7;
	v30 =	vmul.f32 v30, v8  }
0x3b1: {  	s29 =	sor.u32 s14, s3;
	v29 =	vld [tilespmem:s0+$0xE000]  }
0x3b2: {  	v26 =	vadd.f32 v27, v26;
	v31 =	vmul.f32 v31, v9;
	[tilespmem:s29+$0x2000] =	vst v28;
	v30 =	vadd.f32 v30, v17;
	v17 =	vld [tilespmem:s5+$0x0]  }
0x3b3: {  	v28 =	vld [tilespmem:s6+$0x10]  }
0x3b4: {  	[tilespmem:s31+$0x2060] =	vst v26;
	v54 =	vld [tilespmem:s12+$0x10];
	v30 =	vadd.f32 v31, v30  }
0x3b5: {  	v56 =	vld [tilespmem:s17+$0xE070];
	v27 =	vmul.f32 v33, v18;
	v32 =	vmul.f32 v32, v16  }
0x3b6: {  	v55 =	vld [tilespmem:s26+$0xE010];
	[tilespmem:s25+$0x2400] =	vst v30  }
0x3b7: {  	v26 =	vadd.f32 v32, v27;
	v30 =	vld [tilespmem:s16+$0x10];
	v27 =	vmul.f32 v29, v17  }
0x3b8: {  	s9 =	simm.s32 $0x280;
	v29 =	vld [tilespmem:s1+$0x10]  }
0x3b9: {  	s20 =	sand.u32 $0x380, s9;
	v58 =	vld [tilespmem:s22+$0xE070];
	v26 =	vadd.f32 v27, v26;
	v27 =	vmul.f32 v28, v13;
	v28 =	vmul.f32 v54, v14  }
0x3ba: {  	s2 =	sor.u32 s20, s3;
	v57 =	vld [tilespmem:s11+$0xE410]  }
0x3bb: {  	[tilespmem:s2+$0x2000] =	vst v26;
	v26 =	vld [tilespmem:s24+$0xE070];
	v27 =	vadd.f32 v28, v27;
	v28 =	vmul.f32 v55, v15  }
0x3bc: {  	v59 =	vld [tilespmem:s30+$0xE010]  }
0x3bd: {  	v30 =	vmul.f32 v30, v7;
	v29 =	vmul.f32 v29, v8;
	v35 =	vld [tilespmem:s23+$0xE010];
	v27 =	vadd.f32 v28, v27;
	_ =	sdelay $0x1  }
0x3be: {  	v60 =	vmul.f32 v57, v9;
	v61 =	vld [tilespmem:s0+$0xE010];
	v29 =	vadd.f32 v29, v30;
	[tilespmem:s29+$0x2010] =	vst v27  }
0x3bf: {  	v62 =	vmul.f32 v58, v11;
	v27 =	vmul.f32 v56, v10;
	v63 =	vld [tilespmem:s6+$0x20]  }
0x3c0: {  	v29 =	vadd.f32 v60, v29;
	v26 =	vmul.f32 v26, v12;
	v36 =	vld [tilespmem:s12+$0x20]  }
0x3c1: {  	v42 =	vld [tilespmem:s19+$0xE430];
	v27 =	vadd.f32 v62, v27;
	v37 =	vmul.f32 v59, v18;
	v38 =	vmul.f32 v35, v16  }
0x3c2: {  	v39 =	vld [tilespmem:s26+$0xE020];
	[tilespmem:s25+$0x2410] =	vst v29  }
0x3c3: {  	v29 =	vld [tilespmem:s16+$0x20];
	v26 =	vadd.f32 v26, v27;
	v27 =	vmul.f32 v61, v17;
	v40 =	vadd.f32 v38, v37  }
0x3c4: {  	v41 =	vld [tilespmem:s1+$0x20]  }
0x3c5: {  	v28 =	vld [tilespmem:s18+$0xE430];
	[tilespmem:s31+$0x2070] =	vst v26;
	v26 =	vadd.f32 v27, v40;
	v27 =	vmul.f32 v63, v13;
	v30 =	vmul.f32 v36, v14  }
0x3c6: {  	v43 =	vld [tilespmem:s11+$0xE420]  }
0x3c7: {  	v45 =	vmul.f32 v39, v15;
	v44 =	vld [tilespmem:s17+$0xE400];
	[tilespmem:s2+$0x2010] =	vst v26;
	v27 =	vadd.f32 v30, v27  }
0x3c8: {  	v46 =	vld [tilespmem:s30+$0xE020]  }
0x3c9: {  	v29 =	vmul.f32 v29, v7;
	v32 =	vmul.f32 v41, v8;
	v47 =	vld [tilespmem:s23+$0xE020];
	v27 =	vadd.f32 v45, v27  }
0x3ca: {  	v25 =	vmul.f32 v25, v4;
	v28 =	vmul.f32 v28, v5;
	v26 =	vld [tilespmem:s22+$0xE400]  }
0x3cb: {  	v48 =	vld [tilespmem:s0+$0xE020];
	v31 =	vmul.f32 v43, v9;
	v29 =	vadd.f32 v32, v29;
	[tilespmem:s29+$0x2020] =	vst v27  }
0x3cc: {  	v25 =	vadd.f32 v28, v25;
	v28 =	vmul.f32 v42, v6;
	v49 =	vld [tilespmem:s6+$0x30]  }
0x3cd: {  	v29 =	vadd.f32 v31, v29;
	v50 =	vld [tilespmem:s12+$0x30]  }
0x3ce: {  	v25 =	vadd.f32 v28, v25;
	v27 =	vld [tilespmem:s24+$0xE400];
	v28 =	vmul.f32 v46, v18;
	v30 =	vmul.f32 v47, v16  }
0x3cf: {  	v51 =	vld [tilespmem:s26+$0xE030];
	[tilespmem:s25+$0x2420] =	vst v29  }
0x3d0: {  	[tilespmem:s15+$0x2430] =	vst v25;
	v25 =	vmul.f32 v48, v17;
	v29 =	vld [tilespmem:s16+$0x30];
	v28 =	vadd.f32 v30, v28  }
0x3d1: {  	v34 =	vmul.f32 v44, v10;
	v26 =	vmul.f32 v26, v11;
	v52 =	vld [tilespmem:s1+$0x30]  }
0x3d2: {  	v53 =	vld [tilespmem:s21+$0xE440];
	v25 =	vadd.f32 v25, v28;
	v28 =	vmul.f32 v49, v13;
	v31 =	vmul.f32 v50, v14  }
0x3d3: {  	v26 =	vadd.f32 v26, v34;
	v54 =	vld [tilespmem:s11+$0xE430];
	v27 =	vmul.f32 v27, v12  }
0x3d4: {  	v55 =	vld [tilespmem:s18+$0xE440];
	v56 =	vmul.f32 v51, v15;
	[tilespmem:s2+$0x2020] =	vst v25;
	v28 =	vadd.f32 v31, v28  }
0x3d5: {  	v26 =	vadd.f32 v27, v26;
	v27 =	vld [tilespmem:s30+$0xE030]  }
0x3d6: {  	v29 =	vmul.f32 v29, v7;
	v30 =	vmul.f32 v52, v8;
	v57 =	vld [tilespmem:s23+$0xE030];
	v28 =	vadd.f32 v56, v28  }
0x3d7: {  	v25 =	vld [tilespmem:s19+$0xE440];
	[tilespmem:s31+$0x2400] =	vst v26  }
0x3d8: {  	v26 =	vld [tilespmem:s0+$0xE030];
	v58 =	vmul.f32 v54, v9;
	v29 =	vadd.f32 v30, v29;
	[tilespmem:s29+$0x2030] =	vst v28  }
0x3d9: {  	v28 =	vld [tilespmem:s6+$0x40]  }
0x3da: {  	v60 =	vmul.f32 v53, v4;
	v61 =	vmul.f32 v55, v5;
	v29 =	vadd.f32 v58, v29;
	v62 =	vld [tilespmem:s12+$0x40]  }
0x3db: {  	v59 =	vld [tilespmem:s17+$0xE410];
	v27 =	vmul.f32 v27, v18;
	v63 =	vmul.f32 v57, v16  }
0x3dc: {  	v36 =	vld [tilespmem:s26+$0xE040];
	v25 =	vmul.f32 v25, v6;
	[tilespmem:s25+$0x2430] =	vst v29;
	v29 =	vadd.f32 v61, v60  }
0x3dd: {  	v26 =	vmul.f32 v26, v17;
	v37 =	vld [tilespmem:s16+$0x40];
	v27 =	vadd.f32 v63, v27  }
0x3de: {  	v38 =	vld [tilespmem:s1+$0x40];
	v25 =	vadd.f32 v25, v29  }
0x3df: {  	v39 =	vld [tilespmem:s11+$0xE440];
	v26 =	vadd.f32 v26, v27;
	v27 =	vmul.f32 v28, v13;
	v28 =	vmul.f32 v62, v14  }
0x3e0: {  	v29 =	vld [tilespmem:s22+$0xE410];
	[tilespmem:s15+$0x2440] =	vst v25  }
0x3e1: {  	v25 =	vld [tilespmem:s24+$0xE410];
	[tilespmem:s2+$0x2030] =	vst v26;
	v27 =	vadd.f32 v28, v27;
	v28 =	vmul.f32 v36, v15  }
0x3e2: {  	v40 =	vld [tilespmem:s30+$0xE040]  }
0x3e3: {  	v41 =	vld [tilespmem:s23+$0xE040];
	v27 =	vadd.f32 v28, v27  }
0x3e4: {  	v26 =	vld [tilespmem:s21+$0xE450]  }
0x3e5: {  	v30 =	vmul.f32 v37, v7;
	v32 =	vmul.f32 v38, v8;
	v28 =	vld [tilespmem:s0+$0xE040];
	[tilespmem:s29+$0x2040] =	vst v27  }
0x3e6: {  	v29 =	vmul.f32 v29, v11;
	v27 =	vmul.f32 v59, v10;
	v44 =	vld [tilespmem:s6+$0x50]  }
0x3e7: {  	v42 =	vmul.f32 v39, v9;
	v30 =	vadd.f32 v32, v30;
	v25 =	vmul.f32 v25, v12;
	v45 =	vld [tilespmem:s12+$0x50]  }
0x3e8: {  	v43 =	vld [tilespmem:s18+$0xE450];
	v27 =	vadd.f32 v29, v27;
	v29 =	vmul.f32 v40, v18;
	v46 =	vmul.f32 v41, v16  }
0x3e9: {  	v30 =	vadd.f32 v42, v30;
	v47 =	vld [tilespmem:s26+$0xE050]  }
0x3ea: {  	v48 =	vld [tilespmem:s19+$0xE450];
	v25 =	vadd.f32 v25, v27;
	v27 =	vmul.f32 v28, v17;
	v28 =	vadd.f32 v46, v29  }
0x3eb: {  	[tilespmem:s25+$0x2440] =	vst v30  }
0x3ec: {  	v30 =	vld [tilespmem:s16+$0x50];
	[tilespmem:s31+$0x2410] =	vst v25;
	v25 =	vadd.f32 v27, v28;
	v27 =	vmul.f32 v44, v13;
	v28 =	vmul.f32 v45, v14  }
0x3ed: {  	v26 =	vmul.f32 v26, v4;
	v33 =	vmul.f32 v43, v5;
	v29 =	vld [tilespmem:s1+$0x50]  }
0x3ee: {  	v49 =	vld [tilespmem:s11+$0xE450];
	[tilespmem:s2+$0x2040] =	vst v25;
	v27 =	vadd.f32 v28, v27;
	v28 =	vmul.f32 v47, v15  }
0x3ef: {  	v34 =	vmul.f32 v48, v6;
	v26 =	vadd.f32 v33, v26;
	v51 =	vld [tilespmem:s30+$0xE050]  }
0x3f0: {  	v27 =	vadd.f32 v28, v27;
	v28 =	vld [tilespmem:s23+$0xE050]  }
0x3f1: {  	v26 =	vadd.f32 v34, v26;
	v50 =	vld [tilespmem:s17+$0xE420]  }
0x3f2: {  	v30 =	vmul.f32 v30, v7;
	v29 =	vmul.f32 v29, v8;
	v52 =	vld [tilespmem:s0+$0xE050]  }
0x3f3: {  	[tilespmem:s15+$0x2450] =	vst v26;
	v25 =	vld [tilespmem:s22+$0xE420]  }
0x3f4: {  	v59 =	vld [tilespmem:s21+$0xE460];
	v31 =	vmul.f32 v49, v9;
	v29 =	vadd.f32 v29, v30  }
0x3f5: {  	[tilespmem:s29+$0x2050] =	vst v27;
	v27 =	vld [tilespmem:s24+$0xE420];
	v55 =	vmul.f32 v51, v18;
	v28 =	vmul.f32 v28, v16  }
0x3f6: {  	v53 =	vld [tilespmem:s6+$0x60];
	v29 =	vadd.f32 v31, v29  }
0x3f7: {  	v54 =	vld [tilespmem:s12+$0x60];
	v26 =	vmul.f32 v52, v17;
	v28 =	vadd.f32 v28, v55  }
0x3f8: {  	v56 =	vld [tilespmem:s26+$0xE060];
	[tilespmem:s25+$0x2450] =	vst v29  }
0x3f9: {  	v25 =	vmul.f32 v25, v11;
	v29 =	vmul.f32 v50, v10;
	v57 =	vld [tilespmem:s16+$0x60];
	v26 =	vadd.f32 v26, v28  }
0x3fa: {  	v58 =	vld [tilespmem:s1+$0x60]  }
0x3fb: {  	v25 =	vadd.f32 v25, v29;
	v27 =	vmul.f32 v27, v12;
	v29 =	vld [tilespmem:s18+$0xE460];
	[tilespmem:s2+$0x2050] =	vst v26  }
0x3fc: {  	v33 =	vmul.f32 v53, v13;
	v31 =	vmul.f32 v54, v14;
	v28 =	vld [tilespmem:s11+$0xE460];
	[dreg:$0x4] =	wrdreg s19  }
0x3fd: {  	v25 =	vadd.f32 v27, v25;
	v27 =	vld [tilespmem:s19+$0xE460]  }
0x3fe: {  	v31 =	vadd.f32 v31, v33;
	v26 =	vmul.f32 v56, v15;
	v60 =	vld [tilespmem:s30+$0xE060]  }
0x3ff: {  	v32 =	vmul.f32 v57, v7;
	v30 =	vmul.f32 v58, v8;
	v61 =	vld [tilespmem:s23+$0xE060]  }
0x400: {  	v19 =	vmul.f32 v22, v19;
	v21 =	vmul.f32 v23, v21;
	[tilespmem:s31+$0x2420] =	vst v25;
	v25 =	vadd.f32 v26, v31;
	v62 =	vld [tilespmem:s0+$0xE060]  }
0x401: {  	v26 =	vadd.f32 v30, v32;
	v28 =	vmul.f32 v28, v9;
	v22 =	vld [tilespmem:s17+$0xE430]  }
0x402: {  	v21 =	vadd.f32 v21, v19;
	v24 =	vmul.f32 v24, v20;
	v63 =	vld [tilespmem:s22+$0xE430];
	[tilespmem:s29+$0x2060] =	vst v25  }
0x403: {  	v23 =	vmul.f32 v59, v4;
	v29 =	vmul.f32 v29, v5;
	v28 =	vadd.f32 v28, v26;
	v25 =	vld [tilespmem:s6+$0x70]  }
0x404: {  	v21 =	vadd.f32 v24, v21;
	v26 =	vld [tilespmem:s12+$0x70];
	v27 =	vmul.f32 v27, v6  }
0x405: {  	v23 =	vadd.f32 v29, v23;
	v24 =	vld [tilespmem:s26+$0xE070];
	[tilespmem:s25+$0x2460] =	vst v28;
	v28 =	vmul.f32 v60, v18;
	v29 =	vmul.f32 v61, v16  }
0x406: {  	v30 =	vmul.f32 v62, v17;
	v19 =	vld [tilespmem:s16+$0x70];
	v22 =	vmul.f32 v22, v10  }
0x407: {  	v20 =	vld [tilespmem:s1+$0x70];
	v27 =	vadd.f32 v27, v23;
	v28 =	vadd.f32 v29, v28;
	v29 =	vmul.f32 v63, v11  }
0x408: {  	[tilespmem:s8+$0x2470] =	vst v21;
	v21 =	vld [tilespmem:s11+$0xE470]  }
0x409: {  	s4 =	simm.s32 $0x4;
	s19 =	smov.u32 s17;
	s8 =	simm.s32 $0x1500;
	v23 =	vld [tilespmem:s24+$0xE430];
	[tilespmem:s15+$0x2460] =	vst v27;
	v27 =	vadd.f32 v30, v28;
	v22 =	vadd.f32 v29, v22  }
.LBB2_9:
0x40a: {  	[dreg:$0x8] =	wrdreg s18  }
0x40b: {  	[dreg:$0x6] =	wrdreg s15;
	s1 =	sadd.s32 $0xFFFFFD00, s8;
	s5 =	sadd.s32 $0x300, s5  }
0x40c: {  	s13 =	sadd.s32 $0x300, s13;
	s11 =	sadd.s32 $0xFFFFFF00, s8;
	s16 =	sadd.s32 $0x100, s8;
	[tilespmem:s2+$0x2060] =	vst v27;
	v28 =	vld [tilespmem:s5+$0xFFFFFE80]  }
0x40d: {  	s3 =	sand.u32 $0x7800, s1;
	s17 =	sadd.s32 $0xFFFFFE80, s13;
	s12 =	sadd.s32 $0xFFFFFF00, s13;
	v27 =	vld [tilespmem:s21+$0xE470];
	v25 =	vmul.f32 v25, v13;
	v26 =	vmul.f32 v26, v14  }
0x40e: {  	s14 =	sand.u32 $0xF800, s11;
	s17 =	sand.u32 $0x300, s17;
	s18 =	sadd.s32 $0xE000, s3;
	v19 =	vmul.f32 v19, v7;
	v7 =	vmov v13;
	v13 =	vld [tilespmem:s5+$0xFFFFFD80];
	v23 =	vmul.f32 v23, v12  }
0x40f: {  	s20 =	sand.u32 $0x380, s12;
	s21 =	sadd.s32 $0xFFFFFF80, s13;
	v24 =	vmul.f32 v24, v15;
	s6 =	sor.u32 s17, s18;
	v20 =	vmul.f32 v20, v8;
	v8 =	vmovc v14;
	v14 =	vld [tilespmem:s5+$0xFFFFFE00];
	v25 =	vadd.f32 v26, v25  }
0x410: {  	s12 =	sor.u32 s20, s18;
	s15 =	sand.u32 $0x300, s21;
	s21 =	sadd.s32 $0x80, s13;
	v26 =	vld [tilespmem:s6+$0x0];
	v22 =	vadd.f32 v23, v22  }
0x411: {  	s18 =	sand.u32 $0xF800, s16;
	v21 =	vmul.f32 v21, v9;
	s11 =	sor.u32 s15, s14;
	s14 =	sand.u32 $0x300, s21;
	v20 =	vadd.f32 v20, v19;
	v24 =	vadd.f32 v24, v25;
	v25 =	vld [tilespmem:s12+$0x0]  }
0x412: {  	s10 =	sadd.s32 $0xE400, s10;
	s15 =	sor.u32 s14, s18;
	v19 =	vmul.f32 v27, v4;
	v4 =	vmov v10;
	v10 =	vmov v18;
	v18 =	vld [tilespmem:s11+$0xE000];
	[tilespmem:s31+$0x2430] =	vst v22  }
0x413: {  	s16 =	sor.u32 s7, s10;
	v20 =	vadd.f32 v21, v20;
	[tilespmem:s29+$0x2070] =	vst v24;
	v24 =	vld [tilespmem:s15+$0xE000]  }
0x414: {  	s1 =	sor.u32 s28, s10;
	s7 =	sand.u32 $0x7800, s8;
	s21 =	sand.u32 $0x380, s13;
	v23 =	vld [tilespmem:s16+$0x0]  }
0x415: {  	s9 =	sadd.s32 $0x100, s9;
	s10 =	smov.u32 s31;
	v22 =	vld [tilespmem:s1+$0x0];
	[tilespmem:s25+$0x2470] =	vst v20;
	s25 =	sor.u32 s21, s7  }
0x416: {  	s28 =	smov.u32 s20;
	s20 =	rddreg [dreg:$0x5];
	s14 =	sadd.s32 $0x200, s8;
	v20 =	vmul.f32 v26, v13;
	v26 =	vld [tilespmem:s25+$0xE000]  }
0x417: {  	v9 =	vmov v15;
	v15 =	vmov v28;
	s18 =	sand.u32 $0xF800, s14;
	s14 =	smov.u32 s3;
	s21 =	sadd.s32 $0x100, s13;
	v21 =	vmul.f32 v25, v14;
	v25 =	vld [tilespmem:s26+$0xE400]  }
0x418: {  	s3 =	sadd.s32 $0x200, s20;
	[dreg:$0x7] =	wrdreg s14;
	s31 =	sand.u32 $0x380, s21;
	v27 =	vmul.f32 v18, v15;
	v18 =	vld [tilespmem:s5+$0xFFFFFF00]  }
0x419: {  	s14 =	smov.u32 s23;
	s23 =	smov.u32 s17;
	s17 =	sor.u32 s31, s18;
	v20 =	vadd.f32 v21, v20;
	v21 =	vld [tilespmem:s5+$0xFFFFFF80]  }
0x41a: {  	[dreg:$0x5] =	wrdreg s3;
	s3 =	sand.u32 $0x1800, s3;
	s7 =	sadd.s32 $0xFFFFFF80, s9;
	v28 =	vld [tilespmem:s17+$0xE000];
	v23 =	vmul.f32 v23, v7;
	v22 =	vmul.f32 v22, v8  }
0x41b: {  	s20 =	smov.u32 s30;
	s18 =	sand.u32 $0x300, s7;
	s7 =	sor.u32 $0x14000, s3;
	v27 =	vadd.f32 v27, v20;
	v20 =	vld [tilespmem:s5+$0x0]  }
0x41c: {  	s30 =	smov.u32 s25;
	s25 =	smov.u32 s29;
	s29 =	sor.u32 s18, s7;
	v22 =	vadd.f32 v22, v23;
	v23 =	vmul.f32 v25, v9  }
0x41d: {  	v25 =	vld [tilespmem:s20+$0xE070];
	[tilespmem:s29+$0x2000] =	vst v27  }
0x41e: {  	v26 =	vmul.f32 v26, v18;
	v27 =	vld [tilespmem:s6+$0x10];
	v22 =	vadd.f32 v23, v22;
	v24 =	vmul.f32 v24, v21  }
0x41f: {  	v23 =	vld [tilespmem:s12+$0x10]  }
0x420: {  	v29 =	vld [tilespmem:s11+$0xE010];
	[tilespmem:s25+$0x2400] =	vst v22;
	v22 =	vadd.f32 v24, v26;
	v24 =	vmul.f32 v28, v20  }
0x421: {  	v26 =	vld [tilespmem:s16+$0x10]  }
0x422: {  	s21 =	smov.u32 s19;
	s19 =	sand.u32 $0x380, s9;
	v28 =	vld [tilespmem:s1+$0x10];
	v22 =	vadd.f32 v24, v22  }
0x423: {  	s3 =	sor.u32 s19, s7;
	v30 =	vld [tilespmem:s26+$0xE410]  }
0x424: {  	v24 =	vld [tilespmem:s14+$0xE070];
	v27 =	vmul.f32 v27, v13;
	v23 =	vmul.f32 v23, v14;
	[tilespmem:s3+$0x2000] =	vst v22  }
0x425: {  	v22 =	vld [tilespmem:s0+$0xE070]  }
0x426: {  	v23 =	vadd.f32 v23, v27;
	v27 =	vmul.f32 v29, v15;
	v29 =	vld [tilespmem:s30+$0xE010]  }
0x427: {  	v31 =	vld [tilespmem:s15+$0xE010]  }
0x428: {  	v26 =	vmul.f32 v26, v7;
	v28 =	vmul.f32 v28, v8  }
0x429: {  	v25 =	vmul.f32 v25, v10;
	v23 =	vadd.f32 v27, v23;
	v27 =	vld [tilespmem:s17+$0xE010];
	v24 =	vmul.f32 v24, v16  }
0x42a: {  	v55 =	vld [tilespmem:s21+$0xE440];
	v26 =	vadd.f32 v28, v26;
	v28 =	vmul.f32 v30, v9  }
0x42b: {  	[tilespmem:s29+$0x2010] =	vst v23;
	v23 =	vadd.f32 v24, v25;
	v24 =	vld [tilespmem:s22+$0xE440];
	v22 =	vmul.f32 v22, v17  }
0x42c: {  	v25 =	vld [tilespmem:s6+$0x20];
	v29 =	vmul.f32 v29, v18;
	v26 =	vadd.f32 v28, v26;
	v31 =	vmul.f32 v31, v21  }
0x42d: {  	v28 =	vld [tilespmem:s12+$0x20]  }
0x42e: {  	v22 =	vadd.f32 v22, v23;
	v23 =	vld [tilespmem:s11+$0xE020];
	v27 =	vmul.f32 v27, v20;
	[tilespmem:s25+$0x2410] =	vst v26;
	v26 =	vadd.f32 v31, v29  }
0x42f: {  	v29 =	vld [tilespmem:s16+$0x20]  }
0x430: {  	v56 =	vld [tilespmem:s1+$0x20];
	v26 =	vadd.f32 v27, v26  }
0x431: {  	v57 =	vld [tilespmem:s26+$0xE420];
	[tilespmem:s2+$0x2070] =	vst v22;
	v22 =	vmul.f32 v55, v4;
	v24 =	vmul.f32 v24, v11  }
0x432: {  	v27 =	vld [tilespmem:s20+$0xE400];
	[tilespmem:s3+$0x2010] =	vst v26  }
0x433: {  	v25 =	vmul.f32 v25, v13;
	v28 =	vmul.f32 v28, v14;
	v22 =	vadd.f32 v24, v22;
	v24 =	vld [tilespmem:s14+$0xE400]  }
0x434: {  	v26 =	vld [tilespmem:s30+$0xE020]  }
0x435: {  	v25 =	vadd.f32 v28, v25;
	v23 =	vmul.f32 v23, v15;
	v28 =	vld [tilespmem:s15+$0xE020]  }
0x436: {  	v29 =	vmul.f32 v29, v7;
	v30 =	vmul.f32 v56, v8  }
0x437: {  	v23 =	vadd.f32 v23, v25;
	v25 =	vld [tilespmem:s17+$0xE020]  }
0x438: {  	v59 =	vld [tilespmem:s0+$0xE400];
	v58 =	vmul.f32 v57, v9;
	v29 =	vadd.f32 v30, v29  }
0x439: {  	v27 =	vmul.f32 v27, v10;
	[tilespmem:s29+$0x2020] =	vst v23;
	v23 =	vmul.f32 v24, v16;
	v24 =	vld [tilespmem:s24+$0xE440]  }
0x43a: {  	v32 =	vld [tilespmem:s6+$0x30];
	v26 =	vmul.f32 v26, v18;
	v29 =	vadd.f32 v58, v29;
	v28 =	vmul.f32 v28, v21  }
0x43b: {  	v60 =	vld [tilespmem:s12+$0x30]  }
0x43c: {  	v23 =	vadd.f32 v23, v27;
	v27 =	vld [tilespmem:s11+$0xE030];
	v25 =	vmul.f32 v25, v20;
	[tilespmem:s25+$0x2420] =	vst v29;
	v26 =	vadd.f32 v28, v26  }
0x43d: {  	v28 =	vld [tilespmem:s16+$0x30]  }
0x43e: {  	v29 =	vmul.f32 v59, v17;
	v61 =	vld [tilespmem:s1+$0x30];
	v25 =	vadd.f32 v25, v26  }
0x43f: {  	s7 =	smov.u32 s23;
	s23 =	rddreg [dreg:$0x8];
	v62 =	vld [tilespmem:s26+$0xE430];
	v24 =	vmul.f32 v24, v12  }
0x440: {  	v23 =	vadd.f32 v29, v23;
	v26 =	vld [tilespmem:s23+$0xE470];
	s23 =	smov.u32 s15;
	s15 =	rddreg [dreg:$0x4];
	v29 =	vmul.f32 v32, v13;
	v30 =	vmul.f32 v60, v14;
	[tilespmem:s3+$0x2020] =	vst v25  }
0x441: {  	v22 =	vadd.f32 v24, v22;
	v24 =	vld [tilespmem:s15+$0xE470]  }
0x442: {  	v25 =	vadd.f32 v30, v29;
	v27 =	vmul.f32 v27, v15;
	v29 =	vld [tilespmem:s30+$0xE030];
	[tilespmem:s2+$0x2400] =	vst v23  }
0x443: {  	v23 =	vld [tilespmem:s23+$0xE030]  }
0x444: {  	s19 =	smov.u32 s24;
	s24 =	smov.u32 s0;
	s0 =	smov.u32 s17;
	v28 =	vmul.f32 v28, v7;
	v63 =	vmul.f32 v61, v8;
	[tilespmem:s10+$0x2440] =	vst v22;
	v22 =	vadd.f32 v27, v25  }
0x445: {  	v26 =	vmul.f32 v26, v5;
	v5 =	vmov v11;
	v25 =	vld [tilespmem:s0+$0xE030]  }
0x446: {  	v11 =	vmovc v16;
	v16 =	vmov v21;
	v27 =	vmul.f32 v62, v9;
	v21 =	vadd.f32 v63, v28;
	v28 =	vld [tilespmem:s20+$0xE410];
	[tilespmem:s29+$0x2030] =	vst v22  }
0x447: {  	v19 =	vadd.f32 v26, v19;
	v24 =	vmul.f32 v24, v6;
	v6 =	vmovc v12;
	v12 =	vmov v17;
	v26 =	vld [tilespmem:s6+$0x40]  }
0x448: {  	s18 =	smov.u32 s22;
	s22 =	smov.u32 s14;
	v29 =	vmul.f32 v29, v18;
	v21 =	vadd.f32 v27, v21;
	v17 =	vmovc v20;
	v20 =	vld [tilespmem:s12+$0x40];
	v23 =	vmul.f32 v23, v16  }
0x449: {  	v22 =	vld [tilespmem:s22+$0xE410]  }
0x44a: {  	v19 =	vadd.f32 v24, v19;
	v24 =	vld [tilespmem:s11+$0xE040];
	[tilespmem:s25+$0x2430] =	vst v21;
	v25 =	vmul.f32 v25, v17;
	v21 =	vadd.f32 v23, v29  }
0x44b: {  	s17 =	rddreg [dreg:$0x6];
	v23 =	vld [tilespmem:s16+$0x40]  }
0x44c: {  	[tilespmem:s17+$0x2470] =	vst v19;
	v19 =	vld [tilespmem:s1+$0x40];
	v21 =	vadd.f32 v25, v21  }
0x44d: {  	s31 =	smov.u32 s2;
	s2 =	smov.u32 s3;
	v25 =	vld [tilespmem:s24+$0xE410];
	v26 =	vmul.f32 v26, v13;
	v20 =	vmul.f32 v20, v14  }
0x44e: {  	v27 =	vmul.f32 v28, v10;
	v28 =	vld [tilespmem:s26+$0xE440];
	v22 =	vmul.f32 v22, v11;
	[tilespmem:s2+$0x2030] =	vst v21  }
0x44f: {  	v20 =	vadd.f32 v20, v26;
	v26 =	vld [tilespmem:s30+$0xE040]  }
0x450: {  	v22 =	vadd.f32 v22, v27;
	v24 =	vmul.f32 v24, v15;
	v27 =	vld [tilespmem:s23+$0xE040]  }
0x451: {  	v21 =	vld [tilespmem:s21+$0xE450];
	v23 =	vmul.f32 v23, v7;
	v19 =	vmul.f32 v19, v8  }
0x452: {  	v20 =	vadd.f32 v24, v20;
	v24 =	vld [tilespmem:s0+$0xE040];
	v25 =	vmul.f32 v25, v12  }
0x453: {  	v19 =	vadd.f32 v19, v23;
	v23 =	vmul.f32 v28, v9;
	v28 =	vld [tilespmem:s18+$0xE450]  }
0x454: {  	[tilespmem:s29+$0x2040] =	vst v20;
	v20 =	vadd.f32 v25, v22;
	v22 =	vld [tilespmem:s19+$0xE450]  }
0x455: {  	v25 =	vld [tilespmem:s6+$0x50];
	v26 =	vmul.f32 v26, v18;
	v19 =	vadd.f32 v23, v19;
	v27 =	vmul.f32 v27, v16  }
0x456: {  	v23 =	vld [tilespmem:s12+$0x50];
	[tilespmem:s31+$0x2410] =	vst v20  }
0x457: {  	v20 =	vld [tilespmem:s11+$0xE050];
	v24 =	vmul.f32 v24, v17;
	[tilespmem:s25+$0x2440] =	vst v19;
	v19 =	vadd.f32 v27, v26  }
0x458: {  	v26 =	vld [tilespmem:s16+$0x50]  }
0x459: {  	v21 =	vmul.f32 v21, v4;
	v27 =	vmul.f32 v28, v5;
	v28 =	vld [tilespmem:s1+$0x50];
	v19 =	vadd.f32 v24, v19  }
0x45a: {  	v22 =	vmul.f32 v22, v6;
	v24 =	vld [tilespmem:s20+$0xE420]  }
0x45b: {  	v25 =	vmul.f32 v25, v13;
	v21 =	vadd.f32 v27, v21;
	v23 =	vmul.f32 v23, v14;
	v27 =	vld [tilespmem:s26+$0xE450];
	[tilespmem:s2+$0x2040] =	vst v19  }
0x45c: {  	v19 =	vld [tilespmem:s22+$0xE420]  }
0x45d: {  	v21 =	vadd.f32 v22, v21;
	v22 =	vadd.f32 v23, v25;
	v23 =	vld [tilespmem:s30+$0xE050]  }
0x45e: {  	s15 =	smov.u32 s10;
	v20 =	vmul.f32 v20, v15;
	v25 =	vld [tilespmem:s23+$0xE050]  }
0x45f: {  	v26 =	vmul.f32 v26, v7;
	v28 =	vmul.f32 v28, v8;
	[tilespmem:s15+$0x2450] =	vst v21  }
0x460: {  	v20 =	vadd.f32 v20, v22;
	v21 =	vld [tilespmem:s0+$0xE050]  }
0x461: {  	v22 =	vmul.f32 v24, v10;
	v24 =	vadd.f32 v28, v26;
	v26 =	vmul.f32 v27, v9;
	v27 =	vld [tilespmem:s24+$0xE420]  }
0x462: {  	[tilespmem:s29+$0x2050] =	vst v20;
	v20 =	vld [tilespmem:s21+$0xE460];
	v19 =	vmul.f32 v19, v11  }
0x463: {  	v28 =	vld [tilespmem:s6+$0x60];
	v23 =	vmul.f32 v23, v18;
	v24 =	vadd.f32 v26, v24;
	v25 =	vmul.f32 v25, v16  }
0x464: {  	v26 =	vld [tilespmem:s12+$0x60]  }
0x465: {  	v19 =	vadd.f32 v19, v22;
	v22 =	vld [tilespmem:s11+$0xE060];
	[tilespmem:s25+$0x2450] =	vst v24;
	v23 =	vadd.f32 v25, v23;
	v21 =	vmul.f32 v21, v17  }
0x466: {  	v24 =	vld [tilespmem:s16+$0x60]  }
0x467: {  	v25 =	vmul.f32 v27, v12;
	v27 =	vld [tilespmem:s1+$0x60];
	v21 =	vadd.f32 v21, v23  }
0x468: {  	v23 =	vld [tilespmem:s18+$0xE460]  }
0x469: {  	v19 =	vadd.f32 v25, v19;
	v25 =	vmul.f32 v28, v13;
	v26 =	vmul.f32 v26, v14;
	v28 =	vld [tilespmem:s26+$0xE460];
	[tilespmem:s2+$0x2050] =	vst v21  }
0x46a: {  	v21 =	vld [tilespmem:s19+$0xE460]  }
0x46b: {  	v25 =	vadd.f32 v26, v25;
	v22 =	vmul.f32 v22, v15;
	v26 =	vld [tilespmem:s30+$0xE060];
	[tilespmem:s31+$0x2420] =	vst v19  }
0x46c: {  	v24 =	vmul.f32 v24, v7;
	v27 =	vmul.f32 v27, v8;
	v19 =	vld [tilespmem:s23+$0xE060]  }
0x46d: {  	v20 =	vmul.f32 v20, v4;
	v22 =	vadd.f32 v22, v25;
	v29 =	vld [tilespmem:s0+$0xE060]  }
0x46e: {  	v23 =	vmul.f32 v23, v5;
	v25 =	vadd.f32 v27, v24;
	v27 =	vmul.f32 v28, v9;
	v28 =	vld [tilespmem:s20+$0xE430]  }
0x46f: {  	[tilespmem:s29+$0x2060] =	vst v22;
	v22 =	vld [tilespmem:s22+$0xE430]  }
0x470: {  	s4 =	sadd.s32 $0x2, s4;
	v20 =	vadd.f32 v23, v20;
	v24 =	vld [tilespmem:s11+$0xE070];
	v27 =	vadd.f32 v27, v25;
	v21 =	vmul.f32 v21, v6  }
0x471: {  	p0 =	slt.u32 s4, $0x1E;
	v25 =	vld [tilespmem:s6+$0x70];
	v23 =	vmul.f32 v26, v18;
	v19 =	vmul.f32 v19, v16  }
.Ltmp3:
0x472: {  	v26 =	vld [tilespmem:s12+$0x70];
	[tilespmem:s25+$0x2460] =	vst v27;
	v20 =	vadd.f32 v21, v20;
	(pc) =	sbr.rel @p0 .LBB2_9-.Ltmp3, $4  }
0x473: {  	v21 =	vmul.f32 v29, v17;
	v23 =	vadd.f32 v19, v23;
	v19 =	vld [tilespmem:s16+$0x70]  }
0x474: {  	v28 =	vmul.f32 v28, v10;
	v22 =	vmul.f32 v22, v11;
	[tilespmem:s15+$0x2460] =	vst v20;
	v20 =	vld [tilespmem:s1+$0x70]  }
0x475: {  	s8 =	sadd.s32 $0x600, s8;
	[dreg:$0x4] =	wrdreg s19;
	v27 =	vadd.f32 v21, v23;
	v23 =	vld [tilespmem:s24+$0xE430]  }
0x476: {  	s10 =	rddreg [dreg:$0x7];
	s19 =	smov.u32 s20;
	v21 =	vld [tilespmem:s26+$0xE470];
	v22 =	vadd.f32 v22, v28;
	s26 =	smov.u32 s11  }
0x477: {  	[tilespmem:s2+$0x2060] =	vst v27  }
0x478: {  	v25 =	vmul.f32 v25, v13;
	v26 =	vmul.f32 v26, v14;
	v27 =	vld [tilespmem:s30+$0xE070]  }
0x479: {  	v28 =	vld [tilespmem:s23+$0xE070]  }
0x47a: {  	v24 =	vmul.f32 v24, v15;
	v25 =	vadd.f32 v26, v25  }
0x47b: {  	v51 =	vld [tilespmem:s0+$0xE070]  }
0x47c: {  	v24 =	vadd.f32 v24, v25  }
0x47d: {  	s1 =	sadd.s32 $0xE400, s10  }
0x47e: {  	s3 =	sor.u32 s7, s1;
	v52 =	vmul.f32 v27, v18;
	v53 =	vmul.f32 v28, v16;
	[tilespmem:s29+$0x2070] =	vst v24  }
0x47f: {  	s1 =	sor.u32 s28, s1;
	v24 =	vld [tilespmem:s3+$0x0]  }
0x480: {  	v26 =	vmul.f32 v51, v17;
	v54 =	vld [tilespmem:s1+$0x0];
	v25 =	vadd.f32 v53, v52;
	_ =	sdelay $0x1  }
0x481: {  	v55 =	vld [tilespmem:s26+$0xE400];
	v25 =	vadd.f32 v26, v25;
	_ =	sdelay $0x1  }
0x482: {  	[tilespmem:s2+$0x2070] =	vst v25  }
0x483: {  	v24 =	vmul.f32 v24, v13;
	v27 =	vmul.f32 v54, v14;
	v25 =	vld [tilespmem:s30+$0xE400]  }
0x484: {  	v56 =	vld [tilespmem:s23+$0xE400]  }
0x485: {  	v26 =	vmul.f32 v55, v15;
	v24 =	vadd.f32 v27, v24  }
0x486: {  	v57 =	vld [tilespmem:s0+$0xE400]  }
0x487: {  	v24 =	vadd.f32 v26, v24;
	_ =	sdelay $0x1  }
0x488: {  	v25 =	vmul.f32 v25, v18;
	v58 =	vmul.f32 v56, v16;
	[tilespmem:s29+$0x2400] =	vst v24  }
0x489: {  	v24 =	vld [tilespmem:s3+$0x10]  }
0x48a: {  	v59 =	vmul.f32 v57, v17;
	v60 =	vld [tilespmem:s1+$0x10];
	v25 =	vadd.f32 v58, v25;
	_ =	sdelay $0x1  }
0x48b: {  	v61 =	vld [tilespmem:s26+$0xE410];
	v25 =	vadd.f32 v59, v25;
	_ =	sdelay $0x1  }
0x48c: {  	[tilespmem:s2+$0x2400] =	vst v25  }
0x48d: {  	v24 =	vmul.f32 v24, v13;
	v27 =	vmul.f32 v60, v14;
	v25 =	vld [tilespmem:s30+$0xE410]  }
0x48e: {  	v62 =	vld [tilespmem:s23+$0xE410]  }
0x48f: {  	v26 =	vmul.f32 v61, v15;
	v24 =	vadd.f32 v27, v24  }
0x490: {  	v63 =	vld [tilespmem:s0+$0xE410]  }
0x491: {  	v24 =	vadd.f32 v26, v24;
	_ =	sdelay $0x1  }
0x492: {  	v25 =	vmul.f32 v25, v18;
	v29 =	vmul.f32 v62, v16;
	[tilespmem:s29+$0x2410] =	vst v24  }
0x493: {  	v24 =	vld [tilespmem:s3+$0x20]  }
0x494: {  	v30 =	vmul.f32 v63, v17;
	v31 =	vld [tilespmem:s1+$0x20];
	v25 =	vadd.f32 v29, v25;
	_ =	sdelay $0x1  }
0x495: {  	v32 =	vld [tilespmem:s26+$0xE420];
	v25 =	vadd.f32 v30, v25;
	_ =	sdelay $0x1  }
0x496: {  	[tilespmem:s2+$0x2410] =	vst v25  }
0x497: {  	v24 =	vmul.f32 v24, v13;
	v27 =	vmul.f32 v31, v14;
	v25 =	vld [tilespmem:s30+$0xE420]  }
0x498: {  	v33 =	vld [tilespmem:s23+$0xE420]  }
0x499: {  	v26 =	vmul.f32 v32, v15;
	v24 =	vadd.f32 v27, v24  }
0x49a: {  	v34 =	vld [tilespmem:s0+$0xE420]  }
0x49b: {  	v24 =	vadd.f32 v26, v24;
	_ =	sdelay $0x1  }
0x49c: {  	v25 =	vmul.f32 v25, v18;
	v35 =	vmul.f32 v33, v16;
	[tilespmem:s29+$0x2420] =	vst v24  }
0x49d: {  	v24 =	vld [tilespmem:s3+$0x30]  }
0x49e: {  	v36 =	vmul.f32 v34, v17;
	v37 =	vld [tilespmem:s1+$0x30];
	v25 =	vadd.f32 v35, v25;
	_ =	sdelay $0x1  }
0x49f: {  	v38 =	vld [tilespmem:s26+$0xE430];
	v25 =	vadd.f32 v36, v25;
	_ =	sdelay $0x1  }
0x4a0: {  	v23 =	vmul.f32 v23, v12;
	[tilespmem:s2+$0x2420] =	vst v25  }
0x4a1: {  	v24 =	vmul.f32 v24, v13;
	v27 =	vmul.f32 v37, v14;
	v25 =	vld [tilespmem:s30+$0xE430]  }
0x4a2: {  	v39 =	vld [tilespmem:s23+$0xE430]  }
0x4a3: {  	v22 =	vadd.f32 v23, v22;
	v41 =	vmul.f32 v38, v15;
	v40 =	vadd.f32 v27, v24  }
0x4a4: {  	v42 =	vld [tilespmem:s0+$0xE430]  }
0x4a5: {  	[tilespmem:s31+$0x2430] =	vst v22;
	v23 =	vadd.f32 v41, v40  }
0x4a6: {  	v22 =	vld [tilespmem:s19+$0xE440]  }
0x4a7: {  	v43 =	vld [tilespmem:s22+$0xE440];
	v25 =	vmul.f32 v25, v18;
	v44 =	vmul.f32 v39, v16;
	[tilespmem:s29+$0x2430] =	vst v23  }
0x4a8: {  	v23 =	vld [tilespmem:s3+$0x40]  }
0x4a9: {  	v26 =	vmul.f32 v42, v17;
	v46 =	vld [tilespmem:s1+$0x40];
	v25 =	vadd.f32 v44, v25  }
0x4aa: {  	v45 =	vld [tilespmem:s24+$0xE440]  }
0x4ab: {  	v47 =	vld [tilespmem:s26+$0xE440];
	v25 =	vadd.f32 v26, v25;
	_ =	sdelay $0x1  }
0x4ac: {  	v22 =	vmul.f32 v22, v10;
	v24 =	vmul.f32 v43, v11;
	[tilespmem:s2+$0x2430] =	vst v25  }
0x4ad: {  	v23 =	vmul.f32 v23, v13;
	v50 =	vmul.f32 v46, v14;
	v49 =	vld [tilespmem:s30+$0xE440]  }
0x4ae: {  	v48 =	vmul.f32 v45, v12;
	v22 =	vadd.f32 v24, v22;
	v51 =	vld [tilespmem:s23+$0xE440]  }
0x4af: {  	v52 =	vmul.f32 v47, v15;
	v23 =	vadd.f32 v50, v23  }
0x4b0: {  	v22 =	vadd.f32 v48, v22;
	v53 =	vld [tilespmem:s0+$0xE440]  }
0x4b1: {  	v54 =	vadd.f32 v52, v23  }
0x4b2: {  	[tilespmem:s31+$0x2440] =	vst v22  }
0x4b3: {  	v55 =	vld [tilespmem:s19+$0xE450];
	v56 =	vmul.f32 v49, v18;
	v57 =	vmul.f32 v51, v16;
	[tilespmem:s29+$0x2440] =	vst v54  }
0x4b4: {  	v22 =	vld [tilespmem:s3+$0x50]  }
0x4b5: {  	v25 =	vmul.f32 v53, v17;
	v59 =	vld [tilespmem:s1+$0x50];
	v24 =	vadd.f32 v57, v56  }
0x4b6: {  	v58 =	vld [tilespmem:s22+$0xE450]  }
0x4b7: {  	v61 =	vld [tilespmem:s26+$0xE450];
	v24 =	vadd.f32 v25, v24;
	_ =	sdelay $0x1  }
0x4b8: {  	v60 =	vld [tilespmem:s24+$0xE450];
	[tilespmem:s2+$0x2440] =	vst v24  }
0x4b9: {  	v22 =	vmul.f32 v22, v13;
	v26 =	vmul.f32 v59, v14;
	v63 =	vld [tilespmem:s30+$0xE450]  }
0x4ba: {  	v62 =	vmul.f32 v58, v11;
	v29 =	vld [tilespmem:s23+$0xE450]  }
0x4bb: {  	v23 =	vmul.f32 v55, v10;
	v30 =	vmul.f32 v61, v15;
	v22 =	vadd.f32 v26, v22  }
0x4bc: {  	v31 =	vld [tilespmem:s0+$0xE450]  }
0x4bd: {  	v28 =	vmul.f32 v60, v12;
	v23 =	vadd.f32 v62, v23;
	v22 =	vadd.f32 v30, v22;
	_ =	sdelay $0x1  }
0x4be: {  	v23 =	vadd.f32 v28, v23;
	v32 =	vmul.f32 v63, v18;
	v33 =	vmul.f32 v29, v16;
	[tilespmem:s29+$0x2450] =	vst v22  }
0x4bf: {  	v22 =	vld [tilespmem:s3+$0x60]  }
0x4c0: {  	[tilespmem:s31+$0x2450] =	vst v23;
	v25 =	vmul.f32 v31, v17;
	v35 =	vld [tilespmem:s1+$0x60];
	v23 =	vadd.f32 v33, v32  }
0x4c1: {  	v34 =	vld [tilespmem:s19+$0xE460]  }
0x4c2: {  	v37 =	vld [tilespmem:s26+$0xE460];
	v23 =	vadd.f32 v25, v23  }
0x4c3: {  	v36 =	vld [tilespmem:s22+$0xE460]  }
0x4c4: {  	v38 =	vld [tilespmem:s24+$0xE460];
	[tilespmem:s2+$0x2450] =	vst v23  }
0x4c5: {  	v22 =	vmul.f32 v22, v13;
	v24 =	vmul.f32 v35, v14;
	v23 =	vld [tilespmem:s30+$0xE460]  }
0x4c6: {  	v39 =	vld [tilespmem:s23+$0xE460]  }
0x4c7: {  	v40 =	vmul.f32 v37, v15;
	v22 =	vadd.f32 v24, v22  }
0x4c8: {  	v41 =	vld [tilespmem:s0+$0xE460]  }
0x4c9: {  	v26 =	vmul.f32 v34, v10;
	v27 =	vmul.f32 v36, v11;
	v22 =	vadd.f32 v40, v22  }
0x4ca: {  	v43 =	vld [tilespmem:s18+$0xE470];
	v28 =	vmul.f32 v38, v12  }
0x4cb: {  	v42 =	vld [tilespmem:s21+$0xE470];
	v26 =	vadd.f32 v27, v26;
	v23 =	vmul.f32 v23, v18;
	v29 =	vmul.f32 v39, v16;
	[tilespmem:s29+$0x2460] =	vst v22  }
0x4cc: {  	v45 =	vld [tilespmem:s3+$0x70]  }
0x4cd: {  	v26 =	vadd.f32 v28, v26;
	v25 =	vmul.f32 v41, v17;
	v46 =	vld [tilespmem:s1+$0x70];
	v23 =	vadd.f32 v29, v23  }
0x4ce: {  	s4 =	rddreg [dreg:$0x4];
	v47 =	vld [tilespmem:s26+$0xE470]  }
0x4cf: {  	[tilespmem:s31+$0x2460] =	vst v26;
	v44 =	vld [tilespmem:s4+$0xE470];
	v23 =	vadd.f32 v25, v23  }
0x4d0: {  	v48 =	vld [tilespmem:s19+$0xE470]  }
0x4d1: {  	v49 =	vld [tilespmem:s22+$0xE470];
	[tilespmem:s2+$0x2460] =	vst v23  }
0x4d2: {  	v7 =	vmul.f32 v19, v7;
	v8 =	vmul.f32 v20, v8;
	v50 =	vld [tilespmem:s30+$0xE470]  }
0x4d3: {  	v9 =	vmul.f32 v21, v9;
	v51 =	vld [tilespmem:s23+$0xE470]  }
0x4d4: {  	v7 =	vadd.f32 v8, v7;
	v5 =	vmul.f32 v43, v5;
	v4 =	vmul.f32 v42, v4;
	v52 =	vld [tilespmem:s24+$0xE470]  }
0x4d5: {  	v53 =	vmul.f32 v45, v13;
	v55 =	vmul.f32 v46, v14;
	v54 =	vld [tilespmem:s0+$0xE470]  }
0x4d6: {  	v7 =	vadd.f32 v9, v7;
	v56 =	vmul.f32 v47, v15;
	v6 =	vmul.f32 v44, v6  }
0x4d7: {  	v4 =	vadd.f32 v5, v4;
	v5 =	vmul.f32 v48, v10;
	v57 =	vmul.f32 v49, v11  }
0x4d8: {  	v9 =	vadd.f32 v55, v53;
	v58 =	vmul.f32 v50, v18;
	v59 =	vmul.f32 v51, v16  }
0x4d9: {  	v60 =	vmul.f32 v52, v12;
	v4 =	vadd.f32 v6, v4;
	v5 =	vadd.f32 v57, v5  }
0x4da: {  	[tilespmem:s25+$0x2470] =	vst v7;
	v61 =	vadd.f32 v56, v9;
	v63 =	vmul.f32 v54, v17;
	v62 =	vadd.f32 v59, v58  }
0x4db: {  	[tilespmem:s15+$0x2470] =	vst v4;
	v4 =	vadd.f32 v60, v5  }
0x4dc: {  	[tilespmem:s29+$0x2470] =	vst v61;
	v5 =	vadd.f32 v63, v62  }
0x4dd: {  	[tilespmem:s31+$0x2470] =	vst v4  }
0x4de: {  	s29 =	rddreg [dreg:$0xf];
	[tilespmem:s2+$0x2470] =	vst v5  }
0x4df: {  	s15 =	rddreg [dreg:$0xe]  }
0x4e0: {  	s15 =	sadd.s32 $0x1, s15  }
0x4e1: {  	p0 =	sne.s32 s15, $0x20  }
.Ltmp4:
0x4e2: {  	_ = 	snop;
	(pc) =	sbr.rel @p0 .LBB2_4-.Ltmp4, $4  }
0x4e3: {  	_ = 	snop  }
0x4e4: {  	s0 =	sshll.u32 s29, $0xA;
	s30 =	rddreg [dreg:$0xb]  }
0x4e5: {  	s6 =	simm.s32 $0x0;
	s31 =	simm.s32 $0x16000;
	s0 =	sadd.s32 s0, s30  }
0x4e6: {  	[hbm4b:s0+s6] =	stream.linear.scatter [tilespmem:s31], [sflag:$0x6], $0x2000, $0x38;
	[tilespmem:$0x18000] =	vst v63  }
0x4e7: {  	s0 =	simm.s32 $0x5  }
0x4e8: {  	_ =	swait.ge [sflag:s0], $0x2000  }
0x4e9: {  	[sflag:s0] =	ssyncset.done $0x0  }
0x4ea: {  	s1 =	simm.s32 $0x6;
	[sflag:s0] =	ssyncadd.s32 $0xFFFFE000  }
0x4eb: {  	_ =	swait.ge [sflag:s1], $0x2000  }
0x4ec: {  	s2 =	rddreg [dreg:$0xd]  }
0x4ed: {  	s31 =	rddreg [dreg:$0xc];
	s2 =	sadd.s32 $0x1, s2  }
0x4ee: {  	p0 =	sne.s32 s2, s31  }
.Ltmp5:
0x4ef: {  	_ = 	snop;
	(pc) =	sbr.rel @p0 .LBB2_1-.Ltmp5, $3  }
0x4f0: {  	_ =	sdelay $0x1  }
0x4f1: {  	[sflag:s1] =	ssyncset.done $0x0  }
0x4f2: {  	[sflag:s1] =	ssyncadd.s32 $0xFFFFE000  }
0x4f3: {  	_ =	sfence.sel $0x180000  }
0x4f4: {  	[bflag:$0x0] =	sbarrier.arrive $0xFFFF  }
0x4f5: {  	_ =	strace $0x90000047  }
0x4f6: {  	s0 =	stileid.u32;
	[bflag:$0x2] =	sbarrier.arrive $0xFFFF  }
0x4f7: {  	p0 =	sne.s32 s0, $0x0;
	s0 =	rddreg [dreg:$0x3]  }
0x4f8: {  	s0 =	sadd.s32 @!p0 $0x100000, s0  }
0x4f9: {  	[sflag:s0] =	ssyncadd.tile.s32 @!p0 $0x1;
	_ =	shalt  }
.Lfunc_end2:
_tile_overlayer_lowered:
.L_overlay_start_2:
0x4fa: {  	(tag) =	ssettag $0x2  }
0x4fb: {  	s0 =	rddreg [dreg:$0x0];
	s2 =	stileid.u32  }
0x4fc: {  	s1 =	rddreg [dreg:$0x1];
	p0 =	sne.s32 s2, $0x0  }
0x4fd: {  	s3 =	rddreg [dreg:$0x2];
	[bflag:$0x3] =	sbarrier.arrive $0xFFFF;
	s2 =	simm.s32 @!p0 $0x1C07  }
0x4fe: {  	[timem:s3], [sflag:s2] =	dma.local @!p0 [hbm:s0], s1  }
0x4ff: {  	s0 =	simm.s32 @!p0 $0x7  }
0x500: {  	_ =	swait.ge @!p0 [sflag:s0], s1  }
0x501: {  	s1 =	ssub.s32 @!p0 $0x0, s1;
	[sflag:s0] =	ssyncset.done @!p0 $0x0  }
0x502: {  	[sflag:s0] =	ssyncadd.s32 @!p0 s1  }
0x503: {  	[bflag:$0x3] =	sbarrier.arrive $0xFFFF  }
0x504: {  	_ =	shalt  }

</sc_bundles>
